<compile_context>
chip_gen: v7x
topology: tpu7x:2x2x1
jax: 0.10.2.dev20260603
libtpu: 0.0.44.dev20260713+nightly
codegen_flags: <defaults>
</compile_context>

<pallas_src>
import functools

import jax
import jax.numpy as jnp
from jax import lax
from jax.experimental import pallas as pl
from jax.experimental.pallas import tpu as pltpu
from jax.experimental.pallas import tpu_sc as plsc

N = 10000
D = 128
HD = D // 2
E = 320000
NC = 2
NS = 16
E_PER_SUB = E // NS
CHUNK = 125
N_CHUNKS = E_PER_SUB // CHUNK
NBUF = 5
STRIPE = 624
LAST_STRIPE = N - (NS - 1) * STRIPE


def _sc_segment_sum(h0, h1, src, dst, zeros):

    @functools.partial(
        pl.kernel,
        out_type=jax.ShapeDtypeStruct((NC, N, HD), jnp.float32),
        mesh=plsc.VectorSubcoreMesh(core_axis_name="c", subcore_axis_name="s"),
        scratch_types=[
            pltpu.VMEM((N_CHUNKS, CHUNK), jnp.int32),
            pltpu.VMEM((N_CHUNKS, CHUNK), jnp.int32),
            pltpu.VMEM((NBUF, CHUNK, HD), jnp.float32),
            pltpu.VMEM_SHARED((N, HD), jnp.float32),
            [pltpu.SemaphoreType.DMA] * NBUF,
        ],
        compiler_params=pltpu.CompilerParams(use_tc_tiling_on_sc=False),
    )
    def k(h0_hbm, h1_hbm, src_hbm, dst_hbm, z_hbm, out_hbm,
          sidx, didx, rows, agg, gsems):
        c = lax.axis_index("c")
        s = lax.axis_index("s")

        def stripe_copy(mk_src, mk_dst):
            @pl.when(s < NS - 1)
            def _():
                sl = pl.ds(s * STRIPE, STRIPE)
                pltpu.sync_copy(mk_src(sl), mk_dst(sl))

            @pl.when(s == NS - 1)
            def _():
                sl = pl.ds((NS - 1) * STRIPE, LAST_STRIPE)
                pltpu.sync_copy(mk_src(sl), mk_dst(sl))

        pltpu.sync_copy(src_hbm.at[s], sidx)
        pltpu.sync_copy(dst_hbm.at[s], didx)
        stripe_copy(lambda sl: z_hbm.at[sl], lambda sl: agg.at[sl])
        plsc.subcore_barrier()

        def accumulate(h_hbm):
            def gather(chunk, b):
                pltpu.async_copy(h_hbm.at[sidx.at[chunk]], rows.at[b], gsems[b])

            def gather_wait(chunk, b):
                pltpu.make_async_copy(h_hbm.at[sidx.at[chunk]], rows.at[b],
                                      gsems[b]).wait()

            for b in range(NBUF):
                gather(b, b)

            @pl.loop(0, N_CHUNKS, step=NBUF)
            def _(j):
                for b in range(NBUF):
                    cur = j + b
                    gather_wait(cur, b)
                    pltpu.sync_copy(rows.at[b], agg.at[didx.at[cur]],
                                    add=True)
                    nxt = cur + NBUF

                    @pl.when(nxt < N_CHUNKS)
                    def _():
                        gather(nxt, b)

        @pl.when(c == 0)
        def _():
            accumulate(h0_hbm)

        @pl.when(c == 1)
        def _():
            accumulate(h1_hbm)

        plsc.subcore_barrier()
        stripe_copy(lambda sl: agg.at[sl], lambda sl: out_hbm.at[c, sl])

    return k(h0, h1, src, dst, zeros)


def _tc_linear_relu(parts, h0, h1, W, b2d, last):

    def body(p_ref, h0_ref, h1_ref, w_ref, b_ref, *o_refs):
        acc0 = p_ref[0] + h0_ref[...]
        acc1 = p_ref[1] + h1_ref[...]
        dn = (((1,), (1,)), ((), ()))
        y = lax.dot_general(acc0, w_ref[:, :HD], dn,
                            preferred_element_type=jnp.float32)
        y += lax.dot_general(acc1, w_ref[:, HD:], dn,
                             preferred_element_type=jnp.float32)
        y = jnp.maximum(y + b_ref[...], 0.0)
        if last:
            o_refs[0][...] = y
        else:
            o_refs[0][...] = y[:, :HD]
            o_refs[1][...] = y[:, HD:]

    out_shape = (jax.ShapeDtypeStruct((N, D), jnp.float32) if last else
                 [jax.ShapeDtypeStruct((N, HD), jnp.float32)] * 2)
    return pl.pallas_call(
        body,
        out_shape=out_shape,
    )(parts, h0, h1, W, b2d)


def kernel(x, g, W0, b0, W1, b1, W2, b2):
    src = g[0].reshape(NS, N_CHUNKS, CHUNK)
    dst = g[1].reshape(NS, N_CHUNKS, CHUNK)
    zeros = jnp.zeros((N, HD), dtype=x.dtype)
    h0, h1 = x[:, :HD], x[:, HD:]
    layers = ((W0, b0), (W1, b1), (W2, b2))
    for i, (W, b) in enumerate(layers):
        last = i == len(layers) - 1
        parts = _sc_segment_sum(h0, h1, src, dst, zeros)
        out = _tc_linear_relu(parts, h0, h1, W, b.reshape(1, D), last)
        if last:
            return out
        h0, h1 = out

# --- scband reference (transcript-rebuilt; emitter-appended) ---
"""Pipeline reference for scband-gin-68118181314621 (READ-ONLY COPY).

The authoritative reference and input builder live on the scoring server;
editing this copy changes nothing except your own understanding.
"""

import jax, jax.numpy as jnp
import numpy as np

N_NODES = 10000
D = 128
N_EDGES = 320000
NUM_LAYERS = 3

def setup_inputs(seed: int = 0) -> dict:
    key = jax.random.key(seed)
    ks = jax.random.split(key, 2 + 2 * NUM_LAYERS)
    x = jax.random.normal(ks[0], (N_NODES, D), dtype=jnp.float32)
    g = jax.random.randint(ks[1], (2, N_EDGES), 0, N_NODES, dtype=jnp.int32)
    inp = {"x": x, "g": g}
    bound = 1.0 / np.sqrt(D)
    for i in range(NUM_LAYERS):
        inp[f"W{i}"] = jax.random.uniform(ks[2 + 2 * i], (D, D), dtype=jnp.float32, minval=-bound, maxval=bound)
        inp[f"b{i}"] = jax.random.uniform(ks[3 + 2 * i], (D,), dtype=jnp.float32, minval=-bound, maxval=bound)
    return inp

def reference(x, g, W0, b0, W1, b1, W2, b2):
    # GINConv with default eps=0: out_i = Linear((1+eps)*x_i + sum_{j->i} x_j)
    src = g[0]
    dst = g[1]

    def gin_conv(h, W, b):
        msgs = jnp.take(h, src, axis=0)            # gather source node features
        agg = jax.ops.segment_sum(msgs, dst, num_segments=N_NODES)  # scatter-add to dst
        return (agg + h) @ W.T + b                 # (1+eps)*x + aggr, eps=0, then Linear

    h = jax.nn.relu(gin_conv(x, W0, b0))
    h = jax.nn.relu(gin_conv(h, W1, b1))
    h = jax.nn.relu(gin_conv(h, W2, b2))
    return h

if __name__ == "__main__":
    import jax
    _d = setup_inputs()
    print(jax.jit(kernel)(*tuple(_d.values())))

</pallas_src>

<mosaic_0001>
#map = affine_map<(d0, d1) -> (0, 0)>
#map1 = affine_map<(d0, d1) -> (0, 0, 0)>
module attributes {stable_mosaic.version = 14 : i64} {
  func.func @k(%arg0: i32, %arg1: i32, %arg2: memref<10000x64xf32, #tpu.memory_space<hbm>>, %arg3: memref<10000x64xf32, #tpu.memory_space<hbm>>, %arg4: memref<16x160x125xi32, #tpu.memory_space<hbm>>, %arg5: memref<16x160x125xi32, #tpu.memory_space<hbm>>, %arg6: memref<10000x64xf32, #tpu.memory_space<hbm>>, %arg7: memref<2x10000x64xf32, #tpu.memory_space<hbm>>, %arg8: memref<160x125xi32, #tpu.memory_space<vmem>>, %arg9: memref<160x125xi32, #tpu.memory_space<vmem>>, %arg10: memref<5x125x64xf32, #tpu.memory_space<vmem>>, %arg11: memref<10000x64xf32, #tpu.memory_space<vmem_shared>>, %arg12: memref<!tpu.dma_semaphore, #tpu.memory_space<semaphore_mem>>, %arg13: memref<!tpu.dma_semaphore, #tpu.memory_space<semaphore_mem>>, %arg14: memref<!tpu.dma_semaphore, #tpu.memory_space<semaphore_mem>>, %arg15: memref<!tpu.dma_semaphore, #tpu.memory_space<semaphore_mem>>, %arg16: memref<!tpu.dma_semaphore, #tpu.memory_space<semaphore_mem>>) attributes {dimension_semantics = [#tpu.dimension_semantics<core_parallel>, #tpu.dimension_semantics<subcore_parallel>], iteration_bounds = array<i64: 2, 16>, scalar_prefetch = 0 : i64, scratch_operands = 9 : i64, tpu.core_type = #tpu.core_type<sc_vector_subcore>, window_params = [{transform_indices = #map}, {transform_indices = #map}, {transform_indices = #map1}, {transform_indices = #map1}, {transform_indices = #map}, {transform_indices = #map1}]} {
    "tpu.region"() ({
      %run_scoped3A = tpu.sem_alloc : memref<!tpu.dma_semaphore, #tpu.memory_space<semaphore_mem>>
      %dma_start3A = arith.constant 0 : i32
      %dma_start3A_27 = arith.constant 0 : i32
      %dma_start3A_28 = tpu.memref_slice %arg4[%arg1, %dma_start3A, %dma_start3A_27] : memref<16x160x125xi32, #tpu.memory_space<hbm>> -> memref<1x160x125xi32, #tpu.memory_space<hbm>>
      %dma_start3A_29 = tpu.memref_squeeze %dma_start3A_28 : memref<1x160x125xi32, #tpu.memory_space<hbm>> -> memref<160x125xi32, #tpu.memory_space<hbm>>
      %dma_start3A_30 = arith.constant 0 : i32
      %dma_start3A_31 = arith.constant 0 : i32
      %dma_start3A_32 = tpu.memref_slice %arg4[%arg1, %dma_start3A_30, %dma_start3A_31] : memref<16x160x125xi32, #tpu.memory_space<hbm>> -> memref<1x160x125xi32, #tpu.memory_space<hbm>>
      %dma_start3A_33 = tpu.memref_squeeze %dma_start3A_32 : memref<1x160x125xi32, #tpu.memory_space<hbm>> -> memref<160x125xi32, #tpu.memory_space<hbm>>
      tpu.enqueue_dma source(%dma_start3A_33 : memref<160x125xi32, #tpu.memory_space<hbm>>) target(%arg8 : memref<160x125xi32, #tpu.memory_space<vmem>>) target_semaphore(%run_scoped3A : memref<!tpu.dma_semaphore, #tpu.memory_space<semaphore_mem>>)
      %dma_wait3A = arith.constant 0 : i32
      %dma_wait3A_34 = arith.constant 0 : i32
      %dma_wait3A_35 = tpu.memref_slice %arg4[%arg1, %dma_wait3A, %dma_wait3A_34] : memref<16x160x125xi32, #tpu.memory_space<hbm>> -> memref<1x160x125xi32, #tpu.memory_space<hbm>>
      %dma_wait3A_36 = tpu.memref_squeeze %dma_wait3A_35 : memref<1x160x125xi32, #tpu.memory_space<hbm>> -> memref<160x125xi32, #tpu.memory_space<hbm>>
      %dma_wait3A_37 = arith.constant 0 : i32
      %dma_wait3A_38 = arith.constant 0 : i32
      %dma_wait3A_39 = tpu.memref_slice %arg4[%arg1, %dma_wait3A_37, %dma_wait3A_38] : memref<16x160x125xi32, #tpu.memory_space<hbm>> -> memref<1x160x125xi32, #tpu.memory_space<hbm>>
      %dma_wait3A_40 = tpu.memref_squeeze %dma_wait3A_39 : memref<1x160x125xi32, #tpu.memory_space<hbm>> -> memref<160x125xi32, #tpu.memory_space<hbm>>
      tpu.wait_dma2 semaphore(%run_scoped3A : memref<!tpu.dma_semaphore, #tpu.memory_space<semaphore_mem>>) src(%dma_wait3A_40 : memref<160x125xi32, #tpu.memory_space<hbm>>) dst(%arg8 : memref<160x125xi32, #tpu.memory_space<vmem>>)
      tpu.yield
    }) : () -> ()
    "tpu.region"() ({
      %run_scoped3A = tpu.sem_alloc : memref<!tpu.dma_semaphore, #tpu.memory_space<semaphore_mem>>
      %dma_start3A = arith.constant 0 : i32
      %dma_start3A_27 = arith.constant 0 : i32
      %dma_start3A_28 = tpu.memref_slice %arg5[%arg1, %dma_start3A, %dma_start3A_27] : memref<16x160x125xi32, #tpu.memory_space<hbm>> -> memref<1x160x125xi32, #tpu.memory_space<hbm>>
      %dma_start3A_29 = tpu.memref_squeeze %dma_start3A_28 : memref<1x160x125xi32, #tpu.memory_space<hbm>> -> memref<160x125xi32, #tpu.memory_space<hbm>>
      %dma_start3A_30 = arith.constant 0 : i32
      %dma_start3A_31 = arith.constant 0 : i32
      %dma_start3A_32 = tpu.memref_slice %arg5[%arg1, %dma_start3A_30, %dma_start3A_31] : memref<16x160x125xi32, #tpu.memory_space<hbm>> -> memref<1x160x125xi32, #tpu.memory_space<hbm>>
      %dma_start3A_33 = tpu.memref_squeeze %dma_start3A_32 : memref<1x160x125xi32, #tpu.memory_space<hbm>> -> memref<160x125xi32, #tpu.memory_space<hbm>>
      tpu.enqueue_dma source(%dma_start3A_33 : memref<160x125xi32, #tpu.memory_space<hbm>>) target(%arg9 : memref<160x125xi32, #tpu.memory_space<vmem>>) target_semaphore(%run_scoped3A : memref<!tpu.dma_semaphore, #tpu.memory_space<semaphore_mem>>)
      %dma_wait3A = arith.constant 0 : i32
      %dma_wait3A_34 = arith.constant 0 : i32
      %dma_wait3A_35 = tpu.memref_slice %arg5[%arg1, %dma_wait3A, %dma_wait3A_34] : memref<16x160x125xi32, #tpu.memory_space<hbm>> -> memref<1x160x125xi32, #tpu.memory_space<hbm>>
      %dma_wait3A_36 = tpu.memref_squeeze %dma_wait3A_35 : memref<1x160x125xi32, #tpu.memory_space<hbm>> -> memref<160x125xi32, #tpu.memory_space<hbm>>
      %dma_wait3A_37 = arith.constant 0 : i32
      %dma_wait3A_38 = arith.constant 0 : i32
      %dma_wait3A_39 = tpu.memref_slice %arg5[%arg1, %dma_wait3A_37, %dma_wait3A_38] : memref<16x160x125xi32, #tpu.memory_space<hbm>> -> memref<1x160x125xi32, #tpu.memory_space<hbm>>
      %dma_wait3A_40 = tpu.memref_squeeze %dma_wait3A_39 : memref<1x160x125xi32, #tpu.memory_space<hbm>> -> memref<160x125xi32, #tpu.memory_space<hbm>>
      tpu.wait_dma2 semaphore(%run_scoped3A : memref<!tpu.dma_semaphore, #tpu.memory_space<semaphore_mem>>) src(%dma_wait3A_40 : memref<160x125xi32, #tpu.memory_space<hbm>>) dst(%arg9 : memref<160x125xi32, #tpu.memory_space<vmem>>)
      tpu.yield
    }) : () -> ()
    %lt3A = arith.constant 15 : i32
    %lt3A_0 = arith.cmpi slt, %arg1, %lt3A : i32
    %convert_element_type3A = arith.extui %lt3A_0 : i1 to i32
    %cond3A = arith.constant 0 : i32
    %cond3A_1 = arith.cmpi ne, %convert_element_type3A, %cond3A : i32
    scf.if %cond3A_1 {
      %mul3A = arith.constant 624 : i32
      %mul3A_27 = arith.muli %arg1, %mul3A : i32
      "tpu.region"() ({
        %run_scoped3A = tpu.sem_alloc : memref<!tpu.dma_semaphore, #tpu.memory_space<semaphore_mem>>
        %dma_start3A = arith.constant 0 : i32
        %dma_start3A_28 = tpu.memref_slice %arg11[%mul3A_27, %dma_start3A] : memref<10000x64xf32, #tpu.memory_space<vmem_shared>> -> memref<624x64xf32, #tpu.memory_space<vmem_shared>>
        %dma_start3A_29 = arith.constant 0 : i32
        %dma_start3A_30 = tpu.memref_slice %arg6[%mul3A_27, %dma_start3A_29] : memref<10000x64xf32, #tpu.memory_space<hbm>> -> memref<624x64xf32, #tpu.memory_space<hbm>>
        tpu.enqueue_dma source(%dma_start3A_30 : memref<624x64xf32, #tpu.memory_space<hbm>>) target(%dma_start3A_28 : memref<624x64xf32, #tpu.memory_space<vmem_shared>>) target_semaphore(%run_scoped3A : memref<!tpu.dma_semaphore, #tpu.memory_space<semaphore_mem>>)
        %dma_wait3A = arith.constant 0 : i32
        %dma_wait3A_31 = tpu.memref_slice %arg11[%mul3A_27, %dma_wait3A] : memref<10000x64xf32, #tpu.memory_space<vmem_shared>> -> memref<624x64xf32, #tpu.memory_space<vmem_shared>>
        %dma_wait3A_32 = arith.constant 0 : i32
        %dma_wait3A_33 = tpu.memref_slice %arg6[%mul3A_27, %dma_wait3A_32] : memref<10000x64xf32, #tpu.memory_space<hbm>> -> memref<624x64xf32, #tpu.memory_space<hbm>>
        tpu.wait_dma2 semaphore(%run_scoped3A : memref<!tpu.dma_semaphore, #tpu.memory_space<semaphore_mem>>) src(%dma_wait3A_33 : memref<624x64xf32, #tpu.memory_space<hbm>>) dst(%dma_wait3A_31 : memref<624x64xf32, #tpu.memory_space<vmem_shared>>)
        tpu.yield
      }) : () -> ()
    } else {
    }
    %eq3A = arith.constant 15 : i32
    %eq3A_2 = arith.cmpi eq, %arg1, %eq3A : i32
    %convert_element_type3A_3 = arith.extui %eq3A_2 : i1 to i32
    %cond3A_4 = arith.constant 0 : i32
    %cond3A_5 = arith.cmpi ne, %convert_element_type3A_3, %cond3A_4 : i32
    scf.if %cond3A_5 {
      "tpu.region"() ({
        %run_scoped3A = tpu.sem_alloc : memref<!tpu.dma_semaphore, #tpu.memory_space<semaphore_mem>>
        %dma_start3A = arith.constant 9360 : i32
        %dma_start3A_27 = arith.constant 0 : i32
        %dma_start3A_28 = tpu.memref_slice %arg11[%dma_start3A, %dma_start3A_27] : memref<10000x64xf32, #tpu.memory_space<vmem_shared>> -> memref<640x64xf32, #tpu.memory_space<vmem_shared>>
        %dma_start3A_29 = arith.constant 9360 : i32
        %dma_start3A_30 = arith.constant 0 : i32
        %dma_start3A_31 = tpu.memref_slice %arg6[%dma_start3A_29, %dma_start3A_30] : memref<10000x64xf32, #tpu.memory_space<hbm>> -> memref<640x64xf32, #tpu.memory_space<hbm>>
        tpu.enqueue_dma source(%dma_start3A_31 : memref<640x64xf32, #tpu.memory_space<hbm>>) target(%dma_start3A_28 : memref<640x64xf32, #tpu.memory_space<vmem_shared>>) target_semaphore(%run_scoped3A : memref<!tpu.dma_semaphore, #tpu.memory_space<semaphore_mem>>)
        %dma_wait3A = arith.constant 9360 : i32
        %dma_wait3A_32 = arith.constant 0 : i32
        %dma_wait3A_33 = tpu.memref_slice %arg11[%dma_wait3A, %dma_wait3A_32] : memref<10000x64xf32, #tpu.memory_space<vmem_shared>> -> memref<640x64xf32, #tpu.memory_space<vmem_shared>>
        %dma_wait3A_34 = arith.constant 9360 : i32
        %dma_wait3A_35 = arith.constant 0 : i32
        %dma_wait3A_36 = tpu.memref_slice %arg6[%dma_wait3A_34, %dma_wait3A_35] : memref<10000x64xf32, #tpu.memory_space<hbm>> -> memref<640x64xf32, #tpu.memory_space<hbm>>
        tpu.wait_dma2 semaphore(%run_scoped3A : memref<!tpu.dma_semaphore, #tpu.memory_space<semaphore_mem>>) src(%dma_wait3A_36 : memref<640x64xf32, #tpu.memory_space<hbm>>) dst(%dma_wait3A_33 : memref<640x64xf32, #tpu.memory_space<vmem_shared>>)
        tpu.yield
      }) : () -> ()
    } else {
    }
    %barrier3A = arith.constant 0 : index
    tpu.barrier barrier_id(%barrier3A)
    %eq3A_6 = arith.constant 0 : i32
    %eq3A_7 = arith.cmpi eq, %arg0, %eq3A_6 : i32
    %convert_element_type3A_8 = arith.extui %eq3A_7 : i1 to i32
    %cond3A_9 = arith.constant 0 : i32
    %cond3A_10 = arith.cmpi ne, %convert_element_type3A_8, %cond3A_9 : i32
    scf.if %cond3A_10 {
      %dma_start3A = arith.constant 0 : i32
      %dma_start3A_27 = arith.constant 0 : i32
      %dma_start3A_28 = arith.constant 0 : i32
      %dma_start3A_29 = arith.constant 0 : i32
      %dma_start3A_30 = tpu.memref_slice %arg10[%dma_start3A_27, %dma_start3A_28, %dma_start3A_29] : memref<5x125x64xf32, #tpu.memory_space<vmem>> -> memref<1x125x64xf32, #tpu.memory_space<vmem>>
      %dma_start3A_31 = tpu.memref_squeeze %dma_start3A_30 : memref<1x125x64xf32, #tpu.memory_space<vmem>> -> memref<125x64xf32, #tpu.memory_space<vmem>>
      %dma_start3A_32 = arith.constant 0 : i32
      %dma_start3A_33 = tpu.memref_slice %arg8[%dma_start3A, %dma_start3A_32] : memref<160x125xi32, #tpu.memory_space<vmem>> -> memref<1x125xi32, #tpu.memory_space<vmem>>
      %dma_start3A_34 = tpu.memref_squeeze %dma_start3A_33 : memref<1x125xi32, #tpu.memory_space<vmem>> -> memref<125xi32, #tpu.memory_space<vmem>>
      %dma_start3A_35 = arith.constant 0 : i32
      %dma_start3A_36 = arith.constant 0 : i32
      %dma_start3A_37 = tpu.memref_slice %arg2[%dma_start3A_35, %dma_start3A_36] : memref<10000x64xf32, #tpu.memory_space<hbm>> -> memref<10000x64xf32, #tpu.memory_space<hbm>>
      tpu.enqueue_indirect_dma source(%dma_start3A_37 : memref<10000x64xf32, #tpu.memory_space<hbm>>) target(%dma_start3A_31 : memref<125x64xf32, #tpu.memory_space<vmem>>) offsets(%dma_start3A_34 : memref<125xi32, #tpu.memory_space<vmem>>) semaphore(%arg12 : memref<!tpu.dma_semaphore, #tpu.memory_space<semaphore_mem>>)
      %dma_start3A_38 = arith.constant 1 : i32
      %dma_start3A_39 = arith.constant 1 : i32
      %dma_start3A_40 = arith.constant 0 : i32
      %dma_start3A_41 = arith.constant 0 : i32
      %dma_start3A_42 = tpu.memref_slice %arg10[%dma_start3A_39, %dma_start3A_40, %dma_start3A_41] : memref<5x125x64xf32, #tpu.memory_space<vmem>> -> memref<1x125x64xf32, #tpu.memory_space<vmem>>
      %dma_start3A_43 = tpu.memref_squeeze %dma_start3A_42 : memref<1x125x64xf32, #tpu.memory_space<vmem>> -> memref<125x64xf32, #tpu.memory_space<vmem>>
      %dma_start3A_44 = arith.constant 0 : i32
      %dma_start3A_45 = tpu.memref_slice %arg8[%dma_start3A_38, %dma_start3A_44] : memref<160x125xi32, #tpu.memory_space<vmem>> -> memref<1x125xi32, #tpu.memory_space<vmem>>
      %dma_start3A_46 = tpu.memref_squeeze %dma_start3A_45 : memref<1x125xi32, #tpu.memory_space<vmem>> -> memref<125xi32, #tpu.memory_space<vmem>>
      %dma_start3A_47 = arith.constant 0 : i32
      %dma_start3A_48 = arith.constant 0 : i32
      %dma_start3A_49 = tpu.memref_slice %arg2[%dma_start3A_47, %dma_start3A_48] : memref<10000x64xf32, #tpu.memory_space<hbm>> -> memref<10000x64xf32, #tpu.memory_space<hbm>>
      tpu.enqueue_indirect_dma source(%dma_start3A_49 : memref<10000x64xf32, #tpu.memory_space<hbm>>) target(%dma_start3A_43 : memref<125x64xf32, #tpu.memory_space<vmem>>) offsets(%dma_start3A_46 : memref<125xi32, #tpu.memory_space<vmem>>) semaphore(%arg13 : memref<!tpu.dma_semaphore, #tpu.memory_space<semaphore_mem>>)
      %dma_start3A_50 = arith.constant 2 : i32
      %dma_start3A_51 = arith.constant 2 : i32
      %dma_start3A_52 = arith.constant 0 : i32
      %dma_start3A_53 = arith.constant 0 : i32
      %dma_start3A_54 = tpu.memref_slice %arg10[%dma_start3A_51, %dma_start3A_52, %dma_start3A_53] : memref<5x125x64xf32, #tpu.memory_space<vmem>> -> memref<1x125x64xf32, #tpu.memory_space<vmem>>
      %dma_start3A_55 = tpu.memref_squeeze %dma_start3A_54 : memref<1x125x64xf32, #tpu.memory_space<vmem>> -> memref<125x64xf32, #tpu.memory_space<vmem>>
      %dma_start3A_56 = arith.constant 0 : i32
      %dma_start3A_57 = tpu.memref_slice %arg8[%dma_start3A_50, %dma_start3A_56] : memref<160x125xi32, #tpu.memory_space<vmem>> -> memref<1x125xi32, #tpu.memory_space<vmem>>
      %dma_start3A_58 = tpu.memref_squeeze %dma_start3A_57 : memref<1x125xi32, #tpu.memory_space<vmem>> -> memref<125xi32, #tpu.memory_space<vmem>>
      %dma_start3A_59 = arith.constant 0 : i32
      %dma_start3A_60 = arith.constant 0 : i32
      %dma_start3A_61 = tpu.memref_slice %arg2[%dma_start3A_59, %dma_start3A_60] : memref<10000x64xf32, #tpu.memory_space<hbm>> -> memref<10000x64xf32, #tpu.memory_space<hbm>>
      tpu.enqueue_indirect_dma source(%dma_start3A_61 : memref<10000x64xf32, #tpu.memory_space<hbm>>) target(%dma_start3A_55 : memref<125x64xf32, #tpu.memory_space<vmem>>) offsets(%dma_start3A_58 : memref<125xi32, #tpu.memory_space<vmem>>) semaphore(%arg14 : memref<!tpu.dma_semaphore, #tpu.memory_space<semaphore_mem>>)
      %dma_start3A_62 = arith.constant 3 : i32
      %dma_start3A_63 = arith.constant 3 : i32
      %dma_start3A_64 = arith.constant 0 : i32
      %dma_start3A_65 = arith.constant 0 : i32
      %dma_start3A_66 = tpu.memref_slice %arg10[%dma_start3A_63, %dma_start3A_64, %dma_start3A_65] : memref<5x125x64xf32, #tpu.memory_space<vmem>> -> memref<1x125x64xf32, #tpu.memory_space<vmem>>
      %dma_start3A_67 = tpu.memref_squeeze %dma_start3A_66 : memref<1x125x64xf32, #tpu.memory_space<vmem>> -> memref<125x64xf32, #tpu.memory_space<vmem>>
      %dma_start3A_68 = arith.constant 0 : i32
      %dma_start3A_69 = tpu.memref_slice %arg8[%dma_start3A_62, %dma_start3A_68] : memref<160x125xi32, #tpu.memory_space<vmem>> -> memref<1x125xi32, #tpu.memory_space<vmem>>
      %dma_start3A_70 = tpu.memref_squeeze %dma_start3A_69 : memref<1x125xi32, #tpu.memory_space<vmem>> -> memref<125xi32, #tpu.memory_space<vmem>>
      %dma_start3A_71 = arith.constant 0 : i32
      %dma_start3A_72 = arith.constant 0 : i32
      %dma_start3A_73 = tpu.memref_slice %arg2[%dma_start3A_71, %dma_start3A_72] : memref<10000x64xf32, #tpu.memory_space<hbm>> -> memref<10000x64xf32, #tpu.memory_space<hbm>>
      tpu.enqueue_indirect_dma source(%dma_start3A_73 : memref<10000x64xf32, #tpu.memory_space<hbm>>) target(%dma_start3A_67 : memref<125x64xf32, #tpu.memory_space<vmem>>) offsets(%dma_start3A_70 : memref<125xi32, #tpu.memory_space<vmem>>) semaphore(%arg15 : memref<!tpu.dma_semaphore, #tpu.memory_space<semaphore_mem>>)
      %dma_start3A_74 = arith.constant 4 : i32
      %dma_start3A_75 = arith.constant 4 : i32
      %dma_start3A_76 = arith.constant 0 : i32
      %dma_start3A_77 = arith.constant 0 : i32
      %dma_start3A_78 = tpu.memref_slice %arg10[%dma_start3A_75, %dma_start3A_76, %dma_start3A_77] : memref<5x125x64xf32, #tpu.memory_space<vmem>> -> memref<1x125x64xf32, #tpu.memory_space<vmem>>
      %dma_start3A_79 = tpu.memref_squeeze %dma_start3A_78 : memref<1x125x64xf32, #tpu.memory_space<vmem>> -> memref<125x64xf32, #tpu.memory_space<vmem>>
      %dma_start3A_80 = arith.constant 0 : i32
      %dma_start3A_81 = tpu.memref_slice %arg8[%dma_start3A_74, %dma_start3A_80] : memref<160x125xi32, #tpu.memory_space<vmem>> -> memref<1x125xi32, #tpu.memory_space<vmem>>
      %dma_start3A_82 = tpu.memref_squeeze %dma_start3A_81 : memref<1x125xi32, #tpu.memory_space<vmem>> -> memref<125xi32, #tpu.memory_space<vmem>>
      %dma_start3A_83 = arith.constant 0 : i32
      %dma_start3A_84 = arith.constant 0 : i32
      %dma_start3A_85 = tpu.memref_slice %arg2[%dma_start3A_83, %dma_start3A_84] : memref<10000x64xf32, #tpu.memory_space<hbm>> -> memref<10000x64xf32, #tpu.memory_space<hbm>>
      tpu.enqueue_indirect_dma source(%dma_start3A_85 : memref<10000x64xf32, #tpu.memory_space<hbm>>) target(%dma_start3A_79 : memref<125x64xf32, #tpu.memory_space<vmem>>) offsets(%dma_start3A_82 : memref<125xi32, #tpu.memory_space<vmem>>) semaphore(%arg16 : memref<!tpu.dma_semaphore, #tpu.memory_space<semaphore_mem>>)
      %scan3A = arith.constant 0 : i32
      %scan3A_86 = arith.constant 32 : i32
      %scan3A_87 = arith.addi %scan3A, %scan3A_86 : i32
      %scan3A_88 = arith.constant 1 : i32
      scf.for %scan3A_90 = %scan3A to %scan3A_87 step %scan3A_88  : i32 {
        %mul3A = arith.constant 5 : i32
        %mul3A_91 = arith.muli %scan3A_90, %mul3A : i32
        %add3A = arith.constant 0 : i32
        %add3A_92 = arith.addi %add3A, %mul3A_91 : i32
        %add3A_93 = arith.constant 0 : i32
        %add3A_94 = arith.addi %add3A_92, %add3A_93 : i32
        %dma_wait3A = arith.constant 0 : i32
        %dma_wait3A_95 = arith.constant 0 : i32
        %dma_wait3A_96 = arith.constant 0 : i32
        %dma_wait3A_97 = tpu.memref_slice %arg10[%dma_wait3A, %dma_wait3A_95, %dma_wait3A_96] : memref<5x125x64xf32, #tpu.memory_space<vmem>> -> memref<1x125x64xf32, #tpu.memory_space<vmem>>
        %dma_wait3A_98 = tpu.memref_squeeze %dma_wait3A_97 : memref<1x125x64xf32, #tpu.memory_space<vmem>> -> memref<125x64xf32, #tpu.memory_space<vmem>>
        %dma_wait3A_99 = arith.constant 0 : i32
        %dma_wait3A_100 = tpu.memref_slice %arg8[%add3A_94, %dma_wait3A_99] : memref<160x125xi32, #tpu.memory_space<vmem>> -> memref<1x125xi32, #tpu.memory_space<vmem>>
        %dma_wait3A_101 = tpu.memref_squeeze %dma_wait3A_100 : memref<1x125xi32, #tpu.memory_space<vmem>> -> memref<125xi32, #tpu.memory_space<vmem>>
        %dma_wait3A_102 = arith.constant 0 : i32
        %dma_wait3A_103 = arith.constant 0 : i32
        %dma_wait3A_104 = tpu.memref_slice %arg2[%dma_wait3A_102, %dma_wait3A_103] : memref<10000x64xf32, #tpu.memory_space<hbm>> -> memref<10000x64xf32, #tpu.memory_space<hbm>>
        tpu.wait_indirect_dma semaphore(%arg12 : memref<!tpu.dma_semaphore, #tpu.memory_space<semaphore_mem>>) src(%dma_wait3A_104 : memref<10000x64xf32, #tpu.memory_space<hbm>>) dst(%dma_wait3A_98 : memref<125x64xf32, #tpu.memory_space<vmem>>)
        %run_scoped3A = arith.constant 0 : i32
        "tpu.region"() ({
          %run_scoped3A_196 = tpu.sem_alloc : memref<!tpu.dma_semaphore, #tpu.memory_space<semaphore_mem>>
          %dma_start3A_197 = arith.constant 0 : i32
          %dma_start3A_198 = arith.constant 0 : i32
          %dma_start3A_199 = tpu.memref_slice %arg10[%run_scoped3A, %dma_start3A_197, %dma_start3A_198] : memref<5x125x64xf32, #tpu.memory_space<vmem>> -> memref<1x125x64xf32, #tpu.memory_space<vmem>>
          %dma_start3A_200 = tpu.memref_squeeze %dma_start3A_199 : memref<1x125x64xf32, #tpu.memory_space<vmem>> -> memref<125x64xf32, #tpu.memory_space<vmem>>
          %dma_start3A_201 = arith.constant 0 : i32
          %dma_start3A_202 = tpu.memref_slice %arg9[%add3A_94, %dma_start3A_201] : memref<160x125xi32, #tpu.memory_space<vmem>> -> memref<1x125xi32, #tpu.memory_space<vmem>>
          %dma_start3A_203 = tpu.memref_squeeze %dma_start3A_202 : memref<1x125xi32, #tpu.memory_space<vmem>> -> memref<125xi32, #tpu.memory_space<vmem>>
          %dma_start3A_204 = arith.constant 0 : i32
          %dma_start3A_205 = arith.constant 0 : i32
          %dma_start3A_206 = tpu.memref_slice %arg11[%dma_start3A_204, %dma_start3A_205] : memref<10000x64xf32, #tpu.memory_space<vmem_shared>> -> memref<10000x64xf32, #tpu.memory_space<vmem_shared>>
          tpu.enqueue_indirect_dma source(%dma_start3A_200 : memref<125x64xf32, #tpu.memory_space<vmem>>) target(%dma_start3A_206 : memref<10000x64xf32, #tpu.memory_space<vmem_shared>>) offsets(%dma_start3A_203 : memref<125xi32, #tpu.memory_space<vmem>>) semaphore(%run_scoped3A_196 : memref<!tpu.dma_semaphore, #tpu.memory_space<semaphore_mem>>) {add = true}
          %dma_wait3A_207 = arith.constant 0 : i32
          %dma_wait3A_208 = arith.constant 0 : i32
          %dma_wait3A_209 = tpu.memref_slice %arg10[%run_scoped3A, %dma_wait3A_207, %dma_wait3A_208] : memref<5x125x64xf32, #tpu.memory_space<vmem>> -> memref<1x125x64xf32, #tpu.memory_space<vmem>>
          %dma_wait3A_210 = tpu.memref_squeeze %dma_wait3A_209 : memref<1x125x64xf32, #tpu.memory_space<vmem>> -> memref<125x64xf32, #tpu.memory_space<vmem>>
          %dma_wait3A_211 = arith.constant 0 : i32
          %dma_wait3A_212 = tpu.memref_slice %arg9[%add3A_94, %dma_wait3A_211] : memref<160x125xi32, #tpu.memory_space<vmem>> -> memref<1x125xi32, #tpu.memory_space<vmem>>
          %dma_wait3A_213 = tpu.memref_squeeze %dma_wait3A_212 : memref<1x125xi32, #tpu.memory_space<vmem>> -> memref<125xi32, #tpu.memory_space<vmem>>
          %dma_wait3A_214 = arith.constant 0 : i32
          %dma_wait3A_215 = arith.constant 0 : i32
          %dma_wait3A_216 = tpu.memref_slice %arg11[%dma_wait3A_214, %dma_wait3A_215] : memref<10000x64xf32, #tpu.memory_space<vmem_shared>> -> memref<10000x64xf32, #tpu.memory_space<vmem_shared>>
          tpu.wait_indirect_dma semaphore(%run_scoped3A_196 : memref<!tpu.dma_semaphore, #tpu.memory_space<semaphore_mem>>) src(%dma_wait3A_210 : memref<125x64xf32, #tpu.memory_space<vmem>>) dst(%dma_wait3A_216 : memref<10000x64xf32, #tpu.memory_space<vmem_shared>>)
          tpu.yield
        }) : () -> ()
        %add3A_105 = arith.constant 5 : i32
        %add3A_106 = arith.addi %add3A_94, %add3A_105 : i32
        %lt3A_107 = arith.constant 160 : i32
        %lt3A_108 = arith.cmpi slt, %add3A_106, %lt3A_107 : i32
        %convert_element_type3A_109 = arith.extui %lt3A_108 : i1 to i32
        %cond3A_110 = arith.constant 0 : i32
        %cond3A_111 = arith.cmpi ne, %convert_element_type3A_109, %cond3A_110 : i32
        scf.if %cond3A_111 {
          %dma_start3A_196 = arith.constant 0 : i32
          %dma_start3A_197 = arith.constant 0 : i32
          %dma_start3A_198 = arith.constant 0 : i32
          %dma_start3A_199 = tpu.memref_slice %arg10[%dma_start3A_196, %dma_start3A_197, %dma_start3A_198] : memref<5x125x64xf32, #tpu.memory_space<vmem>> -> memref<1x125x64xf32, #tpu.memory_space<vmem>>
          %dma_start3A_200 = tpu.memref_squeeze %dma_start3A_199 : memref<1x125x64xf32, #tpu.memory_space<vmem>> -> memref<125x64xf32, #tpu.memory_space<vmem>>
          %dma_start3A_201 = arith.constant 0 : i32
          %dma_start3A_202 = tpu.memref_slice %arg8[%add3A_106, %dma_start3A_201] : memref<160x125xi32, #tpu.memory_space<vmem>> -> memref<1x125xi32, #tpu.memory_space<vmem>>
          %dma_start3A_203 = tpu.memref_squeeze %dma_start3A_202 : memref<1x125xi32, #tpu.memory_space<vmem>> -> memref<125xi32, #tpu.memory_space<vmem>>
          %dma_start3A_204 = arith.constant 0 : i32
          %dma_start3A_205 = arith.constant 0 : i32
          %dma_start3A_206 = tpu.memref_slice %arg2[%dma_start3A_204, %dma_start3A_205] : memref<10000x64xf32, #tpu.memory_space<hbm>> -> memref<10000x64xf32, #tpu.memory_space<hbm>>
          tpu.enqueue_indirect_dma source(%dma_start3A_206 : memref<10000x64xf32, #tpu.memory_space<hbm>>) target(%dma_start3A_200 : memref<125x64xf32, #tpu.memory_space<vmem>>) offsets(%dma_start3A_203 : memref<125xi32, #tpu.memory_space<vmem>>) semaphore(%arg12 : memref<!tpu.dma_semaphore, #tpu.memory_space<semaphore_mem>>)
        } else {
        }
        %add3A_112 = arith.constant 1 : i32
        %add3A_113 = arith.addi %add3A_92, %add3A_112 : i32
        %dma_wait3A_114 = arith.constant 1 : i32
        %dma_wait3A_115 = arith.constant 0 : i32
        %dma_wait3A_116 = arith.constant 0 : i32
        %dma_wait3A_117 = tpu.memref_slice %arg10[%dma_wait3A_114, %dma_wait3A_115, %dma_wait3A_116] : memref<5x125x64xf32, #tpu.memory_space<vmem>> -> memref<1x125x64xf32, #tpu.memory_space<vmem>>
        %dma_wait3A_118 = tpu.memref_squeeze %dma_wait3A_117 : memref<1x125x64xf32, #tpu.memory_space<vmem>> -> memref<125x64xf32, #tpu.memory_space<vmem>>
        %dma_wait3A_119 = arith.constant 0 : i32
        %dma_wait3A_120 = tpu.memref_slice %arg8[%add3A_113, %dma_wait3A_119] : memref<160x125xi32, #tpu.memory_space<vmem>> -> memref<1x125xi32, #tpu.memory_space<vmem>>
        %dma_wait3A_121 = tpu.memref_squeeze %dma_wait3A_120 : memref<1x125xi32, #tpu.memory_space<vmem>> -> memref<125xi32, #tpu.memory_space<vmem>>
        %dma_wait3A_122 = arith.constant 0 : i32
        %dma_wait3A_123 = arith.constant 0 : i32
        %dma_wait3A_124 = tpu.memref_slice %arg2[%dma_wait3A_122, %dma_wait3A_123] : memref<10000x64xf32, #tpu.memory_space<hbm>> -> memref<10000x64xf32, #tpu.memory_space<hbm>>
        tpu.wait_indirect_dma semaphore(%arg13 : memref<!tpu.dma_semaphore, #tpu.memory_space<semaphore_mem>>) src(%dma_wait3A_124 : memref<10000x64xf32, #tpu.memory_space<hbm>>) dst(%dma_wait3A_118 : memref<125x64xf32, #tpu.memory_space<vmem>>)
        %run_scoped3A_125 = arith.constant 1 : i32
        "tpu.region"() ({
          %run_scoped3A_196 = tpu.sem_alloc : memref<!tpu.dma_semaphore, #tpu.memory_space<semaphore_mem>>
          %dma_start3A_197 = arith.constant 0 : i32
          %dma_start3A_198 = arith.constant 0 : i32
          %dma_start3A_199 = tpu.memref_slice %arg10[%run_scoped3A_125, %dma_start3A_197, %dma_start3A_198] : memref<5x125x64xf32, #tpu.memory_space<vmem>> -> memref<1x125x64xf32, #tpu.memory_space<vmem>>
          %dma_start3A_200 = tpu.memref_squeeze %dma_start3A_199 : memref<1x125x64xf32, #tpu.memory_space<vmem>> -> memref<125x64xf32, #tpu.memory_space<vmem>>
          %dma_start3A_201 = arith.constant 0 : i32
          %dma_start3A_202 = tpu.memref_slice %arg9[%add3A_113, %dma_start3A_201] : memref<160x125xi32, #tpu.memory_space<vmem>> -> memref<1x125xi32, #tpu.memory_space<vmem>>
          %dma_start3A_203 = tpu.memref_squeeze %dma_start3A_202 : memref<1x125xi32, #tpu.memory_space<vmem>> -> memref<125xi32, #tpu.memory_space<vmem>>
          %dma_start3A_204 = arith.constant 0 : i32
          %dma_start3A_205 = arith.constant 0 : i32
          %dma_start3A_206 = tpu.memref_slice %arg11[%dma_start3A_204, %dma_start3A_205] : memref<10000x64xf32, #tpu.memory_space<vmem_shared>> -> memref<10000x64xf32, #tpu.memory_space<vmem_shared>>
          tpu.enqueue_indirect_dma source(%dma_start3A_200 : memref<125x64xf32, #tpu.memory_space<vmem>>) target(%dma_start3A_206 : memref<10000x64xf32, #tpu.memory_space<vmem_shared>>) offsets(%dma_start3A_203 : memref<125xi32, #tpu.memory_space<vmem>>) semaphore(%run_scoped3A_196 : memref<!tpu.dma_semaphore, #tpu.memory_space<semaphore_mem>>) {add = true}
          %dma_wait3A_207 = arith.constant 0 : i32
          %dma_wait3A_208 = arith.constant 0 : i32
          %dma_wait3A_209 = tpu.memref_slice %arg10[%run_scoped3A_125, %dma_wait3A_207, %dma_wait3A_208] : memref<5x125x64xf32, #tpu.memory_space<vmem>> -> memref<1x125x64xf32, #tpu.memory_space<vmem>>
          %dma_wait3A_210 = tpu.memref_squeeze %dma_wait3A_209 : memref<1x125x64xf32, #tpu.memory_space<vmem>> -> memref<125x64xf32, #tpu.memory_space<vmem>>
          %dma_wait3A_211 = arith.constant 0 : i32
          %dma_wait3A_212 = tpu.memref_slice %arg9[%add3A_113, %dma_wait3A_211] : memref<160x125xi32, #tpu.memory_space<vmem>> -> memref<1x125xi32, #tpu.memory_space<vmem>>
          %dma_wait3A_213 = tpu.memref_squeeze %dma_wait3A_212 : memref<1x125xi32, #tpu.memory_space<vmem>> -> memref<125xi32, #tpu.memory_space<vmem>>
          %dma_wait3A_214 = arith.constant 0 : i32
          %dma_wait3A_215 = arith.constant 0 : i32
          %dma_wait3A_216 = tpu.memref_slice %arg11[%dma_wait3A_214, %dma_wait3A_215] : memref<10000x64xf32, #tpu.memory_space<vmem_shared>> -> memref<10000x64xf32, #tpu.memory_space<vmem_shared>>
          tpu.wait_indirect_dma semaphore(%run_scoped3A_196 : memref<!tpu.dma_semaphore, #tpu.memory_space<semaphore_mem>>) src(%dma_wait3A_210 : memref<125x64xf32, #tpu.memory_space<vmem>>) dst(%dma_wait3A_216 : memref<10000x64xf32, #tpu.memory_space<vmem_shared>>)
          tpu.yield
        }) : () -> ()
        %add3A_126 = arith.constant 5 : i32
        %add3A_127 = arith.addi %add3A_113, %add3A_126 : i32
        %lt3A_128 = arith.constant 160 : i32
        %lt3A_129 = arith.cmpi slt, %add3A_127, %lt3A_128 : i32
        %convert_element_type3A_130 = arith.extui %lt3A_129 : i1 to i32
        %cond3A_131 = arith.constant 0 : i32
        %cond3A_132 = arith.cmpi ne, %convert_element_type3A_130, %cond3A_131 : i32
        scf.if %cond3A_132 {
          %dma_start3A_196 = arith.constant 1 : i32
          %dma_start3A_197 = arith.constant 0 : i32
          %dma_start3A_198 = arith.constant 0 : i32
          %dma_start3A_199 = tpu.memref_slice %arg10[%dma_start3A_196, %dma_start3A_197, %dma_start3A_198] : memref<5x125x64xf32, #tpu.memory_space<vmem>> -> memref<1x125x64xf32, #tpu.memory_space<vmem>>
          %dma_start3A_200 = tpu.memref_squeeze %dma_start3A_199 : memref<1x125x64xf32, #tpu.memory_space<vmem>> -> memref<125x64xf32, #tpu.memory_space<vmem>>
          %dma_start3A_201 = arith.constant 0 : i32
          %dma_start3A_202 = tpu.memref_slice %arg8[%add3A_127, %dma_start3A_201] : memref<160x125xi32, #tpu.memory_space<vmem>> -> memref<1x125xi32, #tpu.memory_space<vmem>>
          %dma_start3A_203 = tpu.memref_squeeze %dma_start3A_202 : memref<1x125xi32, #tpu.memory_space<vmem>> -> memref<125xi32, #tpu.memory_space<vmem>>
          %dma_start3A_204 = arith.constant 0 : i32
          %dma_start3A_205 = arith.constant 0 : i32
          %dma_start3A_206 = tpu.memref_slice %arg2[%dma_start3A_204, %dma_start3A_205] : memref<10000x64xf32, #tpu.memory_space<hbm>> -> memref<10000x64xf32, #tpu.memory_space<hbm>>
          tpu.enqueue_indirect_dma source(%dma_start3A_206 : memref<10000x64xf32, #tpu.memory_space<hbm>>) target(%dma_start3A_200 : memref<125x64xf32, #tpu.memory_space<vmem>>) offsets(%dma_start3A_203 : memref<125xi32, #tpu.memory_space<vmem>>) semaphore(%arg13 : memref<!tpu.dma_semaphore, #tpu.memory_space<semaphore_mem>>)
        } else {
        }
        %add3A_133 = arith.constant 2 : i32
        %add3A_134 = arith.addi %add3A_92, %add3A_133 : i32
        %dma_wait3A_135 = arith.constant 2 : i32
        %dma_wait3A_136 = arith.constant 0 : i32
        %dma_wait3A_137 = arith.constant 0 : i32
        %dma_wait3A_138 = tpu.memref_slice %arg10[%dma_wait3A_135, %dma_wait3A_136, %dma_wait3A_137] : memref<5x125x64xf32, #tpu.memory_space<vmem>> -> memref<1x125x64xf32, #tpu.memory_space<vmem>>
        %dma_wait3A_139 = tpu.memref_squeeze %dma_wait3A_138 : memref<1x125x64xf32, #tpu.memory_space<vmem>> -> memref<125x64xf32, #tpu.memory_space<vmem>>
        %dma_wait3A_140 = arith.constant 0 : i32
        %dma_wait3A_141 = tpu.memref_slice %arg8[%add3A_134, %dma_wait3A_140] : memref<160x125xi32, #tpu.memory_space<vmem>> -> memref<1x125xi32, #tpu.memory_space<vmem>>
        %dma_wait3A_142 = tpu.memref_squeeze %dma_wait3A_141 : memref<1x125xi32, #tpu.memory_space<vmem>> -> memref<125xi32, #tpu.memory_space<vmem>>
        %dma_wait3A_143 = arith.constant 0 : i32
        %dma_wait3A_144 = arith.constant 0 : i32
        %dma_wait3A_145 = tpu.memref_slice %arg2[%dma_wait3A_143, %dma_wait3A_144] : memref<10000x64xf32, #tpu.memory_space<hbm>> -> memref<10000x64xf32, #tpu.memory_space<hbm>>
        tpu.wait_indirect_dma semaphore(%arg14 : memref<!tpu.dma_semaphore, #tpu.memory_space<semaphore_mem>>) src(%dma_wait3A_145 : memref<10000x64xf32, #tpu.memory_space<hbm>>) dst(%dma_wait3A_139 : memref<125x64xf32, #tpu.memory_space<vmem>>)
        %run_scoped3A_146 = arith.constant 2 : i32
        "tpu.region"() ({
          %run_scoped3A_196 = tpu.sem_alloc : memref<!tpu.dma_semaphore, #tpu.memory_space<semaphore_mem>>
          %dma_start3A_197 = arith.constant 0 : i32
          %dma_start3A_198 = arith.constant 0 : i32
          %dma_start3A_199 = tpu.memref_slice %arg10[%run_scoped3A_146, %dma_start3A_197, %dma_start3A_198] : memref<5x125x64xf32, #tpu.memory_space<vmem>> -> memref<1x125x64xf32, #tpu.memory_space<vmem>>
          %dma_start3A_200 = tpu.memref_squeeze %dma_start3A_199 : memref<1x125x64xf32, #tpu.memory_space<vmem>> -> memref<125x64xf32, #tpu.memory_space<vmem>>
          %dma_start3A_201 = arith.constant 0 : i32
          %dma_start3A_202 = tpu.memref_slice %arg9[%add3A_134, %dma_start3A_201] : memref<160x125xi32, #tpu.memory_space<vmem>> -> memref<1x125xi32, #tpu.memory_space<vmem>>
          %dma_start3A_203 = tpu.memref_squeeze %dma_start3A_202 : memref<1x125xi32, #tpu.memory_space<vmem>> -> memref<125xi32, #tpu.memory_space<vmem>>
          %dma_start3A_204 = arith.constant 0 : i32
          %dma_start3A_205 = arith.constant 0 : i32
          %dma_start3A_206 = tpu.memref_slice %arg11[%dma_start3A_204, %dma_start3A_205] : memref<10000x64xf32, #tpu.memory_space<vmem_shared>> -> memref<10000x64xf32, #tpu.memory_space<vmem_shared>>
          tpu.enqueue_indirect_dma source(%dma_start3A_200 : memref<125x64xf32, #tpu.memory_space<vmem>>) target(%dma_start3A_206 : memref<10000x64xf32, #tpu.memory_space<vmem_shared>>) offsets(%dma_start3A_203 : memref<125xi32, #tpu.memory_space<vmem>>) semaphore(%run_scoped3A_196 : memref<!tpu.dma_semaphore, #tpu.memory_space<semaphore_mem>>) {add = true}
          %dma_wait3A_207 = arith.constant 0 : i32
          %dma_wait3A_208 = arith.constant 0 : i32
          %dma_wait3A_209 = tpu.memref_slice %arg10[%run_scoped3A_146, %dma_wait3A_207, %dma_wait3A_208] : memref<5x125x64xf32, #tpu.memory_space<vmem>> -> memref<1x125x64xf32, #tpu.memory_space<vmem>>
          %dma_wait3A_210 = tpu.memref_squeeze %dma_wait3A_209 : memref<1x125x64xf32, #tpu.memory_space<vmem>> -> memref<125x64xf32, #tpu.memory_space<vmem>>
          %dma_wait3A_211 = arith.constant 0 : i32
          %dma_wait3A_212 = tpu.memref_slice %arg9[%add3A_134, %dma_wait3A_211] : memref<160x125xi32, #tpu.memory_space<vmem>> -> memref<1x125xi32, #tpu.memory_space<vmem>>
          %dma_wait3A_213 = tpu.memref_squeeze %dma_wait3A_212 : memref<1x125xi32, #tpu.memory_space<vmem>> -> memref<125xi32, #tpu.memory_space<vmem>>
          %dma_wait3A_214 = arith.constant 0 : i32
          %dma_wait3A_215 = arith.constant 0 : i32
          %dma_wait3A_216 = tpu.memref_slice %arg11[%dma_wait3A_214, %dma_wait3A_215] : memref<10000x64xf32, #tpu.memory_space<vmem_shared>> -> memref<10000x64xf32, #tpu.memory_space<vmem_shared>>
          tpu.wait_indirect_dma semaphore(%run_scoped3A_196 : memref<!tpu.dma_semaphore, #tpu.memory_space<semaphore_mem>>) src(%dma_wait3A_210 : memref<125x64xf32, #tpu.memory_space<vmem>>) dst(%dma_wait3A_216 : memref<10000x64xf32, #tpu.memory_space<vmem_shared>>)
          tpu.yield
        }) : () -> ()
        %add3A_147 = arith.constant 5 : i32
        %add3A_148 = arith.addi %add3A_134, %add3A_147 : i32
        %lt3A_149 = arith.constant 160 : i32
        %lt3A_150 = arith.cmpi slt, %add3A_148, %lt3A_149 : i32
        %convert_element_type3A_151 = arith.extui %lt3A_150 : i1 to i32
        %cond3A_152 = arith.constant 0 : i32
        %cond3A_153 = arith.cmpi ne, %convert_element_type3A_151, %cond3A_152 : i32
        scf.if %cond3A_153 {
          %dma_start3A_196 = arith.constant 2 : i32
          %dma_start3A_197 = arith.constant 0 : i32
          %dma_start3A_198 = arith.constant 0 : i32
          %dma_start3A_199 = tpu.memref_slice %arg10[%dma_start3A_196, %dma_start3A_197, %dma_start3A_198] : memref<5x125x64xf32, #tpu.memory_space<vmem>> -> memref<1x125x64xf32, #tpu.memory_space<vmem>>
          %dma_start3A_200 = tpu.memref_squeeze %dma_start3A_199 : memref<1x125x64xf32, #tpu.memory_space<vmem>> -> memref<125x64xf32, #tpu.memory_space<vmem>>
          %dma_start3A_201 = arith.constant 0 : i32
          %dma_start3A_202 = tpu.memref_slice %arg8[%add3A_148, %dma_start3A_201] : memref<160x125xi32, #tpu.memory_space<vmem>> -> memref<1x125xi32, #tpu.memory_space<vmem>>
          %dma_start3A_203 = tpu.memref_squeeze %dma_start3A_202 : memref<1x125xi32, #tpu.memory_space<vmem>> -> memref<125xi32, #tpu.memory_space<vmem>>
          %dma_start3A_204 = arith.constant 0 : i32
          %dma_start3A_205 = arith.constant 0 : i32
          %dma_start3A_206 = tpu.memref_slice %arg2[%dma_start3A_204, %dma_start3A_205] : memref<10000x64xf32, #tpu.memory_space<hbm>> -> memref<10000x64xf32, #tpu.memory_space<hbm>>
          tpu.enqueue_indirect_dma source(%dma_start3A_206 : memref<10000x64xf32, #tpu.memory_space<hbm>>) target(%dma_start3A_200 : memref<125x64xf32, #tpu.memory_space<vmem>>) offsets(%dma_start3A_203 : memref<125xi32, #tpu.memory_space<vmem>>) semaphore(%arg14 : memref<!tpu.dma_semaphore, #tpu.memory_space<semaphore_mem>>)
        } else {
        }
        %add3A_154 = arith.constant 3 : i32
        %add3A_155 = arith.addi %add3A_92, %add3A_154 : i32
        %dma_wait3A_156 = arith.constant 3 : i32
        %dma_wait3A_157 = arith.constant 0 : i32
        %dma_wait3A_158 = arith.constant 0 : i32
        %dma_wait3A_159 = tpu.memref_slice %arg10[%dma_wait3A_156, %dma_wait3A_157, %dma_wait3A_158] : memref<5x125x64xf32, #tpu.memory_space<vmem>> -> memref<1x125x64xf32, #tpu.memory_space<vmem>>
        %dma_wait3A_160 = tpu.memref_squeeze %dma_wait3A_159 : memref<1x125x64xf32, #tpu.memory_space<vmem>> -> memref<125x64xf32, #tpu.memory_space<vmem>>
        %dma_wait3A_161 = arith.constant 0 : i32
        %dma_wait3A_162 = tpu.memref_slice %arg8[%add3A_155, %dma_wait3A_161] : memref<160x125xi32, #tpu.memory_space<vmem>> -> memref<1x125xi32, #tpu.memory_space<vmem>>
        %dma_wait3A_163 = tpu.memref_squeeze %dma_wait3A_162 : memref<1x125xi32, #tpu.memory_space<vmem>> -> memref<125xi32, #tpu.memory_space<vmem>>
        %dma_wait3A_164 = arith.constant 0 : i32
        %dma_wait3A_165 = arith.constant 0 : i32
        %dma_wait3A_166 = tpu.memref_slice %arg2[%dma_wait3A_164, %dma_wait3A_165] : memref<10000x64xf32, #tpu.memory_space<hbm>> -> memref<10000x64xf32, #tpu.memory_space<hbm>>
        tpu.wait_indirect_dma semaphore(%arg15 : memref<!tpu.dma_semaphore, #tpu.memory_space<semaphore_mem>>) src(%dma_wait3A_166 : memref<10000x64xf32, #tpu.memory_space<hbm>>) dst(%dma_wait3A_160 : memref<125x64xf32, #tpu.memory_space<vmem>>)
        %run_scoped3A_167 = arith.constant 3 : i32
        "tpu.region"() ({
          %run_scoped3A_196 = tpu.sem_alloc : memref<!tpu.dma_semaphore, #tpu.memory_space<semaphore_mem>>
          %dma_start3A_197 = arith.constant 0 : i32
          %dma_start3A_198 = arith.constant 0 : i32
          %dma_start3A_199 = tpu.memref_slice %arg10[%run_scoped3A_167, %dma_start3A_197, %dma_start3A_198] : memref<5x125x64xf32, #tpu.memory_space<vmem>> -> memref<1x125x64xf32, #tpu.memory_space<vmem>>
          %dma_start3A_200 = tpu.memref_squeeze %dma_start3A_199 : memref<1x125x64xf32, #tpu.memory_space<vmem>> -> memref<125x64xf32, #tpu.memory_space<vmem>>
          %dma_start3A_201 = arith.constant 0 : i32
          %dma_start3A_202 = tpu.memref_slice %arg9[%add3A_155, %dma_start3A_201] : memref<160x125xi32, #tpu.memory_space<vmem>> -> memref<1x125xi32, #tpu.memory_space<vmem>>
          %dma_start3A_203 = tpu.memref_squeeze %dma_start3A_202 : memref<1x125xi32, #tpu.memory_space<vmem>> -> memref<125xi32, #tpu.memory_space<vmem>>
          %dma_start3A_204 = arith.constant 0 : i32
          %dma_start3A_205 = arith.constant 0 : i32
          %dma_start3A_206 = tpu.memref_slice %arg11[%dma_start3A_204, %dma_start3A_205] : memref<10000x64xf32, #tpu.memory_space<vmem_shared>> -> memref<10000x64xf32, #tpu.memory_space<vmem_shared>>
          tpu.enqueue_indirect_dma source(%dma_start3A_200 : memref<125x64xf32, #tpu.memory_space<vmem>>) target(%dma_start3A_206 : memref<10000x64xf32, #tpu.memory_space<vmem_shared>>) offsets(%dma_start3A_203 : memref<125xi32, #tpu.memory_space<vmem>>) semaphore(%run_scoped3A_196 : memref<!tpu.dma_semaphore, #tpu.memory_space<semaphore_mem>>) {add = true}
          %dma_wait3A_207 = arith.constant 0 : i32
          %dma_wait3A_208 = arith.constant 0 : i32
          %dma_wait3A_209 = tpu.memref_slice %arg10[%run_scoped3A_167, %dma_wait3A_207, %dma_wait3A_208] : memref<5x125x64xf32, #tpu.memory_space<vmem>> -> memref<1x125x64xf32, #tpu.memory_space<vmem>>
          %dma_wait3A_210 = tpu.memref_squeeze %dma_wait3A_209 : memref<1x125x64xf32, #tpu.memory_space<vmem>> -> memref<125x64xf32, #tpu.memory_space<vmem>>
          %dma_wait3A_211 = arith.constant 0 : i32
          %dma_wait3A_212 = tpu.memref_slice %arg9[%add3A_155, %dma_wait3A_211] : memref<160x125xi32, #tpu.memory_space<vmem>> -> memref<1x125xi32, #tpu.memory_space<vmem>>
          %dma_wait3A_213 = tpu.memref_squeeze %dma_wait3A_212 : memref<1x125xi32, #tpu.memory_space<vmem>> -> memref<125xi32, #tpu.memory_space<vmem>>
          %dma_wait3A_214 = arith.constant 0 : i32
          %dma_wait3A_215 = arith.constant 0 : i32
          %dma_wait3A_216 = tpu.memref_slice %arg11[%dma_wait3A_214, %dma_wait3A_215] : memref<10000x64xf32, #tpu.memory_space<vmem_shared>> -> memref<10000x64xf32, #tpu.memory_space<vmem_shared>>
          tpu.wait_indirect_dma semaphore(%run_scoped3A_196 : memref<!tpu.dma_semaphore, #tpu.memory_space<semaphore_mem>>) src(%dma_wait3A_210 : memref<125x64xf32, #tpu.memory_space<vmem>>) dst(%dma_wait3A_216 : memref<10000x64xf32, #tpu.memory_space<vmem_shared>>)
          tpu.yield
        }) : () -> ()
        %add3A_168 = arith.constant 5 : i32
        %add3A_169 = arith.addi %add3A_155, %add3A_168 : i32
        %lt3A_170 = arith.constant 160 : i32
        %lt3A_171 = arith.cmpi slt, %add3A_169, %lt3A_170 : i32
        %convert_element_type3A_172 = arith.extui %lt3A_171 : i1 to i32
        %cond3A_173 = arith.constant 0 : i32
        %cond3A_174 = arith.cmpi ne, %convert_element_type3A_172, %cond3A_173 : i32
        scf.if %cond3A_174 {
          %dma_start3A_196 = arith.constant 3 : i32
          %dma_start3A_197 = arith.constant 0 : i32
          %dma_start3A_198 = arith.constant 0 : i32
          %dma_start3A_199 = tpu.memref_slice %arg10[%dma_start3A_196, %dma_start3A_197, %dma_start3A_198] : memref<5x125x64xf32, #tpu.memory_space<vmem>> -> memref<1x125x64xf32, #tpu.memory_space<vmem>>
          %dma_start3A_200 = tpu.memref_squeeze %dma_start3A_199 : memref<1x125x64xf32, #tpu.memory_space<vmem>> -> memref<125x64xf32, #tpu.memory_space<vmem>>
          %dma_start3A_201 = arith.constant 0 : i32
          %dma_start3A_202 = tpu.memref_slice %arg8[%add3A_169, %dma_start3A_201] : memref<160x125xi32, #tpu.memory_space<vmem>> -> memref<1x125xi32, #tpu.memory_space<vmem>>
          %dma_start3A_203 = tpu.memref_squeeze %dma_start3A_202 : memref<1x125xi32, #tpu.memory_space<vmem>> -> memref<125xi32, #tpu.memory_space<vmem>>
          %dma_start3A_204 = arith.constant 0 : i32
          %dma_start3A_205 = arith.constant 0 : i32
          %dma_start3A_206 = tpu.memref_slice %arg2[%dma_start3A_204, %dma_start3A_205] : memref<10000x64xf32, #tpu.memory_space<hbm>> -> memref<10000x64xf32, #tpu.memory_space<hbm>>
          tpu.enqueue_indirect_dma source(%dma_start3A_206 : memref<10000x64xf32, #tpu.memory_space<hbm>>) target(%dma_start3A_200 : memref<125x64xf32, #tpu.memory_space<vmem>>) offsets(%dma_start3A_203 : memref<125xi32, #tpu.memory_space<vmem>>) semaphore(%arg15 : memref<!tpu.dma_semaphore, #tpu.memory_space<semaphore_mem>>)
        } else {
        }
        %add3A_175 = arith.constant 4 : i32
        %add3A_176 = arith.addi %add3A_92, %add3A_175 : i32
        %dma_wait3A_177 = arith.constant 4 : i32
        %dma_wait3A_178 = arith.constant 0 : i32
        %dma_wait3A_179 = arith.constant 0 : i32
        %dma_wait3A_180 = tpu.memref_slice %arg10[%dma_wait3A_177, %dma_wait3A_178, %dma_wait3A_179] : memref<5x125x64xf32, #tpu.memory_space<vmem>> -> memref<1x125x64xf32, #tpu.memory_space<vmem>>
        %dma_wait3A_181 = tpu.memref_squeeze %dma_wait3A_180 : memref<1x125x64xf32, #tpu.memory_space<vmem>> -> memref<125x64xf32, #tpu.memory_space<vmem>>
        %dma_wait3A_182 = arith.constant 0 : i32
        %dma_wait3A_183 = tpu.memref_slice %arg8[%add3A_176, %dma_wait3A_182] : memref<160x125xi32, #tpu.memory_space<vmem>> -> memref<1x125xi32, #tpu.memory_space<vmem>>
        %dma_wait3A_184 = tpu.memref_squeeze %dma_wait3A_183 : memref<1x125xi32, #tpu.memory_space<vmem>> -> memref<125xi32, #tpu.memory_space<vmem>>
        %dma_wait3A_185 = arith.constant 0 : i32
        %dma_wait3A_186 = arith.constant 0 : i32
        %dma_wait3A_187 = tpu.memref_slice %arg2[%dma_wait3A_185, %dma_wait3A_186] : memref<10000x64xf32, #tpu.memory_space<hbm>> -> memref<10000x64xf32, #tpu.memory_space<hbm>>
        tpu.wait_indirect_dma semaphore(%arg16 : memref<!tpu.dma_semaphore, #tpu.memory_space<semaphore_mem>>) src(%dma_wait3A_187 : memref<10000x64xf32, #tpu.memory_space<hbm>>) dst(%dma_wait3A_181 : memref<125x64xf32, #tpu.memory_space<vmem>>)
        %run_scoped3A_188 = arith.constant 4 : i32
        "tpu.region"() ({
          %run_scoped3A_196 = tpu.sem_alloc : memref<!tpu.dma_semaphore, #tpu.memory_space<semaphore_mem>>
          %dma_start3A_197 = arith.constant 0 : i32
          %dma_start3A_198 = arith.constant 0 : i32
          %dma_start3A_199 = tpu.memref_slice %arg10[%run_scoped3A_188, %dma_start3A_197, %dma_start3A_198] : memref<5x125x64xf32, #tpu.memory_space<vmem>> -> memref<1x125x64xf32, #tpu.memory_space<vmem>>
          %dma_start3A_200 = tpu.memref_squeeze %dma_start3A_199 : memref<1x125x64xf32, #tpu.memory_space<vmem>> -> memref<125x64xf32, #tpu.memory_space<vmem>>
          %dma_start3A_201 = arith.constant 0 : i32
          %dma_start3A_202 = tpu.memref_slice %arg9[%add3A_176, %dma_start3A_201] : memref<160x125xi32, #tpu.memory_space<vmem>> -> memref<1x125xi32, #tpu.memory_space<vmem>>
          %dma_start3A_203 = tpu.memref_squeeze %dma_start3A_202 : memref<1x125xi32, #tpu.memory_space<vmem>> -> memref<125xi32, #tpu.memory_space<vmem>>
          %dma_start3A_204 = arith.constant 0 : i32
          %dma_start3A_205 = arith.constant 0 : i32
          %dma_start3A_206 = tpu.memref_slice %arg11[%dma_start3A_204, %dma_start3A_205] : memref<10000x64xf32, #tpu.memory_space<vmem_shared>> -> memref<10000x64xf32, #tpu.memory_space<vmem_shared>>
          tpu.enqueue_indirect_dma source(%dma_start3A_200 : memref<125x64xf32, #tpu.memory_space<vmem>>) target(%dma_start3A_206 : memref<10000x64xf32, #tpu.memory_space<vmem_shared>>) offsets(%dma_start3A_203 : memref<125xi32, #tpu.memory_space<vmem>>) semaphore(%run_scoped3A_196 : memref<!tpu.dma_semaphore, #tpu.memory_space<semaphore_mem>>) {add = true}
          %dma_wait3A_207 = arith.constant 0 : i32
          %dma_wait3A_208 = arith.constant 0 : i32
          %dma_wait3A_209 = tpu.memref_slice %arg10[%run_scoped3A_188, %dma_wait3A_207, %dma_wait3A_208] : memref<5x125x64xf32, #tpu.memory_space<vmem>> -> memref<1x125x64xf32, #tpu.memory_space<vmem>>
          %dma_wait3A_210 = tpu.memref_squeeze %dma_wait3A_209 : memref<1x125x64xf32, #tpu.memory_space<vmem>> -> memref<125x64xf32, #tpu.memory_space<vmem>>
          %dma_wait3A_211 = arith.constant 0 : i32
          %dma_wait3A_212 = tpu.memref_slice %arg9[%add3A_176, %dma_wait3A_211] : memref<160x125xi32, #tpu.memory_space<vmem>> -> memref<1x125xi32, #tpu.memory_space<vmem>>
          %dma_wait3A_213 = tpu.memref_squeeze %dma_wait3A_212 : memref<1x125xi32, #tpu.memory_space<vmem>> -> memref<125xi32, #tpu.memory_space<vmem>>
          %dma_wait3A_214 = arith.constant 0 : i32
          %dma_wait3A_215 = arith.constant 0 : i32
          %dma_wait3A_216 = tpu.memref_slice %arg11[%dma_wait3A_214, %dma_wait3A_215] : memref<10000x64xf32, #tpu.memory_space<vmem_shared>> -> memref<10000x64xf32, #tpu.memory_space<vmem_shared>>
          tpu.wait_indirect_dma semaphore(%run_scoped3A_196 : memref<!tpu.dma_semaphore, #tpu.memory_space<semaphore_mem>>) src(%dma_wait3A_210 : memref<125x64xf32, #tpu.memory_space<vmem>>) dst(%dma_wait3A_216 : memref<10000x64xf32, #tpu.memory_space<vmem_shared>>)
          tpu.yield
        }) : () -> ()
        %add3A_189 = arith.constant 5 : i32
        %add3A_190 = arith.addi %add3A_176, %add3A_189 : i32
        %lt3A_191 = arith.constant 160 : i32
        %lt3A_192 = arith.cmpi slt, %add3A_190, %lt3A_191 : i32
        %convert_element_type3A_193 = arith.extui %lt3A_192 : i1 to i32
        %cond3A_194 = arith.constant 0 : i32
        %cond3A_195 = arith.cmpi ne, %convert_element_type3A_193, %cond3A_194 : i32
        scf.if %cond3A_195 {
          %dma_start3A_196 = arith.constant 4 : i32
          %dma_start3A_197 = arith.constant 0 : i32
          %dma_start3A_198 = arith.constant 0 : i32
          %dma_start3A_199 = tpu.memref_slice %arg10[%dma_start3A_196, %dma_start3A_197, %dma_start3A_198] : memref<5x125x64xf32, #tpu.memory_space<vmem>> -> memref<1x125x64xf32, #tpu.memory_space<vmem>>
          %dma_start3A_200 = tpu.memref_squeeze %dma_start3A_199 : memref<1x125x64xf32, #tpu.memory_space<vmem>> -> memref<125x64xf32, #tpu.memory_space<vmem>>
          %dma_start3A_201 = arith.constant 0 : i32
          %dma_start3A_202 = tpu.memref_slice %arg8[%add3A_190, %dma_start3A_201] : memref<160x125xi32, #tpu.memory_space<vmem>> -> memref<1x125xi32, #tpu.memory_space<vmem>>
          %dma_start3A_203 = tpu.memref_squeeze %dma_start3A_202 : memref<1x125xi32, #tpu.memory_space<vmem>> -> memref<125xi32, #tpu.memory_space<vmem>>
          %dma_start3A_204 = arith.constant 0 : i32
          %dma_start3A_205 = arith.constant 0 : i32
          %dma_start3A_206 = tpu.memref_slice %arg2[%dma_start3A_204, %dma_start3A_205] : memref<10000x64xf32, #tpu.memory_space<hbm>> -> memref<10000x64xf32, #tpu.memory_space<hbm>>
          tpu.enqueue_indirect_dma source(%dma_start3A_206 : memref<10000x64xf32, #tpu.memory_space<hbm>>) target(%dma_start3A_200 : memref<125x64xf32, #tpu.memory_space<vmem>>) offsets(%dma_start3A_203 : memref<125xi32, #tpu.memory_space<vmem>>) semaphore(%arg16 : memref<!tpu.dma_semaphore, #tpu.memory_space<semaphore_mem>>)
        } else {
        }
      }
      %scan3A_89 = arith.constant 32 : i32
    } else {
    }
    %eq3A_11 = arith.constant 1 : i32
    %eq3A_12 = arith.cmpi eq, %arg0, %eq3A_11 : i32
    %convert_element_type3A_13 = arith.extui %eq3A_12 : i1 to i32
    %cond3A_14 = arith.constant 0 : i32
    %cond3A_15 = arith.cmpi ne, %convert_element_type3A_13, %cond3A_14 : i32
    scf.if %cond3A_15 {
      %dma_start3A = arith.constant 0 : i32
      %dma_start3A_27 = arith.constant 0 : i32
      %dma_start3A_28 = arith.constant 0 : i32
      %dma_start3A_29 = arith.constant 0 : i32
      %dma_start3A_30 = tpu.memref_slice %arg10[%dma_start3A_27, %dma_start3A_28, %dma_start3A_29] : memref<5x125x64xf32, #tpu.memory_space<vmem>> -> memref<1x125x64xf32, #tpu.memory_space<vmem>>
      %dma_start3A_31 = tpu.memref_squeeze %dma_start3A_30 : memref<1x125x64xf32, #tpu.memory_space<vmem>> -> memref<125x64xf32, #tpu.memory_space<vmem>>
      %dma_start3A_32 = arith.constant 0 : i32
      %dma_start3A_33 = tpu.memref_slice %arg8[%dma_start3A, %dma_start3A_32] : memref<160x125xi32, #tpu.memory_space<vmem>> -> memref<1x125xi32, #tpu.memory_space<vmem>>
      %dma_start3A_34 = tpu.memref_squeeze %dma_start3A_33 : memref<1x125xi32, #tpu.memory_space<vmem>> -> memref<125xi32, #tpu.memory_space<vmem>>
      %dma_start3A_35 = arith.constant 0 : i32
      %dma_start3A_36 = arith.constant 0 : i32
      %dma_start3A_37 = tpu.memref_slice %arg3[%dma_start3A_35, %dma_start3A_36] : memref<10000x64xf32, #tpu.memory_space<hbm>> -> memref<10000x64xf32, #tpu.memory_space<hbm>>
      tpu.enqueue_indirect_dma source(%dma_start3A_37 : memref<10000x64xf32, #tpu.memory_space<hbm>>) target(%dma_start3A_31 : memref<125x64xf32, #tpu.memory_space<vmem>>) offsets(%dma_start3A_34 : memref<125xi32, #tpu.memory_space<vmem>>) semaphore(%arg12 : memref<!tpu.dma_semaphore, #tpu.memory_space<semaphore_mem>>)
      %dma_start3A_38 = arith.constant 1 : i32
      %dma_start3A_39 = arith.constant 1 : i32
      %dma_start3A_40 = arith.constant 0 : i32
      %dma_start3A_41 = arith.constant 0 : i32
      %dma_start3A_42 = tpu.memref_slice %arg10[%dma_start3A_39, %dma_start3A_40, %dma_start3A_41] : memref<5x125x64xf32, #tpu.memory_space<vmem>> -> memref<1x125x64xf32, #tpu.memory_space<vmem>>
      %dma_start3A_43 = tpu.memref_squeeze %dma_start3A_42 : memref<1x125x64xf32, #tpu.memory_space<vmem>> -> memref<125x64xf32, #tpu.memory_space<vmem>>
      %dma_start3A_44 = arith.constant 0 : i32
      %dma_start3A_45 = tpu.memref_slice %arg8[%dma_start3A_38, %dma_start3A_44] : memref<160x125xi32, #tpu.memory_space<vmem>> -> memref<1x125xi32, #tpu.memory_space<vmem>>
      %dma_start3A_46 = tpu.memref_squeeze %dma_start3A_45 : memref<1x125xi32, #tpu.memory_space<vmem>> -> memref<125xi32, #tpu.memory_space<vmem>>
      %dma_start3A_47 = arith.constant 0 : i32
      %dma_start3A_48 = arith.constant 0 : i32
      %dma_start3A_49 = tpu.memref_slice %arg3[%dma_start3A_47, %dma_start3A_48] : memref<10000x64xf32, #tpu.memory_space<hbm>> -> memref<10000x64xf32, #tpu.memory_space<hbm>>
      tpu.enqueue_indirect_dma source(%dma_start3A_49 : memref<10000x64xf32, #tpu.memory_space<hbm>>) target(%dma_start3A_43 : memref<125x64xf32, #tpu.memory_space<vmem>>) offsets(%dma_start3A_46 : memref<125xi32, #tpu.memory_space<vmem>>) semaphore(%arg13 : memref<!tpu.dma_semaphore, #tpu.memory_space<semaphore_mem>>)
      %dma_start3A_50 = arith.constant 2 : i32
      %dma_start3A_51 = arith.constant 2 : i32
      %dma_start3A_52 = arith.constant 0 : i32
      %dma_start3A_53 = arith.constant 0 : i32
      %dma_start3A_54 = tpu.memref_slice %arg10[%dma_start3A_51, %dma_start3A_52, %dma_start3A_53] : memref<5x125x64xf32, #tpu.memory_space<vmem>> -> memref<1x125x64xf32, #tpu.memory_space<vmem>>
      %dma_start3A_55 = tpu.memref_squeeze %dma_start3A_54 : memref<1x125x64xf32, #tpu.memory_space<vmem>> -> memref<125x64xf32, #tpu.memory_space<vmem>>
      %dma_start3A_56 = arith.constant 0 : i32
      %dma_start3A_57 = tpu.memref_slice %arg8[%dma_start3A_50, %dma_start3A_56] : memref<160x125xi32, #tpu.memory_space<vmem>> -> memref<1x125xi32, #tpu.memory_space<vmem>>
      %dma_start3A_58 = tpu.memref_squeeze %dma_start3A_57 : memref<1x125xi32, #tpu.memory_space<vmem>> -> memref<125xi32, #tpu.memory_space<vmem>>
      %dma_start3A_59 = arith.constant 0 : i32
      %dma_start3A_60 = arith.constant 0 : i32
      %dma_start3A_61 = tpu.memref_slice %arg3[%dma_start3A_59, %dma_start3A_60] : memref<10000x64xf32, #tpu.memory_space<hbm>> -> memref<10000x64xf32, #tpu.memory_space<hbm>>
      tpu.enqueue_indirect_dma source(%dma_start3A_61 : memref<10000x64xf32, #tpu.memory_space<hbm>>) target(%dma_start3A_55 : memref<125x64xf32, #tpu.memory_space<vmem>>) offsets(%dma_start3A_58 : memref<125xi32, #tpu.memory_space<vmem>>) semaphore(%arg14 : memref<!tpu.dma_semaphore, #tpu.memory_space<semaphore_mem>>)
      %dma_start3A_62 = arith.constant 3 : i32
      %dma_start3A_63 = arith.constant 3 : i32
      %dma_start3A_64 = arith.constant 0 : i32
      %dma_start3A_65 = arith.constant 0 : i32
      %dma_start3A_66 = tpu.memref_slice %arg10[%dma_start3A_63, %dma_start3A_64, %dma_start3A_65] : memref<5x125x64xf32, #tpu.memory_space<vmem>> -> memref<1x125x64xf32, #tpu.memory_space<vmem>>
      %dma_start3A_67 = tpu.memref_squeeze %dma_start3A_66 : memref<1x125x64xf32, #tpu.memory_space<vmem>> -> memref<125x64xf32, #tpu.memory_space<vmem>>
      %dma_start3A_68 = arith.constant 0 : i32
      %dma_start3A_69 = tpu.memref_slice %arg8[%dma_start3A_62, %dma_start3A_68] : memref<160x125xi32, #tpu.memory_space<vmem>> -> memref<1x125xi32, #tpu.memory_space<vmem>>
      %dma_start3A_70 = tpu.memref_squeeze %dma_start3A_69 : memref<1x125xi32, #tpu.memory_space<vmem>> -> memref<125xi32, #tpu.memory_space<vmem>>
      %dma_start3A_71 = arith.constant 0 : i32
      %dma_start3A_72 = arith.constant 0 : i32
      %dma_start3A_73 = tpu.memref_slice %arg3[%dma_start3A_71, %dma_start3A_72] : memref<10000x64xf32, #tpu.memory_space<hbm>> -> memref<10000x64xf32, #tpu.memory_space<hbm>>
      tpu.enqueue_indirect_dma source(%dma_start3A_73 : memref<10000x64xf32, #tpu.memory_space<hbm>>) target(%dma_start3A_67 : memref<125x64xf32, #tpu.memory_space<vmem>>) offsets(%dma_start3A_70 : memref<125xi32, #tpu.memory_space<vmem>>) semaphore(%arg15 : memref<!tpu.dma_semaphore, #tpu.memory_space<semaphore_mem>>)
      %dma_start3A_74 = arith.constant 4 : i32
      %dma_start3A_75 = arith.constant 4 : i32
      %dma_start3A_76 = arith.constant 0 : i32
      %dma_start3A_77 = arith.constant 0 : i32
      %dma_start3A_78 = tpu.memref_slice %arg10[%dma_start3A_75, %dma_start3A_76, %dma_start3A_77] : memref<5x125x64xf32, #tpu.memory_space<vmem>> -> memref<1x125x64xf32, #tpu.memory_space<vmem>>
      %dma_start3A_79 = tpu.memref_squeeze %dma_start3A_78 : memref<1x125x64xf32, #tpu.memory_space<vmem>> -> memref<125x64xf32, #tpu.memory_space<vmem>>
      %dma_start3A_80 = arith.constant 0 : i32
      %dma_start3A_81 = tpu.memref_slice %arg8[%dma_start3A_74, %dma_start3A_80] : memref<160x125xi32, #tpu.memory_space<vmem>> -> memref<1x125xi32, #tpu.memory_space<vmem>>
      %dma_start3A_82 = tpu.memref_squeeze %dma_start3A_81 : memref<1x125xi32, #tpu.memory_space<vmem>> -> memref<125xi32, #tpu.memory_space<vmem>>
      %dma_start3A_83 = arith.constant 0 : i32
      %dma_start3A_84 = arith.constant 0 : i32
      %dma_start3A_85 = tpu.memref_slice %arg3[%dma_start3A_83, %dma_start3A_84] : memref<10000x64xf32, #tpu.memory_space<hbm>> -> memref<10000x64xf32, #tpu.memory_space<hbm>>
      tpu.enqueue_indirect_dma source(%dma_start3A_85 : memref<10000x64xf32, #tpu.memory_space<hbm>>) target(%dma_start3A_79 : memref<125x64xf32, #tpu.memory_space<vmem>>) offsets(%dma_start3A_82 : memref<125xi32, #tpu.memory_space<vmem>>) semaphore(%arg16 : memref<!tpu.dma_semaphore, #tpu.memory_space<semaphore_mem>>)
      %scan3A = arith.constant 0 : i32
      %scan3A_86 = arith.constant 32 : i32
      %scan3A_87 = arith.addi %scan3A, %scan3A_86 : i32
      %scan3A_88 = arith.constant 1 : i32
      scf.for %scan3A_90 = %scan3A to %scan3A_87 step %scan3A_88  : i32 {
        %mul3A = arith.constant 5 : i32
        %mul3A_91 = arith.muli %scan3A_90, %mul3A : i32
        %add3A = arith.constant 0 : i32
        %add3A_92 = arith.addi %add3A, %mul3A_91 : i32
        %add3A_93 = arith.constant 0 : i32
        %add3A_94 = arith.addi %add3A_92, %add3A_93 : i32
        %dma_wait3A = arith.constant 0 : i32
        %dma_wait3A_95 = arith.constant 0 : i32
        %dma_wait3A_96 = arith.constant 0 : i32
        %dma_wait3A_97 = tpu.memref_slice %arg10[%dma_wait3A, %dma_wait3A_95, %dma_wait3A_96] : memref<5x125x64xf32, #tpu.memory_space<vmem>> -> memref<1x125x64xf32, #tpu.memory_space<vmem>>
        %dma_wait3A_98 = tpu.memref_squeeze %dma_wait3A_97 : memref<1x125x64xf32, #tpu.memory_space<vmem>> -> memref<125x64xf32, #tpu.memory_space<vmem>>
        %dma_wait3A_99 = arith.constant 0 : i32
        %dma_wait3A_100 = tpu.memref_slice %arg8[%add3A_94, %dma_wait3A_99] : memref<160x125xi32, #tpu.memory_space<vmem>> -> memref<1x125xi32, #tpu.memory_space<vmem>>
        %dma_wait3A_101 = tpu.memref_squeeze %dma_wait3A_100 : memref<1x125xi32, #tpu.memory_space<vmem>> -> memref<125xi32, #tpu.memory_space<vmem>>
        %dma_wait3A_102 = arith.constant 0 : i32
        %dma_wait3A_103 = arith.constant 0 : i32
        %dma_wait3A_104 = tpu.memref_slice %arg3[%dma_wait3A_102, %dma_wait3A_103] : memref<10000x64xf32, #tpu.memory_space<hbm>> -> memref<10000x64xf32, #tpu.memory_space<hbm>>
        tpu.wait_indirect_dma semaphore(%arg12 : memref<!tpu.dma_semaphore, #tpu.memory_space<semaphore_mem>>) src(%dma_wait3A_104 : memref<10000x64xf32, #tpu.memory_space<hbm>>) dst(%dma_wait3A_98 : memref<125x64xf32, #tpu.memory_space<vmem>>)
        %run_scoped3A = arith.constant 0 : i32
        "tpu.region"() ({
          %run_scoped3A_196 = tpu.sem_alloc : memref<!tpu.dma_semaphore, #tpu.memory_space<semaphore_mem>>
          %dma_start3A_197 = arith.constant 0 : i32
          %dma_start3A_198 = arith.constant 0 : i32
          %dma_start3A_199 = tpu.memref_slice %arg10[%run_scoped3A, %dma_start3A_197, %dma_start3A_198] : memref<5x125x64xf32, #tpu.memory_space<vmem>> -> memref<1x125x64xf32, #tpu.memory_space<vmem>>
          %dma_start3A_200 = tpu.memref_squeeze %dma_start3A_199 : memref<1x125x64xf32, #tpu.memory_space<vmem>> -> memref<125x64xf32, #tpu.memory_space<vmem>>
          %dma_start3A_201 = arith.constant 0 : i32
          %dma_start3A_202 = tpu.memref_slice %arg9[%add3A_94, %dma_start3A_201] : memref<160x125xi32, #tpu.memory_space<vmem>> -> memref<1x125xi32, #tpu.memory_space<vmem>>
          %dma_start3A_203 = tpu.memref_squeeze %dma_start3A_202 : memref<1x125xi32, #tpu.memory_space<vmem>> -> memref<125xi32, #tpu.memory_space<vmem>>
          %dma_start3A_204 = arith.constant 0 : i32
          %dma_start3A_205 = arith.constant 0 : i32
          %dma_start3A_206 = tpu.memref_slice %arg11[%dma_start3A_204, %dma_start3A_205] : memref<10000x64xf32, #tpu.memory_space<vmem_shared>> -> memref<10000x64xf32, #tpu.memory_space<vmem_shared>>
          tpu.enqueue_indirect_dma source(%dma_start3A_200 : memref<125x64xf32, #tpu.memory_space<vmem>>) target(%dma_start3A_206 : memref<10000x64xf32, #tpu.memory_space<vmem_shared>>) offsets(%dma_start3A_203 : memref<125xi32, #tpu.memory_space<vmem>>) semaphore(%run_scoped3A_196 : memref<!tpu.dma_semaphore, #tpu.memory_space<semaphore_mem>>) {add = true}
          %dma_wait3A_207 = arith.constant 0 : i32
          %dma_wait3A_208 = arith.constant 0 : i32
          %dma_wait3A_209 = tpu.memref_slice %arg10[%run_scoped3A, %dma_wait3A_207, %dma_wait3A_208] : memref<5x125x64xf32, #tpu.memory_space<vmem>> -> memref<1x125x64xf32, #tpu.memory_space<vmem>>
          %dma_wait3A_210 = tpu.memref_squeeze %dma_wait3A_209 : memref<1x125x64xf32, #tpu.memory_space<vmem>> -> memref<125x64xf32, #tpu.memory_space<vmem>>
          %dma_wait3A_211 = arith.constant 0 : i32
          %dma_wait3A_212 = tpu.memref_slice %arg9[%add3A_94, %dma_wait3A_211] : memref<160x125xi32, #tpu.memory_space<vmem>> -> memref<1x125xi32, #tpu.memory_space<vmem>>
          %dma_wait3A_213 = tpu.memref_squeeze %dma_wait3A_212 : memref<1x125xi32, #tpu.memory_space<vmem>> -> memref<125xi32, #tpu.memory_space<vmem>>
          %dma_wait3A_214 = arith.constant 0 : i32
          %dma_wait3A_215 = arith.constant 0 : i32
          %dma_wait3A_216 = tpu.memref_slice %arg11[%dma_wait3A_214, %dma_wait3A_215] : memref<10000x64xf32, #tpu.memory_space<vmem_shared>> -> memref<10000x64xf32, #tpu.memory_space<vmem_shared>>
          tpu.wait_indirect_dma semaphore(%run_scoped3A_196 : memref<!tpu.dma_semaphore, #tpu.memory_space<semaphore_mem>>) src(%dma_wait3A_210 : memref<125x64xf32, #tpu.memory_space<vmem>>) dst(%dma_wait3A_216 : memref<10000x64xf32, #tpu.memory_space<vmem_shared>>)
          tpu.yield
        }) : () -> ()
        %add3A_105 = arith.constant 5 : i32
        %add3A_106 = arith.addi %add3A_94, %add3A_105 : i32
        %lt3A_107 = arith.constant 160 : i32
        %lt3A_108 = arith.cmpi slt, %add3A_106, %lt3A_107 : i32
        %convert_element_type3A_109 = arith.extui %lt3A_108 : i1 to i32
        %cond3A_110 = arith.constant 0 : i32
        %cond3A_111 = arith.cmpi ne, %convert_element_type3A_109, %cond3A_110 : i32
        scf.if %cond3A_111 {
          %dma_start3A_196 = arith.constant 0 : i32
          %dma_start3A_197 = arith.constant 0 : i32
          %dma_start3A_198 = arith.constant 0 : i32
          %dma_start3A_199 = tpu.memref_slice %arg10[%dma_start3A_196, %dma_start3A_197, %dma_start3A_198] : memref<5x125x64xf32, #tpu.memory_space<vmem>> -> memref<1x125x64xf32, #tpu.memory_space<vmem>>
          %dma_start3A_200 = tpu.memref_squeeze %dma_start3A_199 : memref<1x125x64xf32, #tpu.memory_space<vmem>> -> memref<125x64xf32, #tpu.memory_space<vmem>>
          %dma_start3A_201 = arith.constant 0 : i32
          %dma_start3A_202 = tpu.memref_slice %arg8[%add3A_106, %dma_start3A_201] : memref<160x125xi32, #tpu.memory_space<vmem>> -> memref<1x125xi32, #tpu.memory_space<vmem>>
          %dma_start3A_203 = tpu.memref_squeeze %dma_start3A_202 : memref<1x125xi32, #tpu.memory_space<vmem>> -> memref<125xi32, #tpu.memory_space<vmem>>
          %dma_start3A_204 = arith.constant 0 : i32
          %dma_start3A_205 = arith.constant 0 : i32
          %dma_start3A_206 = tpu.memref_slice %arg3[%dma_start3A_204, %dma_start3A_205] : memref<10000x64xf32, #tpu.memory_space<hbm>> -> memref<10000x64xf32, #tpu.memory_space<hbm>>
          tpu.enqueue_indirect_dma source(%dma_start3A_206 : memref<10000x64xf32, #tpu.memory_space<hbm>>) target(%dma_start3A_200 : memref<125x64xf32, #tpu.memory_space<vmem>>) offsets(%dma_start3A_203 : memref<125xi32, #tpu.memory_space<vmem>>) semaphore(%arg12 : memref<!tpu.dma_semaphore, #tpu.memory_space<semaphore_mem>>)
        } else {
        }
        %add3A_112 = arith.constant 1 : i32
        %add3A_113 = arith.addi %add3A_92, %add3A_112 : i32
        %dma_wait3A_114 = arith.constant 1 : i32
        %dma_wait3A_115 = arith.constant 0 : i32
        %dma_wait3A_116 = arith.constant 0 : i32
        %dma_wait3A_117 = tpu.memref_slice %arg10[%dma_wait3A_114, %dma_wait3A_115, %dma_wait3A_116] : memref<5x125x64xf32, #tpu.memory_space<vmem>> -> memref<1x125x64xf32, #tpu.memory_space<vmem>>
        %dma_wait3A_118 = tpu.memref_squeeze %dma_wait3A_117 : memref<1x125x64xf32, #tpu.memory_space<vmem>> -> memref<125x64xf32, #tpu.memory_space<vmem>>
        %dma_wait3A_119 = arith.constant 0 : i32
        %dma_wait3A_120 = tpu.memref_slice %arg8[%add3A_113, %dma_wait3A_119] : memref<160x125xi32, #tpu.memory_space<vmem>> -> memref<1x125xi32, #tpu.memory_space<vmem>>
        %dma_wait3A_121 = tpu.memref_squeeze %dma_wait3A_120 : memref<1x125xi32, #tpu.memory_space<vmem>> -> memref<125xi32, #tpu.memory_space<vmem>>
        %dma_wait3A_122 = arith.constant 0 : i32
        %dma_wait3A_123 = arith.constant 0 : i32
        %dma_wait3A_124 = tpu.memref_slice %arg3[%dma_wait3A_122, %dma_wait3A_123] : memref<10000x64xf32, #tpu.memory_space<hbm>> -> memref<10000x64xf32, #tpu.memory_space<hbm>>
        tpu.wait_indirect_dma semaphore(%arg13 : memref<!tpu.dma_semaphore, #tpu.memory_space<semaphore_mem>>) src(%dma_wait3A_124 : memref<10000x64xf32, #tpu.memory_space<hbm>>) dst(%dma_wait3A_118 : memref<125x64xf32, #tpu.memory_space<vmem>>)
        %run_scoped3A_125 = arith.constant 1 : i32
        "tpu.region"() ({
          %run_scoped3A_196 = tpu.sem_alloc : memref<!tpu.dma_semaphore, #tpu.memory_space<semaphore_mem>>
          %dma_start3A_197 = arith.constant 0 : i32
          %dma_start3A_198 = arith.constant 0 : i32
          %dma_start3A_199 = tpu.memref_slice %arg10[%run_scoped3A_125, %dma_start3A_197, %dma_start3A_198] : memref<5x125x64xf32, #tpu.memory_space<vmem>> -> memref<1x125x64xf32, #tpu.memory_space<vmem>>
          %dma_start3A_200 = tpu.memref_squeeze %dma_start3A_199 : memref<1x125x64xf32, #tpu.memory_space<vmem>> -> memref<125x64xf32, #tpu.memory_space<vmem>>
          %dma_start3A_201 = arith.constant 0 : i32
          %dma_start3A_202 = tpu.memref_slice %arg9[%add3A_113, %dma_start3A_201] : memref<160x125xi32, #tpu.memory_space<vmem>> -> memref<1x125xi32, #tpu.memory_space<vmem>>
          %dma_start3A_203 = tpu.memref_squeeze %dma_start3A_202 : memref<1x125xi32, #tpu.memory_space<vmem>> -> memref<125xi32, #tpu.memory_space<vmem>>
          %dma_start3A_204 = arith.constant 0 : i32
          %dma_start3A_205 = arith.constant 0 : i32
          %dma_start3A_206 = tpu.memref_slice %arg11[%dma_start3A_204, %dma_start3A_205] : memref<10000x64xf32, #tpu.memory_space<vmem_shared>> -> memref<10000x64xf32, #tpu.memory_space<vmem_shared>>
          tpu.enqueue_indirect_dma source(%dma_start3A_200 : memref<125x64xf32, #tpu.memory_space<vmem>>) target(%dma_start3A_206 : memref<10000x64xf32, #tpu.memory_space<vmem_shared>>) offsets(%dma_start3A_203 : memref<125xi32, #tpu.memory_space<vmem>>) semaphore(%run_scoped3A_196 : memref<!tpu.dma_semaphore, #tpu.memory_space<semaphore_mem>>) {add = true}
          %dma_wait3A_207 = arith.constant 0 : i32
          %dma_wait3A_208 = arith.constant 0 : i32
          %dma_wait3A_209 = tpu.memref_slice %arg10[%run_scoped3A_125, %dma_wait3A_207, %dma_wait3A_208] : memref<5x125x64xf32, #tpu.memory_space<vmem>> -> memref<1x125x64xf32, #tpu.memory_space<vmem>>
          %dma_wait3A_210 = tpu.memref_squeeze %dma_wait3A_209 : memref<1x125x64xf32, #tpu.memory_space<vmem>> -> memref<125x64xf32, #tpu.memory_space<vmem>>
          %dma_wait3A_211 = arith.constant 0 : i32
          %dma_wait3A_212 = tpu.memref_slice %arg9[%add3A_113, %dma_wait3A_211] : memref<160x125xi32, #tpu.memory_space<vmem>> -> memref<1x125xi32, #tpu.memory_space<vmem>>
          %dma_wait3A_213 = tpu.memref_squeeze %dma_wait3A_212 : memref<1x125xi32, #tpu.memory_space<vmem>> -> memref<125xi32, #tpu.memory_space<vmem>>
          %dma_wait3A_214 = arith.constant 0 : i32
          %dma_wait3A_215 = arith.constant 0 : i32
          %dma_wait3A_216 = tpu.memref_slice %arg11[%dma_wait3A_214, %dma_wait3A_215] : memref<10000x64xf32, #tpu.memory_space<vmem_shared>> -> memref<10000x64xf32, #tpu.memory_space<vmem_shared>>
          tpu.wait_indirect_dma semaphore(%run_scoped3A_196 : memref<!tpu.dma_semaphore, #tpu.memory_space<semaphore_mem>>) src(%dma_wait3A_210 : memref<125x64xf32, #tpu.memory_space<vmem>>) dst(%dma_wait3A_216 : memref<10000x64xf32, #tpu.memory_space<vmem_shared>>)
          tpu.yield
        }) : () -> ()
        %add3A_126 = arith.constant 5 : i32
        %add3A_127 = arith.addi %add3A_113, %add3A_126 : i32
        %lt3A_128 = arith.constant 160 : i32
        %lt3A_129 = arith.cmpi slt, %add3A_127, %lt3A_128 : i32
        %convert_element_type3A_130 = arith.extui %lt3A_129 : i1 to i32
        %cond3A_131 = arith.constant 0 : i32
        %cond3A_132 = arith.cmpi ne, %convert_element_type3A_130, %cond3A_131 : i32
        scf.if %cond3A_132 {
          %dma_start3A_196 = arith.constant 1 : i32
          %dma_start3A_197 = arith.constant 0 : i32
          %dma_start3A_198 = arith.constant 0 : i32
          %dma_start3A_199 = tpu.memref_slice %arg10[%dma_start3A_196, %dma_start3A_197, %dma_start3A_198] : memref<5x125x64xf32, #tpu.memory_space<vmem>> -> memref<1x125x64xf32, #tpu.memory_space<vmem>>
          %dma_start3A_200 = tpu.memref_squeeze %dma_start3A_199 : memref<1x125x64xf32, #tpu.memory_space<vmem>> -> memref<125x64xf32, #tpu.memory_space<vmem>>
          %dma_start3A_201 = arith.constant 0 : i32
          %dma_start3A_202 = tpu.memref_slice %arg8[%add3A_127, %dma_start3A_201] : memref<160x125xi32, #tpu.memory_space<vmem>> -> memref<1x125xi32, #tpu.memory_space<vmem>>
          %dma_start3A_203 = tpu.memref_squeeze %dma_start3A_202 : memref<1x125xi32, #tpu.memory_space<vmem>> -> memref<125xi32, #tpu.memory_space<vmem>>
          %dma_start3A_204 = arith.constant 0 : i32
          %dma_start3A_205 = arith.constant 0 : i32
          %dma_start3A_206 = tpu.memref_slice %arg3[%dma_start3A_204, %dma_start3A_205] : memref<10000x64xf32, #tpu.memory_space<hbm>> -> memref<10000x64xf32, #tpu.memory_space<hbm>>
          tpu.enqueue_indirect_dma source(%dma_start3A_206 : memref<10000x64xf32, #tpu.memory_space<hbm>>) target(%dma_start3A_200 : memref<125x64xf32, #tpu.memory_space<vmem>>) offsets(%dma_start3A_203 : memref<125xi32, #tpu.memory_space<vmem>>) semaphore(%arg13 : memref<!tpu.dma_semaphore, #tpu.memory_space<semaphore_mem>>)
        } else {
        }
        %add3A_133 = arith.constant 2 : i32
        %add3A_134 = arith.addi %add3A_92, %add3A_133 : i32
        %dma_wait3A_135 = arith.constant 2 : i32
        %dma_wait3A_136 = arith.constant 0 : i32
        %dma_wait3A_137 = arith.constant 0 : i32
        %dma_wait3A_138 = tpu.memref_slice %arg10[%dma_wait3A_135, %dma_wait3A_136, %dma_wait3A_137] : memref<5x125x64xf32, #tpu.memory_space<vmem>> -> memref<1x125x64xf32, #tpu.memory_space<vmem>>
        %dma_wait3A_139 = tpu.memref_squeeze %dma_wait3A_138 : memref<1x125x64xf32, #tpu.memory_space<vmem>> -> memref<125x64xf32, #tpu.memory_space<vmem>>
        %dma_wait3A_140 = arith.constant 0 : i32
        %dma_wait3A_141 = tpu.memref_slice %arg8[%add3A_134, %dma_wait3A_140] : memref<160x125xi32, #tpu.memory_space<vmem>> -> memref<1x125xi32, #tpu.memory_space<vmem>>
        %dma_wait3A_142 = tpu.memref_squeeze %dma_wait3A_141 : memref<1x125xi32, #tpu.memory_space<vmem>> -> memref<125xi32, #tpu.memory_space<vmem>>
        %dma_wait3A_143 = arith.constant 0 : i32
        %dma_wait3A_144 = arith.constant 0 : i32
        %dma_wait3A_145 = tpu.memref_slice %arg3[%dma_wait3A_143, %dma_wait3A_144] : memref<10000x64xf32, #tpu.memory_space<hbm>> -> memref<10000x64xf32, #tpu.memory_space<hbm>>
        tpu.wait_indirect_dma semaphore(%arg14 : memref<!tpu.dma_semaphore, #tpu.memory_space<semaphore_mem>>) src(%dma_wait3A_145 : memref<10000x64xf32, #tpu.memory_space<hbm>>) dst(%dma_wait3A_139 : memref<125x64xf32, #tpu.memory_space<vmem>>)
        %run_scoped3A_146 = arith.constant 2 : i32
        "tpu.region"() ({
          %run_scoped3A_196 = tpu.sem_alloc : memref<!tpu.dma_semaphore, #tpu.memory_space<semaphore_mem>>
          %dma_start3A_197 = arith.constant 0 : i32
          %dma_start3A_198 = arith.constant 0 : i32
          %dma_start3A_199 = tpu.memref_slice %arg10[%run_scoped3A_146, %dma_start3A_197, %dma_start3A_198] : memref<5x125x64xf32, #tpu.memory_space<vmem>> -> memref<1x125x64xf32, #tpu.memory_space<vmem>>
          %dma_start3A_200 = tpu.memref_squeeze %dma_start3A_199 : memref<1x125x64xf32, #tpu.memory_space<vmem>> -> memref<125x64xf32, #tpu.memory_space<vmem>>
          %dma_start3A_201 = arith.constant 0 : i32
          %dma_start3A_202 = tpu.memref_slice %arg9[%add3A_134, %dma_start3A_201] : memref<160x125xi32, #tpu.memory_space<vmem>> -> memref<1x125xi32, #tpu.memory_space<vmem>>
          %dma_start3A_203 = tpu.memref_squeeze %dma_start3A_202 : memref<1x125xi32, #tpu.memory_space<vmem>> -> memref<125xi32, #tpu.memory_space<vmem>>
          %dma_start3A_204 = arith.constant 0 : i32
          %dma_start3A_205 = arith.constant 0 : i32
          %dma_start3A_206 = tpu.memref_slice %arg11[%dma_start3A_204, %dma_start3A_205] : memref<10000x64xf32, #tpu.memory_space<vmem_shared>> -> memref<10000x64xf32, #tpu.memory_space<vmem_shared>>
          tpu.enqueue_indirect_dma source(%dma_start3A_200 : memref<125x64xf32, #tpu.memory_space<vmem>>) target(%dma_start3A_206 : memref<10000x64xf32, #tpu.memory_space<vmem_shared>>) offsets(%dma_start3A_203 : memref<125xi32, #tpu.memory_space<vmem>>) semaphore(%run_scoped3A_196 : memref<!tpu.dma_semaphore, #tpu.memory_space<semaphore_mem>>) {add = true}
          %dma_wait3A_207 = arith.constant 0 : i32
          %dma_wait3A_208 = arith.constant 0 : i32
          %dma_wait3A_209 = tpu.memref_slice %arg10[%run_scoped3A_146, %dma_wait3A_207, %dma_wait3A_208] : memref<5x125x64xf32, #tpu.memory_space<vmem>> -> memref<1x125x64xf32, #tpu.memory_space<vmem>>
          %dma_wait3A_210 = tpu.memref_squeeze %dma_wait3A_209 : memref<1x125x64xf32, #tpu.memory_space<vmem>> -> memref<125x64xf32, #tpu.memory_space<vmem>>
          %dma_wait3A_211 = arith.constant 0 : i32
          %dma_wait3A_212 = tpu.memref_slice %arg9[%add3A_134, %dma_wait3A_211] : memref<160x125xi32, #tpu.memory_space<vmem>> -> memref<1x125xi32, #tpu.memory_space<vmem>>
          %dma_wait3A_213 = tpu.memref_squeeze %dma_wait3A_212 : memref<1x125xi32, #tpu.memory_space<vmem>> -> memref<125xi32, #tpu.memory_space<vmem>>
          %dma_wait3A_214 = arith.constant 0 : i32
          %dma_wait3A_215 = arith.constant 0 : i32
          %dma_wait3A_216 = tpu.memref_slice %arg11[%dma_wait3A_214, %dma_wait3A_215] : memref<10000x64xf32, #tpu.memory_space<vmem_shared>> -> memref<10000x64xf32, #tpu.memory_space<vmem_shared>>
          tpu.wait_indirect_dma semaphore(%run_scoped3A_196 : memref<!tpu.dma_semaphore, #tpu.memory_space<semaphore_mem>>) src(%dma_wait3A_210 : memref<125x64xf32, #tpu.memory_space<vmem>>) dst(%dma_wait3A_216 : memref<10000x64xf32, #tpu.memory_space<vmem_shared>>)
          tpu.yield
        }) : () -> ()
        %add3A_147 = arith.constant 5 : i32
        %add3A_148 = arith.addi %add3A_134, %add3A_147 : i32
        %lt3A_149 = arith.constant 160 : i32
        %lt3A_150 = arith.cmpi slt, %add3A_148, %lt3A_149 : i32
        %convert_element_type3A_151 = arith.extui %lt3A_150 : i1 to i32
        %cond3A_152 = arith.constant 0 : i32
        %cond3A_153 = arith.cmpi ne, %convert_element_type3A_151, %cond3A_152 : i32
        scf.if %cond3A_153 {
          %dma_start3A_196 = arith.constant 2 : i32
          %dma_start3A_197 = arith.constant 0 : i32
          %dma_start3A_198 = arith.constant 0 : i32
          %dma_start3A_199 = tpu.memref_slice %arg10[%dma_start3A_196, %dma_start3A_197, %dma_start3A_198] : memref<5x125x64xf32, #tpu.memory_space<vmem>> -> memref<1x125x64xf32, #tpu.memory_space<vmem>>
          %dma_start3A_200 = tpu.memref_squeeze %dma_start3A_199 : memref<1x125x64xf32, #tpu.memory_space<vmem>> -> memref<125x64xf32, #tpu.memory_space<vmem>>
          %dma_start3A_201 = arith.constant 0 : i32
          %dma_start3A_202 = tpu.memref_slice %arg8[%add3A_148, %dma_start3A_201] : memref<160x125xi32, #tpu.memory_space<vmem>> -> memref<1x125xi32, #tpu.memory_space<vmem>>
          %dma_start3A_203 = tpu.memref_squeeze %dma_start3A_202 : memref<1x125xi32, #tpu.memory_space<vmem>> -> memref<125xi32, #tpu.memory_space<vmem>>
          %dma_start3A_204 = arith.constant 0 : i32
          %dma_start3A_205 = arith.constant 0 : i32
          %dma_start3A_206 = tpu.memref_slice %arg3[%dma_start3A_204, %dma_start3A_205] : memref<10000x64xf32, #tpu.memory_space<hbm>> -> memref<10000x64xf32, #tpu.memory_space<hbm>>
          tpu.enqueue_indirect_dma source(%dma_start3A_206 : memref<10000x64xf32, #tpu.memory_space<hbm>>) target(%dma_start3A_200 : memref<125x64xf32, #tpu.memory_space<vmem>>) offsets(%dma_start3A_203 : memref<125xi32, #tpu.memory_space<vmem>>) semaphore(%arg14 : memref<!tpu.dma_semaphore, #tpu.memory_space<semaphore_mem>>)
        } else {
        }
        %add3A_154 = arith.constant 3 : i32
        %add3A_155 = arith.addi %add3A_92, %add3A_154 : i32
        %dma_wait3A_156 = arith.constant 3 : i32
        %dma_wait3A_157 = arith.constant 0 : i32
        %dma_wait3A_158 = arith.constant 0 : i32
        %dma_wait3A_159 = tpu.memref_slice %arg10[%dma_wait3A_156, %dma_wait3A_157, %dma_wait3A_158] : memref<5x125x64xf32, #tpu.memory_space<vmem>> -> memref<1x125x64xf32, #tpu.memory_space<vmem>>
        %dma_wait3A_160 = tpu.memref_squeeze %dma_wait3A_159 : memref<1x125x64xf32, #tpu.memory_space<vmem>> -> memref<125x64xf32, #tpu.memory_space<vmem>>
        %dma_wait3A_161 = arith.constant 0 : i32
        %dma_wait3A_162 = tpu.memref_slice %arg8[%add3A_155, %dma_wait3A_161] : memref<160x125xi32, #tpu.memory_space<vmem>> -> memref<1x125xi32, #tpu.memory_space<vmem>>
        %dma_wait3A_163 = tpu.memref_squeeze %dma_wait3A_162 : memref<1x125xi32, #tpu.memory_space<vmem>> -> memref<125xi32, #tpu.memory_space<vmem>>
        %dma_wait3A_164 = arith.constant 0 : i32
        %dma_wait3A_165 = arith.constant 0 : i32
        %dma_wait3A_166 = tpu.memref_slice %arg3[%dma_wait3A_164, %dma_wait3A_165] : memref<10000x64xf32, #tpu.memory_space<hbm>> -> memref<10000x64xf32, #tpu.memory_space<hbm>>
        tpu.wait_indirect_dma semaphore(%arg15 : memref<!tpu.dma_semaphore, #tpu.memory_space<semaphore_mem>>) src(%dma_wait3A_166 : memref<10000x64xf32, #tpu.memory_space<hbm>>) dst(%dma_wait3A_160 : memref<125x64xf32, #tpu.memory_space<vmem>>)
        %run_scoped3A_167 = arith.constant 3 : i32
        "tpu.region"() ({
          %run_scoped3A_196 = tpu.sem_alloc : memref<!tpu.dma_semaphore, #tpu.memory_space<semaphore_mem>>
          %dma_start3A_197 = arith.constant 0 : i32
          %dma_start3A_198 = arith.constant 0 : i32
          %dma_start3A_199 = tpu.memref_slice %arg10[%run_scoped3A_167, %dma_start3A_197, %dma_start3A_198] : memref<5x125x64xf32, #tpu.memory_space<vmem>> -> memref<1x125x64xf32, #tpu.memory_space<vmem>>
          %dma_start3A_200 = tpu.memref_squeeze %dma_start3A_199 : memref<1x125x64xf32, #tpu.memory_space<vmem>> -> memref<125x64xf32, #tpu.memory_space<vmem>>
          %dma_start3A_201 = arith.constant 0 : i32
          %dma_start3A_202 = tpu.memref_slice %arg9[%add3A_155, %dma_start3A_201] : memref<160x125xi32, #tpu.memory_space<vmem>> -> memref<1x125xi32, #tpu.memory_space<vmem>>
          %dma_start3A_203 = tpu.memref_squeeze %dma_start3A_202 : memref<1x125xi32, #tpu.memory_space<vmem>> -> memref<125xi32, #tpu.memory_space<vmem>>
          %dma_start3A_204 = arith.constant 0 : i32
          %dma_start3A_205 = arith.constant 0 : i32
          %dma_start3A_206 = tpu.memref_slice %arg11[%dma_start3A_204, %dma_start3A_205] : memref<10000x64xf32, #tpu.memory_space<vmem_shared>> -> memref<10000x64xf32, #tpu.memory_space<vmem_shared>>
          tpu.enqueue_indirect_dma source(%dma_start3A_200 : memref<125x64xf32, #tpu.memory_space<vmem>>) target(%dma_start3A_206 : memref<10000x64xf32, #tpu.memory_space<vmem_shared>>) offsets(%dma_start3A_203 : memref<125xi32, #tpu.memory_space<vmem>>) semaphore(%run_scoped3A_196 : memref<!tpu.dma_semaphore, #tpu.memory_space<semaphore_mem>>) {add = true}
          %dma_wait3A_207 = arith.constant 0 : i32
          %dma_wait3A_208 = arith.constant 0 : i32
          %dma_wait3A_209 = tpu.memref_slice %arg10[%run_scoped3A_167, %dma_wait3A_207, %dma_wait3A_208] : memref<5x125x64xf32, #tpu.memory_space<vmem>> -> memref<1x125x64xf32, #tpu.memory_space<vmem>>
          %dma_wait3A_210 = tpu.memref_squeeze %dma_wait3A_209 : memref<1x125x64xf32, #tpu.memory_space<vmem>> -> memref<125x64xf32, #tpu.memory_space<vmem>>
          %dma_wait3A_211 = arith.constant 0 : i32
          %dma_wait3A_212 = tpu.memref_slice %arg9[%add3A_155, %dma_wait3A_211] : memref<160x125xi32, #tpu.memory_space<vmem>> -> memref<1x125xi32, #tpu.memory_space<vmem>>
          %dma_wait3A_213 = tpu.memref_squeeze %dma_wait3A_212 : memref<1x125xi32, #tpu.memory_space<vmem>> -> memref<125xi32, #tpu.memory_space<vmem>>
          %dma_wait3A_214 = arith.constant 0 : i32
          %dma_wait3A_215 = arith.constant 0 : i32
          %dma_wait3A_216 = tpu.memref_slice %arg11[%dma_wait3A_214, %dma_wait3A_215] : memref<10000x64xf32, #tpu.memory_space<vmem_shared>> -> memref<10000x64xf32, #tpu.memory_space<vmem_shared>>
          tpu.wait_indirect_dma semaphore(%run_scoped3A_196 : memref<!tpu.dma_semaphore, #tpu.memory_space<semaphore_mem>>) src(%dma_wait3A_210 : memref<125x64xf32, #tpu.memory_space<vmem>>) dst(%dma_wait3A_216 : memref<10000x64xf32, #tpu.memory_space<vmem_shared>>)
          tpu.yield
        }) : () -> ()
        %add3A_168 = arith.constant 5 : i32
        %add3A_169 = arith.addi %add3A_155, %add3A_168 : i32
        %lt3A_170 = arith.constant 160 : i32
        %lt3A_171 = arith.cmpi slt, %add3A_169, %lt3A_170 : i32
        %convert_element_type3A_172 = arith.extui %lt3A_171 : i1 to i32
        %cond3A_173 = arith.constant 0 : i32
        %cond3A_174 = arith.cmpi ne, %convert_element_type3A_172, %cond3A_173 : i32
        scf.if %cond3A_174 {
          %dma_start3A_196 = arith.constant 3 : i32
          %dma_start3A_197 = arith.constant 0 : i32
          %dma_start3A_198 = arith.constant 0 : i32
          %dma_start3A_199 = tpu.memref_slice %arg10[%dma_start3A_196, %dma_start3A_197, %dma_start3A_198] : memref<5x125x64xf32, #tpu.memory_space<vmem>> -> memref<1x125x64xf32, #tpu.memory_space<vmem>>
          %dma_start3A_200 = tpu.memref_squeeze %dma_start3A_199 : memref<1x125x64xf32, #tpu.memory_space<vmem>> -> memref<125x64xf32, #tpu.memory_space<vmem>>
          %dma_start3A_201 = arith.constant 0 : i32
          %dma_start3A_202 = tpu.memref_slice %arg8[%add3A_169, %dma_start3A_201] : memref<160x125xi32, #tpu.memory_space<vmem>> -> memref<1x125xi32, #tpu.memory_space<vmem>>
          %dma_start3A_203 = tpu.memref_squeeze %dma_start3A_202 : memref<1x125xi32, #tpu.memory_space<vmem>> -> memref<125xi32, #tpu.memory_space<vmem>>
          %dma_start3A_204 = arith.constant 0 : i32
          %dma_start3A_205 = arith.constant 0 : i32
          %dma_start3A_206 = tpu.memref_slice %arg3[%dma_start3A_204, %dma_start3A_205] : memref<10000x64xf32, #tpu.memory_space<hbm>> -> memref<10000x64xf32, #tpu.memory_space<hbm>>
          tpu.enqueue_indirect_dma source(%dma_start3A_206 : memref<10000x64xf32, #tpu.memory_space<hbm>>) target(%dma_start3A_200 : memref<125x64xf32, #tpu.memory_space<vmem>>) offsets(%dma_start3A_203 : memref<125xi32, #tpu.memory_space<vmem>>) semaphore(%arg15 : memref<!tpu.dma_semaphore, #tpu.memory_space<semaphore_mem>>)
        } else {
        }
        %add3A_175 = arith.constant 4 : i32
        %add3A_176 = arith.addi %add3A_92, %add3A_175 : i32
        %dma_wait3A_177 = arith.constant 4 : i32
        %dma_wait3A_178 = arith.constant 0 : i32
        %dma_wait3A_179 = arith.constant 0 : i32
        %dma_wait3A_180 = tpu.memref_slice %arg10[%dma_wait3A_177, %dma_wait3A_178, %dma_wait3A_179] : memref<5x125x64xf32, #tpu.memory_space<vmem>> -> memref<1x125x64xf32, #tpu.memory_space<vmem>>
        %dma_wait3A_181 = tpu.memref_squeeze %dma_wait3A_180 : memref<1x125x64xf32, #tpu.memory_space<vmem>> -> memref<125x64xf32, #tpu.memory_space<vmem>>
        %dma_wait3A_182 = arith.constant 0 : i32
        %dma_wait3A_183 = tpu.memref_slice %arg8[%add3A_176, %dma_wait3A_182] : memref<160x125xi32, #tpu.memory_space<vmem>> -> memref<1x125xi32, #tpu.memory_space<vmem>>
        %dma_wait3A_184 = tpu.memref_squeeze %dma_wait3A_183 : memref<1x125xi32, #tpu.memory_space<vmem>> -> memref<125xi32, #tpu.memory_space<vmem>>
        %dma_wait3A_185 = arith.constant 0 : i32
        %dma_wait3A_186 = arith.constant 0 : i32
        %dma_wait3A_187 = tpu.memref_slice %arg3[%dma_wait3A_185, %dma_wait3A_186] : memref<10000x64xf32, #tpu.memory_space<hbm>> -> memref<10000x64xf32, #tpu.memory_space<hbm>>
        tpu.wait_indirect_dma semaphore(%arg16 : memref<!tpu.dma_semaphore, #tpu.memory_space<semaphore_mem>>) src(%dma_wait3A_187 : memref<10000x64xf32, #tpu.memory_space<hbm>>) dst(%dma_wait3A_181 : memref<125x64xf32, #tpu.memory_space<vmem>>)
        %run_scoped3A_188 = arith.constant 4 : i32
        "tpu.region"() ({
          %run_scoped3A_196 = tpu.sem_alloc : memref<!tpu.dma_semaphore, #tpu.memory_space<semaphore_mem>>
          %dma_start3A_197 = arith.constant 0 : i32
          %dma_start3A_198 = arith.constant 0 : i32
          %dma_start3A_199 = tpu.memref_slice %arg10[%run_scoped3A_188, %dma_start3A_197, %dma_start3A_198] : memref<5x125x64xf32, #tpu.memory_space<vmem>> -> memref<1x125x64xf32, #tpu.memory_space<vmem>>
          %dma_start3A_200 = tpu.memref_squeeze %dma_start3A_199 : memref<1x125x64xf32, #tpu.memory_space<vmem>> -> memref<125x64xf32, #tpu.memory_space<vmem>>
          %dma_start3A_201 = arith.constant 0 : i32
          %dma_start3A_202 = tpu.memref_slice %arg9[%add3A_176, %dma_start3A_201] : memref<160x125xi32, #tpu.memory_space<vmem>> -> memref<1x125xi32, #tpu.memory_space<vmem>>
          %dma_start3A_203 = tpu.memref_squeeze %dma_start3A_202 : memref<1x125xi32, #tpu.memory_space<vmem>> -> memref<125xi32, #tpu.memory_space<vmem>>
          %dma_start3A_204 = arith.constant 0 : i32
          %dma_start3A_205 = arith.constant 0 : i32
          %dma_start3A_206 = tpu.memref_slice %arg11[%dma_start3A_204, %dma_start3A_205] : memref<10000x64xf32, #tpu.memory_space<vmem_shared>> -> memref<10000x64xf32, #tpu.memory_space<vmem_shared>>
          tpu.enqueue_indirect_dma source(%dma_start3A_200 : memref<125x64xf32, #tpu.memory_space<vmem>>) target(%dma_start3A_206 : memref<10000x64xf32, #tpu.memory_space<vmem_shared>>) offsets(%dma_start3A_203 : memref<125xi32, #tpu.memory_space<vmem>>) semaphore(%run_scoped3A_196 : memref<!tpu.dma_semaphore, #tpu.memory_space<semaphore_mem>>) {add = true}
          %dma_wait3A_207 = arith.constant 0 : i32
          %dma_wait3A_208 = arith.constant 0 : i32
          %dma_wait3A_209 = tpu.memref_slice %arg10[%run_scoped3A_188, %dma_wait3A_207, %dma_wait3A_208] : memref<5x125x64xf32, #tpu.memory_space<vmem>> -> memref<1x125x64xf32, #tpu.memory_space<vmem>>
          %dma_wait3A_210 = tpu.memref_squeeze %dma_wait3A_209 : memref<1x125x64xf32, #tpu.memory_space<vmem>> -> memref<125x64xf32, #tpu.memory_space<vmem>>
          %dma_wait3A_211 = arith.constant 0 : i32
          %dma_wait3A_212 = tpu.memref_slice %arg9[%add3A_176, %dma_wait3A_211] : memref<160x125xi32, #tpu.memory_space<vmem>> -> memref<1x125xi32, #tpu.memory_space<vmem>>
          %dma_wait3A_213 = tpu.memref_squeeze %dma_wait3A_212 : memref<1x125xi32, #tpu.memory_space<vmem>> -> memref<125xi32, #tpu.memory_space<vmem>>
          %dma_wait3A_214 = arith.constant 0 : i32
          %dma_wait3A_215 = arith.constant 0 : i32
          %dma_wait3A_216 = tpu.memref_slice %arg11[%dma_wait3A_214, %dma_wait3A_215] : memref<10000x64xf32, #tpu.memory_space<vmem_shared>> -> memref<10000x64xf32, #tpu.memory_space<vmem_shared>>
          tpu.wait_indirect_dma semaphore(%run_scoped3A_196 : memref<!tpu.dma_semaphore, #tpu.memory_space<semaphore_mem>>) src(%dma_wait3A_210 : memref<125x64xf32, #tpu.memory_space<vmem>>) dst(%dma_wait3A_216 : memref<10000x64xf32, #tpu.memory_space<vmem_shared>>)
          tpu.yield
        }) : () -> ()
        %add3A_189 = arith.constant 5 : i32
        %add3A_190 = arith.addi %add3A_176, %add3A_189 : i32
        %lt3A_191 = arith.constant 160 : i32
        %lt3A_192 = arith.cmpi slt, %add3A_190, %lt3A_191 : i32
        %convert_element_type3A_193 = arith.extui %lt3A_192 : i1 to i32
        %cond3A_194 = arith.constant 0 : i32
        %cond3A_195 = arith.cmpi ne, %convert_element_type3A_193, %cond3A_194 : i32
        scf.if %cond3A_195 {
          %dma_start3A_196 = arith.constant 4 : i32
          %dma_start3A_197 = arith.constant 0 : i32
          %dma_start3A_198 = arith.constant 0 : i32
          %dma_start3A_199 = tpu.memref_slice %arg10[%dma_start3A_196, %dma_start3A_197, %dma_start3A_198] : memref<5x125x64xf32, #tpu.memory_space<vmem>> -> memref<1x125x64xf32, #tpu.memory_space<vmem>>
          %dma_start3A_200 = tpu.memref_squeeze %dma_start3A_199 : memref<1x125x64xf32, #tpu.memory_space<vmem>> -> memref<125x64xf32, #tpu.memory_space<vmem>>
          %dma_start3A_201 = arith.constant 0 : i32
          %dma_start3A_202 = tpu.memref_slice %arg8[%add3A_190, %dma_start3A_201] : memref<160x125xi32, #tpu.memory_space<vmem>> -> memref<1x125xi32, #tpu.memory_space<vmem>>
          %dma_start3A_203 = tpu.memref_squeeze %dma_start3A_202 : memref<1x125xi32, #tpu.memory_space<vmem>> -> memref<125xi32, #tpu.memory_space<vmem>>
          %dma_start3A_204 = arith.constant 0 : i32
          %dma_start3A_205 = arith.constant 0 : i32
          %dma_start3A_206 = tpu.memref_slice %arg3[%dma_start3A_204, %dma_start3A_205] : memref<10000x64xf32, #tpu.memory_space<hbm>> -> memref<10000x64xf32, #tpu.memory_space<hbm>>
          tpu.enqueue_indirect_dma source(%dma_start3A_206 : memref<10000x64xf32, #tpu.memory_space<hbm>>) target(%dma_start3A_200 : memref<125x64xf32, #tpu.memory_space<vmem>>) offsets(%dma_start3A_203 : memref<125xi32, #tpu.memory_space<vmem>>) semaphore(%arg16 : memref<!tpu.dma_semaphore, #tpu.memory_space<semaphore_mem>>)
        } else {
        }
      }
      %scan3A_89 = arith.constant 32 : i32
    } else {
    }
    %barrier3A_16 = arith.constant 0 : index
    tpu.barrier barrier_id(%barrier3A_16)
    %lt3A_17 = arith.constant 15 : i32
    %lt3A_18 = arith.cmpi slt, %arg1, %lt3A_17 : i32
    %convert_element_type3A_19 = arith.extui %lt3A_18 : i1 to i32
    %cond3A_20 = arith.constant 0 : i32
    %cond3A_21 = arith.cmpi ne, %convert_element_type3A_19, %cond3A_20 : i32
    scf.if %cond3A_21 {
      %mul3A = arith.constant 624 : i32
      %mul3A_27 = arith.muli %arg1, %mul3A : i32
      "tpu.region"() ({
        %run_scoped3A = tpu.sem_alloc : memref<!tpu.dma_semaphore, #tpu.memory_space<semaphore_mem>>
        %dma_start3A = arith.constant 0 : i32
        %dma_start3A_28 = tpu.memref_slice %arg7[%arg0, %mul3A_27, %dma_start3A] : memref<2x10000x64xf32, #tpu.memory_space<hbm>> -> memref<1x624x64xf32, #tpu.memory_space<hbm>>
        %dma_start3A_29 = tpu.memref_squeeze %dma_start3A_28 : memref<1x624x64xf32, #tpu.memory_space<hbm>> -> memref<624x64xf32, #tpu.memory_space<hbm>>
        %dma_start3A_30 = arith.constant 0 : i32
        %dma_start3A_31 = tpu.memref_slice %arg11[%mul3A_27, %dma_start3A_30] : memref<10000x64xf32, #tpu.memory_space<vmem_shared>> -> memref<624x64xf32, #tpu.memory_space<vmem_shared>>
        tpu.enqueue_dma source(%dma_start3A_31 : memref<624x64xf32, #tpu.memory_space<vmem_shared>>) target(%dma_start3A_29 : memref<624x64xf32, #tpu.memory_space<hbm>>) target_semaphore(%run_scoped3A : memref<!tpu.dma_semaphore, #tpu.memory_space<semaphore_mem>>)
        %dma_wait3A = arith.constant 0 : i32
        %dma_wait3A_32 = tpu.memref_slice %arg7[%arg0, %mul3A_27, %dma_wait3A] : memref<2x10000x64xf32, #tpu.memory_space<hbm>> -> memref<1x624x64xf32, #tpu.memory_space<hbm>>
        %dma_wait3A_33 = tpu.memref_squeeze %dma_wait3A_32 : memref<1x624x64xf32, #tpu.memory_space<hbm>> -> memref<624x64xf32, #tpu.memory_space<hbm>>
        %dma_wait3A_34 = arith.constant 0 : i32
        %dma_wait3A_35 = tpu.memref_slice %arg11[%mul3A_27, %dma_wait3A_34] : memref<10000x64xf32, #tpu.memory_space<vmem_shared>> -> memref<624x64xf32, #tpu.memory_space<vmem_shared>>
        tpu.wait_dma2 semaphore(%run_scoped3A : memref<!tpu.dma_semaphore, #tpu.memory_space<semaphore_mem>>) src(%dma_wait3A_35 : memref<624x64xf32, #tpu.memory_space<vmem_shared>>) dst(%dma_wait3A_33 : memref<624x64xf32, #tpu.memory_space<hbm>>)
        tpu.yield
      }) : () -> ()
    } else {
    }
    %eq3A_22 = arith.constant 15 : i32
    %eq3A_23 = arith.cmpi eq, %arg1, %eq3A_22 : i32
    %convert_element_type3A_24 = arith.extui %eq3A_23 : i1 to i32
    %cond3A_25 = arith.constant 0 : i32
    %cond3A_26 = arith.cmpi ne, %convert_element_type3A_24, %cond3A_25 : i32
    scf.if %cond3A_26 {
      "tpu.region"() ({
        %run_scoped3A = tpu.sem_alloc : memref<!tpu.dma_semaphore, #tpu.memory_space<semaphore_mem>>
        %dma_start3A = arith.constant 9360 : i32
        %dma_start3A_27 = arith.constant 0 : i32
        %dma_start3A_28 = tpu.memref_slice %arg7[%arg0, %dma_start3A, %dma_start3A_27] : memref<2x10000x64xf32, #tpu.memory_space<hbm>> -> memref<1x640x64xf32, #tpu.memory_space<hbm>>
        %dma_start3A_29 = tpu.memref_squeeze %dma_start3A_28 : memref<1x640x64xf32, #tpu.memory_space<hbm>> -> memref<640x64xf32, #tpu.memory_space<hbm>>
        %dma_start3A_30 = arith.constant 9360 : i32
        %dma_start3A_31 = arith.constant 0 : i32
        %dma_start3A_32 = tpu.memref_slice %arg11[%dma_start3A_30, %dma_start3A_31] : memref<10000x64xf32, #tpu.memory_space<vmem_shared>> -> memref<640x64xf32, #tpu.memory_space<vmem_shared>>
        tpu.enqueue_dma source(%dma_start3A_32 : memref<640x64xf32, #tpu.memory_space<vmem_shared>>) target(%dma_start3A_29 : memref<640x64xf32, #tpu.memory_space<hbm>>) target_semaphore(%run_scoped3A : memref<!tpu.dma_semaphore, #tpu.memory_space<semaphore_mem>>)
        %dma_wait3A = arith.constant 9360 : i32
        %dma_wait3A_33 = arith.constant 0 : i32
        %dma_wait3A_34 = tpu.memref_slice %arg7[%arg0, %dma_wait3A, %dma_wait3A_33] : memref<2x10000x64xf32, #tpu.memory_space<hbm>> -> memref<1x640x64xf32, #tpu.memory_space<hbm>>
        %dma_wait3A_35 = tpu.memref_squeeze %dma_wait3A_34 : memref<1x640x64xf32, #tpu.memory_space<hbm>> -> memref<640x64xf32, #tpu.memory_space<hbm>>
        %dma_wait3A_36 = arith.constant 9360 : i32
        %dma_wait3A_37 = arith.constant 0 : i32
        %dma_wait3A_38 = tpu.memref_slice %arg11[%dma_wait3A_36, %dma_wait3A_37] : memref<10000x64xf32, #tpu.memory_space<vmem_shared>> -> memref<640x64xf32, #tpu.memory_space<vmem_shared>>
        tpu.wait_dma2 semaphore(%run_scoped3A : memref<!tpu.dma_semaphore, #tpu.memory_space<semaphore_mem>>) src(%dma_wait3A_38 : memref<640x64xf32, #tpu.memory_space<vmem_shared>>) dst(%dma_wait3A_35 : memref<640x64xf32, #tpu.memory_space<hbm>>)
        tpu.yield
      }) : () -> ()
    } else {
    }
    return
  }
}

#map = affine_map<(d0, d1) -> (0, 0)>
#map1 = affine_map<(d0, d1) -> (0, 0, 0)>
module attributes {stable_mosaic.version = 14 : i64} {
  func.func @k(%arg0: i32, %arg1: i32, %arg2: memref<10000x64xf32, #tpu.memory_space<hbm>>, %arg3: memref<10000x64xf32, #tpu.memory_space<hbm>>, %arg4: memref<16x160x125xi32, #tpu.memory_space<hbm>>, %arg5: memref<16x160x125xi32, #tpu.memory_space<hbm>>, %arg6: memref<10000x64xf32, #tpu.memory_space<hbm>>, %arg7: memref<2x10000x64xf32, #tpu.memory_space<hbm>>, %arg8: memref<160x125xi32, #tpu.memory_space<vmem>>, %arg9: memref<160x125xi32, #tpu.memory_space<vmem>>, %arg10: memref<5x125x64xf32, #tpu.memory_space<vmem>>, %arg11: memref<10000x64xf32, #tpu.memory_space<vmem_shared>>, %arg12: memref<!tpu.dma_semaphore, #tpu.memory_space<semaphore_mem>>, %arg13: memref<!tpu.dma_semaphore, #tpu.memory_space<semaphore_mem>>, %arg14: memref<!tpu.dma_semaphore, #tpu.memory_space<semaphore_mem>>, %arg15: memref<!tpu.dma_semaphore, #tpu.memory_space<semaphore_mem>>, %arg16: memref<!tpu.dma_semaphore, #tpu.memory_space<semaphore_mem>>) attributes {dimension_semantics = [#tpu.dimension_semantics<core_parallel>, #tpu.dimension_semantics<subcore_parallel>], iteration_bounds = array<i64: 2, 16>, scalar_prefetch = 0 : i64, scratch_operands = 9 : i64, tpu.core_type = #tpu.core_type<sc_vector_subcore>, window_params = [{transform_indices = #map}, {transform_indices = #map}, {transform_indices = #map1}, {transform_indices = #map1}, {transform_indices = #map}, {transform_indices = #map1}]} {
    "tpu.region"() ({
      %run_scoped3A = tpu.sem_alloc : memref<!tpu.dma_semaphore, #tpu.memory_space<semaphore_mem>>
      %dma_start3A = arith.constant 0 : i32
      %dma_start3A_27 = arith.constant 0 : i32
      %dma_start3A_28 = tpu.memref_slice %arg4[%arg1, %dma_start3A, %dma_start3A_27] : memref<16x160x125xi32, #tpu.memory_space<hbm>> -> memref<1x160x125xi32, #tpu.memory_space<hbm>>
      %dma_start3A_29 = tpu.memref_squeeze %dma_start3A_28 : memref<1x160x125xi32, #tpu.memory_space<hbm>> -> memref<160x125xi32, #tpu.memory_space<hbm>>
      %dma_start3A_30 = arith.constant 0 : i32
      %dma_start3A_31 = arith.constant 0 : i32
      %dma_start3A_32 = tpu.memref_slice %arg4[%arg1, %dma_start3A_30, %dma_start3A_31] : memref<16x160x125xi32, #tpu.memory_space<hbm>> -> memref<1x160x125xi32, #tpu.memory_space<hbm>>
      %dma_start3A_33 = tpu.memref_squeeze %dma_start3A_32 : memref<1x160x125xi32, #tpu.memory_space<hbm>> -> memref<160x125xi32, #tpu.memory_space<hbm>>
      tpu.enqueue_dma source(%dma_start3A_33 : memref<160x125xi32, #tpu.memory_space<hbm>>) target(%arg8 : memref<160x125xi32, #tpu.memory_space<vmem>>) target_semaphore(%run_scoped3A : memref<!tpu.dma_semaphore, #tpu.memory_space<semaphore_mem>>)
      %dma_wait3A = arith.constant 0 : i32
      %dma_wait3A_34 = arith.constant 0 : i32
      %dma_wait3A_35 = tpu.memref_slice %arg4[%arg1, %dma_wait3A, %dma_wait3A_34] : memref<16x160x125xi32, #tpu.memory_space<hbm>> -> memref<1x160x125xi32, #tpu.memory_space<hbm>>
      %dma_wait3A_36 = tpu.memref_squeeze %dma_wait3A_35 : memref<1x160x125xi32, #tpu.memory_space<hbm>> -> memref<160x125xi32, #tpu.memory_space<hbm>>
      %dma_wait3A_37 = arith.constant 0 : i32
      %dma_wait3A_38 = arith.constant 0 : i32
      %dma_wait3A_39 = tpu.memref_slice %arg4[%arg1, %dma_wait3A_37, %dma_wait3A_38] : memref<16x160x125xi32, #tpu.memory_space<hbm>> -> memref<1x160x125xi32, #tpu.memory_space<hbm>>
      %dma_wait3A_40 = tpu.memref_squeeze %dma_wait3A_39 : memref<1x160x125xi32, #tpu.memory_space<hbm>> -> memref<160x125xi32, #tpu.memory_space<hbm>>
      tpu.wait_dma2 semaphore(%run_scoped3A : memref<!tpu.dma_semaphore, #tpu.memory_space<semaphore_mem>>) src(%dma_wait3A_40 : memref<160x125xi32, #tpu.memory_space<hbm>>) dst(%arg8 : memref<160x125xi32, #tpu.memory_space<vmem>>)
      tpu.yield
    }) : () -> ()
    "tpu.region"() ({
      %run_scoped3A = tpu.sem_alloc : memref<!tpu.dma_semaphore, #tpu.memory_space<semaphore_mem>>
      %dma_start3A = arith.constant 0 : i32
      %dma_start3A_27 = arith.constant 0 : i32
      %dma_start3A_28 = tpu.memref_slice %arg5[%arg1, %dma_start3A, %dma_start3A_27] : memref<16x160x125xi32, #tpu.memory_space<hbm>> -> memref<1x160x125xi32, #tpu.memory_space<hbm>>
      %dma_start3A_29 = tpu.memref_squeeze %dma_start3A_28 : memref<1x160x125xi32, #tpu.memory_space<hbm>> -> memref<160x125xi32, #tpu.memory_space<hbm>>
      %dma_start3A_30 = arith.constant 0 : i32
      %dma_start3A_31 = arith.constant 0 : i32
      %dma_start3A_32 = tpu.memref_slice %arg5[%arg1, %dma_start3A_30, %dma_start3A_31] : memref<16x160x125xi32, #tpu.memory_space<hbm>> -> memref<1x160x125xi32, #tpu.memory_space<hbm>>
      %dma_start3A_33 = tpu.memref_squeeze %dma_start3A_32 : memref<1x160x125xi32, #tpu.memory_space<hbm>> -> memref<160x125xi32, #tpu.memory_space<hbm>>
      tpu.enqueue_dma source(%dma_start3A_33 : memref<160x125xi32, #tpu.memory_space<hbm>>) target(%arg9 : memref<160x125xi32, #tpu.memory_space<vmem>>) target_semaphore(%run_scoped3A : memref<!tpu.dma_semaphore, #tpu.memory_space<semaphore_mem>>)
      %dma_wait3A = arith.constant 0 : i32
      %dma_wait3A_34 = arith.constant 0 : i32
      %dma_wait3A_35 = tpu.memref_slice %arg5[%arg1, %dma_wait3A, %dma_wait3A_34] : memref<16x160x125xi32, #tpu.memory_space<hbm>> -> memref<1x160x125xi32, #tpu.memory_space<hbm>>
      %dma_wait3A_36 = tpu.memref_squeeze %dma_wait3A_35 : memref<1x160x125xi32, #tpu.memory_space<hbm>> -> memref<160x125xi32, #tpu.memory_space<hbm>>
      %dma_wait3A_37 = arith.constant 0 : i32
      %dma_wait3A_38 = arith.constant 0 : i32
      %dma_wait3A_39 = tpu.memref_slice %arg5[%arg1, %dma_wait3A_37, %dma_wait3A_38] : memref<16x160x125xi32, #tpu.memory_space<hbm>> -> memref<1x160x125xi32, #tpu.memory_space<hbm>>
      %dma_wait3A_40 = tpu.memref_squeeze %dma_wait3A_39 : memref<1x160x125xi32, #tpu.memory_space<hbm>> -> memref<160x125xi32, #tpu.memory_space<hbm>>
      tpu.wait_dma2 semaphore(%run_scoped3A : memref<!tpu.dma_semaphore, #tpu.memory_space<semaphore_mem>>) src(%dma_wait3A_40 : memref<160x125xi32, #tpu.memory_space<hbm>>) dst(%arg9 : memref<160x125xi32, #tpu.memory_space<vmem>>)
      tpu.yield
    }) : () -> ()
    %lt3A = arith.constant 15 : i32
    %lt3A_0 = arith.cmpi slt, %arg1, %lt3A : i32
    %convert_element_type3A = arith.extui %lt3A_0 : i1 to i32
    %cond3A = arith.constant 0 : i32
    %cond3A_1 = arith.cmpi ne, %convert_element_type3A, %cond3A : i32
    scf.if %cond3A_1 {
      %mul3A = arith.constant 624 : i32
      %mul3A_27 = arith.muli %arg1, %mul3A : i32
      "tpu.region"() ({
        %run_scoped3A = tpu.sem_alloc : memref<!tpu.dma_semaphore, #tpu.memory_space<semaphore_mem>>
        %dma_start3A = arith.constant 0 : i32
        %dma_start3A_28 = tpu.memref_slice %arg11[%mul3A_27, %dma_start3A] : memref<10000x64xf32, #tpu.memory_space<vmem_shared>> -> memref<624x64xf32, #tpu.memory_space<vmem_shared>>
        %dma_start3A_29 = arith.constant 0 : i32
        %dma_start3A_30 = tpu.memref_slice %arg6[%mul3A_27, %dma_start3A_29] : memref<10000x64xf32, #tpu.memory_space<hbm>> -> memref<624x64xf32, #tpu.memory_space<hbm>>
        tpu.enqueue_dma source(%dma_start3A_30 : memref<624x64xf32, #tpu.memory_space<hbm>>) target(%dma_start3A_28 : memref<624x64xf32, #tpu.memory_space<vmem_shared>>) target_semaphore(%run_scoped3A : memref<!tpu.dma_semaphore, #tpu.memory_space<semaphore_mem>>)
        %dma_wait3A = arith.constant 0 : i32
        %dma_wait3A_31 = tpu.memref_slice %arg11[%mul3A_27, %dma_wait3A] : memref<10000x64xf32, #tpu.memory_space<vmem_shared>> -> memref<624x64xf32, #tpu.memory_space<vmem_shared>>
        %dma_wait3A_32 = arith.constant 0 : i32
        %dma_wait3A_33 = tpu.memref_slice %arg6[%mul3A_27, %dma_wait3A_32] : memref<10000x64xf32, #tpu.memory_space<hbm>> -> memref<624x64xf32, #tpu.memory_space<hbm>>
        tpu.wait_dma2 semaphore(%run_scoped3A : memref<!tpu.dma_semaphore, #tpu.memory_space<semaphore_mem>>) src(%dma_wait3A_33 : memref<624x64xf32, #tpu.memory_space<hbm>>) dst(%dma_wait3A_31 : memref<624x64xf32, #tpu.memory_space<vmem_shared>>)
        tpu.yield
      }) : () -> ()
    } else {
    }
    %eq3A = arith.constant 15 : i32
    %eq3A_2 = arith.cmpi eq, %arg1, %eq3A : i32
    %convert_element_type3A_3 = arith.extui %eq3A_2 : i1 to i32
    %cond3A_4 = arith.constant 0 : i32
    %cond3A_5 = arith.cmpi ne, %convert_element_type3A_3, %cond3A_4 : i32
    scf.if %cond3A_5 {
      "tpu.region"() ({
        %run_scoped3A = tpu.sem_alloc : memref<!tpu.dma_semaphore, #tpu.memory_space<semaphore_mem>>
        %dma_start3A = arith.constant 9360 : i32
        %dma_start3A_27 = arith.constant 0 : i32
        %dma_start3A_28 = tpu.memref_slice %arg11[%dma_start3A, %dma_start3A_27] : memref<10000x64xf32, #tpu.memory_space<vmem_shared>> -> memref<640x64xf32, #tpu.memory_space<vmem_shared>>
        %dma_start3A_29 = arith.constant 9360 : i32
        %dma_start3A_30 = arith.constant 0 : i32
        %dma_start3A_31 = tpu.memref_slice %arg6[%dma_start3A_29, %dma_start3A_30] : memref<10000x64xf32, #tpu.memory_space<hbm>> -> memref<640x64xf32, #tpu.memory_space<hbm>>
        tpu.enqueue_dma source(%dma_start3A_31 : memref<640x64xf32, #tpu.memory_space<hbm>>) target(%dma_start3A_28 : memref<640x64xf32, #tpu.memory_space<vmem_shared>>) target_semaphore(%run_scoped3A : memref<!tpu.dma_semaphore, #tpu.memory_space<semaphore_mem>>)
        %dma_wait3A = arith.constant 9360 : i32
        %dma_wait3A_32 = arith.constant 0 : i32
        %dma_wait3A_33 = tpu.memref_slice %arg11[%dma_wait3A, %dma_wait3A_32] : memref<10000x64xf32, #tpu.memory_space<vmem_shared>> -> memref<640x64xf32, #tpu.memory_space<vmem_shared>>
        %dma_wait3A_34 = arith.constant 9360 : i32
        %dma_wait3A_35 = arith.constant 0 : i32
        %dma_wait3A_36 = tpu.memref_slice %arg6[%dma_wait3A_34, %dma_wait3A_35] : memref<10000x64xf32, #tpu.memory_space<hbm>> -> memref<640x64xf32, #tpu.memory_space<hbm>>
        tpu.wait_dma2 semaphore(%run_scoped3A : memref<!tpu.dma_semaphore, #tpu.memory_space<semaphore_mem>>) src(%dma_wait3A_36 : memref<640x64xf32, #tpu.memory_space<hbm>>) dst(%dma_wait3A_33 : memref<640x64xf32, #tpu.memory_space<vmem_shared>>)
        tpu.yield
      }) : () -> ()
    } else {
    }
    %barrier3A = arith.constant 0 : index
    tpu.barrier barrier_id(%barrier3A)
    %eq3A_6 = arith.constant 0 : i32
    %eq3A_7 = arith.cmpi eq, %arg0, %eq3A_6 : i32
    %convert_element_type3A_8 = arith.extui %eq3A_7 : i1 to i32
    %cond3A_9 = arith.constant 0 : i32
    %cond3A_10 = arith.cmpi ne, %convert_element_type3A_8, %cond3A_9 : i32
    scf.if %cond3A_10 {
      %dma_start3A = arith.constant 0 : i32
      %dma_start3A_27 = arith.constant 0 : i32
      %dma_start3A_28 = arith.constant 0 : i32
      %dma_start3A_29 = arith.constant 0 : i32
      %dma_start3A_30 = tpu.memref_slice %arg10[%dma_start3A_27, %dma_start3A_28, %dma_start3A_29] : memref<5x125x64xf32, #tpu.memory_space<vmem>> -> memref<1x125x64xf32, #tpu.memory_space<vmem>>
      %dma_start3A_31 = tpu.memref_squeeze %dma_start3A_30 : memref<1x125x64xf32, #tpu.memory_space<vmem>> -> memref<125x64xf32, #tpu.memory_space<vmem>>
      %dma_start3A_32 = arith.constant 0 : i32
      %dma_start3A_33 = tpu.memref_slice %arg8[%dma_start3A, %dma_start3A_32] : memref<160x125xi32, #tpu.memory_space<vmem>> -> memref<1x125xi32, #tpu.memory_space<vmem>>
      %dma_start3A_34 = tpu.memref_squeeze %dma_start3A_33 : memref<1x125xi32, #tpu.memory_space<vmem>> -> memref<125xi32, #tpu.memory_space<vmem>>
      %dma_start3A_35 = arith.constant 0 : i32
      %dma_start3A_36 = arith.constant 0 : i32
      %dma_start3A_37 = tpu.memref_slice %arg2[%dma_start3A_35, %dma_start3A_36] : memref<10000x64xf32, #tpu.memory_space<hbm>> -> memref<10000x64xf32, #tpu.memory_space<hbm>>
      tpu.enqueue_indirect_dma source(%dma_start3A_37 : memref<10000x64xf32, #tpu.memory_space<hbm>>) target(%dma_start3A_31 : memref<125x64xf32, #tpu.memory_space<vmem>>) offsets(%dma_start3A_34 : memref<125xi32, #tpu.memory_space<vmem>>) semaphore(%arg12 : memref<!tpu.dma_semaphore, #tpu.memory_space<semaphore_mem>>)
      %dma_start3A_38 = arith.constant 1 : i32
      %dma_start3A_39 = arith.constant 1 : i32
      %dma_start3A_40 = arith.constant 0 : i32
      %dma_start3A_41 = arith.constant 0 : i32
      %dma_start3A_42 = tpu.memref_slice %arg10[%dma_start3A_39, %dma_start3A_40, %dma_start3A_41] : memref<5x125x64xf32, #tpu.memory_space<vmem>> -> memref<1x125x64xf32, #tpu.memory_space<vmem>>
      %dma_start3A_43 = tpu.memref_squeeze %dma_start3A_42 : memref<1x125x64xf32, #tpu.memory_space<vmem>> -> memref<125x64xf32, #tpu.memory_space<vmem>>
      %dma_start3A_44 = arith.constant 0 : i32
      %dma_start3A_45 = tpu.memref_slice %arg8[%dma_start3A_38, %dma_start3A_44] : memref<160x125xi32, #tpu.memory_space<vmem>> -> memref<1x125xi32, #tpu.memory_space<vmem>>
      %dma_start3A_46 = tpu.memref_squeeze %dma_start3A_45 : memref<1x125xi32, #tpu.memory_space<vmem>> -> memref<125xi32, #tpu.memory_space<vmem>>
      %dma_start3A_47 = arith.constant 0 : i32
      %dma_start3A_48 = arith.constant 0 : i32
      %dma_start3A_49 = tpu.memref_slice %arg2[%dma_start3A_47, %dma_start3A_48] : memref<10000x64xf32, #tpu.memory_space<hbm>> -> memref<10000x64xf32, #tpu.memory_space<hbm>>
      tpu.enqueue_indirect_dma source(%dma_start3A_49 : memref<10000x64xf32, #tpu.memory_space<hbm>>) target(%dma_start3A_43 : memref<125x64xf32, #tpu.memory_space<vmem>>) offsets(%dma_start3A_46 : memref<125xi32, #tpu.memory_space<vmem>>) semaphore(%arg13 : memref<!tpu.dma_semaphore, #tpu.memory_space<semaphore_mem>>)
      %dma_start3A_50 = arith.constant 2 : i32
      %dma_start3A_51 = arith.constant 2 : i32
      %dma_start3A_52 = arith.constant 0 : i32
      %dma_start3A_53 = arith.constant 0 : i32
      %dma_start3A_54 = tpu.memref_slice %arg10[%dma_start3A_51, %dma_start3A_52, %dma_start3A_53] : memref<5x125x64xf32, #tpu.memory_space<vmem>> -> memref<1x125x64xf32, #tpu.memory_space<vmem>>
      %dma_start3A_55 = tpu.memref_squeeze %dma_start3A_54 : memref<1x125x64xf32, #tpu.memory_space<vmem>> -> memref<125x64xf32, #tpu.memory_space<vmem>>
      %dma_start3A_56 = arith.constant 0 : i32
      %dma_start3A_57 = tpu.memref_slice %arg8[%dma_start3A_50, %dma_start3A_56] : memref<160x125xi32, #tpu.memory_space<vmem>> -> memref<1x125xi32, #tpu.memory_space<vmem>>
      %dma_start3A_58 = tpu.memref_squeeze %dma_start3A_57 : memref<1x125xi32, #tpu.memory_space<vmem>> -> memref<125xi32, #tpu.memory_space<vmem>>
      %dma_start3A_59 = arith.constant 0 : i32
      %dma_start3A_60 = arith.constant 0 : i32
      %dma_start3A_61 = tpu.memref_slice %arg2[%dma_start3A_59, %dma_start3A_60] : memref<10000x64xf32, #tpu.memory_space<hbm>> -> memref<10000x64xf32, #tpu.memory_space<hbm>>
      tpu.enqueue_indirect_dma source(%dma_start3A_61 : memref<10000x64xf32, #tpu.memory_space<hbm>>) target(%dma_start3A_55 : memref<125x64xf32, #tpu.memory_space<vmem>>) offsets(%dma_start3A_58 : memref<125xi32, #tpu.memory_space<vmem>>) semaphore(%arg14 : memref<!tpu.dma_semaphore, #tpu.memory_space<semaphore_mem>>)
      %dma_start3A_62 = arith.constant 3 : i32
      %dma_start3A_63 = arith.constant 3 : i32
      %dma_start3A_64 = arith.constant 0 : i32
      %dma_start3A_65 = arith.constant 0 : i32
      %dma_start3A_66 = tpu.memref_slice %arg10[%dma_start3A_63, %dma_start3A_64, %dma_start3A_65] : memref<5x125x64xf32, #tpu.memory_space<vmem>> -> memref<1x125x64xf32, #tpu.memory_space<vmem>>
      %dma_start3A_67 = tpu.memref_squeeze %dma_start3A_66 : memref<1x125x64xf32, #tpu.memory_space<vmem>> -> memref<125x64xf32, #tpu.memory_space<vmem>>
      %dma_start3A_68 = arith.constant 0 : i32
      %dma_start3A_69 = tpu.memref_slice %arg8[%dma_start3A_62, %dma_start3A_68] : memref<160x125xi32, #tpu.memory_space<vmem>> -> memref<1x125xi32, #tpu.memory_space<vmem>>
      %dma_start3A_70 = tpu.memref_squeeze %dma_start3A_69 : memref<1x125xi32, #tpu.memory_space<vmem>> -> memref<125xi32, #tpu.memory_space<vmem>>
      %dma_start3A_71 = arith.constant 0 : i32
      %dma_start3A_72 = arith.constant 0 : i32
      %dma_start3A_73 = tpu.memref_slice %arg2[%dma_start3A_71, %dma_start3A_72] : memref<10000x64xf32, #tpu.memory_space<hbm>> -> memref<10000x64xf32, #tpu.memory_space<hbm>>
      tpu.enqueue_indirect_dma source(%dma_start3A_73 : memref<10000x64xf32, #tpu.memory_space<hbm>>) target(%dma_start3A_67 : memref<125x64xf32, #tpu.memory_space<vmem>>) offsets(%dma_start3A_70 : memref<125xi32, #tpu.memory_space<vmem>>) semaphore(%arg15 : memref<!tpu.dma_semaphore, #tpu.memory_space<semaphore_mem>>)
      %dma_start3A_74 = arith.constant 4 : i32
      %dma_start3A_75 = arith.constant 4 : i32
      %dma_start3A_76 = arith.constant 0 : i32
      %dma_start3A_77 = arith.constant 0 : i32
      %dma_start3A_78 = tpu.memref_slice %arg10[%dma_start3A_75, %dma_start3A_76, %dma_start3A_77] : memref<5x125x64xf32, #tpu.memory_space<vmem>> -> memref<1x125x64xf32, #tpu.memory_space<vmem>>
      %dma_start3A_79 = tpu.memref_squeeze %dma_start3A_78 : memref<1x125x64xf32, #tpu.memory_space<vmem>> -> memref<125x64xf32, #tpu.memory_space<vmem>>
      %dma_start3A_80 = arith.constant 0 : i32
      %dma_start3A_81 = tpu.memref_slice %arg8[%dma_start3A_74, %dma_start3A_80] : memref<160x125xi32, #tpu.memory_space<vmem>> -> memref<1x125xi32, #tpu.memory_space<vmem>>
      %dma_start3A_82 = tpu.memref_squeeze %dma_start3A_81 : memref<1x125xi32, #tpu.memory_space<vmem>> -> memref<125xi32, #tpu.memory_space<vmem>>
      %dma_start3A_83 = arith.constant 0 : i32
      %dma_start3A_84 = arith.constant 0 : i32
      %dma_start3A_85 = tpu.memref_slice %arg2[%dma_start3A_83, %dma_start3A_84] : memref<10000x64xf32, #tpu.memory_space<hbm>> -> memref<10000x64xf32, #tpu.memory_space<hbm>>
      tpu.enqueue_indirect_dma source(%dma_start3A_85 : memref<10000x64xf32, #tpu.memory_space<hbm>>) target(%dma_start3A_79 : memref<125x64xf32, #tpu.memory_space<vmem>>) offsets(%dma_start3A_82 : memref<125xi32, #tpu.memory_space<vmem>>) semaphore(%arg16 : memref<!tpu.dma_semaphore, #tpu.memory_space<semaphore_mem>>)
      %scan3A = arith.constant 0 : i32
      %scan3A_86 = arith.constant 32 : i32
      %scan3A_87 = arith.addi %scan3A, %scan3A_86 : i32
      %scan3A_88 = arith.constant 1 : i32
      scf.for %scan3A_90 = %scan3A to %scan3A_87 step %scan3A_88  : i32 {
        %mul3A = arith.constant 5 : i32
        %mul3A_91 = arith.muli %scan3A_90, %mul3A : i32
        %add3A = arith.constant 0 : i32
        %add3A_92 = arith.addi %add3A, %mul3A_91 : i32
        %add3A_93 = arith.constant 0 : i32
        %add3A_94 = arith.addi %add3A_92, %add3A_93 : i32
        %dma_wait3A = arith.constant 0 : i32
        %dma_wait3A_95 = arith.constant 0 : i32
        %dma_wait3A_96 = arith.constant 0 : i32
        %dma_wait3A_97 = tpu.memref_slice %arg10[%dma_wait3A, %dma_wait3A_95, %dma_wait3A_96] : memref<5x125x64xf32, #tpu.memory_space<vmem>> -> memref<1x125x64xf32, #tpu.memory_space<vmem>>
        %dma_wait3A_98 = tpu.memref_squeeze %dma_wait3A_97 : memref<1x125x64xf32, #tpu.memory_space<vmem>> -> memref<125x64xf32, #tpu.memory_space<vmem>>
        %dma_wait3A_99 = arith.constant 0 : i32
        %dma_wait3A_100 = tpu.memref_slice %arg8[%add3A_94, %dma_wait3A_99] : memref<160x125xi32, #tpu.memory_space<vmem>> -> memref<1x125xi32, #tpu.memory_space<vmem>>
        %dma_wait3A_101 = tpu.memref_squeeze %dma_wait3A_100 : memref<1x125xi32, #tpu.memory_space<vmem>> -> memref<125xi32, #tpu.memory_space<vmem>>
        %dma_wait3A_102 = arith.constant 0 : i32
        %dma_wait3A_103 = arith.constant 0 : i32
        %dma_wait3A_104 = tpu.memref_slice %arg2[%dma_wait3A_102, %dma_wait3A_103] : memref<10000x64xf32, #tpu.memory_space<hbm>> -> memref<10000x64xf32, #tpu.memory_space<hbm>>
        tpu.wait_indirect_dma semaphore(%arg12 : memref<!tpu.dma_semaphore, #tpu.memory_space<semaphore_mem>>) src(%dma_wait3A_104 : memref<10000x64xf32, #tpu.memory_space<hbm>>) dst(%dma_wait3A_98 : memref<125x64xf32, #tpu.memory_space<vmem>>)
        %run_scoped3A = arith.constant 0 : i32
        "tpu.region"() ({
          %run_scoped3A_196 = tpu.sem_alloc : memref<!tpu.dma_semaphore, #tpu.memory_space<semaphore_mem>>
          %dma_start3A_197 = arith.constant 0 : i32
          %dma_start3A_198 = arith.constant 0 : i32
          %dma_start3A_199 = tpu.memref_slice %arg10[%run_scoped3A, %dma_start3A_197, %dma_start3A_198] : memref<5x125x64xf32, #tpu.memory_space<vmem>> -> memref<1x125x64xf32, #tpu.memory_space<vmem>>
          %dma_start3A_200 = tpu.memref_squeeze %dma_start3A_199 : memref<1x125x64xf32, #tpu.memory_space<vmem>> -> memref<125x64xf32, #tpu.memory_space<vmem>>
          %dma_start3A_201 = arith.constant 0 : i32
          %dma_start3A_202 = tpu.memref_slice %arg9[%add3A_94, %dma_start3A_201] : memref<160x125xi32, #tpu.memory_space<vmem>> -> memref<1x125xi32, #tpu.memory_space<vmem>>
          %dma_start3A_203 = tpu.memref_squeeze %dma_start3A_202 : memref<1x125xi32, #tpu.memory_space<vmem>> -> memref<125xi32, #tpu.memory_space<vmem>>
          %dma_start3A_204 = arith.constant 0 : i32
          %dma_start3A_205 = arith.constant 0 : i32
          %dma_start3A_206 = tpu.memref_slice %arg11[%dma_start3A_204, %dma_start3A_205] : memref<10000x64xf32, #tpu.memory_space<vmem_shared>> -> memref<10000x64xf32, #tpu.memory_space<vmem_shared>>
          tpu.enqueue_indirect_dma source(%dma_start3A_200 : memref<125x64xf32, #tpu.memory_space<vmem>>) target(%dma_start3A_206 : memref<10000x64xf32, #tpu.memory_space<vmem_shared>>) offsets(%dma_start3A_203 : memref<125xi32, #tpu.memory_space<vmem>>) semaphore(%run_scoped3A_196 : memref<!tpu.dma_semaphore, #tpu.memory_space<semaphore_mem>>) {add = true}
          %dma_wait3A_207 = arith.constant 0 : i32
          %dma_wait3A_208 = arith.constant 0 : i32
          %dma_wait3A_209 = tpu.memref_slice %arg10[%run_scoped3A, %dma_wait3A_207, %dma_wait3A_208] : memref<5x125x64xf32, #tpu.memory_space<vmem>> -> memref<1x125x64xf32, #tpu.memory_space<vmem>>
          %dma_wait3A_210 = tpu.memref_squeeze %dma_wait3A_209 : memref<1x125x64xf32, #tpu.memory_space<vmem>> -> memref<125x64xf32, #tpu.memory_space<vmem>>
          %dma_wait3A_211 = arith.constant 0 : i32
          %dma_wait3A_212 = tpu.memref_slice %arg9[%add3A_94, %dma_wait3A_211] : memref<160x125xi32, #tpu.memory_space<vmem>> -> memref<1x125xi32, #tpu.memory_space<vmem>>
          %dma_wait3A_213 = tpu.memref_squeeze %dma_wait3A_212 : memref<1x125xi32, #tpu.memory_space<vmem>> -> memref<125xi32, #tpu.memory_space<vmem>>
          %dma_wait3A_214 = arith.constant 0 : i32
          %dma_wait3A_215 = arith.constant 0 : i32
          %dma_wait3A_216 = tpu.memref_slice %arg11[%dma_wait3A_214, %dma_wait3A_215] : memref<10000x64xf32, #tpu.memory_space<vmem_shared>> -> memref<10000x64xf32, #tpu.memory_space<vmem_shared>>
          tpu.wait_indirect_dma semaphore(%run_scoped3A_196 : memref<!tpu.dma_semaphore, #tpu.memory_space<semaphore_mem>>) src(%dma_wait3A_210 : memref<125x64xf32, #tpu.memory_space<vmem>>) dst(%dma_wait3A_216 : memref<10000x64xf32, #tpu.memory_space<vmem_shared>>)
          tpu.yield
        }) : () -> ()
        %add3A_105 = arith.constant 5 : i32
        %add3A_106 = arith.addi %add3A_94, %add3A_105 : i32
        %lt3A_107 = arith.constant 160 : i32
        %lt3A_108 = arith.cmpi slt, %add3A_106, %lt3A_107 : i32
        %convert_element_type3A_109 = arith.extui %lt3A_108 : i1 to i32
        %cond3A_110 = arith.constant 0 : i32
        %cond3A_111 = arith.cmpi ne, %convert_element_type3A_109, %cond3A_110 : i32
        scf.if %cond3A_111 {
          %dma_start3A_196 = arith.constant 0 : i32
          %dma_start3A_197 = arith.constant 0 : i32
          %dma_start3A_198 = arith.constant 0 : i32
          %dma_start3A_199 = tpu.memref_slice %arg10[%dma_start3A_196, %dma_start3A_197, %dma_start3A_198] : memref<5x125x64xf32, #tpu.memory_space<vmem>> -> memref<1x125x64xf32, #tpu.memory_space<vmem>>
          %dma_start3A_200 = tpu.memref_squeeze %dma_start3A_199 : memref<1x125x64xf32, #tpu.memory_space<vmem>> -> memref<125x64xf32, #tpu.memory_space<vmem>>
          %dma_start3A_201 = arith.constant 0 : i32
          %dma_start3A_202 = tpu.memref_slice %arg8[%add3A_106, %dma_start3A_201] : memref<160x125xi32, #tpu.memory_space<vmem>> -> memref<1x125xi32, #tpu.memory_space<vmem>>
          %dma_start3A_203 = tpu.memref_squeeze %dma_start3A_202 : memref<1x125xi32, #tpu.memory_space<vmem>> -> memref<125xi32, #tpu.memory_space<vmem>>
          %dma_start3A_204 = arith.constant 0 : i32
          %dma_start3A_205 = arith.constant 0 : i32
          %dma_start3A_206 = tpu.memref_slice %arg2[%dma_start3A_204, %dma_start3A_205] : memref<10000x64xf32, #tpu.memory_space<hbm>> -> memref<10000x64xf32, #tpu.memory_space<hbm>>
          tpu.enqueue_indirect_dma source(%dma_start3A_206 : memref<10000x64xf32, #tpu.memory_space<hbm>>) target(%dma_start3A_200 : memref<125x64xf32, #tpu.memory_space<vmem>>) offsets(%dma_start3A_203 : memref<125xi32, #tpu.memory_space<vmem>>) semaphore(%arg12 : memref<!tpu.dma_semaphore, #tpu.memory_space<semaphore_mem>>)
        } else {
        }
        %add3A_112 = arith.constant 1 : i32
        %add3A_113 = arith.addi %add3A_92, %add3A_112 : i32
        %dma_wait3A_114 = arith.constant 1 : i32
        %dma_wait3A_115 = arith.constant 0 : i32
        %dma_wait3A_116 = arith.constant 0 : i32
        %dma_wait3A_117 = tpu.memref_slice %arg10[%dma_wait3A_114, %dma_wait3A_115, %dma_wait3A_116] : memref<5x125x64xf32, #tpu.memory_space<vmem>> -> memref<1x125x64xf32, #tpu.memory_space<vmem>>
        %dma_wait3A_118 = tpu.memref_squeeze %dma_wait3A_117 : memref<1x125x64xf32, #tpu.memory_space<vmem>> -> memref<125x64xf32, #tpu.memory_space<vmem>>
        %dma_wait3A_119 = arith.constant 0 : i32
        %dma_wait3A_120 = tpu.memref_slice %arg8[%add3A_113, %dma_wait3A_119] : memref<160x125xi32, #tpu.memory_space<vmem>> -> memref<1x125xi32, #tpu.memory_space<vmem>>
        %dma_wait3A_121 = tpu.memref_squeeze %dma_wait3A_120 : memref<1x125xi32, #tpu.memory_space<vmem>> -> memref<125xi32, #tpu.memory_space<vmem>>
        %dma_wait3A_122 = arith.constant 0 : i32
        %dma_wait3A_123 = arith.constant 0 : i32
        %dma_wait3A_124 = tpu.memref_slice %arg2[%dma_wait3A_122, %dma_wait3A_123] : memref<10000x64xf32, #tpu.memory_space<hbm>> -> memref<10000x64xf32, #tpu.memory_space<hbm>>
        tpu.wait_indirect_dma semaphore(%arg13 : memref<!tpu.dma_semaphore, #tpu.memory_space<semaphore_mem>>) src(%dma_wait3A_124 : memref<10000x64xf32, #tpu.memory_space<hbm>>) dst(%dma_wait3A_118 : memref<125x64xf32, #tpu.memory_space<vmem>>)
        %run_scoped3A_125 = arith.constant 1 : i32
        "tpu.region"() ({
          %run_scoped3A_196 = tpu.sem_alloc : memref<!tpu.dma_semaphore, #tpu.memory_space<semaphore_mem>>
          %dma_start3A_197 = arith.constant 0 : i32
          %dma_start3A_198 = arith.constant 0 : i32
          %dma_start3A_199 = tpu.memref_slice %arg10[%run_scoped3A_125, %dma_start3A_197, %dma_start3A_198] : memref<5x125x64xf32, #tpu.memory_space<vmem>> -> memref<1x125x64xf32, #tpu.memory_space<vmem>>
          %dma_start3A_200 = tpu.memref_squeeze %dma_start3A_199 : memref<1x125x64xf32, #tpu.memory_space<vmem>> -> memref<125x64xf32, #tpu.memory_space<vmem>>
          %dma_start3A_201 = arith.constant 0 : i32
          %dma_start3A_202 = tpu.memref_slice %arg9[%add3A_113, %dma_start3A_201] : memref<160x125xi32, #tpu.memory_space<vmem>> -> memref<1x125xi32, #tpu.memory_space<vmem>>
          %dma_start3A_203 = tpu.memref_squeeze %dma_start3A_202 : memref<1x125xi32, #tpu.memory_space<vmem>> -> memref<125xi32, #tpu.memory_space<vmem>>
          %dma_start3A_204 = arith.constant 0 : i32
          %dma_start3A_205 = arith.constant 0 : i32
          %dma_start3A_206 = tpu.memref_slice %arg11[%dma_start3A_204, %dma_start3A_205] : memref<10000x64xf32, #tpu.memory_space<vmem_shared>> -> memref<10000x64xf32, #tpu.memory_space<vmem_shared>>
          tpu.enqueue_indirect_dma source(%dma_start3A_200 : memref<125x64xf32, #tpu.memory_space<vmem>>) target(%dma_start3A_206 : memref<10000x64xf32, #tpu.memory_space<vmem_shared>>) offsets(%dma_start3A_203 : memref<125xi32, #tpu.memory_space<vmem>>) semaphore(%run_scoped3A_196 : memref<!tpu.dma_semaphore, #tpu.memory_space<semaphore_mem>>) {add = true}
          %dma_wait3A_207 = arith.constant 0 : i32
          %dma_wait3A_208 = arith.constant 0 : i32
          %dma_wait3A_209 = tpu.memref_slice %arg10[%run_scoped3A_125, %dma_wait3A_207, %dma_wait3A_208] : memref<5x125x64xf32, #tpu.memory_space<vmem>> -> memref<1x125x64xf32, #tpu.memory_space<vmem>>
          %dma_wait3A_210 = tpu.memref_squeeze %dma_wait3A_209 : memref<1x125x64xf32, #tpu.memory_space<vmem>> -> memref<125x64xf32, #tpu.memory_space<vmem>>
          %dma_wait3A_211 = arith.constant 0 : i32
          %dma_wait3A_212 = tpu.memref_slice %arg9[%add3A_113, %dma_wait3A_211] : memref<160x125xi32, #tpu.memory_space<vmem>> -> memref<1x125xi32, #tpu.memory_space<vmem>>
          %dma_wait3A_213 = tpu.memref_squeeze %dma_wait3A_212 : memref<1x125xi32, #tpu.memory_space<vmem>> -> memref<125xi32, #tpu.memory_space<vmem>>
          %dma_wait3A_214 = arith.constant 0 : i32
          %dma_wait3A_215 = arith.constant 0 : i32
          %dma_wait3A_216 = tpu.memref_slice %arg11[%dma_wait3A_214, %dma_wait3A_215] : memref<10000x64xf32, #tpu.memory_space<vmem_shared>> -> memref<10000x64xf32, #tpu.memory_space<vmem_shared>>
          tpu.wait_indirect_dma semaphore(%run_scoped3A_196 : memref<!tpu.dma_semaphore, #tpu.memory_space<semaphore_mem>>) src(%dma_wait3A_210 : memref<125x64xf32, #tpu.memory_space<vmem>>) dst(%dma_wait3A_216 : memref<10000x64xf32, #tpu.memory_space<vmem_shared>>)
          tpu.yield
        }) : () -> ()
        %add3A_126 = arith.constant 5 : i32
        %add3A_127 = arith.addi %add3A_113, %add3A_126 : i32
        %lt3A_128 = arith.constant 160 : i32
        %lt3A_129 = arith.cmpi slt, %add3A_127, %lt3A_128 : i32
        %convert_element_type3A_130 = arith.extui %lt3A_129 : i1 to i32
        %cond3A_131 = arith.constant 0 : i32
        %cond3A_132 = arith.cmpi ne, %convert_element_type3A_130, %cond3A_131 : i32
        scf.if %cond3A_132 {
          %dma_start3A_196 = arith.constant 1 : i32
          %dma_start3A_197 = arith.constant 0 : i32
          %dma_start3A_198 = arith.constant 0 : i32
          %dma_start3A_199 = tpu.memref_slice %arg10[%dma_start3A_196, %dma_start3A_197, %dma_start3A_198] : memref<5x125x64xf32, #tpu.memory_space<vmem>> -> memref<1x125x64xf32, #tpu.memory_space<vmem>>
          %dma_start3A_200 = tpu.memref_squeeze %dma_start3A_199 : memref<1x125x64xf32, #tpu.memory_space<vmem>> -> memref<125x64xf32, #tpu.memory_space<vmem>>
          %dma_start3A_201 = arith.constant 0 : i32
          %dma_start3A_202 = tpu.memref_slice %arg8[%add3A_127, %dma_start3A_201] : memref<160x125xi32, #tpu.memory_space<vmem>> -> memref<1x125xi32, #tpu.memory_space<vmem>>
          %dma_start3A_203 = tpu.memref_squeeze %dma_start3A_202 : memref<1x125xi32, #tpu.memory_space<vmem>> -> memref<125xi32, #tpu.memory_space<vmem>>
          %dma_start3A_204 = arith.constant 0 : i32
          %dma_start3A_205 = arith.constant 0 : i32
          %dma_start3A_206 = tpu.memref_slice %arg2[%dma_start3A_204, %dma_start3A_205] : memref<10000x64xf32, #tpu.memory_space<hbm>> -> memref<10000x64xf32, #tpu.memory_space<hbm>>
          tpu.enqueue_indirect_dma source(%dma_start3A_206 : memref<10000x64xf32, #tpu.memory_space<hbm>>) target(%dma_start3A_200 : memref<125x64xf32, #tpu.memory_space<vmem>>) offsets(%dma_start3A_203 : memref<125xi32, #tpu.memory_space<vmem>>) semaphore(%arg13 : memref<!tpu.dma_semaphore, #tpu.memory_space<semaphore_mem>>)
        } else {
        }
        %add3A_133 = arith.constant 2 : i32
        %add3A_134 = arith.addi %add3A_92, %add3A_133 : i32
        %dma_wait3A_135 = arith.constant 2 : i32
        %dma_wait3A_136 = arith.constant 0 : i32
        %dma_wait3A_137 = arith.constant 0 : i32
        %dma_wait3A_138 = tpu.memref_slice %arg10[%dma_wait3A_135, %dma_wait3A_136, %dma_wait3A_137] : memref<5x125x64xf32, #tpu.memory_space<vmem>> -> memref<1x125x64xf32, #tpu.memory_space<vmem>>
        %dma_wait3A_139 = tpu.memref_squeeze %dma_wait3A_138 : memref<1x125x64xf32, #tpu.memory_space<vmem>> -> memref<125x64xf32, #tpu.memory_space<vmem>>
        %dma_wait3A_140 = arith.constant 0 : i32
        %dma_wait3A_141 = tpu.memref_slice %arg8[%add3A_134, %dma_wait3A_140] : memref<160x125xi32, #tpu.memory_space<vmem>> -> memref<1x125xi32, #tpu.memory_space<vmem>>
        %dma_wait3A_142 = tpu.memref_squeeze %dma_wait3A_141 : memref<1x125xi32, #tpu.memory_space<vmem>> -> memref<125xi32, #tpu.memory_space<vmem>>
        %dma_wait3A_143 = arith.constant 0 : i32
        %dma_wait3A_144 = arith.constant 0 : i32
        %dma_wait3A_145 = tpu.memref_slice %arg2[%dma_wait3A_143, %dma_wait3A_144] : memref<10000x64xf32, #tpu.memory_space<hbm>> -> memref<10000x64xf32, #tpu.memory_space<hbm>>
        tpu.wait_indirect_dma semaphore(%arg14 : memref<!tpu.dma_semaphore, #tpu.memory_space<semaphore_mem>>) src(%dma_wait3A_145 : memref<10000x64xf32, #tpu.memory_space<hbm>>) dst(%dma_wait3A_139 : memref<125x64xf32, #tpu.memory_space<vmem>>)
        %run_scoped3A_146 = arith.constant 2 : i32
        "tpu.region"() ({
          %run_scoped3A_196 = tpu.sem_alloc : memref<!tpu.dma_semaphore, #tpu.memory_space<semaphore_mem>>
          %dma_start3A_197 = arith.constant 0 : i32
          %dma_start3A_198 = arith.constant 0 : i32
          %dma_start3A_199 = tpu.memref_slice %arg10[%run_scoped3A_146, %dma_start3A_197, %dma_start3A_198] : memref<5x125x64xf32, #tpu.memory_space<vmem>> -> memref<1x125x64xf32, #tpu.memory_space<vmem>>
          %dma_start3A_200 = tpu.memref_squeeze %dma_start3A_199 : memref<1x125x64xf32, #tpu.memory_space<vmem>> -> memref<125x64xf32, #tpu.memory_space<vmem>>
          %dma_start3A_201 = arith.constant 0 : i32
          %dma_start3A_202 = tpu.memref_slice %arg9[%add3A_134, %dma_start3A_201] : memref<160x125xi32, #tpu.memory_space<vmem>> -> memref<1x125xi32, #tpu.memory_space<vmem>>
          %dma_start3A_203 = tpu.memref_squeeze %dma_start3A_202 : memref<1x125xi32, #tpu.memory_space<vmem>> -> memref<125xi32, #tpu.memory_space<vmem>>
          %dma_start3A_204 = arith.constant 0 : i32
          %dma_start3A_205 = arith.constant 0 : i32
          %dma_start3A_206 = tpu.memref_slice %arg11[%dma_start3A_204, %dma_start3A_205] : memref<10000x64xf32, #tpu.memory_space<vmem_shared>> -> memref<10000x64xf32, #tpu.memory_space<vmem_shared>>
          tpu.enqueue_indirect_dma source(%dma_start3A_200 : memref<125x64xf32, #tpu.memory_space<vmem>>) target(%dma_start3A_206 : memref<10000x64xf32, #tpu.memory_space<vmem_shared>>) offsets(%dma_start3A_203 : memref<125xi32, #tpu.memory_space<vmem>>) semaphore(%run_scoped3A_196 : memref<!tpu.dma_semaphore, #tpu.memory_space<semaphore_mem>>) {add = true}
          %dma_wait3A_207 = arith.constant 0 : i32
          %dma_wait3A_208 = arith.constant 0 : i32
          %dma_wait3A_209 = tpu.memref_slice %arg10[%run_scoped3A_146, %dma_wait3A_207, %dma_wait3A_208] : memref<5x125x64xf32, #tpu.memory_space<vmem>> -> memref<1x125x64xf32, #tpu.memory_space<vmem>>
          %dma_wait3A_210 = tpu.memref_squeeze %dma_wait3A_209 : memref<1x125x64xf32, #tpu.memory_space<vmem>> -> memref<125x64xf32, #tpu.memory_space<vmem>>
          %dma_wait3A_211 = arith.constant 0 : i32
          %dma_wait3A_212 = tpu.memref_slice %arg9[%add3A_134, %dma_wait3A_211] : memref<160x125xi32, #tpu.memory_space<vmem>> -> memref<1x125xi32, #tpu.memory_space<vmem>>
          %dma_wait3A_213 = tpu.memref_squeeze %dma_wait3A_212 : memref<1x125xi32, #tpu.memory_space<vmem>> -> memref<125xi32, #tpu.memory_space<vmem>>
          %dma_wait3A_214 = arith.constant 0 : i32
          %dma_wait3A_215 = arith.constant 0 : i32
          %dma_wait3A_216 = tpu.memref_slice %arg11[%dma_wait3A_214, %dma_wait3A_215] : memref<10000x64xf32, #tpu.memory_space<vmem_shared>> -> memref<10000x64xf32, #tpu.memory_space<vmem_shared>>
          tpu.wait_indirect_dma semaphore(%run_scoped3A_196 : memref<!tpu.dma_semaphore, #tpu.memory_space<semaphore_mem>>) src(%dma_wait3A_210 : memref<125x64xf32, #tpu.memory_space<vmem>>) dst(%dma_wait3A_216 : memref<10000x64xf32, #tpu.memory_space<vmem_shared>>)
          tpu.yield
        }) : () -> ()
        %add3A_147 = arith.constant 5 : i32
        %add3A_148 = arith.addi %add3A_134, %add3A_147 : i32
        %lt3A_149 = arith.constant 160 : i32
        %lt3A_150 = arith.cmpi slt, %add3A_148, %lt3A_149 : i32
        %convert_element_type3A_151 = arith.extui %lt3A_150 : i1 to i32
        %cond3A_152 = arith.constant 0 : i32
        %cond3A_153 = arith.cmpi ne, %convert_element_type3A_151, %cond3A_152 : i32
        scf.if %cond3A_153 {
          %dma_start3A_196 = arith.constant 2 : i32
          %dma_start3A_197 = arith.constant 0 : i32
          %dma_start3A_198 = arith.constant 0 : i32
          %dma_start3A_199 = tpu.memref_slice %arg10[%dma_start3A_196, %dma_start3A_197, %dma_start3A_198] : memref<5x125x64xf32, #tpu.memory_space<vmem>> -> memref<1x125x64xf32, #tpu.memory_space<vmem>>
          %dma_start3A_200 = tpu.memref_squeeze %dma_start3A_199 : memref<1x125x64xf32, #tpu.memory_space<vmem>> -> memref<125x64xf32, #tpu.memory_space<vmem>>
          %dma_start3A_201 = arith.constant 0 : i32
          %dma_start3A_202 = tpu.memref_slice %arg8[%add3A_148, %dma_start3A_201] : memref<160x125xi32, #tpu.memory_space<vmem>> -> memref<1x125xi32, #tpu.memory_space<vmem>>
          %dma_start3A_203 = tpu.memref_squeeze %dma_start3A_202 : memref<1x125xi32, #tpu.memory_space<vmem>> -> memref<125xi32, #tpu.memory_space<vmem>>
          %dma_start3A_204 = arith.constant 0 : i32
          %dma_start3A_205 = arith.constant 0 : i32
          %dma_start3A_206 = tpu.memref_slice %arg2[%dma_start3A_204, %dma_start3A_205] : memref<10000x64xf32, #tpu.memory_space<hbm>> -> memref<10000x64xf32, #tpu.memory_space<hbm>>
          tpu.enqueue_indirect_dma source(%dma_start3A_206 : memref<10000x64xf32, #tpu.memory_space<hbm>>) target(%dma_start3A_200 : memref<125x64xf32, #tpu.memory_space<vmem>>) offsets(%dma_start3A_203 : memref<125xi32, #tpu.memory_space<vmem>>) semaphore(%arg14 : memref<!tpu.dma_semaphore, #tpu.memory_space<semaphore_mem>>)
        } else {
        }
        %add3A_154 = arith.constant 3 : i32
        %add3A_155 = arith.addi %add3A_92, %add3A_154 : i32
        %dma_wait3A_156 = arith.constant 3 : i32
        %dma_wait3A_157 = arith.constant 0 : i32
        %dma_wait3A_158 = arith.constant 0 : i32
        %dma_wait3A_159 = tpu.memref_slice %arg10[%dma_wait3A_156, %dma_wait3A_157, %dma_wait3A_158] : memref<5x125x64xf32, #tpu.memory_space<vmem>> -> memref<1x125x64xf32, #tpu.memory_space<vmem>>
        %dma_wait3A_160 = tpu.memref_squeeze %dma_wait3A_159 : memref<1x125x64xf32, #tpu.memory_space<vmem>> -> memref<125x64xf32, #tpu.memory_space<vmem>>
        %dma_wait3A_161 = arith.constant 0 : i32
        %dma_wait3A_162 = tpu.memref_slice %arg8[%add3A_155, %dma_wait3A_161] : memref<160x125xi32, #tpu.memory_space<vmem>> -> memref<1x125xi32, #tpu.memory_space<vmem>>
        %dma_wait3A_163 = tpu.memref_squeeze %dma_wait3A_162 : memref<1x125xi32, #tpu.memory_space<vmem>> -> memref<125xi32, #tpu.memory_space<vmem>>
        %dma_wait3A_164 = arith.constant 0 : i32
        %dma_wait3A_165 = arith.constant 0 : i32
        %dma_wait3A_166 = tpu.memref_slice %arg2[%dma_wait3A_164, %dma_wait3A_165] : memref<10000x64xf32, #tpu.memory_space<hbm>> -> memref<10000x64xf32, #tpu.memory_space<hbm>>
        tpu.wait_indirect_dma semaphore(%arg15 : memref<!tpu.dma_semaphore, #tpu.memory_space<semaphore_mem>>) src(%dma_wait3A_166 : memref<10000x64xf32, #tpu.memory_space<hbm>>) dst(%dma_wait3A_160 : memref<125x64xf32, #tpu.memory_space<vmem>>)
        %run_scoped3A_167 = arith.constant 3 : i32
        "tpu.region"() ({
          %run_scoped3A_196 = tpu.sem_alloc : memref<!tpu.dma_semaphore, #tpu.memory_space<semaphore_mem>>
          %dma_start3A_197 = arith.constant 0 : i32
          %dma_start3A_198 = arith.constant 0 : i32
          %dma_start3A_199 = tpu.memref_slice %arg10[%run_scoped3A_167, %dma_start3A_197, %dma_start3A_198] : memref<5x125x64xf32, #tpu.memory_space<vmem>> -> memref<1x125x64xf32, #tpu.memory_space<vmem>>
          %dma_start3A_200 = tpu.memref_squeeze %dma_start3A_199 : memref<1x125x64xf32, #tpu.memory_space<vmem>> -> memref<125x64xf32, #tpu.memory_space<vmem>>
          %dma_start3A_201 = arith.constant 0 : i32
          %dma_start3A_202 = tpu.memref_slice %arg9[%add3A_155, %dma_start3A_201] : memref<160x125xi32, #tpu.memory_space<vmem>> -> memref<1x125xi32, #tpu.memory_space<vmem>>
          %dma_start3A_203 = tpu.memref_squeeze %dma_start3A_202 : memref<1x125xi32, #tpu.memory_space<vmem>> -> memref<125xi32, #tpu.memory_space<vmem>>
          %dma_start3A_204 = arith.constant 0 : i32
          %dma_start3A_205 = arith.constant 0 : i32
          %dma_start3A_206 = tpu.memref_slice %arg11[%dma_start3A_204, %dma_start3A_205] : memref<10000x64xf32, #tpu.memory_space<vmem_shared>> -> memref<10000x64xf32, #tpu.memory_space<vmem_shared>>
          tpu.enqueue_indirect_dma source(%dma_start3A_200 : memref<125x64xf32, #tpu.memory_space<vmem>>) target(%dma_start3A_206 : memref<10000x64xf32, #tpu.memory_space<vmem_shared>>) offsets(%dma_start3A_203 : memref<125xi32, #tpu.memory_space<vmem>>) semaphore(%run_scoped3A_196 : memref<!tpu.dma_semaphore, #tpu.memory_space<semaphore_mem>>) {add = true}
          %dma_wait3A_207 = arith.constant 0 : i32
          %dma_wait3A_208 = arith.constant 0 : i32
          %dma_wait3A_209 = tpu.memref_slice %arg10[%run_scoped3A_167, %dma_wait3A_207, %dma_wait3A_208] : memref<5x125x64xf32, #tpu.memory_space<vmem>> -> memref<1x125x64xf32, #tpu.memory_space<vmem>>
          %dma_wait3A_210 = tpu.memref_squeeze %dma_wait3A_209 : memref<1x125x64xf32, #tpu.memory_space<vmem>> -> memref<125x64xf32, #tpu.memory_space<vmem>>
          %dma_wait3A_211 = arith.constant 0 : i32
          %dma_wait3A_212 = tpu.memref_slice %arg9[%add3A_155, %dma_wait3A_211] : memref<160x125xi32, #tpu.memory_space<vmem>> -> memref<1x125xi32, #tpu.memory_space<vmem>>
          %dma_wait3A_213 = tpu.memref_squeeze %dma_wait3A_212 : memref<1x125xi32, #tpu.memory_space<vmem>> -> memref<125xi32, #tpu.memory_space<vmem>>
          %dma_wait3A_214 = arith.constant 0 : i32
          %dma_wait3A_215 = arith.constant 0 : i32
          %dma_wait3A_216 = tpu.memref_slice %arg11[%dma_wait3A_214, %dma_wait3A_215] : memref<10000x64xf32, #tpu.memory_space<vmem_shared>> -> memref<10000x64xf32, #tpu.memory_space<vmem_shared>>
          tpu.wait_indirect_dma semaphore(%run_scoped3A_196 : memref<!tpu.dma_semaphore, #tpu.memory_space<semaphore_mem>>) src(%dma_wait3A_210 : memref<125x64xf32, #tpu.memory_space<vmem>>) dst(%dma_wait3A_216 : memref<10000x64xf32, #tpu.memory_space<vmem_shared>>)
          tpu.yield
        }) : () -> ()
        %add3A_168 = arith.constant 5 : i32
        %add3A_169 = arith.addi %add3A_155, %add3A_168 : i32
        %lt3A_170 = arith.constant 160 : i32
        %lt3A_171 = arith.cmpi slt, %add3A_169, %lt3A_170 : i32
        %convert_element_type3A_172 = arith.extui %lt3A_171 : i1 to i32
        %cond3A_173 = arith.constant 0 : i32
        %cond3A_174 = arith.cmpi ne, %convert_element_type3A_172, %cond3A_173 : i32
        scf.if %cond3A_174 {
          %dma_start3A_196 = arith.constant 3 : i32
          %dma_start3A_197 = arith.constant 0 : i32
          %dma_start3A_198 = arith.constant 0 : i32
          %dma_start3A_199 = tpu.memref_slice %arg10[%dma_start3A_196, %dma_start3A_197, %dma_start3A_198] : memref<5x125x64xf32, #tpu.memory_space<vmem>> -> memref<1x125x64xf32, #tpu.memory_space<vmem>>
          %dma_start3A_200 = tpu.memref_squeeze %dma_start3A_199 : memref<1x125x64xf32, #tpu.memory_space<vmem>> -> memref<125x64xf32, #tpu.memory_space<vmem>>
          %dma_start3A_201 = arith.constant 0 : i32
          %dma_start3A_202 = tpu.memref_slice %arg8[%add3A_169, %dma_start3A_201] : memref<160x125xi32, #tpu.memory_space<vmem>> -> memref<1x125xi32, #tpu.memory_space<vmem>>
          %dma_start3A_203 = tpu.memref_squeeze %dma_start3A_202 : memref<1x125xi32, #tpu.memory_space<vmem>> -> memref<125xi32, #tpu.memory_space<vmem>>
          %dma_start3A_204 = arith.constant 0 : i32
          %dma_start3A_205 = arith.constant 0 : i32
          %dma_start3A_206 = tpu.memref_slice %arg2[%dma_start3A_204, %dma_start3A_205] : memref<10000x64xf32, #tpu.memory_space<hbm>> -> memref<10000x64xf32, #tpu.memory_space<hbm>>
          tpu.enqueue_indirect_dma source(%dma_start3A_206 : memref<10000x64xf32, #tpu.memory_space<hbm>>) target(%dma_start3A_200 : memref<125x64xf32, #tpu.memory_space<vmem>>) offsets(%dma_start3A_203 : memref<125xi32, #tpu.memory_space<vmem>>) semaphore(%arg15 : memref<!tpu.dma_semaphore, #tpu.memory_space<semaphore_mem>>)
        } else {
        }
        %add3A_175 = arith.constant 4 : i32
        %add3A_176 = arith.addi %add3A_92, %add3A_175 : i32
        %dma_wait3A_177 = arith.constant 4 : i32
        %dma_wait3A_178 = arith.constant 0 : i32
        %dma_wait3A_179 = arith.constant 0 : i32
        %dma_wait3A_180 = tpu.memref_slice %arg10[%dma_wait3A_177, %dma_wait3A_178, %dma_wait3A_179] : memref<5x125x64xf32, #tpu.memory_space<vmem>> -> memref<1x125x64xf32, #tpu.memory_space<vmem>>
        %dma_wait3A_181 = tpu.memref_squeeze %dma_wait3A_180 : memref<1x125x64xf32, #tpu.memory_space<vmem>> -> memref<125x64xf32, #tpu.memory_space<vmem>>
        %dma_wait3A_182 = arith.constant 0 : i32
        %dma_wait3A_183 = tpu.memref_slice %arg8[%add3A_176, %dma_wait3A_182] : memref<160x125xi32, #tpu.memory_space<vmem>> -> memref<1x125xi32, #tpu.memory_space<vmem>>
        %dma_wait3A_184 = tpu.memref_squeeze %dma_wait3A_183 : memref<1x125xi32, #tpu.memory_space<vmem>> -> memref<125xi32, #tpu.memory_space<vmem>>
        %dma_wait3A_185 = arith.constant 0 : i32
        %dma_wait3A_186 = arith.constant 0 : i32
        %dma_wait3A_187 = tpu.memref_slice %arg2[%dma_wait3A_185, %dma_wait3A_186] : memref<10000x64xf32, #tpu.memory_space<hbm>> -> memref<10000x64xf32, #tpu.memory_space<hbm>>
        tpu.wait_indirect_dma semaphore(%arg16 : memref<!tpu.dma_semaphore, #tpu.memory_space<semaphore_mem>>) src(%dma_wait3A_187 : memref<10000x64xf32, #tpu.memory_space<hbm>>) dst(%dma_wait3A_181 : memref<125x64xf32, #tpu.memory_space<vmem>>)
        %run_scoped3A_188 = arith.constant 4 : i32
        "tpu.region"() ({
          %run_scoped3A_196 = tpu.sem_alloc : memref<!tpu.dma_semaphore, #tpu.memory_space<semaphore_mem>>
          %dma_start3A_197 = arith.constant 0 : i32
          %dma_start3A_198 = arith.constant 0 : i32
          %dma_start3A_199 = tpu.memref_slice %arg10[%run_scoped3A_188, %dma_start3A_197, %dma_start3A_198] : memref<5x125x64xf32, #tpu.memory_space<vmem>> -> memref<1x125x64xf32, #tpu.memory_space<vmem>>
          %dma_start3A_200 = tpu.memref_squeeze %dma_start3A_199 : memref<1x125x64xf32, #tpu.memory_space<vmem>> -> memref<125x64xf32, #tpu.memory_space<vmem>>
          %dma_start3A_201 = arith.constant 0 : i32
          %dma_start3A_202 = tpu.memref_slice %arg9[%add3A_176, %dma_start3A_201] : memref<160x125xi32, #tpu.memory_space<vmem>> -> memref<1x125xi32, #tpu.memory_space<vmem>>
          %dma_start3A_203 = tpu.memref_squeeze %dma_start3A_202 : memref<1x125xi32, #tpu.memory_space<vmem>> -> memref<125xi32, #tpu.memory_space<vmem>>
          %dma_start3A_204 = arith.constant 0 : i32
          %dma_start3A_205 = arith.constant 0 : i32
          %dma_start3A_206 = tpu.memref_slice %arg11[%dma_start3A_204, %dma_start3A_205] : memref<10000x64xf32, #tpu.memory_space<vmem_shared>> -> memref<10000x64xf32, #tpu.memory_space<vmem_shared>>
          tpu.enqueue_indirect_dma source(%dma_start3A_200 : memref<125x64xf32, #tpu.memory_space<vmem>>) target(%dma_start3A_206 : memref<10000x64xf32, #tpu.memory_space<vmem_shared>>) offsets(%dma_start3A_203 : memref<125xi32, #tpu.memory_space<vmem>>) semaphore(%run_scoped3A_196 : memref<!tpu.dma_semaphore, #tpu.memory_space<semaphore_mem>>) {add = true}
          %dma_wait3A_207 = arith.constant 0 : i32
          %dma_wait3A_208 = arith.constant 0 : i32
          %dma_wait3A_209 = tpu.memref_slice %arg10[%run_scoped3A_188, %dma_wait3A_207, %dma_wait3A_208] : memref<5x125x64xf32, #tpu.memory_space<vmem>> -> memref<1x125x64xf32, #tpu.memory_space<vmem>>
          %dma_wait3A_210 = tpu.memref_squeeze %dma_wait3A_209 : memref<1x125x64xf32, #tpu.memory_space<vmem>> -> memref<125x64xf32, #tpu.memory_space<vmem>>
          %dma_wait3A_211 = arith.constant 0 : i32
          %dma_wait3A_212 = tpu.memref_slice %arg9[%add3A_176, %dma_wait3A_211] : memref<160x125xi32, #tpu.memory_space<vmem>> -> memref<1x125xi32, #tpu.memory_space<vmem>>
          %dma_wait3A_213 = tpu.memref_squeeze %dma_wait3A_212 : memref<1x125xi32, #tpu.memory_space<vmem>> -> memref<125xi32, #tpu.memory_space<vmem>>
          %dma_wait3A_214 = arith.constant 0 : i32
          %dma_wait3A_215 = arith.constant 0 : i32
          %dma_wait3A_216 = tpu.memref_slice %arg11[%dma_wait3A_214, %dma_wait3A_215] : memref<10000x64xf32, #tpu.memory_space<vmem_shared>> -> memref<10000x64xf32, #tpu.memory_space<vmem_shared>>
          tpu.wait_indirect_dma semaphore(%run_scoped3A_196 : memref<!tpu.dma_semaphore, #tpu.memory_space<semaphore_mem>>) src(%dma_wait3A_210 : memref<125x64xf32, #tpu.memory_space<vmem>>) dst(%dma_wait3A_216 : memref<10000x64xf32, #tpu.memory_space<vmem_shared>>)
          tpu.yield
        }) : () -> ()
        %add3A_189 = arith.constant 5 : i32
        %add3A_190 = arith.addi %add3A_176, %add3A_189 : i32
        %lt3A_191 = arith.constant 160 : i32
        %lt3A_192 = arith.cmpi slt, %add3A_190, %lt3A_191 : i32
        %convert_element_type3A_193 = arith.extui %lt3A_192 : i1 to i32
        %cond3A_194 = arith.constant 0 : i32
        %cond3A_195 = arith.cmpi ne, %convert_element_type3A_193, %cond3A_194 : i32
        scf.if %cond3A_195 {
          %dma_start3A_196 = arith.constant 4 : i32
          %dma_start3A_197 = arith.constant 0 : i32
          %dma_start3A_198 = arith.constant 0 : i32
          %dma_start3A_199 = tpu.memref_slice %arg10[%dma_start3A_196, %dma_start3A_197, %dma_start3A_198] : memref<5x125x64xf32, #tpu.memory_space<vmem>> -> memref<1x125x64xf32, #tpu.memory_space<vmem>>
          %dma_start3A_200 = tpu.memref_squeeze %dma_start3A_199 : memref<1x125x64xf32, #tpu.memory_space<vmem>> -> memref<125x64xf32, #tpu.memory_space<vmem>>
          %dma_start3A_201 = arith.constant 0 : i32
          %dma_start3A_202 = tpu.memref_slice %arg8[%add3A_190, %dma_start3A_201] : memref<160x125xi32, #tpu.memory_space<vmem>> -> memref<1x125xi32, #tpu.memory_space<vmem>>
          %dma_start3A_203 = tpu.memref_squeeze %dma_start3A_202 : memref<1x125xi32, #tpu.memory_space<vmem>> -> memref<125xi32, #tpu.memory_space<vmem>>
          %dma_start3A_204 = arith.constant 0 : i32
          %dma_start3A_205 = arith.constant 0 : i32
          %dma_start3A_206 = tpu.memref_slice %arg2[%dma_start3A_204, %dma_start3A_205] : memref<10000x64xf32, #tpu.memory_space<hbm>> -> memref<10000x64xf32, #tpu.memory_space<hbm>>
          tpu.enqueue_indirect_dma source(%dma_start3A_206 : memref<10000x64xf32, #tpu.memory_space<hbm>>) target(%dma_start3A_200 : memref<125x64xf32, #tpu.memory_space<vmem>>) offsets(%dma_start3A_203 : memref<125xi32, #tpu.memory_space<vmem>>) semaphore(%arg16 : memref<!tpu.dma_semaphore, #tpu.memory_space<semaphore_mem>>)
        } else {
        }
      }
      %scan3A_89 = arith.constant 32 : i32
    } else {
    }
    %eq3A_11 = arith.constant 1 : i32
    %eq3A_12 = arith.cmpi eq, %arg0, %eq3A_11 : i32
    %convert_element_type3A_13 = arith.extui %eq3A_12 : i1 to i32
    %cond3A_14 = arith.constant 0 : i32
    %cond3A_15 = arith.cmpi ne, %convert_element_type3A_13, %cond3A_14 : i32
    scf.if %cond3A_15 {
      %dma_start3A = arith.constant 0 : i32
      %dma_start3A_27 = arith.constant 0 : i32
      %dma_start3A_28 = arith.constant 0 : i32
      %dma_start3A_29 = arith.constant 0 : i32
      %dma_start3A_30 = tpu.memref_slice %arg10[%dma_start3A_27, %dma_start3A_28, %dma_start3A_29] : memref<5x125x64xf32, #tpu.memory_space<vmem>> -> memref<1x125x64xf32, #tpu.memory_space<vmem>>
      %dma_start3A_31 = tpu.memref_squeeze %dma_start3A_30 : memref<1x125x64xf32, #tpu.memory_space<vmem>> -> memref<125x64xf32, #tpu.memory_space<vmem>>
      %dma_start3A_32 = arith.constant 0 : i32
      %dma_start3A_33 = tpu.memref_slice %arg8[%dma_start3A, %dma_start3A_32] : memref<160x125xi32, #tpu.memory_space<vmem>> -> memref<1x125xi32, #tpu.memory_space<vmem>>
      %dma_start3A_34 = tpu.memref_squeeze %dma_start3A_33 : memref<1x125xi32, #tpu.memory_space<vmem>> -> memref<125xi32, #tpu.memory_space<vmem>>
      %dma_start3A_35 = arith.constant 0 : i32
      %dma_start3A_36 = arith.constant 0 : i32
      %dma_start3A_37 = tpu.memref_slice %arg3[%dma_start3A_35, %dma_start3A_36] : memref<10000x64xf32, #tpu.memory_space<hbm>> -> memref<10000x64xf32, #tpu.memory_space<hbm>>
      tpu.enqueue_indirect_dma source(%dma_start3A_37 : memref<10000x64xf32, #tpu.memory_space<hbm>>) target(%dma_start3A_31 : memref<125x64xf32, #tpu.memory_space<vmem>>) offsets(%dma_start3A_34 : memref<125xi32, #tpu.memory_space<vmem>>) semaphore(%arg12 : memref<!tpu.dma_semaphore, #tpu.memory_space<semaphore_mem>>)
      %dma_start3A_38 = arith.constant 1 : i32
      %dma_start3A_39 = arith.constant 1 : i32
      %dma_start3A_40 = arith.constant 0 : i32
      %dma_start3A_41 = arith.constant 0 : i32
      %dma_start3A_42 = tpu.memref_slice %arg10[%dma_start3A_39, %dma_start3A_40, %dma_start3A_41] : memref<5x125x64xf32, #tpu.memory_space<vmem>> -> memref<1x125x64xf32, #tpu.memory_space<vmem>>
      %dma_start3A_43 = tpu.memref_squeeze %dma_start3A_42 : memref<1x125x64xf32, #tpu.memory_space<vmem>> -> memref<125x64xf32, #tpu.memory_space<vmem>>
      %dma_start3A_44 = arith.constant 0 : i32
      %dma_start3A_45 = tpu.memref_slice %arg8[%dma_start3A_38, %dma_start3A_44] : memref<160x125xi32, #tpu.memory_space<vmem>> -> memref<1x125xi32, #tpu.memory_space<vmem>>
      %dma_start3A_46 = tpu.memref_squeeze %dma_start3A_45 : memref<1x125xi32, #tpu.memory_space<vmem>> -> memref<125xi32, #tpu.memory_space<vmem>>
      %dma_start3A_47 = arith.constant 0 : i32
      %dma_start3A_48 = arith.constant 0 : i32
      %dma_start3A_49 = tpu.memref_slice %arg3[%dma_start3A_47, %dma_start3A_48] : memref<10000x64xf32, #tpu.memory_space<hbm>> -> memref<10000x64xf32, #tpu.memory_space<hbm>>
      tpu.enqueue_indirect_dma source(%dma_start3A_49 : memref<10000x64xf32, #tpu.memory_space<hbm>>) target(%dma_start3A_43 : memref<125x64xf32, #tpu.memory_space<vmem>>) offsets(%dma_start3A_46 : memref<125xi32, #tpu.memory_space<vmem>>) semaphore(%arg13 : memref<!tpu.dma_semaphore, #tpu.memory_space<semaphore_mem>>)
      %dma_start3A_50 = arith.constant 2 : i32
      %dma_start3A_51 = arith.constant 2 : i32
      %dma_start3A_52 = arith.constant 0 : i32
      %dma_start3A_53 = arith.constant 0 : i32
      %dma_start3A_54 = tpu.memref_slice %arg10[%dma_start3A_51, %dma_start3A_52, %dma_start3A_53] : memref<5x125x64xf32, #tpu.memory_space<vmem>> -> memref<1x125x64xf32, #tpu.memory_space<vmem>>
      %dma_start3A_55 = tpu.memref_squeeze %dma_start3A_54 : memref<1x125x64xf32, #tpu.memory_space<vmem>> -> memref<125x64xf32, #tpu.memory_space<vmem>>
      %dma_start3A_56 = arith.constant 0 : i32
      %dma_start3A_57 = tpu.memref_slice %arg8[%dma_start3A_50, %dma_start3A_56] : memref<160x125xi32, #tpu.memory_space<vmem>> -> memref<1x125xi32, #tpu.memory_space<vmem>>
      %dma_start3A_58 = tpu.memref_squeeze %dma_start3A_57 : memref<1x125xi32, #tpu.memory_space<vmem>> -> memref<125xi32, #tpu.memory_space<vmem>>
      %dma_start3A_59 = arith.constant 0 : i32
      %dma_start3A_60 = arith.constant 0 : i32
      %dma_start3A_61 = tpu.memref_slice %arg3[%dma_start3A_59, %dma_start3A_60] : memref<10000x64xf32, #tpu.memory_space<hbm>> -> memref<10000x64xf32, #tpu.memory_space<hbm>>
      tpu.enqueue_indirect_dma source(%dma_start3A_61 : memref<10000x64xf32, #tpu.memory_space<hbm>>) target(%dma_start3A_55 : memref<125x64xf32, #tpu.memory_space<vmem>>) offsets(%dma_start3A_58 : memref<125xi32, #tpu.memory_space<vmem>>) semaphore(%arg14 : memref<!tpu.dma_semaphore, #tpu.memory_space<semaphore_mem>>)
      %dma_start3A_62 = arith.constant 3 : i32
      %dma_start3A_63 = arith.constant 3 : i32
      %dma_start3A_64 = arith.constant 0 : i32
      %dma_start3A_65 = arith.constant 0 : i32
      %dma_start3A_66 = tpu.memref_slice %arg10[%dma_start3A_63, %dma_start3A_64, %dma_start3A_65] : memref<5x125x64xf32, #tpu.memory_space<vmem>> -> memref<1x125x64xf32, #tpu.memory_space<vmem>>
      %dma_start3A_67 = tpu.memref_squeeze %dma_start3A_66 : memref<1x125x64xf32, #tpu.memory_space<vmem>> -> memref<125x64xf32, #tpu.memory_space<vmem>>
      %dma_start3A_68 = arith.constant 0 : i32
      %dma_start3A_69 = tpu.memref_slice %arg8[%dma_start3A_62, %dma_start3A_68] : memref<160x125xi32, #tpu.memory_space<vmem>> -> memref<1x125xi32, #tpu.memory_space<vmem>>
      %dma_start3A_70 = tpu.memref_squeeze %dma_start3A_69 : memref<1x125xi32, #tpu.memory_space<vmem>> -> memref<125xi32, #tpu.memory_space<vmem>>
      %dma_start3A_71 = arith.constant 0 : i32
      %dma_start3A_72 = arith.constant 0 : i32
      %dma_start3A_73 = tpu.memref_slice %arg3[%dma_start3A_71, %dma_start3A_72] : memref<10000x64xf32, #tpu.memory_space<hbm>> -> memref<10000x64xf32, #tpu.memory_space<hbm>>
      tpu.enqueue_indirect_dma source(%dma_start3A_73 : memref<10000x64xf32, #tpu.memory_space<hbm>>) target(%dma_start3A_67 : memref<125x64xf32, #tpu.memory_space<vmem>>) offsets(%dma_start3A_70 : memref<125xi32, #tpu.memory_space<vmem>>) semaphore(%arg15 : memref<!tpu.dma_semaphore, #tpu.memory_space<semaphore_mem>>)
      %dma_start3A_74 = arith.constant 4 : i32
      %dma_start3A_75 = arith.constant 4 : i32
      %dma_start3A_76 = arith.constant 0 : i32
      %dma_start3A_77 = arith.constant 0 : i32
      %dma_start3A_78 = tpu.memref_slice %arg10[%dma_start3A_75, %dma_start3A_76, %dma_start3A_77] : memref<5x125x64xf32, #tpu.memory_space<vmem>> -> memref<1x125x64xf32, #tpu.memory_space<vmem>>
      %dma_start3A_79 = tpu.memref_squeeze %dma_start3A_78 : memref<1x125x64xf32, #tpu.memory_space<vmem>> -> memref<125x64xf32, #tpu.memory_space<vmem>>
      %dma_start3A_80 = arith.constant 0 : i32
      %dma_start3A_81 = tpu.memref_slice %arg8[%dma_start3A_74, %dma_start3A_80] : memref<160x125xi32, #tpu.memory_space<vmem>> -> memref<1x125xi32, #tpu.memory_space<vmem>>
      %dma_start3A_82 = tpu.memref_squeeze %dma_start3A_81 : memref<1x125xi32, #tpu.memory_space<vmem>> -> memref<125xi32, #tpu.memory_space<vmem>>
      %dma_start3A_83 = arith.constant 0 : i32
      %dma_start3A_84 = arith.constant 0 : i32
      %dma_start3A_85 = tpu.memref_slice %arg3[%dma_start3A_83, %dma_start3A_84] : memref<10000x64xf32, #tpu.memory_space<hbm>> -> memref<10000x64xf32, #tpu.memory_space<hbm>>
      tpu.enqueue_indirect_dma source(%dma_start3A_85 : memref<10000x64xf32, #tpu.memory_space<hbm>>) target(%dma_start3A_79 : memref<125x64xf32, #tpu.memory_space<vmem>>) offsets(%dma_start3A_82 : memref<125xi32, #tpu.memory_space<vmem>>) semaphore(%arg16 : memref<!tpu.dma_semaphore, #tpu.memory_space<semaphore_mem>>)
      %scan3A = arith.constant 0 : i32
      %scan3A_86 = arith.constant 32 : i32
      %scan3A_87 = arith.addi %scan3A, %scan3A_86 : i32
      %scan3A_88 = arith.constant 1 : i32
      scf.for %scan3A_90 = %scan3A to %scan3A_87 step %scan3A_88  : i32 {
        %mul3A = arith.constant 5 : i32
        %mul3A_91 = arith.muli %scan3A_90, %mul3A : i32
        %add3A = arith.constant 0 : i32
        %add3A_92 = arith.addi %add3A, %mul3A_91 : i32
        %add3A_93 = arith.constant 0 : i32
        %add3A_94 = arith.addi %add3A_92, %add3A_93 : i32
        %dma_wait3A = arith.constant 0 : i32
        %dma_wait3A_95 = arith.constant 0 : i32
        %dma_wait3A_96 = arith.constant 0 : i32
        %dma_wait3A_97 = tpu.memref_slice %arg10[%dma_wait3A, %dma_wait3A_95, %dma_wait3A_96] : memref<5x125x64xf32, #tpu.memory_space<vmem>> -> memref<1x125x64xf32, #tpu.memory_space<vmem>>
        %dma_wait3A_98 = tpu.memref_squeeze %dma_wait3A_97 : memref<1x125x64xf32, #tpu.memory_space<vmem>> -> memref<125x64xf32, #tpu.memory_space<vmem>>
        %dma_wait3A_99 = arith.constant 0 : i32
        %dma_wait3A_100 = tpu.memref_slice %arg8[%add3A_94, %dma_wait3A_99] : memref<160x125xi32, #tpu.memory_space<vmem>> -> memref<1x125xi32, #tpu.memory_space<vmem>>
        %dma_wait3A_101 = tpu.memref_squeeze %dma_wait3A_100 : memref<1x125xi32, #tpu.memory_space<vmem>> -> memref<125xi32, #tpu.memory_space<vmem>>
        %dma_wait3A_102 = arith.constant 0 : i32
        %dma_wait3A_103 = arith.constant 0 : i32
        %dma_wait3A_104 = tpu.memref_slice %arg3[%dma_wait3A_102, %dma_wait3A_103] : memref<10000x64xf32, #tpu.memory_space<hbm>> -> memref<10000x64xf32, #tpu.memory_space<hbm>>
        tpu.wait_indirect_dma semaphore(%arg12 : memref<!tpu.dma_semaphore, #tpu.memory_space<semaphore_mem>>) src(%dma_wait3A_104 : memref<10000x64xf32, #tpu.memory_space<hbm>>) dst(%dma_wait3A_98 : memref<125x64xf32, #tpu.memory_space<vmem>>)
        %run_scoped3A = arith.constant 0 : i32
        "tpu.region"() ({
          %run_scoped3A_196 = tpu.sem_alloc : memref<!tpu.dma_semaphore, #tpu.memory_space<semaphore_mem>>
          %dma_start3A_197 = arith.constant 0 : i32
          %dma_start3A_198 = arith.constant 0 : i32
          %dma_start3A_199 = tpu.memref_slice %arg10[%run_scoped3A, %dma_start3A_197, %dma_start3A_198] : memref<5x125x64xf32, #tpu.memory_space<vmem>> -> memref<1x125x64xf32, #tpu.memory_space<vmem>>
          %dma_start3A_200 = tpu.memref_squeeze %dma_start3A_199 : memref<1x125x64xf32, #tpu.memory_space<vmem>> -> memref<125x64xf32, #tpu.memory_space<vmem>>
          %dma_start3A_201 = arith.constant 0 : i32
          %dma_start3A_202 = tpu.memref_slice %arg9[%add3A_94, %dma_start3A_201] : memref<160x125xi32, #tpu.memory_space<vmem>> -> memref<1x125xi32, #tpu.memory_space<vmem>>
          %dma_start3A_203 = tpu.memref_squeeze %dma_start3A_202 : memref<1x125xi32, #tpu.memory_space<vmem>> -> memref<125xi32, #tpu.memory_space<vmem>>
          %dma_start3A_204 = arith.constant 0 : i32
          %dma_start3A_205 = arith.constant 0 : i32
          %dma_start3A_206 = tpu.memref_slice %arg11[%dma_start3A_204, %dma_start3A_205] : memref<10000x64xf32, #tpu.memory_space<vmem_shared>> -> memref<10000x64xf32, #tpu.memory_space<vmem_shared>>
          tpu.enqueue_indirect_dma source(%dma_start3A_200 : memref<125x64xf32, #tpu.memory_space<vmem>>) target(%dma_start3A_206 : memref<10000x64xf32, #tpu.memory_space<vmem_shared>>) offsets(%dma_start3A_203 : memref<125xi32, #tpu.memory_space<vmem>>) semaphore(%run_scoped3A_196 : memref<!tpu.dma_semaphore, #tpu.memory_space<semaphore_mem>>) {add = true}
          %dma_wait3A_207 = arith.constant 0 : i32
          %dma_wait3A_208 = arith.constant 0 : i32
          %dma_wait3A_209 = tpu.memref_slice %arg10[%run_scoped3A, %dma_wait3A_207, %dma_wait3A_208] : memref<5x125x64xf32, #tpu.memory_space<vmem>> -> memref<1x125x64xf32, #tpu.memory_space<vmem>>
          %dma_wait3A_210 = tpu.memref_squeeze %dma_wait3A_209 : memref<1x125x64xf32, #tpu.memory_space<vmem>> -> memref<125x64xf32, #tpu.memory_space<vmem>>
          %dma_wait3A_211 = arith.constant 0 : i32
          %dma_wait3A_212 = tpu.memref_slice %arg9[%add3A_94, %dma_wait3A_211] : memref<160x125xi32, #tpu.memory_space<vmem>> -> memref<1x125xi32, #tpu.memory_space<vmem>>
          %dma_wait3A_213 = tpu.memref_squeeze %dma_wait3A_212 : memref<1x125xi32, #tpu.memory_space<vmem>> -> memref<125xi32, #tpu.memory_space<vmem>>
          %dma_wait3A_214 = arith.constant 0 : i32
          %dma_wait3A_215 = arith.constant 0 : i32
          %dma_wait3A_216 = tpu.memref_slice %arg11[%dma_wait3A_214, %dma_wait3A_215] : memref<10000x64xf32, #tpu.memory_space<vmem_shared>> -> memref<10000x64xf32, #tpu.memory_space<vmem_shared>>
          tpu.wait_indirect_dma semaphore(%run_scoped3A_196 : memref<!tpu.dma_semaphore, #tpu.memory_space<semaphore_mem>>) src(%dma_wait3A_210 : memref<125x64xf32, #tpu.memory_space<vmem>>) dst(%dma_wait3A_216 : memref<10000x64xf32, #tpu.memory_space<vmem_shared>>)
          tpu.yield
        }) : () -> ()
        %add3A_105 = arith.constant 5 : i32
        %add3A_106 = arith.addi %add3A_94, %add3A_105 : i32
        %lt3A_107 = arith.constant 160 : i32
        %lt3A_108 = arith.cmpi slt, %add3A_106, %lt3A_107 : i32
        %convert_element_type3A_109 = arith.extui %lt3A_108 : i1 to i32
        %cond3A_110 = arith.constant 0 : i32
        %cond3A_111 = arith.cmpi ne, %convert_element_type3A_109, %cond3A_110 : i32
        scf.if %cond3A_111 {
          %dma_start3A_196 = arith.constant 0 : i32
          %dma_start3A_197 = arith.constant 0 : i32
          %dma_start3A_198 = arith.constant 0 : i32
          %dma_start3A_199 = tpu.memref_slice %arg10[%dma_start3A_196, %dma_start3A_197, %dma_start3A_198] : memref<5x125x64xf32, #tpu.memory_space<vmem>> -> memref<1x125x64xf32, #tpu.memory_space<vmem>>
          %dma_start3A_200 = tpu.memref_squeeze %dma_start3A_199 : memref<1x125x64xf32, #tpu.memory_space<vmem>> -> memref<125x64xf32, #tpu.memory_space<vmem>>
          %dma_start3A_201 = arith.constant 0 : i32
          %dma_start3A_202 = tpu.memref_slice %arg8[%add3A_106, %dma_start3A_201] : memref<160x125xi32, #tpu.memory_space<vmem>> -> memref<1x125xi32, #tpu.memory_space<vmem>>
          %dma_start3A_203 = tpu.memref_squeeze %dma_start3A_202 : memref<1x125xi32, #tpu.memory_space<vmem>> -> memref<125xi32, #tpu.memory_space<vmem>>
          %dma_start3A_204 = arith.constant 0 : i32
          %dma_start3A_205 = arith.constant 0 : i32
          %dma_start3A_206 = tpu.memref_slice %arg3[%dma_start3A_204, %dma_start3A_205] : memref<10000x64xf32, #tpu.memory_space<hbm>> -> memref<10000x64xf32, #tpu.memory_space<hbm>>
          tpu.enqueue_indirect_dma source(%dma_start3A_206 : memref<10000x64xf32, #tpu.memory_space<hbm>>) target(%dma_start3A_200 : memref<125x64xf32, #tpu.memory_space<vmem>>) offsets(%dma_start3A_203 : memref<125xi32, #tpu.memory_space<vmem>>) semaphore(%arg12 : memref<!tpu.dma_semaphore, #tpu.memory_space<semaphore_mem>>)
        } else {
        }
        %add3A_112 = arith.constant 1 : i32
        %add3A_113 = arith.addi %add3A_92, %add3A_112 : i32
        %dma_wait3A_114 = arith.constant 1 : i32
        %dma_wait3A_115 = arith.constant 0 : i32
        %dma_wait3A_116 = arith.constant 0 : i32
        %dma_wait3A_117 = tpu.memref_slice %arg10[%dma_wait3A_114, %dma_wait3A_115, %dma_wait3A_116] : memref<5x125x64xf32, #tpu.memory_space<vmem>> -> memref<1x125x64xf32, #tpu.memory_space<vmem>>
        %dma_wait3A_118 = tpu.memref_squeeze %dma_wait3A_117 : memref<1x125x64xf32, #tpu.memory_space<vmem>> -> memref<125x64xf32, #tpu.memory_space<vmem>>
        %dma_wait3A_119 = arith.constant 0 : i32
        %dma_wait3A_120 = tpu.memref_slice %arg8[%add3A_113, %dma_wait3A_119] : memref<160x125xi32, #tpu.memory_space<vmem>> -> memref<1x125xi32, #tpu.memory_space<vmem>>
        %dma_wait3A_121 = tpu.memref_squeeze %dma_wait3A_120 : memref<1x125xi32, #tpu.memory_space<vmem>> -> memref<125xi32, #tpu.memory_space<vmem>>
        %dma_wait3A_122 = arith.constant 0 : i32
        %dma_wait3A_123 = arith.constant 0 : i32
        %dma_wait3A_124 = tpu.memref_slice %arg3[%dma_wait3A_122, %dma_wait3A_123] : memref<10000x64xf32, #tpu.memory_space<hbm>> -> memref<10000x64xf32, #tpu.memory_space<hbm>>
        tpu.wait_indirect_dma semaphore(%arg13 : memref<!tpu.dma_semaphore, #tpu.memory_space<semaphore_mem>>) src(%dma_wait3A_124 : memref<10000x64xf32, #tpu.memory_space<hbm>>) dst(%dma_wait3A_118 : memref<125x64xf32, #tpu.memory_space<vmem>>)
        %run_scoped3A_125 = arith.constant 1 : i32
        "tpu.region"() ({
          %run_scoped3A_196 = tpu.sem_alloc : memref<!tpu.dma_semaphore, #tpu.memory_space<semaphore_mem>>
          %dma_start3A_197 = arith.constant 0 : i32
          %dma_start3A_198 = arith.constant 0 : i32
          %dma_start3A_199 = tpu.memref_slice %arg10[%run_scoped3A_125, %dma_start3A_197, %dma_start3A_198] : memref<5x125x64xf32, #tpu.memory_space<vmem>> -> memref<1x125x64xf32, #tpu.memory_space<vmem>>
          %dma_start3A_200 = tpu.memref_squeeze %dma_start3A_199 : memref<1x125x64xf32, #tpu.memory_space<vmem>> -> memref<125x64xf32, #tpu.memory_space<vmem>>
          %dma_start3A_201 = arith.constant 0 : i32
          %dma_start3A_202 = tpu.memref_slice %arg9[%add3A_113, %dma_start3A_201] : memref<160x125xi32, #tpu.memory_space<vmem>> -> memref<1x125xi32, #tpu.memory_space<vmem>>
          %dma_start3A_203 = tpu.memref_squeeze %dma_start3A_202 : memref<1x125xi32, #tpu.memory_space<vmem>> -> memref<125xi32, #tpu.memory_space<vmem>>
          %dma_start3A_204 = arith.constant 0 : i32
          %dma_start3A_205 = arith.constant 0 : i32
          %dma_start3A_206 = tpu.memref_slice %arg11[%dma_start3A_204, %dma_start3A_205] : memref<10000x64xf32, #tpu.memory_space<vmem_shared>> -> memref<10000x64xf32, #tpu.memory_space<vmem_shared>>
          tpu.enqueue_indirect_dma source(%dma_start3A_200 : memref<125x64xf32, #tpu.memory_space<vmem>>) target(%dma_start3A_206 : memref<10000x64xf32, #tpu.memory_space<vmem_shared>>) offsets(%dma_start3A_203 : memref<125xi32, #tpu.memory_space<vmem>>) semaphore(%run_scoped3A_196 : memref<!tpu.dma_semaphore, #tpu.memory_space<semaphore_mem>>) {add = true}
          %dma_wait3A_207 = arith.constant 0 : i32
          %dma_wait3A_208 = arith.constant 0 : i32
          %dma_wait3A_209 = tpu.memref_slice %arg10[%run_scoped3A_125, %dma_wait3A_207, %dma_wait3A_208] : memref<5x125x64xf32, #tpu.memory_space<vmem>> -> memref<1x125x64xf32, #tpu.memory_space<vmem>>
          %dma_wait3A_210 = tpu.memref_squeeze %dma_wait3A_209 : memref<1x125x64xf32, #tpu.memory_space<vmem>> -> memref<125x64xf32, #tpu.memory_space<vmem>>
          %dma_wait3A_211 = arith.constant 0 : i32
          %dma_wait3A_212 = tpu.memref_slice %arg9[%add3A_113, %dma_wait3A_211] : memref<160x125xi32, #tpu.memory_space<vmem>> -> memref<1x125xi32, #tpu.memory_space<vmem>>
          %dma_wait3A_213 = tpu.memref_squeeze %dma_wait3A_212 : memref<1x125xi32, #tpu.memory_space<vmem>> -> memref<125xi32, #tpu.memory_space<vmem>>
          %dma_wait3A_214 = arith.constant 0 : i32
          %dma_wait3A_215 = arith.constant 0 : i32
          %dma_wait3A_216 = tpu.memref_slice %arg11[%dma_wait3A_214, %dma_wait3A_215] : memref<10000x64xf32, #tpu.memory_space<vmem_shared>> -> memref<10000x64xf32, #tpu.memory_space<vmem_shared>>
          tpu.wait_indirect_dma semaphore(%run_scoped3A_196 : memref<!tpu.dma_semaphore, #tpu.memory_space<semaphore_mem>>) src(%dma_wait3A_210 : memref<125x64xf32, #tpu.memory_space<vmem>>) dst(%dma_wait3A_216 : memref<10000x64xf32, #tpu.memory_space<vmem_shared>>)
          tpu.yield
        }) : () -> ()
        %add3A_126 = arith.constant 5 : i32
        %add3A_127 = arith.addi %add3A_113, %add3A_126 : i32
        %lt3A_128 = arith.constant 160 : i32
        %lt3A_129 = arith.cmpi slt, %add3A_127, %lt3A_128 : i32
        %convert_element_type3A_130 = arith.extui %lt3A_129 : i1 to i32
        %cond3A_131 = arith.constant 0 : i32
        %cond3A_132 = arith.cmpi ne, %convert_element_type3A_130, %cond3A_131 : i32
        scf.if %cond3A_132 {
          %dma_start3A_196 = arith.constant 1 : i32
          %dma_start3A_197 = arith.constant 0 : i32
          %dma_start3A_198 = arith.constant 0 : i32
          %dma_start3A_199 = tpu.memref_slice %arg10[%dma_start3A_196, %dma_start3A_197, %dma_start3A_198] : memref<5x125x64xf32, #tpu.memory_space<vmem>> -> memref<1x125x64xf32, #tpu.memory_space<vmem>>
          %dma_start3A_200 = tpu.memref_squeeze %dma_start3A_199 : memref<1x125x64xf32, #tpu.memory_space<vmem>> -> memref<125x64xf32, #tpu.memory_space<vmem>>
          %dma_start3A_201 = arith.constant 0 : i32
          %dma_start3A_202 = tpu.memref_slice %arg8[%add3A_127, %dma_start3A_201] : memref<160x125xi32, #tpu.memory_space<vmem>> -> memref<1x125xi32, #tpu.memory_space<vmem>>
          %dma_start3A_203 = tpu.memref_squeeze %dma_start3A_202 : memref<1x125xi32, #tpu.memory_space<vmem>> -> memref<125xi32, #tpu.memory_space<vmem>>
          %dma_start3A_204 = arith.constant 0 : i32
          %dma_start3A_205 = arith.constant 0 : i32
          %dma_start3A_206 = tpu.memref_slice %arg3[%dma_start3A_204, %dma_start3A_205] : memref<10000x64xf32, #tpu.memory_space<hbm>> -> memref<10000x64xf32, #tpu.memory_space<hbm>>
          tpu.enqueue_indirect_dma source(%dma_start3A_206 : memref<10000x64xf32, #tpu.memory_space<hbm>>) target(%dma_start3A_200 : memref<125x64xf32, #tpu.memory_space<vmem>>) offsets(%dma_start3A_203 : memref<125xi32, #tpu.memory_space<vmem>>) semaphore(%arg13 : memref<!tpu.dma_semaphore, #tpu.memory_space<semaphore_mem>>)
        } else {
        }
        %add3A_133 = arith.constant 2 : i32
        %add3A_134 = arith.addi %add3A_92, %add3A_133 : i32
        %dma_wait3A_135 = arith.constant 2 : i32
        %dma_wait3A_136 = arith.constant 0 : i32
        %dma_wait3A_137 = arith.constant 0 : i32
        %dma_wait3A_138 = tpu.memref_slice %arg10[%dma_wait3A_135, %dma_wait3A_136, %dma_wait3A_137] : memref<5x125x64xf32, #tpu.memory_space<vmem>> -> memref<1x125x64xf32, #tpu.memory_space<vmem>>
        %dma_wait3A_139 = tpu.memref_squeeze %dma_wait3A_138 : memref<1x125x64xf32, #tpu.memory_space<vmem>> -> memref<125x64xf32, #tpu.memory_space<vmem>>
        %dma_wait3A_140 = arith.constant 0 : i32
        %dma_wait3A_141 = tpu.memref_slice %arg8[%add3A_134, %dma_wait3A_140] : memref<160x125xi32, #tpu.memory_space<vmem>> -> memref<1x125xi32, #tpu.memory_space<vmem>>
        %dma_wait3A_142 = tpu.memref_squeeze %dma_wait3A_141 : memref<1x125xi32, #tpu.memory_space<vmem>> -> memref<125xi32, #tpu.memory_space<vmem>>
        %dma_wait3A_143 = arith.constant 0 : i32
        %dma_wait3A_144 = arith.constant 0 : i32
        %dma_wait3A_145 = tpu.memref_slice %arg3[%dma_wait3A_143, %dma_wait3A_144] : memref<10000x64xf32, #tpu.memory_space<hbm>> -> memref<10000x64xf32, #tpu.memory_space<hbm>>
        tpu.wait_indirect_dma semaphore(%arg14 : memref<!tpu.dma_semaphore, #tpu.memory_space<semaphore_mem>>) src(%dma_wait3A_145 : memref<10000x64xf32, #tpu.memory_space<hbm>>) dst(%dma_wait3A_139 : memref<125x64xf32, #tpu.memory_space<vmem>>)
        %run_scoped3A_146 = arith.constant 2 : i32
        "tpu.region"() ({
          %run_scoped3A_196 = tpu.sem_alloc : memref<!tpu.dma_semaphore, #tpu.memory_space<semaphore_mem>>
          %dma_start3A_197 = arith.constant 0 : i32
          %dma_start3A_198 = arith.constant 0 : i32
          %dma_start3A_199 = tpu.memref_slice %arg10[%run_scoped3A_146, %dma_start3A_197, %dma_start3A_198] : memref<5x125x64xf32, #tpu.memory_space<vmem>> -> memref<1x125x64xf32, #tpu.memory_space<vmem>>
          %dma_start3A_200 = tpu.memref_squeeze %dma_start3A_199 : memref<1x125x64xf32, #tpu.memory_space<vmem>> -> memref<125x64xf32, #tpu.memory_space<vmem>>
          %dma_start3A_201 = arith.constant 0 : i32
          %dma_start3A_202 = tpu.memref_slice %arg9[%add3A_134, %dma_start3A_201] : memref<160x125xi32, #tpu.memory_space<vmem>> -> memref<1x125xi32, #tpu.memory_space<vmem>>
          %dma_start3A_203 = tpu.memref_squeeze %dma_start3A_202 : memref<1x125xi32, #tpu.memory_space<vmem>> -> memref<125xi32, #tpu.memory_space<vmem>>
          %dma_start3A_204 = arith.constant 0 : i32
          %dma_start3A_205 = arith.constant 0 : i32
          %dma_start3A_206 = tpu.memref_slice %arg11[%dma_start3A_204, %dma_start3A_205] : memref<10000x64xf32, #tpu.memory_space<vmem_shared>> -> memref<10000x64xf32, #tpu.memory_space<vmem_shared>>
          tpu.enqueue_indirect_dma source(%dma_start3A_200 : memref<125x64xf32, #tpu.memory_space<vmem>>) target(%dma_start3A_206 : memref<10000x64xf32, #tpu.memory_space<vmem_shared>>) offsets(%dma_start3A_203 : memref<125xi32, #tpu.memory_space<vmem>>) semaphore(%run_scoped3A_196 : memref<!tpu.dma_semaphore, #tpu.memory_space<semaphore_mem>>) {add = true}
          %dma_wait3A_207 = arith.constant 0 : i32
          %dma_wait3A_208 = arith.constant 0 : i32
          %dma_wait3A_209 = tpu.memref_slice %arg10[%run_scoped3A_146, %dma_wait3A_207, %dma_wait3A_208] : memref<5x125x64xf32, #tpu.memory_space<vmem>> -> memref<1x125x64xf32, #tpu.memory_space<vmem>>
          %dma_wait3A_210 = tpu.memref_squeeze %dma_wait3A_209 : memref<1x125x64xf32, #tpu.memory_space<vmem>> -> memref<125x64xf32, #tpu.memory_space<vmem>>
          %dma_wait3A_211 = arith.constant 0 : i32
          %dma_wait3A_212 = tpu.memref_slice %arg9[%add3A_134, %dma_wait3A_211] : memref<160x125xi32, #tpu.memory_space<vmem>> -> memref<1x125xi32, #tpu.memory_space<vmem>>
          %dma_wait3A_213 = tpu.memref_squeeze %dma_wait3A_212 : memref<1x125xi32, #tpu.memory_space<vmem>> -> memref<125xi32, #tpu.memory_space<vmem>>
          %dma_wait3A_214 = arith.constant 0 : i32
          %dma_wait3A_215 = arith.constant 0 : i32
          %dma_wait3A_216 = tpu.memref_slice %arg11[%dma_wait3A_214, %dma_wait3A_215] : memref<10000x64xf32, #tpu.memory_space<vmem_shared>> -> memref<10000x64xf32, #tpu.memory_space<vmem_shared>>
          tpu.wait_indirect_dma semaphore(%run_scoped3A_196 : memref<!tpu.dma_semaphore, #tpu.memory_space<semaphore_mem>>) src(%dma_wait3A_210 : memref<125x64xf32, #tpu.memory_space<vmem>>) dst(%dma_wait3A_216 : memref<10000x64xf32, #tpu.memory_space<vmem_shared>>)
          tpu.yield
        }) : () -> ()
        %add3A_147 = arith.constant 5 : i32
        %add3A_148 = arith.addi %add3A_134, %add3A_147 : i32
        %lt3A_149 = arith.constant 160 : i32
        %lt3A_150 = arith.cmpi slt, %add3A_148, %lt3A_149 : i32
        %convert_element_type3A_151 = arith.extui %lt3A_150 : i1 to i32
        %cond3A_152 = arith.constant 0 : i32
        %cond3A_153 = arith.cmpi ne, %convert_element_type3A_151, %cond3A_152 : i32
        scf.if %cond3A_153 {
          %dma_start3A_196 = arith.constant 2 : i32
          %dma_start3A_197 = arith.constant 0 : i32
          %dma_start3A_198 = arith.constant 0 : i32
          %dma_start3A_199 = tpu.memref_slice %arg10[%dma_start3A_196, %dma_start3A_197, %dma_start3A_198] : memref<5x125x64xf32, #tpu.memory_space<vmem>> -> memref<1x125x64xf32, #tpu.memory_space<vmem>>
          %dma_start3A_200 = tpu.memref_squeeze %dma_start3A_199 : memref<1x125x64xf32, #tpu.memory_space<vmem>> -> memref<125x64xf32, #tpu.memory_space<vmem>>
          %dma_start3A_201 = arith.constant 0 : i32
          %dma_start3A_202 = tpu.memref_slice %arg8[%add3A_148, %dma_start3A_201] : memref<160x125xi32, #tpu.memory_space<vmem>> -> memref<1x125xi32, #tpu.memory_space<vmem>>
          %dma_start3A_203 = tpu.memref_squeeze %dma_start3A_202 : memref<1x125xi32, #tpu.memory_space<vmem>> -> memref<125xi32, #tpu.memory_space<vmem>>
          %dma_start3A_204 = arith.constant 0 : i32
          %dma_start3A_205 = arith.constant 0 : i32
          %dma_start3A_206 = tpu.memref_slice %arg3[%dma_start3A_204, %dma_start3A_205] : memref<10000x64xf32, #tpu.memory_space<hbm>> -> memref<10000x64xf32, #tpu.memory_space<hbm>>
          tpu.enqueue_indirect_dma source(%dma_start3A_206 : memref<10000x64xf32, #tpu.memory_space<hbm>>) target(%dma_start3A_200 : memref<125x64xf32, #tpu.memory_space<vmem>>) offsets(%dma_start3A_203 : memref<125xi32, #tpu.memory_space<vmem>>) semaphore(%arg14 : memref<!tpu.dma_semaphore, #tpu.memory_space<semaphore_mem>>)
        } else {
        }
        %add3A_154 = arith.constant 3 : i32
        %add3A_155 = arith.addi %add3A_92, %add3A_154 : i32
        %dma_wait3A_156 = arith.constant 3 : i32
        %dma_wait3A_157 = arith.constant 0 : i32
        %dma_wait3A_158 = arith.constant 0 : i32
        %dma_wait3A_159 = tpu.memref_slice %arg10[%dma_wait3A_156, %dma_wait3A_157, %dma_wait3A_158] : memref<5x125x64xf32, #tpu.memory_space<vmem>> -> memref<1x125x64xf32, #tpu.memory_space<vmem>>
        %dma_wait3A_160 = tpu.memref_squeeze %dma_wait3A_159 : memref<1x125x64xf32, #tpu.memory_space<vmem>> -> memref<125x64xf32, #tpu.memory_space<vmem>>
        %dma_wait3A_161 = arith.constant 0 : i32
        %dma_wait3A_162 = tpu.memref_slice %arg8[%add3A_155, %dma_wait3A_161] : memref<160x125xi32, #tpu.memory_space<vmem>> -> memref<1x125xi32, #tpu.memory_space<vmem>>
        %dma_wait3A_163 = tpu.memref_squeeze %dma_wait3A_162 : memref<1x125xi32, #tpu.memory_space<vmem>> -> memref<125xi32, #tpu.memory_space<vmem>>
        %dma_wait3A_164 = arith.constant 0 : i32
        %dma_wait3A_165 = arith.constant 0 : i32
        %dma_wait3A_166 = tpu.memref_slice %arg3[%dma_wait3A_164, %dma_wait3A_165] : memref<10000x64xf32, #tpu.memory_space<hbm>> -> memref<10000x64xf32, #tpu.memory_space<hbm>>
        tpu.wait_indirect_dma semaphore(%arg15 : memref<!tpu.dma_semaphore, #tpu.memory_space<semaphore_mem>>) src(%dma_wait3A_166 : memref<10000x64xf32, #tpu.memory_space<hbm>>) dst(%dma_wait3A_160 : memref<125x64xf32, #tpu.memory_space<vmem>>)
        %run_scoped3A_167 = arith.constant 3 : i32
        "tpu.region"() ({
          %run_scoped3A_196 = tpu.sem_alloc : memref<!tpu.dma_semaphore, #tpu.memory_space<semaphore_mem>>
          %dma_start3A_197 = arith.constant 0 : i32
          %dma_start3A_198 = arith.constant 0 : i32
          %dma_start3A_199 = tpu.memref_slice %arg10[%run_scoped3A_167, %dma_start3A_197, %dma_start3A_198] : memref<5x125x64xf32, #tpu.memory_space<vmem>> -> memref<1x125x64xf32, #tpu.memory_space<vmem>>
          %dma_start3A_200 = tpu.memref_squeeze %dma_start3A_199 : memref<1x125x64xf32, #tpu.memory_space<vmem>> -> memref<125x64xf32, #tpu.memory_space<vmem>>
          %dma_start3A_201 = arith.constant 0 : i32
          %dma_start3A_202 = tpu.memref_slice %arg9[%add3A_155, %dma_start3A_201] : memref<160x125xi32, #tpu.memory_space<vmem>> -> memref<1x125xi32, #tpu.memory_space<vmem>>
          %dma_start3A_203 = tpu.memref_squeeze %dma_start3A_202 : memref<1x125xi32, #tpu.memory_space<vmem>> -> memref<125xi32, #tpu.memory_space<vmem>>
          %dma_start3A_204 = arith.constant 0 : i32
          %dma_start3A_205 = arith.constant 0 : i32
          %dma_start3A_206 = tpu.memref_slice %arg11[%dma_start3A_204, %dma_start3A_205] : memref<10000x64xf32, #tpu.memory_space<vmem_shared>> -> memref<10000x64xf32, #tpu.memory_space<vmem_shared>>
          tpu.enqueue_indirect_dma source(%dma_start3A_200 : memref<125x64xf32, #tpu.memory_space<vmem>>) target(%dma_start3A_206 : memref<10000x64xf32, #tpu.memory_space<vmem_shared>>) offsets(%dma_start3A_203 : memref<125xi32, #tpu.memory_space<vmem>>) semaphore(%run_scoped3A_196 : memref<!tpu.dma_semaphore, #tpu.memory_space<semaphore_mem>>) {add = true}
          %dma_wait3A_207 = arith.constant 0 : i32
          %dma_wait3A_208 = arith.constant 0 : i32
          %dma_wait3A_209 = tpu.memref_slice %arg10[%run_scoped3A_167, %dma_wait3A_207, %dma_wait3A_208] : memref<5x125x64xf32, #tpu.memory_space<vmem>> -> memref<1x125x64xf32, #tpu.memory_space<vmem>>
          %dma_wait3A_210 = tpu.memref_squeeze %dma_wait3A_209 : memref<1x125x64xf32, #tpu.memory_space<vmem>> -> memref<125x64xf32, #tpu.memory_space<vmem>>
          %dma_wait3A_211 = arith.constant 0 : i32
          %dma_wait3A_212 = tpu.memref_slice %arg9[%add3A_155, %dma_wait3A_211] : memref<160x125xi32, #tpu.memory_space<vmem>> -> memref<1x125xi32, #tpu.memory_space<vmem>>
          %dma_wait3A_213 = tpu.memref_squeeze %dma_wait3A_212 : memref<1x125xi32, #tpu.memory_space<vmem>> -> memref<125xi32, #tpu.memory_space<vmem>>
          %dma_wait3A_214 = arith.constant 0 : i32
          %dma_wait3A_215 = arith.constant 0 : i32
          %dma_wait3A_216 = tpu.memref_slice %arg11[%dma_wait3A_214, %dma_wait3A_215] : memref<10000x64xf32, #tpu.memory_space<vmem_shared>> -> memref<10000x64xf32, #tpu.memory_space<vmem_shared>>
          tpu.wait_indirect_dma semaphore(%run_scoped3A_196 : memref<!tpu.dma_semaphore, #tpu.memory_space<semaphore_mem>>) src(%dma_wait3A_210 : memref<125x64xf32, #tpu.memory_space<vmem>>) dst(%dma_wait3A_216 : memref<10000x64xf32, #tpu.memory_space<vmem_shared>>)
          tpu.yield
        }) : () -> ()
        %add3A_168 = arith.constant 5 : i32
        %add3A_169 = arith.addi %add3A_155, %add3A_168 : i32
        %lt3A_170 = arith.constant 160 : i32
        %lt3A_171 = arith.cmpi slt, %add3A_169, %lt3A_170 : i32
        %convert_element_type3A_172 = arith.extui %lt3A_171 : i1 to i32
        %cond3A_173 = arith.constant 0 : i32
        %cond3A_174 = arith.cmpi ne, %convert_element_type3A_172, %cond3A_173 : i32
        scf.if %cond3A_174 {
          %dma_start3A_196 = arith.constant 3 : i32
          %dma_start3A_197 = arith.constant 0 : i32
          %dma_start3A_198 = arith.constant 0 : i32
          %dma_start3A_199 = tpu.memref_slice %arg10[%dma_start3A_196, %dma_start3A_197, %dma_start3A_198] : memref<5x125x64xf32, #tpu.memory_space<vmem>> -> memref<1x125x64xf32, #tpu.memory_space<vmem>>
          %dma_start3A_200 = tpu.memref_squeeze %dma_start3A_199 : memref<1x125x64xf32, #tpu.memory_space<vmem>> -> memref<125x64xf32, #tpu.memory_space<vmem>>
          %dma_start3A_201 = arith.constant 0 : i32
          %dma_start3A_202 = tpu.memref_slice %arg8[%add3A_169, %dma_start3A_201] : memref<160x125xi32, #tpu.memory_space<vmem>> -> memref<1x125xi32, #tpu.memory_space<vmem>>
          %dma_start3A_203 = tpu.memref_squeeze %dma_start3A_202 : memref<1x125xi32, #tpu.memory_space<vmem>> -> memref<125xi32, #tpu.memory_space<vmem>>
          %dma_start3A_204 = arith.constant 0 : i32
          %dma_start3A_205 = arith.constant 0 : i32
          %dma_start3A_206 = tpu.memref_slice %arg3[%dma_start3A_204, %dma_start3A_205] : memref<10000x64xf32, #tpu.memory_space<hbm>> -> memref<10000x64xf32, #tpu.memory_space<hbm>>
          tpu.enqueue_indirect_dma source(%dma_start3A_206 : memref<10000x64xf32, #tpu.memory_space<hbm>>) target(%dma_start3A_200 : memref<125x64xf32, #tpu.memory_space<vmem>>) offsets(%dma_start3A_203 : memref<125xi32, #tpu.memory_space<vmem>>) semaphore(%arg15 : memref<!tpu.dma_semaphore, #tpu.memory_space<semaphore_mem>>)
        } else {
        }
        %add3A_175 = arith.constant 4 : i32
        %add3A_176 = arith.addi %add3A_92, %add3A_175 : i32
        %dma_wait3A_177 = arith.constant 4 : i32
        %dma_wait3A_178 = arith.constant 0 : i32
        %dma_wait3A_179 = arith.constant 0 : i32
        %dma_wait3A_180 = tpu.memref_slice %arg10[%dma_wait3A_177, %dma_wait3A_178, %dma_wait3A_179] : memref<5x125x64xf32, #tpu.memory_space<vmem>> -> memref<1x125x64xf32, #tpu.memory_space<vmem>>
        %dma_wait3A_181 = tpu.memref_squeeze %dma_wait3A_180 : memref<1x125x64xf32, #tpu.memory_space<vmem>> -> memref<125x64xf32, #tpu.memory_space<vmem>>
        %dma_wait3A_182 = arith.constant 0 : i32
        %dma_wait3A_183 = tpu.memref_slice %arg8[%add3A_176, %dma_wait3A_182] : memref<160x125xi32, #tpu.memory_space<vmem>> -> memref<1x125xi32, #tpu.memory_space<vmem>>
        %dma_wait3A_184 = tpu.memref_squeeze %dma_wait3A_183 : memref<1x125xi32, #tpu.memory_space<vmem>> -> memref<125xi32, #tpu.memory_space<vmem>>
        %dma_wait3A_185 = arith.constant 0 : i32
        %dma_wait3A_186 = arith.constant 0 : i32
        %dma_wait3A_187 = tpu.memref_slice %arg3[%dma_wait3A_185, %dma_wait3A_186] : memref<10000x64xf32, #tpu.memory_space<hbm>> -> memref<10000x64xf32, #tpu.memory_space<hbm>>
        tpu.wait_indirect_dma semaphore(%arg16 : memref<!tpu.dma_semaphore, #tpu.memory_space<semaphore_mem>>) src(%dma_wait3A_187 : memref<10000x64xf32, #tpu.memory_space<hbm>>) dst(%dma_wait3A_181 : memref<125x64xf32, #tpu.memory_space<vmem>>)
        %run_scoped3A_188 = arith.constant 4 : i32
        "tpu.region"() ({
          %run_scoped3A_196 = tpu.sem_alloc : memref<!tpu.dma_semaphore, #tpu.memory_space<semaphore_mem>>
          %dma_start3A_197 = arith.constant 0 : i32
          %dma_start3A_198 = arith.constant 0 : i32
          %dma_start3A_199 = tpu.memref_slice %arg10[%run_scoped3A_188, %dma_start3A_197, %dma_start3A_198] : memref<5x125x64xf32, #tpu.memory_space<vmem>> -> memref<1x125x64xf32, #tpu.memory_space<vmem>>
          %dma_start3A_200 = tpu.memref_squeeze %dma_start3A_199 : memref<1x125x64xf32, #tpu.memory_space<vmem>> -> memref<125x64xf32, #tpu.memory_space<vmem>>
          %dma_start3A_201 = arith.constant 0 : i32
          %dma_start3A_202 = tpu.memref_slice %arg9[%add3A_176, %dma_start3A_201] : memref<160x125xi32, #tpu.memory_space<vmem>> -> memref<1x125xi32, #tpu.memory_space<vmem>>
          %dma_start3A_203 = tpu.memref_squeeze %dma_start3A_202 : memref<1x125xi32, #tpu.memory_space<vmem>> -> memref<125xi32, #tpu.memory_space<vmem>>
          %dma_start3A_204 = arith.constant 0 : i32
          %dma_start3A_205 = arith.constant 0 : i32
          %dma_start3A_206 = tpu.memref_slice %arg11[%dma_start3A_204, %dma_start3A_205] : memref<10000x64xf32, #tpu.memory_space<vmem_shared>> -> memref<10000x64xf32, #tpu.memory_space<vmem_shared>>
          tpu.enqueue_indirect_dma source(%dma_start3A_200 : memref<125x64xf32, #tpu.memory_space<vmem>>) target(%dma_start3A_206 : memref<10000x64xf32, #tpu.memory_space<vmem_shared>>) offsets(%dma_start3A_203 : memref<125xi32, #tpu.memory_space<vmem>>) semaphore(%run_scoped3A_196 : memref<!tpu.dma_semaphore, #tpu.memory_space<semaphore_mem>>) {add = true}
          %dma_wait3A_207 = arith.constant 0 : i32
          %dma_wait3A_208 = arith.constant 0 : i32
          %dma_wait3A_209 = tpu.memref_slice %arg10[%run_scoped3A_188, %dma_wait3A_207, %dma_wait3A_208] : memref<5x125x64xf32, #tpu.memory_space<vmem>> -> memref<1x125x64xf32, #tpu.memory_space<vmem>>
          %dma_wait3A_210 = tpu.memref_squeeze %dma_wait3A_209 : memref<1x125x64xf32, #tpu.memory_space<vmem>> -> memref<125x64xf32, #tpu.memory_space<vmem>>
          %dma_wait3A_211 = arith.constant 0 : i32
          %dma_wait3A_212 = tpu.memref_slice %arg9[%add3A_176, %dma_wait3A_211] : memref<160x125xi32, #tpu.memory_space<vmem>> -> memref<1x125xi32, #tpu.memory_space<vmem>>
          %dma_wait3A_213 = tpu.memref_squeeze %dma_wait3A_212 : memref<1x125xi32, #tpu.memory_space<vmem>> -> memref<125xi32, #tpu.memory_space<vmem>>
          %dma_wait3A_214 = arith.constant 0 : i32
          %dma_wait3A_215 = arith.constant 0 : i32
          %dma_wait3A_216 = tpu.memref_slice %arg11[%dma_wait3A_214, %dma_wait3A_215] : memref<10000x64xf32, #tpu.memory_space<vmem_shared>> -> memref<10000x64xf32, #tpu.memory_space<vmem_shared>>
          tpu.wait_indirect_dma semaphore(%run_scoped3A_196 : memref<!tpu.dma_semaphore, #tpu.memory_space<semaphore_mem>>) src(%dma_wait3A_210 : memref<125x64xf32, #tpu.memory_space<vmem>>) dst(%dma_wait3A_216 : memref<10000x64xf32, #tpu.memory_space<vmem_shared>>)
          tpu.yield
        }) : () -> ()
        %add3A_189 = arith.constant 5 : i32
        %add3A_190 = arith.addi %add3A_176, %add3A_189 : i32
        %lt3A_191 = arith.constant 160 : i32
        %lt3A_192 = arith.cmpi slt, %add3A_190, %lt3A_191 : i32
        %convert_element_type3A_193 = arith.extui %lt3A_192 : i1 to i32
        %cond3A_194 = arith.constant 0 : i32
        %cond3A_195 = arith.cmpi ne, %convert_element_type3A_193, %cond3A_194 : i32
        scf.if %cond3A_195 {
          %dma_start3A_196 = arith.constant 4 : i32
          %dma_start3A_197 = arith.constant 0 : i32
          %dma_start3A_198 = arith.constant 0 : i32
          %dma_start3A_199 = tpu.memref_slice %arg10[%dma_start3A_196, %dma_start3A_197, %dma_start3A_198] : memref<5x125x64xf32, #tpu.memory_space<vmem>> -> memref<1x125x64xf32, #tpu.memory_space<vmem>>
          %dma_start3A_200 = tpu.memref_squeeze %dma_start3A_199 : memref<1x125x64xf32, #tpu.memory_space<vmem>> -> memref<125x64xf32, #tpu.memory_space<vmem>>
          %dma_start3A_201 = arith.constant 0 : i32
          %dma_start3A_202 = tpu.memref_slice %arg8[%add3A_190, %dma_start3A_201] : memref<160x125xi32, #tpu.memory_space<vmem>> -> memref<1x125xi32, #tpu.memory_space<vmem>>
          %dma_start3A_203 = tpu.memref_squeeze %dma_start3A_202 : memref<1x125xi32, #tpu.memory_space<vmem>> -> memref<125xi32, #tpu.memory_space<vmem>>
          %dma_start3A_204 = arith.constant 0 : i32
          %dma_start3A_205 = arith.constant 0 : i32
          %dma_start3A_206 = tpu.memref_slice %arg3[%dma_start3A_204, %dma_start3A_205] : memref<10000x64xf32, #tpu.memory_space<hbm>> -> memref<10000x64xf32, #tpu.memory_space<hbm>>
          tpu.enqueue_indirect_dma source(%dma_start3A_206 : memref<10000x64xf32, #tpu.memory_space<hbm>>) target(%dma_start3A_200 : memref<125x64xf32, #tpu.memory_space<vmem>>) offsets(%dma_start3A_203 : memref<125xi32, #tpu.memory_space<vmem>>) semaphore(%arg16 : memref<!tpu.dma_semaphore, #tpu.memory_space<semaphore_mem>>)
        } else {
        }
      }
      %scan3A_89 = arith.constant 32 : i32
    } else {
    }
    %barrier3A_16 = arith.constant 0 : index
    tpu.barrier barrier_id(%barrier3A_16)
    %lt3A_17 = arith.constant 15 : i32
    %lt3A_18 = arith.cmpi slt, %arg1, %lt3A_17 : i32
    %convert_element_type3A_19 = arith.extui %lt3A_18 : i1 to i32
    %cond3A_20 = arith.constant 0 : i32
    %cond3A_21 = arith.cmpi ne, %convert_element_type3A_19, %cond3A_20 : i32
    scf.if %cond3A_21 {
      %mul3A = arith.constant 624 : i32
      %mul3A_27 = arith.muli %arg1, %mul3A : i32
      "tpu.region"() ({
        %run_scoped3A = tpu.sem_alloc : memref<!tpu.dma_semaphore, #tpu.memory_space<semaphore_mem>>
        %dma_start3A = arith.constant 0 : i32
        %dma_start3A_28 = tpu.memref_slice %arg7[%arg0, %mul3A_27, %dma_start3A] : memref<2x10000x64xf32, #tpu.memory_space<hbm>> -> memref<1x624x64xf32, #tpu.memory_space<hbm>>
        %dma_start3A_29 = tpu.memref_squeeze %dma_start3A_28 : memref<1x624x64xf32, #tpu.memory_space<hbm>> -> memref<624x64xf32, #tpu.memory_space<hbm>>
        %dma_start3A_30 = arith.constant 0 : i32
        %dma_start3A_31 = tpu.memref_slice %arg11[%mul3A_27, %dma_start3A_30] : memref<10000x64xf32, #tpu.memory_space<vmem_shared>> -> memref<624x64xf32, #tpu.memory_space<vmem_shared>>
        tpu.enqueue_dma source(%dma_start3A_31 : memref<624x64xf32, #tpu.memory_space<vmem_shared>>) target(%dma_start3A_29 : memref<624x64xf32, #tpu.memory_space<hbm>>) target_semaphore(%run_scoped3A : memref<!tpu.dma_semaphore, #tpu.memory_space<semaphore_mem>>)
        %dma_wait3A = arith.constant 0 : i32
        %dma_wait3A_32 = tpu.memref_slice %arg7[%arg0, %mul3A_27, %dma_wait3A] : memref<2x10000x64xf32, #tpu.memory_space<hbm>> -> memref<1x624x64xf32, #tpu.memory_space<hbm>>
        %dma_wait3A_33 = tpu.memref_squeeze %dma_wait3A_32 : memref<1x624x64xf32, #tpu.memory_space<hbm>> -> memref<624x64xf32, #tpu.memory_space<hbm>>
        %dma_wait3A_34 = arith.constant 0 : i32
        %dma_wait3A_35 = tpu.memref_slice %arg11[%mul3A_27, %dma_wait3A_34] : memref<10000x64xf32, #tpu.memory_space<vmem_shared>> -> memref<624x64xf32, #tpu.memory_space<vmem_shared>>
        tpu.wait_dma2 semaphore(%run_scoped3A : memref<!tpu.dma_semaphore, #tpu.memory_space<semaphore_mem>>) src(%dma_wait3A_35 : memref<624x64xf32, #tpu.memory_space<vmem_shared>>) dst(%dma_wait3A_33 : memref<624x64xf32, #tpu.memory_space<hbm>>)
        tpu.yield
      }) : () -> ()
    } else {
    }
    %eq3A_22 = arith.constant 15 : i32
    %eq3A_23 = arith.cmpi eq, %arg1, %eq3A_22 : i32
    %convert_element_type3A_24 = arith.extui %eq3A_23 : i1 to i32
    %cond3A_25 = arith.constant 0 : i32
    %cond3A_26 = arith.cmpi ne, %convert_element_type3A_24, %cond3A_25 : i32
    scf.if %cond3A_26 {
      "tpu.region"() ({
        %run_scoped3A = tpu.sem_alloc : memref<!tpu.dma_semaphore, #tpu.memory_space<semaphore_mem>>
        %dma_start3A = arith.constant 9360 : i32
        %dma_start3A_27 = arith.constant 0 : i32
        %dma_start3A_28 = tpu.memref_slice %arg7[%arg0, %dma_start3A, %dma_start3A_27] : memref<2x10000x64xf32, #tpu.memory_space<hbm>> -> memref<1x640x64xf32, #tpu.memory_space<hbm>>
        %dma_start3A_29 = tpu.memref_squeeze %dma_start3A_28 : memref<1x640x64xf32, #tpu.memory_space<hbm>> -> memref<640x64xf32, #tpu.memory_space<hbm>>
        %dma_start3A_30 = arith.constant 9360 : i32
        %dma_start3A_31 = arith.constant 0 : i32
        %dma_start3A_32 = tpu.memref_slice %arg11[%dma_start3A_30, %dma_start3A_31] : memref<10000x64xf32, #tpu.memory_space<vmem_shared>> -> memref<640x64xf32, #tpu.memory_space<vmem_shared>>
        tpu.enqueue_dma source(%dma_start3A_32 : memref<640x64xf32, #tpu.memory_space<vmem_shared>>) target(%dma_start3A_29 : memref<640x64xf32, #tpu.memory_space<hbm>>) target_semaphore(%run_scoped3A : memref<!tpu.dma_semaphore, #tpu.memory_space<semaphore_mem>>)
        %dma_wait3A = arith.constant 9360 : i32
        %dma_wait3A_33 = arith.constant 0 : i32
        %dma_wait3A_34 = tpu.memref_slice %arg7[%arg0, %dma_wait3A, %dma_wait3A_33] : memref<2x10000x64xf32, #tpu.memory_space<hbm>> -> memref<1x640x64xf32, #tpu.memory_space<hbm>>
        %dma_wait3A_35 = tpu.memref_squeeze %dma_wait3A_34 : memref<1x640x64xf32, #tpu.memory_space<hbm>> -> memref<640x64xf32, #tpu.memory_space<hbm>>
        %dma_wait3A_36 = arith.constant 9360 : i32
        %dma_wait3A_37 = arith.constant 0 : i32
        %dma_wait3A_38 = tpu.memref_slice %arg11[%dma_wait3A_36, %dma_wait3A_37] : memref<10000x64xf32, #tpu.memory_space<vmem_shared>> -> memref<640x64xf32, #tpu.memory_space<vmem_shared>>
        tpu.wait_dma2 semaphore(%run_scoped3A : memref<!tpu.dma_semaphore, #tpu.memory_space<semaphore_mem>>) src(%dma_wait3A_38 : memref<640x64xf32, #tpu.memory_space<vmem_shared>>) dst(%dma_wait3A_35 : memref<640x64xf32, #tpu.memory_space<hbm>>)
        tpu.yield
      }) : () -> ()
    } else {
    }
    return
  }
}

#map = affine_map<(d0, d1) -> (0, 0)>
#map1 = affine_map<(d0, d1) -> (0, 0, 0)>
module attributes {stable_mosaic.version = 14 : i64} {
  func.func @k(%arg0: i32, %arg1: i32, %arg2: memref<10000x64xf32, #tpu.memory_space<hbm>>, %arg3: memref<10000x64xf32, #tpu.memory_space<hbm>>, %arg4: memref<16x160x125xi32, #tpu.memory_space<hbm>>, %arg5: memref<16x160x125xi32, #tpu.memory_space<hbm>>, %arg6: memref<10000x64xf32, #tpu.memory_space<hbm>>, %arg7: memref<2x10000x64xf32, #tpu.memory_space<hbm>>, %arg8: memref<160x125xi32, #tpu.memory_space<vmem>>, %arg9: memref<160x125xi32, #tpu.memory_space<vmem>>, %arg10: memref<5x125x64xf32, #tpu.memory_space<vmem>>, %arg11: memref<10000x64xf32, #tpu.memory_space<vmem_shared>>, %arg12: memref<!tpu.dma_semaphore, #tpu.memory_space<semaphore_mem>>, %arg13: memref<!tpu.dma_semaphore, #tpu.memory_space<semaphore_mem>>, %arg14: memref<!tpu.dma_semaphore, #tpu.memory_space<semaphore_mem>>, %arg15: memref<!tpu.dma_semaphore, #tpu.memory_space<semaphore_mem>>, %arg16: memref<!tpu.dma_semaphore, #tpu.memory_space<semaphore_mem>>) attributes {dimension_semantics = [#tpu.dimension_semantics<core_parallel>, #tpu.dimension_semantics<subcore_parallel>], iteration_bounds = array<i64: 2, 16>, scalar_prefetch = 0 : i64, scratch_operands = 9 : i64, tpu.core_type = #tpu.core_type<sc_vector_subcore>, window_params = [{transform_indices = #map}, {transform_indices = #map}, {transform_indices = #map1}, {transform_indices = #map1}, {transform_indices = #map}, {transform_indices = #map1}]} {
    "tpu.region"() ({
      %run_scoped3A = tpu.sem_alloc : memref<!tpu.dma_semaphore, #tpu.memory_space<semaphore_mem>>
      %dma_start3A = arith.constant 0 : i32
      %dma_start3A_27 = arith.constant 0 : i32
      %dma_start3A_28 = tpu.memref_slice %arg4[%arg1, %dma_start3A, %dma_start3A_27] : memref<16x160x125xi32, #tpu.memory_space<hbm>> -> memref<1x160x125xi32, #tpu.memory_space<hbm>>
      %dma_start3A_29 = tpu.memref_squeeze %dma_start3A_28 : memref<1x160x125xi32, #tpu.memory_space<hbm>> -> memref<160x125xi32, #tpu.memory_space<hbm>>
      %dma_start3A_30 = arith.constant 0 : i32
      %dma_start3A_31 = arith.constant 0 : i32
      %dma_start3A_32 = tpu.memref_slice %arg4[%arg1, %dma_start3A_30, %dma_start3A_31] : memref<16x160x125xi32, #tpu.memory_space<hbm>> -> memref<1x160x125xi32, #tpu.memory_space<hbm>>
      %dma_start3A_33 = tpu.memref_squeeze %dma_start3A_32 : memref<1x160x125xi32, #tpu.memory_space<hbm>> -> memref<160x125xi32, #tpu.memory_space<hbm>>
      tpu.enqueue_dma source(%dma_start3A_33 : memref<160x125xi32, #tpu.memory_space<hbm>>) target(%arg8 : memref<160x125xi32, #tpu.memory_space<vmem>>) target_semaphore(%run_scoped3A : memref<!tpu.dma_semaphore, #tpu.memory_space<semaphore_mem>>)
      %dma_wait3A = arith.constant 0 : i32
      %dma_wait3A_34 = arith.constant 0 : i32
      %dma_wait3A_35 = tpu.memref_slice %arg4[%arg1, %dma_wait3A, %dma_wait3A_34] : memref<16x160x125xi32, #tpu.memory_space<hbm>> -> memref<1x160x125xi32, #tpu.memory_space<hbm>>
      %dma_wait3A_36 = tpu.memref_squeeze %dma_wait3A_35 : memref<1x160x125xi32, #tpu.memory_space<hbm>> -> memref<160x125xi32, #tpu.memory_space<hbm>>
      %dma_wait3A_37 = arith.constant 0 : i32
      %dma_wait3A_38 = arith.constant 0 : i32
      %dma_wait3A_39 = tpu.memref_slice %arg4[%arg1, %dma_wait3A_37, %dma_wait3A_38] : memref<16x160x125xi32, #tpu.memory_space<hbm>> -> memref<1x160x125xi32, #tpu.memory_space<hbm>>
      %dma_wait3A_40 = tpu.memref_squeeze %dma_wait3A_39 : memref<1x160x125xi32, #tpu.memory_space<hbm>> -> memref<160x125xi32, #tpu.memory_space<hbm>>
      tpu.wait_dma2 semaphore(%run_scoped3A : memref<!tpu.dma_semaphore, #tpu.memory_space<semaphore_mem>>) src(%dma_wait3A_40 : memref<160x125xi32, #tpu.memory_space<hbm>>) dst(%arg8 : memref<160x125xi32, #tpu.memory_space<vmem>>)
      tpu.yield
    }) : () -> ()
    "tpu.region"() ({
      %run_scoped3A = tpu.sem_alloc : memref<!tpu.dma_semaphore, #tpu.memory_space<semaphore_mem>>
      %dma_start3A = arith.constant 0 : i32
      %dma_start3A_27 = arith.constant 0 : i32
      %dma_start3A_28 = tpu.memref_slice %arg5[%arg1, %dma_start3A, %dma_start3A_27] : memref<16x160x125xi32, #tpu.memory_space<hbm>> -> memref<1x160x125xi32, #tpu.memory_space<hbm>>
      %dma_start3A_29 = tpu.memref_squeeze %dma_start3A_28 : memref<1x160x125xi32, #tpu.memory_space<hbm>> -> memref<160x125xi32, #tpu.memory_space<hbm>>
      %dma_start3A_30 = arith.constant 0 : i32
      %dma_start3A_31 = arith.constant 0 : i32
      %dma_start3A_32 = tpu.memref_slice %arg5[%arg1, %dma_start3A_30, %dma_start3A_31] : memref<16x160x125xi32, #tpu.memory_space<hbm>> -> memref<1x160x125xi32, #tpu.memory_space<hbm>>
      %dma_start3A_33 = tpu.memref_squeeze %dma_start3A_32 : memref<1x160x125xi32, #tpu.memory_space<hbm>> -> memref<160x125xi32, #tpu.memory_space<hbm>>
      tpu.enqueue_dma source(%dma_start3A_33 : memref<160x125xi32, #tpu.memory_space<hbm>>) target(%arg9 : memref<160x125xi32, #tpu.memory_space<vmem>>) target_semaphore(%run_scoped3A : memref<!tpu.dma_semaphore, #tpu.memory_space<semaphore_mem>>)
      %dma_wait3A = arith.constant 0 : i32
      %dma_wait3A_34 = arith.constant 0 : i32
      %dma_wait3A_35 = tpu.memref_slice %arg5[%arg1, %dma_wait3A, %dma_wait3A_34] : memref<16x160x125xi32, #tpu.memory_space<hbm>> -> memref<1x160x125xi32, #tpu.memory_space<hbm>>
      %dma_wait3A_36 = tpu.memref_squeeze %dma_wait3A_35 : memref<1x160x125xi32, #tpu.memory_space<hbm>> -> memref<160x125xi32, #tpu.memory_space<hbm>>
      %dma_wait3A_37 = arith.constant 0 : i32
      %dma_wait3A_38 = arith.constant 0 : i32
      %dma_wait3A_39 = tpu.memref_slice %arg5[%arg1, %dma_wait3A_37, %dma_wait3A_38] : memref<16x160x125xi32, #tpu.memory_space<hbm>> -> memref<1x160x125xi32, #tpu.memory_space<hbm>>
      %dma_wait3A_40 = tpu.memref_squeeze %dma_wait3A_39 : memref<1x160x125xi32, #tpu.memory_space<hbm>> -> memref<160x125xi32, #tpu.memory_space<hbm>>
      tpu.wait_dma2 semaphore(%run_scoped3A : memref<!tpu.dma_semaphore, #tpu.memory_space<semaphore_mem>>) src(%dma_wait3A_40 : memref<160x125xi32, #tpu.memory_space<hbm>>) dst(%arg9 : memref<160x125xi32, #tpu.memory_space<vmem>>)
      tpu.yield
    }) : () -> ()
    %lt3A = arith.constant 15 : i32
    %lt3A_0 = arith.cmpi slt, %arg1, %lt3A : i32
    %convert_element_type3A = arith.extui %lt3A_0 : i1 to i32
    %cond3A = arith.constant 0 : i32
    %cond3A_1 = arith.cmpi ne, %convert_element_type3A, %cond3A : i32
    scf.if %cond3A_1 {
      %mul3A = arith.constant 624 : i32
      %mul3A_27 = arith.muli %arg1, %mul3A : i32
      "tpu.region"() ({
        %run_scoped3A = tpu.sem_alloc : memref<!tpu.dma_semaphore, #tpu.memory_space<semaphore_mem>>
        %dma_start3A = arith.constant 0 : i32
        %dma_start3A_28 = tpu.memref_slice %arg11[%mul3A_27, %dma_start3A] : memref<10000x64xf32, #tpu.memory_space<vmem_shared>> -> memref<624x64xf32, #tpu.memory_space<vmem_shared>>
        %dma_start3A_29 = arith.constant 0 : i32
        %dma_start3A_30 = tpu.memref_slice %arg6[%mul3A_27, %dma_start3A_29] : memref<10000x64xf32, #tpu.memory_space<hbm>> -> memref<624x64xf32, #tpu.memory_space<hbm>>
        tpu.enqueue_dma source(%dma_start3A_30 : memref<624x64xf32, #tpu.memory_space<hbm>>) target(%dma_start3A_28 : memref<624x64xf32, #tpu.memory_space<vmem_shared>>) target_semaphore(%run_scoped3A : memref<!tpu.dma_semaphore, #tpu.memory_space<semaphore_mem>>)
        %dma_wait3A = arith.constant 0 : i32
        %dma_wait3A_31 = tpu.memref_slice %arg11[%mul3A_27, %dma_wait3A] : memref<10000x64xf32, #tpu.memory_space<vmem_shared>> -> memref<624x64xf32, #tpu.memory_space<vmem_shared>>
        %dma_wait3A_32 = arith.constant 0 : i32
        %dma_wait3A_33 = tpu.memref_slice %arg6[%mul3A_27, %dma_wait3A_32] : memref<10000x64xf32, #tpu.memory_space<hbm>> -> memref<624x64xf32, #tpu.memory_space<hbm>>
        tpu.wait_dma2 semaphore(%run_scoped3A : memref<!tpu.dma_semaphore, #tpu.memory_space<semaphore_mem>>) src(%dma_wait3A_33 : memref<624x64xf32, #tpu.memory_space<hbm>>) dst(%dma_wait3A_31 : memref<624x64xf32, #tpu.memory_space<vmem_shared>>)
        tpu.yield
      }) : () -> ()
    } else {
    }
    %eq3A = arith.constant 15 : i32
    %eq3A_2 = arith.cmpi eq, %arg1, %eq3A : i32
    %convert_element_type3A_3 = arith.extui %eq3A_2 : i1 to i32
    %cond3A_4 = arith.constant 0 : i32
    %cond3A_5 = arith.cmpi ne, %convert_element_type3A_3, %cond3A_4 : i32
    scf.if %cond3A_5 {
      "tpu.region"() ({
        %run_scoped3A = tpu.sem_alloc : memref<!tpu.dma_semaphore, #tpu.memory_space<semaphore_mem>>
        %dma_start3A = arith.constant 9360 : i32
        %dma_start3A_27 = arith.constant 0 : i32
        %dma_start3A_28 = tpu.memref_slice %arg11[%dma_start3A, %dma_start3A_27] : memref<10000x64xf32, #tpu.memory_space<vmem_shared>> -> memref<640x64xf32, #tpu.memory_space<vmem_shared>>
        %dma_start3A_29 = arith.constant 9360 : i32
        %dma_start3A_30 = arith.constant 0 : i32
        %dma_start3A_31 = tpu.memref_slice %arg6[%dma_start3A_29, %dma_start3A_30] : memref<10000x64xf32, #tpu.memory_space<hbm>> -> memref<640x64xf32, #tpu.memory_space<hbm>>
        tpu.enqueue_dma source(%dma_start3A_31 : memref<640x64xf32, #tpu.memory_space<hbm>>) target(%dma_start3A_28 : memref<640x64xf32, #tpu.memory_space<vmem_shared>>) target_semaphore(%run_scoped3A : memref<!tpu.dma_semaphore, #tpu.memory_space<semaphore_mem>>)
        %dma_wait3A = arith.constant 9360 : i32
        %dma_wait3A_32 = arith.constant 0 : i32
        %dma_wait3A_33 = tpu.memref_slice %arg11[%dma_wait3A, %dma_wait3A_32] : memref<10000x64xf32, #tpu.memory_space<vmem_shared>> -> memref<640x64xf32, #tpu.memory_space<vmem_shared>>
        %dma_wait3A_34 = arith.constant 9360 : i32
        %dma_wait3A_35 = arith.constant 0 : i32
        %dma_wait3A_36 = tpu.memref_slice %arg6[%dma_wait3A_34, %dma_wait3A_35] : memref<10000x64xf32, #tpu.memory_space<hbm>> -> memref<640x64xf32, #tpu.memory_space<hbm>>
        tpu.wait_dma2 semaphore(%run_scoped3A : memref<!tpu.dma_semaphore, #tpu.memory_space<semaphore_mem>>) src(%dma_wait3A_36 : memref<640x64xf32, #tpu.memory_space<hbm>>) dst(%dma_wait3A_33 : memref<640x64xf32, #tpu.memory_space<vmem_shared>>)
        tpu.yield
      }) : () -> ()
    } else {
    }
    %barrier3A = arith.constant 0 : index
    tpu.barrier barrier_id(%barrier3A)
    %eq3A_6 = arith.constant 0 : i32
    %eq3A_7 = arith.cmpi eq, %arg0, %eq3A_6 : i32
    %convert_element_type3A_8 = arith.extui %eq3A_7 : i1 to i32
    %cond3A_9 = arith.constant 0 : i32
    %cond3A_10 = arith.cmpi ne, %convert_element_type3A_8, %cond3A_9 : i32
    scf.if %cond3A_10 {
      %dma_start3A = arith.constant 0 : i32
      %dma_start3A_27 = arith.constant 0 : i32
      %dma_start3A_28 = arith.constant 0 : i32
      %dma_start3A_29 = arith.constant 0 : i32
      %dma_start3A_30 = tpu.memref_slice %arg10[%dma_start3A_27, %dma_start3A_28, %dma_start3A_29] : memref<5x125x64xf32, #tpu.memory_space<vmem>> -> memref<1x125x64xf32, #tpu.memory_space<vmem>>
      %dma_start3A_31 = tpu.memref_squeeze %dma_start3A_30 : memref<1x125x64xf32, #tpu.memory_space<vmem>> -> memref<125x64xf32, #tpu.memory_space<vmem>>
      %dma_start3A_32 = arith.constant 0 : i32
      %dma_start3A_33 = tpu.memref_slice %arg8[%dma_start3A, %dma_start3A_32] : memref<160x125xi32, #tpu.memory_space<vmem>> -> memref<1x125xi32, #tpu.memory_space<vmem>>
      %dma_start3A_34 = tpu.memref_squeeze %dma_start3A_33 : memref<1x125xi32, #tpu.memory_space<vmem>> -> memref<125xi32, #tpu.memory_space<vmem>>
      %dma_start3A_35 = arith.constant 0 : i32
      %dma_start3A_36 = arith.constant 0 : i32
      %dma_start3A_37 = tpu.memref_slice %arg2[%dma_start3A_35, %dma_start3A_36] : memref<10000x64xf32, #tpu.memory_space<hbm>> -> memref<10000x64xf32, #tpu.memory_space<hbm>>
      tpu.enqueue_indirect_dma source(%dma_start3A_37 : memref<10000x64xf32, #tpu.memory_space<hbm>>) target(%dma_start3A_31 : memref<125x64xf32, #tpu.memory_space<vmem>>) offsets(%dma_start3A_34 : memref<125xi32, #tpu.memory_space<vmem>>) semaphore(%arg12 : memref<!tpu.dma_semaphore, #tpu.memory_space<semaphore_mem>>)
      %dma_start3A_38 = arith.constant 1 : i32
      %dma_start3A_39 = arith.constant 1 : i32
      %dma_start3A_40 = arith.constant 0 : i32
      %dma_start3A_41 = arith.constant 0 : i32
      %dma_start3A_42 = tpu.memref_slice %arg10[%dma_start3A_39, %dma_start3A_40, %dma_start3A_41] : memref<5x125x64xf32, #tpu.memory_space<vmem>> -> memref<1x125x64xf32, #tpu.memory_space<vmem>>
      %dma_start3A_43 = tpu.memref_squeeze %dma_start3A_42 : memref<1x125x64xf32, #tpu.memory_space<vmem>> -> memref<125x64xf32, #tpu.memory_space<vmem>>
      %dma_start3A_44 = arith.constant 0 : i32
      %dma_start3A_45 = tpu.memref_slice %arg8[%dma_start3A_38, %dma_start3A_44] : memref<160x125xi32, #tpu.memory_space<vmem>> -> memref<1x125xi32, #tpu.memory_space<vmem>>
      %dma_start3A_46 = tpu.memref_squeeze %dma_start3A_45 : memref<1x125xi32, #tpu.memory_space<vmem>> -> memref<125xi32, #tpu.memory_space<vmem>>
      %dma_start3A_47 = arith.constant 0 : i32
      %dma_start3A_48 = arith.constant 0 : i32
      %dma_start3A_49 = tpu.memref_slice %arg2[%dma_start3A_47, %dma_start3A_48] : memref<10000x64xf32, #tpu.memory_space<hbm>> -> memref<10000x64xf32, #tpu.memory_space<hbm>>
      tpu.enqueue_indirect_dma source(%dma_start3A_49 : memref<10000x64xf32, #tpu.memory_space<hbm>>) target(%dma_start3A_43 : memref<125x64xf32, #tpu.memory_space<vmem>>) offsets(%dma_start3A_46 : memref<125xi32, #tpu.memory_space<vmem>>) semaphore(%arg13 : memref<!tpu.dma_semaphore, #tpu.memory_space<semaphore_mem>>)
      %dma_start3A_50 = arith.constant 2 : i32
      %dma_start3A_51 = arith.constant 2 : i32
      %dma_start3A_52 = arith.constant 0 : i32
      %dma_start3A_53 = arith.constant 0 : i32
      %dma_start3A_54 = tpu.memref_slice %arg10[%dma_start3A_51, %dma_start3A_52, %dma_start3A_53] : memref<5x125x64xf32, #tpu.memory_space<vmem>> -> memref<1x125x64xf32, #tpu.memory_space<vmem>>
      %dma_start3A_55 = tpu.memref_squeeze %dma_start3A_54 : memref<1x125x64xf32, #tpu.memory_space<vmem>> -> memref<125x64xf32, #tpu.memory_space<vmem>>
      %dma_start3A_56 = arith.constant 0 : i32
      %dma_start3A_57 = tpu.memref_slice %arg8[%dma_start3A_50, %dma_start3A_56] : memref<160x125xi32, #tpu.memory_space<vmem>> -> memref<1x125xi32, #tpu.memory_space<vmem>>
      %dma_start3A_58 = tpu.memref_squeeze %dma_start3A_57 : memref<1x125xi32, #tpu.memory_space<vmem>> -> memref<125xi32, #tpu.memory_space<vmem>>
      %dma_start3A_59 = arith.constant 0 : i32
      %dma_start3A_60 = arith.constant 0 : i32
      %dma_start3A_61 = tpu.memref_slice %arg2[%dma_start3A_59, %dma_start3A_60] : memref<10000x64xf32, #tpu.memory_space<hbm>> -> memref<10000x64xf32, #tpu.memory_space<hbm>>
      tpu.enqueue_indirect_dma source(%dma_start3A_61 : memref<10000x64xf32, #tpu.memory_space<hbm>>) target(%dma_start3A_55 : memref<125x64xf32, #tpu.memory_space<vmem>>) offsets(%dma_start3A_58 : memref<125xi32, #tpu.memory_space<vmem>>) semaphore(%arg14 : memref<!tpu.dma_semaphore, #tpu.memory_space<semaphore_mem>>)
      %dma_start3A_62 = arith.constant 3 : i32
      %dma_start3A_63 = arith.constant 3 : i32
      %dma_start3A_64 = arith.constant 0 : i32
      %dma_start3A_65 = arith.constant 0 : i32
      %dma_start3A_66 = tpu.memref_slice %arg10[%dma_start3A_63, %dma_start3A_64, %dma_start3A_65] : memref<5x125x64xf32, #tpu.memory_space<vmem>> -> memref<1x125x64xf32, #tpu.memory_space<vmem>>
      %dma_start3A_67 = tpu.memref_squeeze %dma_start3A_66 : memref<1x125x64xf32, #tpu.memory_space<vmem>> -> memref<125x64xf32, #tpu.memory_space<vmem>>
      %dma_start3A_68 = arith.constant 0 : i32
      %dma_start3A_69 = tpu.memref_slice %arg8[%dma_start3A_62, %dma_start3A_68] : memref<160x125xi32, #tpu.memory_space<vmem>> -> memref<1x125xi32, #tpu.memory_space<vmem>>
      %dma_start3A_70 = tpu.memref_squeeze %dma_start3A_69 : memref<1x125xi32, #tpu.memory_space<vmem>> -> memref<125xi32, #tpu.memory_space<vmem>>
      %dma_start3A_71 = arith.constant 0 : i32
      %dma_start3A_72 = arith.constant 0 : i32
      %dma_start3A_73 = tpu.memref_slice %arg2[%dma_start3A_71, %dma_start3A_72] : memref<10000x64xf32, #tpu.memory_space<hbm>> -> memref<10000x64xf32, #tpu.memory_space<hbm>>
      tpu.enqueue_indirect_dma source(%dma_start3A_73 : memref<10000x64xf32, #tpu.memory_space<hbm>>) target(%dma_start3A_67 : memref<125x64xf32, #tpu.memory_space<vmem>>) offsets(%dma_start3A_70 : memref<125xi32, #tpu.memory_space<vmem>>) semaphore(%arg15 : memref<!tpu.dma_semaphore, #tpu.memory_space<semaphore_mem>>)
      %dma_start3A_74 = arith.constant 4 : i32
      %dma_start3A_75 = arith.constant 4 : i32
      %dma_start3A_76 = arith.constant 0 : i32
      %dma_start3A_77 = arith.constant 0 : i32
      %dma_start3A_78 = tpu.memref_slice %arg10[%dma_start3A_75, %dma_start3A_76, %dma_start3A_77] : memref<5x125x64xf32, #tpu.memory_space<vmem>> -> memref<1x125x64xf32, #tpu.memory_space<vmem>>
      %dma_start3A_79 = tpu.memref_squeeze %dma_start3A_78 : memref<1x125x64xf32, #tpu.memory_space<vmem>> -> memref<125x64xf32, #tpu.memory_space<vmem>>
      %dma_start3A_80 = arith.constant 0 : i32
      %dma_start3A_81 = tpu.memref_slice %arg8[%dma_start3A_74, %dma_start3A_80] : memref<160x125xi32, #tpu.memory_space<vmem>> -> memref<1x125xi32, #tpu.memory_space<vmem>>
      %dma_start3A_82 = tpu.memref_squeeze %dma_start3A_81 : memref<1x125xi32, #tpu.memory_space<vmem>> -> memref<125xi32, #tpu.memory_space<vmem>>
      %dma_start3A_83 = arith.constant 0 : i32
      %dma_start3A_84 = arith.constant 0 : i32
      %dma_start3A_85 = tpu.memref_slice %arg2[%dma_start3A_83, %dma_start3A_84] : memref<10000x64xf32, #tpu.memory_space<hbm>> -> memref<10000x64xf32, #tpu.memory_space<hbm>>
      tpu.enqueue_indirect_dma source(%dma_start3A_85 : memref<10000x64xf32, #tpu.memory_space<hbm>>) target(%dma_start3A_79 : memref<125x64xf32, #tpu.memory_space<vmem>>) offsets(%dma_start3A_82 : memref<125xi32, #tpu.memory_space<vmem>>) semaphore(%arg16 : memref<!tpu.dma_semaphore, #tpu.memory_space<semaphore_mem>>)
      %scan3A = arith.constant 0 : i32
      %scan3A_86 = arith.constant 32 : i32
      %scan3A_87 = arith.addi %scan3A, %scan3A_86 : i32
      %scan3A_88 = arith.constant 1 : i32
      scf.for %scan3A_90 = %scan3A to %scan3A_87 step %scan3A_88  : i32 {
        %mul3A = arith.constant 5 : i32
        %mul3A_91 = arith.muli %scan3A_90, %mul3A : i32
        %add3A = arith.constant 0 : i32
        %add3A_92 = arith.addi %add3A, %mul3A_91 : i32
        %add3A_93 = arith.constant 0 : i32
        %add3A_94 = arith.addi %add3A_92, %add3A_93 : i32
        %dma_wait3A = arith.constant 0 : i32
        %dma_wait3A_95 = arith.constant 0 : i32
        %dma_wait3A_96 = arith.constant 0 : i32
        %dma_wait3A_97 = tpu.memref_slice %arg10[%dma_wait3A, %dma_wait3A_95, %dma_wait3A_96] : memref<5x125x64xf32, #tpu.memory_space<vmem>> -> memref<1x125x64xf32, #tpu.memory_space<vmem>>
        %dma_wait3A_98 = tpu.memref_squeeze %dma_wait3A_97 : memref<1x125x64xf32, #tpu.memory_space<vmem>> -> memref<125x64xf32, #tpu.memory_space<vmem>>
        %dma_wait3A_99 = arith.constant 0 : i32
        %dma_wait3A_100 = tpu.memref_slice %arg8[%add3A_94, %dma_wait3A_99] : memref<160x125xi32, #tpu.memory_space<vmem>> -> memref<1x125xi32, #tpu.memory_space<vmem>>
        %dma_wait3A_101 = tpu.memref_squeeze %dma_wait3A_100 : memref<1x125xi32, #tpu.memory_space<vmem>> -> memref<125xi32, #tpu.memory_space<vmem>>
        %dma_wait3A_102 = arith.constant 0 : i32
        %dma_wait3A_103 = arith.constant 0 : i32
        %dma_wait3A_104 = tpu.memref_slice %arg2[%dma_wait3A_102, %dma_wait3A_103] : memref<10000x64xf32, #tpu.memory_space<hbm>> -> memref<10000x64xf32, #tpu.memory_space<hbm>>
        tpu.wait_indirect_dma semaphore(%arg12 : memref<!tpu.dma_semaphore, #tpu.memory_space<semaphore_mem>>) src(%dma_wait3A_104 : memref<10000x64xf32, #tpu.memory_space<hbm>>) dst(%dma_wait3A_98 : memref<125x64xf32, #tpu.memory_space<vmem>>)
        %run_scoped3A = arith.constant 0 : i32
        "tpu.region"() ({
          %run_scoped3A_196 = tpu.sem_alloc : memref<!tpu.dma_semaphore, #tpu.memory_space<semaphore_mem>>
          %dma_start3A_197 = arith.constant 0 : i32
          %dma_start3A_198 = arith.constant 0 : i32
          %dma_start3A_199 = tpu.memref_slice %arg10[%run_scoped3A, %dma_start3A_197, %dma_start3A_198] : memref<5x125x64xf32, #tpu.memory_space<vmem>> -> memref<1x125x64xf32, #tpu.memory_space<vmem>>
          %dma_start3A_200 = tpu.memref_squeeze %dma_start3A_199 : memref<1x125x64xf32, #tpu.memory_space<vmem>> -> memref<125x64xf32, #tpu.memory_space<vmem>>
          %dma_start3A_201 = arith.constant 0 : i32
          %dma_start3A_202 = tpu.memref_slice %arg9[%add3A_94, %dma_start3A_201] : memref<160x125xi32, #tpu.memory_space<vmem>> -> memref<1x125xi32, #tpu.memory_space<vmem>>
          %dma_start3A_203 = tpu.memref_squeeze %dma_start3A_202 : memref<1x125xi32, #tpu.memory_space<vmem>> -> memref<125xi32, #tpu.memory_space<vmem>>
          %dma_start3A_204 = arith.constant 0 : i32
          %dma_start3A_205 = arith.constant 0 : i32
          %dma_start3A_206 = tpu.memref_slice %arg11[%dma_start3A_204, %dma_start3A_205] : memref<10000x64xf32, #tpu.memory_space<vmem_shared>> -> memref<10000x64xf32, #tpu.memory_space<vmem_shared>>
          tpu.enqueue_indirect_dma source(%dma_start3A_200 : memref<125x64xf32, #tpu.memory_space<vmem>>) target(%dma_start3A_206 : memref<10000x64xf32, #tpu.memory_space<vmem_shared>>) offsets(%dma_start3A_203 : memref<125xi32, #tpu.memory_space<vmem>>) semaphore(%run_scoped3A_196 : memref<!tpu.dma_semaphore, #tpu.memory_space<semaphore_mem>>) {add = true}
          %dma_wait3A_207 = arith.constant 0 : i32
          %dma_wait3A_208 = arith.constant 0 : i32
          %dma_wait3A_209 = tpu.memref_slice %arg10[%run_scoped3A, %dma_wait3A_207, %dma_wait3A_208] : memref<5x125x64xf32, #tpu.memory_space<vmem>> -> memref<1x125x64xf32, #tpu.memory_space<vmem>>
          %dma_wait3A_210 = tpu.memref_squeeze %dma_wait3A_209 : memref<1x125x64xf32, #tpu.memory_space<vmem>> -> memref<125x64xf32, #tpu.memory_space<vmem>>
          %dma_wait3A_211 = arith.constant 0 : i32
          %dma_wait3A_212 = tpu.memref_slice %arg9[%add3A_94, %dma_wait3A_211] : memref<160x125xi32, #tpu.memory_space<vmem>> -> memref<1x125xi32, #tpu.memory_space<vmem>>
          %dma_wait3A_213 = tpu.memref_squeeze %dma_wait3A_212 : memref<1x125xi32, #tpu.memory_space<vmem>> -> memref<125xi32, #tpu.memory_space<vmem>>
          %dma_wait3A_214 = arith.constant 0 : i32
          %dma_wait3A_215 = arith.constant 0 : i32
          %dma_wait3A_216 = tpu.memref_slice %arg11[%dma_wait3A_214, %dma_wait3A_215] : memref<10000x64xf32, #tpu.memory_space<vmem_shared>> -> memref<10000x64xf32, #tpu.memory_space<vmem_shared>>
          tpu.wait_indirect_dma semaphore(%run_scoped3A_196 : memref<!tpu.dma_semaphore, #tpu.memory_space<semaphore_mem>>) src(%dma_wait3A_210 : memref<125x64xf32, #tpu.memory_space<vmem>>) dst(%dma_wait3A_216 : memref<10000x64xf32, #tpu.memory_space<vmem_shared>>)
          tpu.yield
        }) : () -> ()
        %add3A_105 = arith.constant 5 : i32
        %add3A_106 = arith.addi %add3A_94, %add3A_105 : i32
        %lt3A_107 = arith.constant 160 : i32
        %lt3A_108 = arith.cmpi slt, %add3A_106, %lt3A_107 : i32
        %convert_element_type3A_109 = arith.extui %lt3A_108 : i1 to i32
        %cond3A_110 = arith.constant 0 : i32
        %cond3A_111 = arith.cmpi ne, %convert_element_type3A_109, %cond3A_110 : i32
        scf.if %cond3A_111 {
          %dma_start3A_196 = arith.constant 0 : i32
          %dma_start3A_197 = arith.constant 0 : i32
          %dma_start3A_198 = arith.constant 0 : i32
          %dma_start3A_199 = tpu.memref_slice %arg10[%dma_start3A_196, %dma_start3A_197, %dma_start3A_198] : memref<5x125x64xf32, #tpu.memory_space<vmem>> -> memref<1x125x64xf32, #tpu.memory_space<vmem>>
          %dma_start3A_200 = tpu.memref_squeeze %dma_start3A_199 : memref<1x125x64xf32, #tpu.memory_space<vmem>> -> memref<125x64xf32, #tpu.memory_space<vmem>>
          %dma_start3A_201 = arith.constant 0 : i32
          %dma_start3A_202 = tpu.memref_slice %arg8[%add3A_106, %dma_start3A_201] : memref<160x125xi32, #tpu.memory_space<vmem>> -> memref<1x125xi32, #tpu.memory_space<vmem>>
          %dma_start3A_203 = tpu.memref_squeeze %dma_start3A_202 : memref<1x125xi32, #tpu.memory_space<vmem>> -> memref<125xi32, #tpu.memory_space<vmem>>
          %dma_start3A_204 = arith.constant 0 : i32
          %dma_start3A_205 = arith.constant 0 : i32
          %dma_start3A_206 = tpu.memref_slice %arg2[%dma_start3A_204, %dma_start3A_205] : memref<10000x64xf32, #tpu.memory_space<hbm>> -> memref<10000x64xf32, #tpu.memory_space<hbm>>
          tpu.enqueue_indirect_dma source(%dma_start3A_206 : memref<10000x64xf32, #tpu.memory_space<hbm>>) target(%dma_start3A_200 : memref<125x64xf32, #tpu.memory_space<vmem>>) offsets(%dma_start3A_203 : memref<125xi32, #tpu.memory_space<vmem>>) semaphore(%arg12 : memref<!tpu.dma_semaphore, #tpu.memory_space<semaphore_mem>>)
        } else {
        }
        %add3A_112 = arith.constant 1 : i32
        %add3A_113 = arith.addi %add3A_92, %add3A_112 : i32
        %dma_wait3A_114 = arith.constant 1 : i32
        %dma_wait3A_115 = arith.constant 0 : i32
        %dma_wait3A_116 = arith.constant 0 : i32
        %dma_wait3A_117 = tpu.memref_slice %arg10[%dma_wait3A_114, %dma_wait3A_115, %dma_wait3A_116] : memref<5x125x64xf32, #tpu.memory_space<vmem>> -> memref<1x125x64xf32, #tpu.memory_space<vmem>>
        %dma_wait3A_118 = tpu.memref_squeeze %dma_wait3A_117 : memref<1x125x64xf32, #tpu.memory_space<vmem>> -> memref<125x64xf32, #tpu.memory_space<vmem>>
        %dma_wait3A_119 = arith.constant 0 : i32
        %dma_wait3A_120 = tpu.memref_slice %arg8[%add3A_113, %dma_wait3A_119] : memref<160x125xi32, #tpu.memory_space<vmem>> -> memref<1x125xi32, #tpu.memory_space<vmem>>
        %dma_wait3A_121 = tpu.memref_squeeze %dma_wait3A_120 : memref<1x125xi32, #tpu.memory_space<vmem>> -> memref<125xi32, #tpu.memory_space<vmem>>
        %dma_wait3A_122 = arith.constant 0 : i32
        %dma_wait3A_123 = arith.constant 0 : i32
        %dma_wait3A_124 = tpu.memref_slice %arg2[%dma_wait3A_122, %dma_wait3A_123] : memref<10000x64xf32, #tpu.memory_space<hbm>> -> memref<10000x64xf32, #tpu.memory_space<hbm>>
        tpu.wait_indirect_dma semaphore(%arg13 : memref<!tpu.dma_semaphore, #tpu.memory_space<semaphore_mem>>) src(%dma_wait3A_124 : memref<10000x64xf32, #tpu.memory_space<hbm>>) dst(%dma_wait3A_118 : memref<125x64xf32, #tpu.memory_space<vmem>>)
        %run_scoped3A_125 = arith.constant 1 : i32
        "tpu.region"() ({
          %run_scoped3A_196 = tpu.sem_alloc : memref<!tpu.dma_semaphore, #tpu.memory_space<semaphore_mem>>
          %dma_start3A_197 = arith.constant 0 : i32
          %dma_start3A_198 = arith.constant 0 : i32
          %dma_start3A_199 = tpu.memref_slice %arg10[%run_scoped3A_125, %dma_start3A_197, %dma_start3A_198] : memref<5x125x64xf32, #tpu.memory_space<vmem>> -> memref<1x125x64xf32, #tpu.memory_space<vmem>>
          %dma_start3A_200 = tpu.memref_squeeze %dma_start3A_199 : memref<1x125x64xf32, #tpu.memory_space<vmem>> -> memref<125x64xf32, #tpu.memory_space<vmem>>
          %dma_start3A_201 = arith.constant 0 : i32
          %dma_start3A_202 = tpu.memref_slice %arg9[%add3A_113, %dma_start3A_201] : memref<160x125xi32, #tpu.memory_space<vmem>> -> memref<1x125xi32, #tpu.memory_space<vmem>>
          %dma_start3A_203 = tpu.memref_squeeze %dma_start3A_202 : memref<1x125xi32, #tpu.memory_space<vmem>> -> memref<125xi32, #tpu.memory_space<vmem>>
          %dma_start3A_204 = arith.constant 0 : i32
          %dma_start3A_205 = arith.constant 0 : i32
          %dma_start3A_206 = tpu.memref_slice %arg11[%dma_start3A_204, %dma_start3A_205] : memref<10000x64xf32, #tpu.memory_space<vmem_shared>> -> memref<10000x64xf32, #tpu.memory_space<vmem_shared>>
          tpu.enqueue_indirect_dma source(%dma_start3A_200 : memref<125x64xf32, #tpu.memory_space<vmem>>) target(%dma_start3A_206 : memref<10000x64xf32, #tpu.memory_space<vmem_shared>>) offsets(%dma_start3A_203 : memref<125xi32, #tpu.memory_space<vmem>>) semaphore(%run_scoped3A_196 : memref<!tpu.dma_semaphore, #tpu.memory_space<semaphore_mem>>) {add = true}
          %dma_wait3A_207 = arith.constant 0 : i32
          %dma_wait3A_208 = arith.constant 0 : i32
          %dma_wait3A_209 = tpu.memref_slice %arg10[%run_scoped3A_125, %dma_wait3A_207, %dma_wait3A_208] : memref<5x125x64xf32, #tpu.memory_space<vmem>> -> memref<1x125x64xf32, #tpu.memory_space<vmem>>
          %dma_wait3A_210 = tpu.memref_squeeze %dma_wait3A_209 : memref<1x125x64xf32, #tpu.memory_space<vmem>> -> memref<125x64xf32, #tpu.memory_space<vmem>>
          %dma_wait3A_211 = arith.constant 0 : i32
          %dma_wait3A_212 = tpu.memref_slice %arg9[%add3A_113, %dma_wait3A_211] : memref<160x125xi32, #tpu.memory_space<vmem>> -> memref<1x125xi32, #tpu.memory_space<vmem>>
          %dma_wait3A_213 = tpu.memref_squeeze %dma_wait3A_212 : memref<1x125xi32, #tpu.memory_space<vmem>> -> memref<125xi32, #tpu.memory_space<vmem>>
          %dma_wait3A_214 = arith.constant 0 : i32
          %dma_wait3A_215 = arith.constant 0 : i32
          %dma_wait3A_216 = tpu.memref_slice %arg11[%dma_wait3A_214, %dma_wait3A_215] : memref<10000x64xf32, #tpu.memory_space<vmem_shared>> -> memref<10000x64xf32, #tpu.memory_space<vmem_shared>>
          tpu.wait_indirect_dma semaphore(%run_scoped3A_196 : memref<!tpu.dma_semaphore, #tpu.memory_space<semaphore_mem>>) src(%dma_wait3A_210 : memref<125x64xf32, #tpu.memory_space<vmem>>) dst(%dma_wait3A_216 : memref<10000x64xf32, #tpu.memory_space<vmem_shared>>)
          tpu.yield
        }) : () -> ()
        %add3A_126 = arith.constant 5 : i32
        %add3A_127 = arith.addi %add3A_113, %add3A_126 : i32
        %lt3A_128 = arith.constant 160 : i32
        %lt3A_129 = arith.cmpi slt, %add3A_127, %lt3A_128 : i32
        %convert_element_type3A_130 = arith.extui %lt3A_129 : i1 to i32
        %cond3A_131 = arith.constant 0 : i32
        %cond3A_132 = arith.cmpi ne, %convert_element_type3A_130, %cond3A_131 : i32
        scf.if %cond3A_132 {
          %dma_start3A_196 = arith.constant 1 : i32
          %dma_start3A_197 = arith.constant 0 : i32
          %dma_start3A_198 = arith.constant 0 : i32
          %dma_start3A_199 = tpu.memref_slice %arg10[%dma_start3A_196, %dma_start3A_197, %dma_start3A_198] : memref<5x125x64xf32, #tpu.memory_space<vmem>> -> memref<1x125x64xf32, #tpu.memory_space<vmem>>
          %dma_start3A_200 = tpu.memref_squeeze %dma_start3A_199 : memref<1x125x64xf32, #tpu.memory_space<vmem>> -> memref<125x64xf32, #tpu.memory_space<vmem>>
          %dma_start3A_201 = arith.constant 0 : i32
          %dma_start3A_202 = tpu.memref_slice %arg8[%add3A_127, %dma_start3A_201] : memref<160x125xi32, #tpu.memory_space<vmem>> -> memref<1x125xi32, #tpu.memory_space<vmem>>
          %dma_start3A_203 = tpu.memref_squeeze %dma_start3A_202 : memref<1x125xi32, #tpu.memory_space<vmem>> -> memref<125xi32, #tpu.memory_space<vmem>>
          %dma_start3A_204 = arith.constant 0 : i32
          %dma_start3A_205 = arith.constant 0 : i32
          %dma_start3A_206 = tpu.memref_slice %arg2[%dma_start3A_204, %dma_start3A_205] : memref<10000x64xf32, #tpu.memory_space<hbm>> -> memref<10000x64xf32, #tpu.memory_space<hbm>>
          tpu.enqueue_indirect_dma source(%dma_start3A_206 : memref<10000x64xf32, #tpu.memory_space<hbm>>) target(%dma_start3A_200 : memref<125x64xf32, #tpu.memory_space<vmem>>) offsets(%dma_start3A_203 : memref<125xi32, #tpu.memory_space<vmem>>) semaphore(%arg13 : memref<!tpu.dma_semaphore, #tpu.memory_space<semaphore_mem>>)
        } else {
        }
        %add3A_133 = arith.constant 2 : i32
        %add3A_134 = arith.addi %add3A_92, %add3A_133 : i32
        %dma_wait3A_135 = arith.constant 2 : i32
        %dma_wait3A_136 = arith.constant 0 : i32
        %dma_wait3A_137 = arith.constant 0 : i32
        %dma_wait3A_138 = tpu.memref_slice %arg10[%dma_wait3A_135, %dma_wait3A_136, %dma_wait3A_137] : memref<5x125x64xf32, #tpu.memory_space<vmem>> -> memref<1x125x64xf32, #tpu.memory_space<vmem>>
        %dma_wait3A_139 = tpu.memref_squeeze %dma_wait3A_138 : memref<1x125x64xf32, #tpu.memory_space<vmem>> -> memref<125x64xf32, #tpu.memory_space<vmem>>
        %dma_wait3A_140 = arith.constant 0 : i32
        %dma_wait3A_141 = tpu.memref_slice %arg8[%add3A_134, %dma_wait3A_140] : memref<160x125xi32, #tpu.memory_space<vmem>> -> memref<1x125xi32, #tpu.memory_space<vmem>>
        %dma_wait3A_142 = tpu.memref_squeeze %dma_wait3A_141 : memref<1x125xi32, #tpu.memory_space<vmem>> -> memref<125xi32, #tpu.memory_space<vmem>>
        %dma_wait3A_143 = arith.constant 0 : i32
        %dma_wait3A_144 = arith.constant 0 : i32
        %dma_wait3A_145 = tpu.memref_slice %arg2[%dma_wait3A_143, %dma_wait3A_144] : memref<10000x64xf32, #tpu.memory_space<hbm>> -> memref<10000x64xf32, #tpu.memory_space<hbm>>
        tpu.wait_indirect_dma semaphore(%arg14 : memref<!tpu.dma_semaphore, #tpu.memory_space<semaphore_mem>>) src(%dma_wait3A_145 : memref<10000x64xf32, #tpu.memory_space<hbm>>) dst(%dma_wait3A_139 : memref<125x64xf32, #tpu.memory_space<vmem>>)
        %run_scoped3A_146 = arith.constant 2 : i32
        "tpu.region"() ({
          %run_scoped3A_196 = tpu.sem_alloc : memref<!tpu.dma_semaphore, #tpu.memory_space<semaphore_mem>>
          %dma_start3A_197 = arith.constant 0 : i32
          %dma_start3A_198 = arith.constant 0 : i32
          %dma_start3A_199 = tpu.memref_slice %arg10[%run_scoped3A_146, %dma_start3A_197, %dma_start3A_198] : memref<5x125x64xf32, #tpu.memory_space<vmem>> -> memref<1x125x64xf32, #tpu.memory_space<vmem>>
          %dma_start3A_200 = tpu.memref_squeeze %dma_start3A_199 : memref<1x125x64xf32, #tpu.memory_space<vmem>> -> memref<125x64xf32, #tpu.memory_space<vmem>>
          %dma_start3A_201 = arith.constant 0 : i32
          %dma_start3A_202 = tpu.memref_slice %arg9[%add3A_134, %dma_start3A_201] : memref<160x125xi32, #tpu.memory_space<vmem>> -> memref<1x125xi32, #tpu.memory_space<vmem>>
          %dma_start3A_203 = tpu.memref_squeeze %dma_start3A_202 : memref<1x125xi32, #tpu.memory_space<vmem>> -> memref<125xi32, #tpu.memory_space<vmem>>
          %dma_start3A_204 = arith.constant 0 : i32
          %dma_start3A_205 = arith.constant 0 : i32
          %dma_start3A_206 = tpu.memref_slice %arg11[%dma_start3A_204, %dma_start3A_205] : memref<10000x64xf32, #tpu.memory_space<vmem_shared>> -> memref<10000x64xf32, #tpu.memory_space<vmem_shared>>
          tpu.enqueue_indirect_dma source(%dma_start3A_200 : memref<125x64xf32, #tpu.memory_space<vmem>>) target(%dma_start3A_206 : memref<10000x64xf32, #tpu.memory_space<vmem_shared>>) offsets(%dma_start3A_203 : memref<125xi32, #tpu.memory_space<vmem>>) semaphore(%run_scoped3A_196 : memref<!tpu.dma_semaphore, #tpu.memory_space<semaphore_mem>>) {add = true}
          %dma_wait3A_207 = arith.constant 0 : i32
          %dma_wait3A_208 = arith.constant 0 : i32
          %dma_wait3A_209 = tpu.memref_slice %arg10[%run_scoped3A_146, %dma_wait3A_207, %dma_wait3A_208] : memref<5x125x64xf32, #tpu.memory_space<vmem>> -> memref<1x125x64xf32, #tpu.memory_space<vmem>>
          %dma_wait3A_210 = tpu.memref_squeeze %dma_wait3A_209 : memref<1x125x64xf32, #tpu.memory_space<vmem>> -> memref<125x64xf32, #tpu.memory_space<vmem>>
          %dma_wait3A_211 = arith.constant 0 : i32
          %dma_wait3A_212 = tpu.memref_slice %arg9[%add3A_134, %dma_wait3A_211] : memref<160x125xi32, #tpu.memory_space<vmem>> -> memref<1x125xi32, #tpu.memory_space<vmem>>
          %dma_wait3A_213 = tpu.memref_squeeze %dma_wait3A_212 : memref<1x125xi32, #tpu.memory_space<vmem>> -> memref<125xi32, #tpu.memory_space<vmem>>
          %dma_wait3A_214 = arith.constant 0 : i32
          %dma_wait3A_215 = arith.constant 0 : i32
          %dma_wait3A_216 = tpu.memref_slice %arg11[%dma_wait3A_214, %dma_wait3A_215] : memref<10000x64xf32, #tpu.memory_space<vmem_shared>> -> memref<10000x64xf32, #tpu.memory_space<vmem_shared>>
          tpu.wait_indirect_dma semaphore(%run_scoped3A_196 : memref<!tpu.dma_semaphore, #tpu.memory_space<semaphore_mem>>) src(%dma_wait3A_210 : memref<125x64xf32, #tpu.memory_space<vmem>>) dst(%dma_wait3A_216 : memref<10000x64xf32, #tpu.memory_space<vmem_shared>>)
          tpu.yield
        }) : () -> ()
        %add3A_147 = arith.constant 5 : i32
        %add3A_148 = arith.addi %add3A_134, %add3A_147 : i32
        %lt3A_149 = arith.constant 160 : i32
        %lt3A_150 = arith.cmpi slt, %add3A_148, %lt3A_149 : i32
        %convert_element_type3A_151 = arith.extui %lt3A_150 : i1 to i32
        %cond3A_152 = arith.constant 0 : i32
        %cond3A_153 = arith.cmpi ne, %convert_element_type3A_151, %cond3A_152 : i32
        scf.if %cond3A_153 {
          %dma_start3A_196 = arith.constant 2 : i32
          %dma_start3A_197 = arith.constant 0 : i32
          %dma_start3A_198 = arith.constant 0 : i32
          %dma_start3A_199 = tpu.memref_slice %arg10[%dma_start3A_196, %dma_start3A_197, %dma_start3A_198] : memref<5x125x64xf32, #tpu.memory_space<vmem>> -> memref<1x125x64xf32, #tpu.memory_space<vmem>>
          %dma_start3A_200 = tpu.memref_squeeze %dma_start3A_199 : memref<1x125x64xf32, #tpu.memory_space<vmem>> -> memref<125x64xf32, #tpu.memory_space<vmem>>
          %dma_start3A_201 = arith.constant 0 : i32
          %dma_start3A_202 = tpu.memref_slice %arg8[%add3A_148, %dma_start3A_201] : memref<160x125xi32, #tpu.memory_space<vmem>> -> memref<1x125xi32, #tpu.memory_space<vmem>>
          %dma_start3A_203 = tpu.memref_squeeze %dma_start3A_202 : memref<1x125xi32, #tpu.memory_space<vmem>> -> memref<125xi32, #tpu.memory_space<vmem>>
          %dma_start3A_204 = arith.constant 0 : i32
          %dma_start3A_205 = arith.constant 0 : i32
          %dma_start3A_206 = tpu.memref_slice %arg2[%dma_start3A_204, %dma_start3A_205] : memref<10000x64xf32, #tpu.memory_space<hbm>> -> memref<10000x64xf32, #tpu.memory_space<hbm>>
          tpu.enqueue_indirect_dma source(%dma_start3A_206 : memref<10000x64xf32, #tpu.memory_space<hbm>>) target(%dma_start3A_200 : memref<125x64xf32, #tpu.memory_space<vmem>>) offsets(%dma_start3A_203 : memref<125xi32, #tpu.memory_space<vmem>>) semaphore(%arg14 : memref<!tpu.dma_semaphore, #tpu.memory_space<semaphore_mem>>)
        } else {
        }
        %add3A_154 = arith.constant 3 : i32
        %add3A_155 = arith.addi %add3A_92, %add3A_154 : i32
        %dma_wait3A_156 = arith.constant 3 : i32
        %dma_wait3A_157 = arith.constant 0 : i32
        %dma_wait3A_158 = arith.constant 0 : i32
        %dma_wait3A_159 = tpu.memref_slice %arg10[%dma_wait3A_156, %dma_wait3A_157, %dma_wait3A_158] : memref<5x125x64xf32, #tpu.memory_space<vmem>> -> memref<1x125x64xf32, #tpu.memory_space<vmem>>
        %dma_wait3A_160 = tpu.memref_squeeze %dma_wait3A_159 : memref<1x125x64xf32, #tpu.memory_space<vmem>> -> memref<125x64xf32, #tpu.memory_space<vmem>>
        %dma_wait3A_161 = arith.constant 0 : i32
        %dma_wait3A_162 = tpu.memref_slice %arg8[%add3A_155, %dma_wait3A_161] : memref<160x125xi32, #tpu.memory_space<vmem>> -> memref<1x125xi32, #tpu.memory_space<vmem>>
        %dma_wait3A_163 = tpu.memref_squeeze %dma_wait3A_162 : memref<1x125xi32, #tpu.memory_space<vmem>> -> memref<125xi32, #tpu.memory_space<vmem>>
        %dma_wait3A_164 = arith.constant 0 : i32
        %dma_wait3A_165 = arith.constant 0 : i32
        %dma_wait3A_166 = tpu.memref_slice %arg2[%dma_wait3A_164, %dma_wait3A_165] : memref<10000x64xf32, #tpu.memory_space<hbm>> -> memref<10000x64xf32, #tpu.memory_space<hbm>>
        tpu.wait_indirect_dma semaphore(%arg15 : memref<!tpu.dma_semaphore, #tpu.memory_space<semaphore_mem>>) src(%dma_wait3A_166 : memref<10000x64xf32, #tpu.memory_space<hbm>>) dst(%dma_wait3A_160 : memref<125x64xf32, #tpu.memory_space<vmem>>)
        %run_scoped3A_167 = arith.constant 3 : i32
        "tpu.region"() ({
          %run_scoped3A_196 = tpu.sem_alloc : memref<!tpu.dma_semaphore, #tpu.memory_space<semaphore_mem>>
          %dma_start3A_197 = arith.constant 0 : i32
          %dma_start3A_198 = arith.constant 0 : i32
          %dma_start3A_199 = tpu.memref_slice %arg10[%run_scoped3A_167, %dma_start3A_197, %dma_start3A_198] : memref<5x125x64xf32, #tpu.memory_space<vmem>> -> memref<1x125x64xf32, #tpu.memory_space<vmem>>
          %dma_start3A_200 = tpu.memref_squeeze %dma_start3A_199 : memref<1x125x64xf32, #tpu.memory_space<vmem>> -> memref<125x64xf32, #tpu.memory_space<vmem>>
          %dma_start3A_201 = arith.constant 0 : i32
          %dma_start3A_202 = tpu.memref_slice %arg9[%add3A_155, %dma_start3A_201] : memref<160x125xi32, #tpu.memory_space<vmem>> -> memref<1x125xi32, #tpu.memory_space<vmem>>
          %dma_start3A_203 = tpu.memref_squeeze %dma_start3A_202 : memref<1x125xi32, #tpu.memory_space<vmem>> -> memref<125xi32, #tpu.memory_space<vmem>>
          %dma_start3A_204 = arith.constant 0 : i32
          %dma_start3A_205 = arith.constant 0 : i32
          %dma_start3A_206 = tpu.memref_slice %arg11[%dma_start3A_204, %dma_start3A_205] : memref<10000x64xf32, #tpu.memory_space<vmem_shared>> -> memref<10000x64xf32, #tpu.memory_space<vmem_shared>>
          tpu.enqueue_indirect_dma source(%dma_start3A_200 : memref<125x64xf32, #tpu.memory_space<vmem>>) target(%dma_start3A_206 : memref<10000x64xf32, #tpu.memory_space<vmem_shared>>) offsets(%dma_start3A_203 : memref<125xi32, #tpu.memory_space<vmem>>) semaphore(%run_scoped3A_196 : memref<!tpu.dma_semaphore, #tpu.memory_space<semaphore_mem>>) {add = true}
          %dma_wait3A_207 = arith.constant 0 : i32
          %dma_wait3A_208 = arith.constant 0 : i32
          %dma_wait3A_209 = tpu.memref_slice %arg10[%run_scoped3A_167, %dma_wait3A_207, %dma_wait3A_208] : memref<5x125x64xf32, #tpu.memory_space<vmem>> -> memref<1x125x64xf32, #tpu.memory_space<vmem>>
          %dma_wait3A_210 = tpu.memref_squeeze %dma_wait3A_209 : memref<1x125x64xf32, #tpu.memory_space<vmem>> -> memref<125x64xf32, #tpu.memory_space<vmem>>
          %dma_wait3A_211 = arith.constant 0 : i32
          %dma_wait3A_212 = tpu.memref_slice %arg9[%add3A_155, %dma_wait3A_211] : memref<160x125xi32, #tpu.memory_space<vmem>> -> memref<1x125xi32, #tpu.memory_space<vmem>>
          %dma_wait3A_213 = tpu.memref_squeeze %dma_wait3A_212 : memref<1x125xi32, #tpu.memory_space<vmem>> -> memref<125xi32, #tpu.memory_space<vmem>>
          %dma_wait3A_214 = arith.constant 0 : i32
          %dma_wait3A_215 = arith.constant 0 : i32
          %dma_wait3A_216 = tpu.memref_slice %arg11[%dma_wait3A_214, %dma_wait3A_215] : memref<10000x64xf32, #tpu.memory_space<vmem_shared>> -> memref<10000x64xf32, #tpu.memory_space<vmem_shared>>
          tpu.wait_indirect_dma semaphore(%run_scoped3A_196 : memref<!tpu.dma_semaphore, #tpu.memory_space<semaphore_mem>>) src(%dma_wait3A_210 : memref<125x64xf32, #tpu.memory_space<vmem>>) dst(%dma_wait3A_216 : memref<10000x64xf32, #tpu.memory_space<vmem_shared>>)
          tpu.yield
        }) : () -> ()
        %add3A_168 = arith.constant 5 : i32
        %add3A_169 = arith.addi %add3A_155, %add3A_168 : i32
        %lt3A_170 = arith.constant 160 : i32
        %lt3A_171 = arith.cmpi slt, %add3A_169, %lt3A_170 : i32
        %convert_element_type3A_172 = arith.extui %lt3A_171 : i1 to i32
        %cond3A_173 = arith.constant 0 : i32
        %cond3A_174 = arith.cmpi ne, %convert_element_type3A_172, %cond3A_173 : i32
        scf.if %cond3A_174 {
          %dma_start3A_196 = arith.constant 3 : i32
          %dma_start3A_197 = arith.constant 0 : i32
          %dma_start3A_198 = arith.constant 0 : i32
          %dma_start3A_199 = tpu.memref_slice %arg10[%dma_start3A_196, %dma_start3A_197, %dma_start3A_198] : memref<5x125x64xf32, #tpu.memory_space<vmem>> -> memref<1x125x64xf32, #tpu.memory_space<vmem>>
          %dma_start3A_200 = tpu.memref_squeeze %dma_start3A_199 : memref<1x125x64xf32, #tpu.memory_space<vmem>> -> memref<125x64xf32, #tpu.memory_space<vmem>>
          %dma_start3A_201 = arith.constant 0 : i32
          %dma_start3A_202 = tpu.memref_slice %arg8[%add3A_169, %dma_start3A_201] : memref<160x125xi32, #tpu.memory_space<vmem>> -> memref<1x125xi32, #tpu.memory_space<vmem>>
          %dma_start3A_203 = tpu.memref_squeeze %dma_start3A_202 : memref<1x125xi32, #tpu.memory_space<vmem>> -> memref<125xi32, #tpu.memory_space<vmem>>
          %dma_start3A_204 = arith.constant 0 : i32
          %dma_start3A_205 = arith.constant 0 : i32
          %dma_start3A_206 = tpu.memref_slice %arg2[%dma_start3A_204, %dma_start3A_205] : memref<10000x64xf32, #tpu.memory_space<hbm>> -> memref<10000x64xf32, #tpu.memory_space<hbm>>
          tpu.enqueue_indirect_dma source(%dma_start3A_206 : memref<10000x64xf32, #tpu.memory_space<hbm>>) target(%dma_start3A_200 : memref<125x64xf32, #tpu.memory_space<vmem>>) offsets(%dma_start3A_203 : memref<125xi32, #tpu.memory_space<vmem>>) semaphore(%arg15 : memref<!tpu.dma_semaphore, #tpu.memory_space<semaphore_mem>>)
        } else {
        }
        %add3A_175 = arith.constant 4 : i32
        %add3A_176 = arith.addi %add3A_92, %add3A_175 : i32
        %dma_wait3A_177 = arith.constant 4 : i32
        %dma_wait3A_178 = arith.constant 0 : i32
        %dma_wait3A_179 = arith.constant 0 : i32
        %dma_wait3A_180 = tpu.memref_slice %arg10[%dma_wait3A_177, %dma_wait3A_178, %dma_wait3A_179] : memref<5x125x64xf32, #tpu.memory_space<vmem>> -> memref<1x125x64xf32, #tpu.memory_space<vmem>>
        %dma_wait3A_181 = tpu.memref_squeeze %dma_wait3A_180 : memref<1x125x64xf32, #tpu.memory_space<vmem>> -> memref<125x64xf32, #tpu.memory_space<vmem>>
        %dma_wait3A_182 = arith.constant 0 : i32
        %dma_wait3A_183 = tpu.memref_slice %arg8[%add3A_176, %dma_wait3A_182] : memref<160x125xi32, #tpu.memory_space<vmem>> -> memref<1x125xi32, #tpu.memory_space<vmem>>
        %dma_wait3A_184 = tpu.memref_squeeze %dma_wait3A_183 : memref<1x125xi32, #tpu.memory_space<vmem>> -> memref<125xi32, #tpu.memory_space<vmem>>
        %dma_wait3A_185 = arith.constant 0 : i32
        %dma_wait3A_186 = arith.constant 0 : i32
        %dma_wait3A_187 = tpu.memref_slice %arg2[%dma_wait3A_185, %dma_wait3A_186] : memref<10000x64xf32, #tpu.memory_space<hbm>> -> memref<10000x64xf32, #tpu.memory_space<hbm>>
        tpu.wait_indirect_dma semaphore(%arg16 : memref<!tpu.dma_semaphore, #tpu.memory_space<semaphore_mem>>) src(%dma_wait3A_187 : memref<10000x64xf32, #tpu.memory_space<hbm>>) dst(%dma_wait3A_181 : memref<125x64xf32, #tpu.memory_space<vmem>>)
        %run_scoped3A_188 = arith.constant 4 : i32
        "tpu.region"() ({
          %run_scoped3A_196 = tpu.sem_alloc : memref<!tpu.dma_semaphore, #tpu.memory_space<semaphore_mem>>
          %dma_start3A_197 = arith.constant 0 : i32
          %dma_start3A_198 = arith.constant 0 : i32
          %dma_start3A_199 = tpu.memref_slice %arg10[%run_scoped3A_188, %dma_start3A_197, %dma_start3A_198] : memref<5x125x64xf32, #tpu.memory_space<vmem>> -> memref<1x125x64xf32, #tpu.memory_space<vmem>>
          %dma_start3A_200 = tpu.memref_squeeze %dma_start3A_199 : memref<1x125x64xf32, #tpu.memory_space<vmem>> -> memref<125x64xf32, #tpu.memory_space<vmem>>
          %dma_start3A_201 = arith.constant 0 : i32
          %dma_start3A_202 = tpu.memref_slice %arg9[%add3A_176, %dma_start3A_201] : memref<160x125xi32, #tpu.memory_space<vmem>> -> memref<1x125xi32, #tpu.memory_space<vmem>>
          %dma_start3A_203 = tpu.memref_squeeze %dma_start3A_202 : memref<1x125xi32, #tpu.memory_space<vmem>> -> memref<125xi32, #tpu.memory_space<vmem>>
          %dma_start3A_204 = arith.constant 0 : i32
          %dma_start3A_205 = arith.constant 0 : i32
          %dma_start3A_206 = tpu.memref_slice %arg11[%dma_start3A_204, %dma_start3A_205] : memref<10000x64xf32, #tpu.memory_space<vmem_shared>> -> memref<10000x64xf32, #tpu.memory_space<vmem_shared>>
          tpu.enqueue_indirect_dma source(%dma_start3A_200 : memref<125x64xf32, #tpu.memory_space<vmem>>) target(%dma_start3A_206 : memref<10000x64xf32, #tpu.memory_space<vmem_shared>>) offsets(%dma_start3A_203 : memref<125xi32, #tpu.memory_space<vmem>>) semaphore(%run_scoped3A_196 : memref<!tpu.dma_semaphore, #tpu.memory_space<semaphore_mem>>) {add = true}
          %dma_wait3A_207 = arith.constant 0 : i32
          %dma_wait3A_208 = arith.constant 0 : i32
          %dma_wait3A_209 = tpu.memref_slice %arg10[%run_scoped3A_188, %dma_wait3A_207, %dma_wait3A_208] : memref<5x125x64xf32, #tpu.memory_space<vmem>> -> memref<1x125x64xf32, #tpu.memory_space<vmem>>
          %dma_wait3A_210 = tpu.memref_squeeze %dma_wait3A_209 : memref<1x125x64xf32, #tpu.memory_space<vmem>> -> memref<125x64xf32, #tpu.memory_space<vmem>>
          %dma_wait3A_211 = arith.constant 0 : i32
          %dma_wait3A_212 = tpu.memref_slice %arg9[%add3A_176, %dma_wait3A_211] : memref<160x125xi32, #tpu.memory_space<vmem>> -> memref<1x125xi32, #tpu.memory_space<vmem>>
          %dma_wait3A_213 = tpu.memref_squeeze %dma_wait3A_212 : memref<1x125xi32, #tpu.memory_space<vmem>> -> memref<125xi32, #tpu.memory_space<vmem>>
          %dma_wait3A_214 = arith.constant 0 : i32
          %dma_wait3A_215 = arith.constant 0 : i32
          %dma_wait3A_216 = tpu.memref_slice %arg11[%dma_wait3A_214, %dma_wait3A_215] : memref<10000x64xf32, #tpu.memory_space<vmem_shared>> -> memref<10000x64xf32, #tpu.memory_space<vmem_shared>>
          tpu.wait_indirect_dma semaphore(%run_scoped3A_196 : memref<!tpu.dma_semaphore, #tpu.memory_space<semaphore_mem>>) src(%dma_wait3A_210 : memref<125x64xf32, #tpu.memory_space<vmem>>) dst(%dma_wait3A_216 : memref<10000x64xf32, #tpu.memory_space<vmem_shared>>)
          tpu.yield
        }) : () -> ()
        %add3A_189 = arith.constant 5 : i32
        %add3A_190 = arith.addi %add3A_176, %add3A_189 : i32
        %lt3A_191 = arith.constant 160 : i32
        %lt3A_192 = arith.cmpi slt, %add3A_190, %lt3A_191 : i32
        %convert_element_type3A_193 = arith.extui %lt3A_192 : i1 to i32
        %cond3A_194 = arith.constant 0 : i32
        %cond3A_195 = arith.cmpi ne, %convert_element_type3A_193, %cond3A_194 : i32
        scf.if %cond3A_195 {
          %dma_start3A_196 = arith.constant 4 : i32
          %dma_start3A_197 = arith.constant 0 : i32
          %dma_start3A_198 = arith.constant 0 : i32
          %dma_start3A_199 = tpu.memref_slice %arg10[%dma_start3A_196, %dma_start3A_197, %dma_start3A_198] : memref<5x125x64xf32, #tpu.memory_space<vmem>> -> memref<1x125x64xf32, #tpu.memory_space<vmem>>
          %dma_start3A_200 = tpu.memref_squeeze %dma_start3A_199 : memref<1x125x64xf32, #tpu.memory_space<vmem>> -> memref<125x64xf32, #tpu.memory_space<vmem>>
          %dma_start3A_201 = arith.constant 0 : i32
          %dma_start3A_202 = tpu.memref_slice %arg8[%add3A_190, %dma_start3A_201] : memref<160x125xi32, #tpu.memory_space<vmem>> -> memref<1x125xi32, #tpu.memory_space<vmem>>
          %dma_start3A_203 = tpu.memref_squeeze %dma_start3A_202 : memref<1x125xi32, #tpu.memory_space<vmem>> -> memref<125xi32, #tpu.memory_space<vmem>>
          %dma_start3A_204 = arith.constant 0 : i32
          %dma_start3A_205 = arith.constant 0 : i32
          %dma_start3A_206 = tpu.memref_slice %arg2[%dma_start3A_204, %dma_start3A_205] : memref<10000x64xf32, #tpu.memory_space<hbm>> -> memref<10000x64xf32, #tpu.memory_space<hbm>>
          tpu.enqueue_indirect_dma source(%dma_start3A_206 : memref<10000x64xf32, #tpu.memory_space<hbm>>) target(%dma_start3A_200 : memref<125x64xf32, #tpu.memory_space<vmem>>) offsets(%dma_start3A_203 : memref<125xi32, #tpu.memory_space<vmem>>) semaphore(%arg16 : memref<!tpu.dma_semaphore, #tpu.memory_space<semaphore_mem>>)
        } else {
        }
      }
      %scan3A_89 = arith.constant 32 : i32
    } else {
    }
    %eq3A_11 = arith.constant 1 : i32
    %eq3A_12 = arith.cmpi eq, %arg0, %eq3A_11 : i32
    %convert_element_type3A_13 = arith.extui %eq3A_12 : i1 to i32
    %cond3A_14 = arith.constant 0 : i32
    %cond3A_15 = arith.cmpi ne, %convert_element_type3A_13, %cond3A_14 : i32
    scf.if %cond3A_15 {
      %dma_start3A = arith.constant 0 : i32
      %dma_start3A_27 = arith.constant 0 : i32
      %dma_start3A_28 = arith.constant 0 : i32
      %dma_start3A_29 = arith.constant 0 : i32
      %dma_start3A_30 = tpu.memref_slice %arg10[%dma_start3A_27, %dma_start3A_28, %dma_start3A_29] : memref<5x125x64xf32, #tpu.memory_space<vmem>> -> memref<1x125x64xf32, #tpu.memory_space<vmem>>
      %dma_start3A_31 = tpu.memref_squeeze %dma_start3A_30 : memref<1x125x64xf32, #tpu.memory_space<vmem>> -> memref<125x64xf32, #tpu.memory_space<vmem>>
      %dma_start3A_32 = arith.constant 0 : i32
      %dma_start3A_33 = tpu.memref_slice %arg8[%dma_start3A, %dma_start3A_32] : memref<160x125xi32, #tpu.memory_space<vmem>> -> memref<1x125xi32, #tpu.memory_space<vmem>>
      %dma_start3A_34 = tpu.memref_squeeze %dma_start3A_33 : memref<1x125xi32, #tpu.memory_space<vmem>> -> memref<125xi32, #tpu.memory_space<vmem>>
      %dma_start3A_35 = arith.constant 0 : i32
      %dma_start3A_36 = arith.constant 0 : i32
      %dma_start3A_37 = tpu.memref_slice %arg3[%dma_start3A_35, %dma_start3A_36] : memref<10000x64xf32, #tpu.memory_space<hbm>> -> memref<10000x64xf32, #tpu.memory_space<hbm>>
      tpu.enqueue_indirect_dma source(%dma_start3A_37 : memref<10000x64xf32, #tpu.memory_space<hbm>>) target(%dma_start3A_31 : memref<125x64xf32, #tpu.memory_space<vmem>>) offsets(%dma_start3A_34 : memref<125xi32, #tpu.memory_space<vmem>>) semaphore(%arg12 : memref<!tpu.dma_semaphore, #tpu.memory_space<semaphore_mem>>)
      %dma_start3A_38 = arith.constant 1 : i32
      %dma_start3A_39 = arith.constant 1 : i32
      %dma_start3A_40 = arith.constant 0 : i32
      %dma_start3A_41 = arith.constant 0 : i32
      %dma_start3A_42 = tpu.memref_slice %arg10[%dma_start3A_39, %dma_start3A_40, %dma_start3A_41] : memref<5x125x64xf32, #tpu.memory_space<vmem>> -> memref<1x125x64xf32, #tpu.memory_space<vmem>>
      %dma_start3A_43 = tpu.memref_squeeze %dma_start3A_42 : memref<1x125x64xf32, #tpu.memory_space<vmem>> -> memref<125x64xf32, #tpu.memory_space<vmem>>
      %dma_start3A_44 = arith.constant 0 : i32
      %dma_start3A_45 = tpu.memref_slice %arg8[%dma_start3A_38, %dma_start3A_44] : memref<160x125xi32, #tpu.memory_space<vmem>> -> memref<1x125xi32, #tpu.memory_space<vmem>>
      %dma_start3A_46 = tpu.memref_squeeze %dma_start3A_45 : memref<1x125xi32, #tpu.memory_space<vmem>> -> memref<125xi32, #tpu.memory_space<vmem>>
      %dma_start3A_47 = arith.constant 0 : i32
      %dma_start3A_48 = arith.constant 0 : i32
      %dma_start3A_49 = tpu.memref_slice %arg3[%dma_start3A_47, %dma_start3A_48] : memref<10000x64xf32, #tpu.memory_space<hbm>> -> memref<10000x64xf32, #tpu.memory_space<hbm>>
      tpu.enqueue_indirect_dma source(%dma_start3A_49 : memref<10000x64xf32, #tpu.memory_space<hbm>>) target(%dma_start3A_43 : memref<125x64xf32, #tpu.memory_space<vmem>>) offsets(%dma_start3A_46 : memref<125xi32, #tpu.memory_space<vmem>>) semaphore(%arg13 : memref<!tpu.dma_semaphore, #tpu.memory_space<semaphore_mem>>)
      %dma_start3A_50 = arith.constant 2 : i32
      %dma_start3A_51 = arith.constant 2 : i32
      %dma_start3A_52 = arith.constant 0 : i32
      %dma_start3A_53 = arith.constant 0 : i32
      %dma_start3A_54 = tpu.memref_slice %arg10[%dma_start3A_51, %dma_start3A_52, %dma_start3A_53] : memref<5x125x64xf32, #tpu.memory_space<vmem>> -> memref<1x125x64xf32, #tpu.memory_space<vmem>>
      %dma_start3A_55 = tpu.memref_squeeze %dma_start3A_54 : memref<1x125x64xf32, #tpu.memory_space<vmem>> -> memref<125x64xf32, #tpu.memory_space<vmem>>
      %dma_start3A_56 = arith.constant 0 : i32
      %dma_start3A_57 = tpu.memref_slice %arg8[%dma_start3A_50, %dma_start3A_56] : memref<160x125xi32, #tpu.memory_space<vmem>> -> memref<1x125xi32, #tpu.memory_space<vmem>>
      %dma_start3A_58 = tpu.memref_squeeze %dma_start3A_57 : memref<1x125xi32, #tpu.memory_space<vmem>> -> memref<125xi32, #tpu.memory_space<vmem>>
      %dma_start3A_59 = arith.constant 0 : i32
      %dma_start3A_60 = arith.constant 0 : i32
      %dma_start3A_61 = tpu.memref_slice %arg3[%dma_start3A_59, %dma_start3A_60] : memref<10000x64xf32, #tpu.memory_space<hbm>> -> memref<10000x64xf32, #tpu.memory_space<hbm>>
      tpu.enqueue_indirect_dma source(%dma_start3A_61 : memref<10000x64xf32, #tpu.memory_space<hbm>>) target(%dma_start3A_55 : memref<125x64xf32, #tpu.memory_space<vmem>>) offsets(%dma_start3A_58 : memref<125xi32, #tpu.memory_space<vmem>>) semaphore(%arg14 : memref<!tpu.dma_semaphore, #tpu.memory_space<semaphore_mem>>)
      %dma_start3A_62 = arith.constant 3 : i32
      %dma_start3A_63 = arith.constant 3 : i32
      %dma_start3A_64 = arith.constant 0 : i32
      %dma_start3A_65 = arith.constant 0 : i32
      %dma_start3A_66 = tpu.memref_slice %arg10[%dma_start3A_63, %dma_start3A_64, %dma_start3A_65] : memref<5x125x64xf32, #tpu.memory_space<vmem>> -> memref<1x125x64xf32, #tpu.memory_space<vmem>>
      %dma_start3A_67 = tpu.memref_squeeze %dma_start3A_66 : memref<1x125x64xf32, #tpu.memory_space<vmem>> -> memref<125x64xf32, #tpu.memory_space<vmem>>
      %dma_start3A_68 = arith.constant 0 : i32
      %dma_start3A_69 = tpu.memref_slice %arg8[%dma_start3A_62, %dma_start3A_68] : memref<160x125xi32, #tpu.memory_space<vmem>> -> memref<1x125xi32, #tpu.memory_space<vmem>>
      %dma_start3A_70 = tpu.memref_squeeze %dma_start3A_69 : memref<1x125xi32, #tpu.memory_space<vmem>> -> memref<125xi32, #tpu.memory_space<vmem>>
      %dma_start3A_71 = arith.constant 0 : i32
      %dma_start3A_72 = arith.constant 0 : i32
      %dma_start3A_73 = tpu.memref_slice %arg3[%dma_start3A_71, %dma_start3A_72] : memref<10000x64xf32, #tpu.memory_space<hbm>> -> memref<10000x64xf32, #tpu.memory_space<hbm>>
      tpu.enqueue_indirect_dma source(%dma_start3A_73 : memref<10000x64xf32, #tpu.memory_space<hbm>>) target(%dma_start3A_67 : memref<125x64xf32, #tpu.memory_space<vmem>>) offsets(%dma_start3A_70 : memref<125xi32, #tpu.memory_space<vmem>>) semaphore(%arg15 : memref<!tpu.dma_semaphore, #tpu.memory_space<semaphore_mem>>)
      %dma_start3A_74 = arith.constant 4 : i32
      %dma_start3A_75 = arith.constant 4 : i32
      %dma_start3A_76 = arith.constant 0 : i32
      %dma_start3A_77 = arith.constant 0 : i32
      %dma_start3A_78 = tpu.memref_slice %arg10[%dma_start3A_75, %dma_start3A_76, %dma_start3A_77] : memref<5x125x64xf32, #tpu.memory_space<vmem>> -> memref<1x125x64xf32, #tpu.memory_space<vmem>>
      %dma_start3A_79 = tpu.memref_squeeze %dma_start3A_78 : memref<1x125x64xf32, #tpu.memory_space<vmem>> -> memref<125x64xf32, #tpu.memory_space<vmem>>
      %dma_start3A_80 = arith.constant 0 : i32
      %dma_start3A_81 = tpu.memref_slice %arg8[%dma_start3A_74, %dma_start3A_80] : memref<160x125xi32, #tpu.memory_space<vmem>> -> memref<1x125xi32, #tpu.memory_space<vmem>>
      %dma_start3A_82 = tpu.memref_squeeze %dma_start3A_81 : memref<1x125xi32, #tpu.memory_space<vmem>> -> memref<125xi32, #tpu.memory_space<vmem>>
      %dma_start3A_83 = arith.constant 0 : i32
      %dma_start3A_84 = arith.constant 0 : i32
      %dma_start3A_85 = tpu.memref_slice %arg3[%dma_start3A_83, %dma_start3A_84] : memref<10000x64xf32, #tpu.memory_space<hbm>> -> memref<10000x64xf32, #tpu.memory_space<hbm>>
      tpu.enqueue_indirect_dma source(%dma_start3A_85 : memref<10000x64xf32, #tpu.memory_space<hbm>>) target(%dma_start3A_79 : memref<125x64xf32, #tpu.memory_space<vmem>>) offsets(%dma_start3A_82 : memref<125xi32, #tpu.memory_space<vmem>>) semaphore(%arg16 : memref<!tpu.dma_semaphore, #tpu.memory_space<semaphore_mem>>)
      %scan3A = arith.constant 0 : i32
      %scan3A_86 = arith.constant 32 : i32
      %scan3A_87 = arith.addi %scan3A, %scan3A_86 : i32
      %scan3A_88 = arith.constant 1 : i32
      scf.for %scan3A_90 = %scan3A to %scan3A_87 step %scan3A_88  : i32 {
        %mul3A = arith.constant 5 : i32
        %mul3A_91 = arith.muli %scan3A_90, %mul3A : i32
        %add3A = arith.constant 0 : i32
        %add3A_92 = arith.addi %add3A, %mul3A_91 : i32
        %add3A_93 = arith.constant 0 : i32
        %add3A_94 = arith.addi %add3A_92, %add3A_93 : i32
        %dma_wait3A = arith.constant 0 : i32
        %dma_wait3A_95 = arith.constant 0 : i32
        %dma_wait3A_96 = arith.constant 0 : i32
        %dma_wait3A_97 = tpu.memref_slice %arg10[%dma_wait3A, %dma_wait3A_95, %dma_wait3A_96] : memref<5x125x64xf32, #tpu.memory_space<vmem>> -> memref<1x125x64xf32, #tpu.memory_space<vmem>>
        %dma_wait3A_98 = tpu.memref_squeeze %dma_wait3A_97 : memref<1x125x64xf32, #tpu.memory_space<vmem>> -> memref<125x64xf32, #tpu.memory_space<vmem>>
        %dma_wait3A_99 = arith.constant 0 : i32
        %dma_wait3A_100 = tpu.memref_slice %arg8[%add3A_94, %dma_wait3A_99] : memref<160x125xi32, #tpu.memory_space<vmem>> -> memref<1x125xi32, #tpu.memory_space<vmem>>
        %dma_wait3A_101 = tpu.memref_squeeze %dma_wait3A_100 : memref<1x125xi32, #tpu.memory_space<vmem>> -> memref<125xi32, #tpu.memory_space<vmem>>
        %dma_wait3A_102 = arith.constant 0 : i32
        %dma_wait3A_103 = arith.constant 0 : i32
        %dma_wait3A_104 = tpu.memref_slice %arg3[%dma_wait3A_102, %dma_wait3A_103] : memref<10000x64xf32, #tpu.memory_space<hbm>> -> memref<10000x64xf32, #tpu.memory_space<hbm>>
        tpu.wait_indirect_dma semaphore(%arg12 : memref<!tpu.dma_semaphore, #tpu.memory_space<semaphore_mem>>) src(%dma_wait3A_104 : memref<10000x64xf32, #tpu.memory_space<hbm>>) dst(%dma_wait3A_98 : memref<125x64xf32, #tpu.memory_space<vmem>>)
        %run_scoped3A = arith.constant 0 : i32
        "tpu.region"() ({
          %run_scoped3A_196 = tpu.sem_alloc : memref<!tpu.dma_semaphore, #tpu.memory_space<semaphore_mem>>
          %dma_start3A_197 = arith.constant 0 : i32
          %dma_start3A_198 = arith.constant 0 : i32
          %dma_start3A_199 = tpu.memref_slice %arg10[%run_scoped3A, %dma_start3A_197, %dma_start3A_198] : memref<5x125x64xf32, #tpu.memory_space<vmem>> -> memref<1x125x64xf32, #tpu.memory_space<vmem>>
          %dma_start3A_200 = tpu.memref_squeeze %dma_start3A_199 : memref<1x125x64xf32, #tpu.memory_space<vmem>> -> memref<125x64xf32, #tpu.memory_space<vmem>>
          %dma_start3A_201 = arith.constant 0 : i32
          %dma_start3A_202 = tpu.memref_slice %arg9[%add3A_94, %dma_start3A_201] : memref<160x125xi32, #tpu.memory_space<vmem>> -> memref<1x125xi32, #tpu.memory_space<vmem>>
          %dma_start3A_203 = tpu.memref_squeeze %dma_start3A_202 : memref<1x125xi32, #tpu.memory_space<vmem>> -> memref<125xi32, #tpu.memory_space<vmem>>
          %dma_start3A_204 = arith.constant 0 : i32
          %dma_start3A_205 = arith.constant 0 : i32
          %dma_start3A_206 = tpu.memref_slice %arg11[%dma_start3A_204, %dma_start3A_205] : memref<10000x64xf32, #tpu.memory_space<vmem_shared>> -> memref<10000x64xf32, #tpu.memory_space<vmem_shared>>
          tpu.enqueue_indirect_dma source(%dma_start3A_200 : memref<125x64xf32, #tpu.memory_space<vmem>>) target(%dma_start3A_206 : memref<10000x64xf32, #tpu.memory_space<vmem_shared>>) offsets(%dma_start3A_203 : memref<125xi32, #tpu.memory_space<vmem>>) semaphore(%run_scoped3A_196 : memref<!tpu.dma_semaphore, #tpu.memory_space<semaphore_mem>>) {add = true}
          %dma_wait3A_207 = arith.constant 0 : i32
          %dma_wait3A_208 = arith.constant 0 : i32
          %dma_wait3A_209 = tpu.memref_slice %arg10[%run_scoped3A, %dma_wait3A_207, %dma_wait3A_208] : memref<5x125x64xf32, #tpu.memory_space<vmem>> -> memref<1x125x64xf32, #tpu.memory_space<vmem>>
          %dma_wait3A_210 = tpu.memref_squeeze %dma_wait3A_209 : memref<1x125x64xf32, #tpu.memory_space<vmem>> -> memref<125x64xf32, #tpu.memory_space<vmem>>
          %dma_wait3A_211 = arith.constant 0 : i32
          %dma_wait3A_212 = tpu.memref_slice %arg9[%add3A_94, %dma_wait3A_211] : memref<160x125xi32, #tpu.memory_space<vmem>> -> memref<1x125xi32, #tpu.memory_space<vmem>>
          %dma_wait3A_213 = tpu.memref_squeeze %dma_wait3A_212 : memref<1x125xi32, #tpu.memory_space<vmem>> -> memref<125xi32, #tpu.memory_space<vmem>>
          %dma_wait3A_214 = arith.constant 0 : i32
          %dma_wait3A_215 = arith.constant 0 : i32
          %dma_wait3A_216 = tpu.memref_slice %arg11[%dma_wait3A_214, %dma_wait3A_215] : memref<10000x64xf32, #tpu.memory_space<vmem_shared>> -> memref<10000x64xf32, #tpu.memory_space<vmem_shared>>
          tpu.wait_indirect_dma semaphore(%run_scoped3A_196 : memref<!tpu.dma_semaphore, #tpu.memory_space<semaphore_mem>>) src(%dma_wait3A_210 : memref<125x64xf32, #tpu.memory_space<vmem>>) dst(%dma_wait3A_216 : memref<10000x64xf32, #tpu.memory_space<vmem_shared>>)
          tpu.yield
        }) : () -> ()
        %add3A_105 = arith.constant 5 : i32
        %add3A_106 = arith.addi %add3A_94, %add3A_105 : i32
        %lt3A_107 = arith.constant 160 : i32
        %lt3A_108 = arith.cmpi slt, %add3A_106, %lt3A_107 : i32
        %convert_element_type3A_109 = arith.extui %lt3A_108 : i1 to i32
        %cond3A_110 = arith.constant 0 : i32
        %cond3A_111 = arith.cmpi ne, %convert_element_type3A_109, %cond3A_110 : i32
        scf.if %cond3A_111 {
          %dma_start3A_196 = arith.constant 0 : i32
          %dma_start3A_197 = arith.constant 0 : i32
          %dma_start3A_198 = arith.constant 0 : i32
          %dma_start3A_199 = tpu.memref_slice %arg10[%dma_start3A_196, %dma_start3A_197, %dma_start3A_198] : memref<5x125x64xf32, #tpu.memory_space<vmem>> -> memref<1x125x64xf32, #tpu.memory_space<vmem>>
          %dma_start3A_200 = tpu.memref_squeeze %dma_start3A_199 : memref<1x125x64xf32, #tpu.memory_space<vmem>> -> memref<125x64xf32, #tpu.memory_space<vmem>>
          %dma_start3A_201 = arith.constant 0 : i32
          %dma_start3A_202 = tpu.memref_slice %arg8[%add3A_106, %dma_start3A_201] : memref<160x125xi32, #tpu.memory_space<vmem>> -> memref<1x125xi32, #tpu.memory_space<vmem>>
          %dma_start3A_203 = tpu.memref_squeeze %dma_start3A_202 : memref<1x125xi32, #tpu.memory_space<vmem>> -> memref<125xi32, #tpu.memory_space<vmem>>
          %dma_start3A_204 = arith.constant 0 : i32
          %dma_start3A_205 = arith.constant 0 : i32
          %dma_start3A_206 = tpu.memref_slice %arg3[%dma_start3A_204, %dma_start3A_205] : memref<10000x64xf32, #tpu.memory_space<hbm>> -> memref<10000x64xf32, #tpu.memory_space<hbm>>
          tpu.enqueue_indirect_dma source(%dma_start3A_206 : memref<10000x64xf32, #tpu.memory_space<hbm>>) target(%dma_start3A_200 : memref<125x64xf32, #tpu.memory_space<vmem>>) offsets(%dma_start3A_203 : memref<125xi32, #tpu.memory_space<vmem>>) semaphore(%arg12 : memref<!tpu.dma_semaphore, #tpu.memory_space<semaphore_mem>>)
        } else {
        }
        %add3A_112 = arith.constant 1 : i32
        %add3A_113 = arith.addi %add3A_92, %add3A_112 : i32
        %dma_wait3A_114 = arith.constant 1 : i32
        %dma_wait3A_115 = arith.constant 0 : i32
        %dma_wait3A_116 = arith.constant 0 : i32
        %dma_wait3A_117 = tpu.memref_slice %arg10[%dma_wait3A_114, %dma_wait3A_115, %dma_wait3A_116] : memref<5x125x64xf32, #tpu.memory_space<vmem>> -> memref<1x125x64xf32, #tpu.memory_space<vmem>>
        %dma_wait3A_118 = tpu.memref_squeeze %dma_wait3A_117 : memref<1x125x64xf32, #tpu.memory_space<vmem>> -> memref<125x64xf32, #tpu.memory_space<vmem>>
        %dma_wait3A_119 = arith.constant 0 : i32
        %dma_wait3A_120 = tpu.memref_slice %arg8[%add3A_113, %dma_wait3A_119] : memref<160x125xi32, #tpu.memory_space<vmem>> -> memref<1x125xi32, #tpu.memory_space<vmem>>
        %dma_wait3A_121 = tpu.memref_squeeze %dma_wait3A_120 : memref<1x125xi32, #tpu.memory_space<vmem>> -> memref<125xi32, #tpu.memory_space<vmem>>
        %dma_wait3A_122 = arith.constant 0 : i32
        %dma_wait3A_123 = arith.constant 0 : i32
        %dma_wait3A_124 = tpu.memref_slice %arg3[%dma_wait3A_122, %dma_wait3A_123] : memref<10000x64xf32, #tpu.memory_space<hbm>> -> memref<10000x64xf32, #tpu.memory_space<hbm>>
        tpu.wait_indirect_dma semaphore(%arg13 : memref<!tpu.dma_semaphore, #tpu.memory_space<semaphore_mem>>) src(%dma_wait3A_124 : memref<10000x64xf32, #tpu.memory_space<hbm>>) dst(%dma_wait3A_118 : memref<125x64xf32, #tpu.memory_space<vmem>>)
        %run_scoped3A_125 = arith.constant 1 : i32
        "tpu.region"() ({
          %run_scoped3A_196 = tpu.sem_alloc : memref<!tpu.dma_semaphore, #tpu.memory_space<semaphore_mem>>
          %dma_start3A_197 = arith.constant 0 : i32
          %dma_start3A_198 = arith.constant 0 : i32
          %dma_start3A_199 = tpu.memref_slice %arg10[%run_scoped3A_125, %dma_start3A_197, %dma_start3A_198] : memref<5x125x64xf32, #tpu.memory_space<vmem>> -> memref<1x125x64xf32, #tpu.memory_space<vmem>>
          %dma_start3A_200 = tpu.memref_squeeze %dma_start3A_199 : memref<1x125x64xf32, #tpu.memory_space<vmem>> -> memref<125x64xf32, #tpu.memory_space<vmem>>
          %dma_start3A_201 = arith.constant 0 : i32
          %dma_start3A_202 = tpu.memref_slice %arg9[%add3A_113, %dma_start3A_201] : memref<160x125xi32, #tpu.memory_space<vmem>> -> memref<1x125xi32, #tpu.memory_space<vmem>>
          %dma_start3A_203 = tpu.memref_squeeze %dma_start3A_202 : memref<1x125xi32, #tpu.memory_space<vmem>> -> memref<125xi32, #tpu.memory_space<vmem>>
          %dma_start3A_204 = arith.constant 0 : i32
          %dma_start3A_205 = arith.constant 0 : i32
          %dma_start3A_206 = tpu.memref_slice %arg11[%dma_start3A_204, %dma_start3A_205] : memref<10000x64xf32, #tpu.memory_space<vmem_shared>> -> memref<10000x64xf32, #tpu.memory_space<vmem_shared>>
          tpu.enqueue_indirect_dma source(%dma_start3A_200 : memref<125x64xf32, #tpu.memory_space<vmem>>) target(%dma_start3A_206 : memref<10000x64xf32, #tpu.memory_space<vmem_shared>>) offsets(%dma_start3A_203 : memref<125xi32, #tpu.memory_space<vmem>>) semaphore(%run_scoped3A_196 : memref<!tpu.dma_semaphore, #tpu.memory_space<semaphore_mem>>) {add = true}
          %dma_wait3A_207 = arith.constant 0 : i32
          %dma_wait3A_208 = arith.constant 0 : i32
          %dma_wait3A_209 = tpu.memref_slice %arg10[%run_scoped3A_125, %dma_wait3A_207, %dma_wait3A_208] : memref<5x125x64xf32, #tpu.memory_space<vmem>> -> memref<1x125x64xf32, #tpu.memory_space<vmem>>
          %dma_wait3A_210 = tpu.memref_squeeze %dma_wait3A_209 : memref<1x125x64xf32, #tpu.memory_space<vmem>> -> memref<125x64xf32, #tpu.memory_space<vmem>>
          %dma_wait3A_211 = arith.constant 0 : i32
          %dma_wait3A_212 = tpu.memref_slice %arg9[%add3A_113, %dma_wait3A_211] : memref<160x125xi32, #tpu.memory_space<vmem>> -> memref<1x125xi32, #tpu.memory_space<vmem>>
          %dma_wait3A_213 = tpu.memref_squeeze %dma_wait3A_212 : memref<1x125xi32, #tpu.memory_space<vmem>> -> memref<125xi32, #tpu.memory_space<vmem>>
          %dma_wait3A_214 = arith.constant 0 : i32
          %dma_wait3A_215 = arith.constant 0 : i32
          %dma_wait3A_216 = tpu.memref_slice %arg11[%dma_wait3A_214, %dma_wait3A_215] : memref<10000x64xf32, #tpu.memory_space<vmem_shared>> -> memref<10000x64xf32, #tpu.memory_space<vmem_shared>>
          tpu.wait_indirect_dma semaphore(%run_scoped3A_196 : memref<!tpu.dma_semaphore, #tpu.memory_space<semaphore_mem>>) src(%dma_wait3A_210 : memref<125x64xf32, #tpu.memory_space<vmem>>) dst(%dma_wait3A_216 : memref<10000x64xf32, #tpu.memory_space<vmem_shared>>)
          tpu.yield
        }) : () -> ()
        %add3A_126 = arith.constant 5 : i32
        %add3A_127 = arith.addi %add3A_113, %add3A_126 : i32
        %lt3A_128 = arith.constant 160 : i32
        %lt3A_129 = arith.cmpi slt, %add3A_127, %lt3A_128 : i32
        %convert_element_type3A_130 = arith.extui %lt3A_129 : i1 to i32
        %cond3A_131 = arith.constant 0 : i32
        %cond3A_132 = arith.cmpi ne, %convert_element_type3A_130, %cond3A_131 : i32
        scf.if %cond3A_132 {
          %dma_start3A_196 = arith.constant 1 : i32
          %dma_start3A_197 = arith.constant 0 : i32
          %dma_start3A_198 = arith.constant 0 : i32
          %dma_start3A_199 = tpu.memref_slice %arg10[%dma_start3A_196, %dma_start3A_197, %dma_start3A_198] : memref<5x125x64xf32, #tpu.memory_space<vmem>> -> memref<1x125x64xf32, #tpu.memory_space<vmem>>
          %dma_start3A_200 = tpu.memref_squeeze %dma_start3A_199 : memref<1x125x64xf32, #tpu.memory_space<vmem>> -> memref<125x64xf32, #tpu.memory_space<vmem>>
          %dma_start3A_201 = arith.constant 0 : i32
          %dma_start3A_202 = tpu.memref_slice %arg8[%add3A_127, %dma_start3A_201] : memref<160x125xi32, #tpu.memory_space<vmem>> -> memref<1x125xi32, #tpu.memory_space<vmem>>
          %dma_start3A_203 = tpu.memref_squeeze %dma_start3A_202 : memref<1x125xi32, #tpu.memory_space<vmem>> -> memref<125xi32, #tpu.memory_space<vmem>>
          %dma_start3A_204 = arith.constant 0 : i32
          %dma_start3A_205 = arith.constant 0 : i32
          %dma_start3A_206 = tpu.memref_slice %arg3[%dma_start3A_204, %dma_start3A_205] : memref<10000x64xf32, #tpu.memory_space<hbm>> -> memref<10000x64xf32, #tpu.memory_space<hbm>>
          tpu.enqueue_indirect_dma source(%dma_start3A_206 : memref<10000x64xf32, #tpu.memory_space<hbm>>) target(%dma_start3A_200 : memref<125x64xf32, #tpu.memory_space<vmem>>) offsets(%dma_start3A_203 : memref<125xi32, #tpu.memory_space<vmem>>) semaphore(%arg13 : memref<!tpu.dma_semaphore, #tpu.memory_space<semaphore_mem>>)
        } else {
        }
        %add3A_133 = arith.constant 2 : i32
        %add3A_134 = arith.addi %add3A_92, %add3A_133 : i32
        %dma_wait3A_135 = arith.constant 2 : i32
        %dma_wait3A_136 = arith.constant 0 : i32
        %dma_wait3A_137 = arith.constant 0 : i32
        %dma_wait3A_138 = tpu.memref_slice %arg10[%dma_wait3A_135, %dma_wait3A_136, %dma_wait3A_137] : memref<5x125x64xf32, #tpu.memory_space<vmem>> -> memref<1x125x64xf32, #tpu.memory_space<vmem>>
        %dma_wait3A_139 = tpu.memref_squeeze %dma_wait3A_138 : memref<1x125x64xf32, #tpu.memory_space<vmem>> -> memref<125x64xf32, #tpu.memory_space<vmem>>
        %dma_wait3A_140 = arith.constant 0 : i32
        %dma_wait3A_141 = tpu.memref_slice %arg8[%add3A_134, %dma_wait3A_140] : memref<160x125xi32, #tpu.memory_space<vmem>> -> memref<1x125xi32, #tpu.memory_space<vmem>>
        %dma_wait3A_142 = tpu.memref_squeeze %dma_wait3A_141 : memref<1x125xi32, #tpu.memory_space<vmem>> -> memref<125xi32, #tpu.memory_space<vmem>>
        %dma_wait3A_143 = arith.constant 0 : i32
        %dma_wait3A_144 = arith.constant 0 : i32
        %dma_wait3A_145 = tpu.memref_slice %arg3[%dma_wait3A_143, %dma_wait3A_144] : memref<10000x64xf32, #tpu.memory_space<hbm>> -> memref<10000x64xf32, #tpu.memory_space<hbm>>
        tpu.wait_indirect_dma semaphore(%arg14 : memref<!tpu.dma_semaphore, #tpu.memory_space<semaphore_mem>>) src(%dma_wait3A_145 : memref<10000x64xf32, #tpu.memory_space<hbm>>) dst(%dma_wait3A_139 : memref<125x64xf32, #tpu.memory_space<vmem>>)
        %run_scoped3A_146 = arith.constant 2 : i32
        "tpu.region"() ({
          %run_scoped3A_196 = tpu.sem_alloc : memref<!tpu.dma_semaphore, #tpu.memory_space<semaphore_mem>>
          %dma_start3A_197 = arith.constant 0 : i32
          %dma_start3A_198 = arith.constant 0 : i32
          %dma_start3A_199 = tpu.memref_slice %arg10[%run_scoped3A_146, %dma_start3A_197, %dma_start3A_198] : memref<5x125x64xf32, #tpu.memory_space<vmem>> -> memref<1x125x64xf32, #tpu.memory_space<vmem>>
          %dma_start3A_200 = tpu.memref_squeeze %dma_start3A_199 : memref<1x125x64xf32, #tpu.memory_space<vmem>> -> memref<125x64xf32, #tpu.memory_space<vmem>>
          %dma_start3A_201 = arith.constant 0 : i32
          %dma_start3A_202 = tpu.memref_slice %arg9[%add3A_134, %dma_start3A_201] : memref<160x125xi32, #tpu.memory_space<vmem>> -> memref<1x125xi32, #tpu.memory_space<vmem>>
          %dma_start3A_203 = tpu.memref_squeeze %dma_start3A_202 : memref<1x125xi32, #tpu.memory_space<vmem>> -> memref<125xi32, #tpu.memory_space<vmem>>
          %dma_start3A_204 = arith.constant 0 : i32
          %dma_start3A_205 = arith.constant 0 : i32
          %dma_start3A_206 = tpu.memref_slice %arg11[%dma_start3A_204, %dma_start3A_205] : memref<10000x64xf32, #tpu.memory_space<vmem_shared>> -> memref<10000x64xf32, #tpu.memory_space<vmem_shared>>
          tpu.enqueue_indirect_dma source(%dma_start3A_200 : memref<125x64xf32, #tpu.memory_space<vmem>>) target(%dma_start3A_206 : memref<10000x64xf32, #tpu.memory_space<vmem_shared>>) offsets(%dma_start3A_203 : memref<125xi32, #tpu.memory_space<vmem>>) semaphore(%run_scoped3A_196 : memref<!tpu.dma_semaphore, #tpu.memory_space<semaphore_mem>>) {add = true}
          %dma_wait3A_207 = arith.constant 0 : i32
          %dma_wait3A_208 = arith.constant 0 : i32
          %dma_wait3A_209 = tpu.memref_slice %arg10[%run_scoped3A_146, %dma_wait3A_207, %dma_wait3A_208] : memref<5x125x64xf32, #tpu.memory_space<vmem>> -> memref<1x125x64xf32, #tpu.memory_space<vmem>>
          %dma_wait3A_210 = tpu.memref_squeeze %dma_wait3A_209 : memref<1x125x64xf32, #tpu.memory_space<vmem>> -> memref<125x64xf32, #tpu.memory_space<vmem>>
          %dma_wait3A_211 = arith.constant 0 : i32
          %dma_wait3A_212 = tpu.memref_slice %arg9[%add3A_134, %dma_wait3A_211] : memref<160x125xi32, #tpu.memory_space<vmem>> -> memref<1x125xi32, #tpu.memory_space<vmem>>
          %dma_wait3A_213 = tpu.memref_squeeze %dma_wait3A_212 : memref<1x125xi32, #tpu.memory_space<vmem>> -> memref<125xi32, #tpu.memory_space<vmem>>
          %dma_wait3A_214 = arith.constant 0 : i32
          %dma_wait3A_215 = arith.constant 0 : i32
          %dma_wait3A_216 = tpu.memref_slice %arg11[%dma_wait3A_214, %dma_wait3A_215] : memref<10000x64xf32, #tpu.memory_space<vmem_shared>> -> memref<10000x64xf32, #tpu.memory_space<vmem_shared>>
          tpu.wait_indirect_dma semaphore(%run_scoped3A_196 : memref<!tpu.dma_semaphore, #tpu.memory_space<semaphore_mem>>) src(%dma_wait3A_210 : memref<125x64xf32, #tpu.memory_space<vmem>>) dst(%dma_wait3A_216 : memref<10000x64xf32, #tpu.memory_space<vmem_shared>>)
          tpu.yield
        }) : () -> ()
        %add3A_147 = arith.constant 5 : i32
        %add3A_148 = arith.addi %add3A_134, %add3A_147 : i32
        %lt3A_149 = arith.constant 160 : i32
        %lt3A_150 = arith.cmpi slt, %add3A_148, %lt3A_149 : i32
        %convert_element_type3A_151 = arith.extui %lt3A_150 : i1 to i32
        %cond3A_152 = arith.constant 0 : i32
        %cond3A_153 = arith.cmpi ne, %convert_element_type3A_151, %cond3A_152 : i32
        scf.if %cond3A_153 {
          %dma_start3A_196 = arith.constant 2 : i32
          %dma_start3A_197 = arith.constant 0 : i32
          %dma_start3A_198 = arith.constant 0 : i32
          %dma_start3A_199 = tpu.memref_slice %arg10[%dma_start3A_196, %dma_start3A_197, %dma_start3A_198] : memref<5x125x64xf32, #tpu.memory_space<vmem>> -> memref<1x125x64xf32, #tpu.memory_space<vmem>>
          %dma_start3A_200 = tpu.memref_squeeze %dma_start3A_199 : memref<1x125x64xf32, #tpu.memory_space<vmem>> -> memref<125x64xf32, #tpu.memory_space<vmem>>
          %dma_start3A_201 = arith.constant 0 : i32
          %dma_start3A_202 = tpu.memref_slice %arg8[%add3A_148, %dma_start3A_201] : memref<160x125xi32, #tpu.memory_space<vmem>> -> memref<1x125xi32, #tpu.memory_space<vmem>>
          %dma_start3A_203 = tpu.memref_squeeze %dma_start3A_202 : memref<1x125xi32, #tpu.memory_space<vmem>> -> memref<125xi32, #tpu.memory_space<vmem>>
          %dma_start3A_204 = arith.constant 0 : i32
          %dma_start3A_205 = arith.constant 0 : i32
          %dma_start3A_206 = tpu.memref_slice %arg3[%dma_start3A_204, %dma_start3A_205] : memref<10000x64xf32, #tpu.memory_space<hbm>> -> memref<10000x64xf32, #tpu.memory_space<hbm>>
          tpu.enqueue_indirect_dma source(%dma_start3A_206 : memref<10000x64xf32, #tpu.memory_space<hbm>>) target(%dma_start3A_200 : memref<125x64xf32, #tpu.memory_space<vmem>>) offsets(%dma_start3A_203 : memref<125xi32, #tpu.memory_space<vmem>>) semaphore(%arg14 : memref<!tpu.dma_semaphore, #tpu.memory_space<semaphore_mem>>)
        } else {
        }
        %add3A_154 = arith.constant 3 : i32
        %add3A_155 = arith.addi %add3A_92, %add3A_154 : i32
        %dma_wait3A_156 = arith.constant 3 : i32
        %dma_wait3A_157 = arith.constant 0 : i32
        %dma_wait3A_158 = arith.constant 0 : i32
        %dma_wait3A_159 = tpu.memref_slice %arg10[%dma_wait3A_156, %dma_wait3A_157, %dma_wait3A_158] : memref<5x125x64xf32, #tpu.memory_space<vmem>> -> memref<1x125x64xf32, #tpu.memory_space<vmem>>
        %dma_wait3A_160 = tpu.memref_squeeze %dma_wait3A_159 : memref<1x125x64xf32, #tpu.memory_space<vmem>> -> memref<125x64xf32, #tpu.memory_space<vmem>>
        %dma_wait3A_161 = arith.constant 0 : i32
        %dma_wait3A_162 = tpu.memref_slice %arg8[%add3A_155, %dma_wait3A_161] : memref<160x125xi32, #tpu.memory_space<vmem>> -> memref<1x125xi32, #tpu.memory_space<vmem>>
        %dma_wait3A_163 = tpu.memref_squeeze %dma_wait3A_162 : memref<1x125xi32, #tpu.memory_space<vmem>> -> memref<125xi32, #tpu.memory_space<vmem>>
        %dma_wait3A_164 = arith.constant 0 : i32
        %dma_wait3A_165 = arith.constant 0 : i32
        %dma_wait3A_166 = tpu.memref_slice %arg3[%dma_wait3A_164, %dma_wait3A_165] : memref<10000x64xf32, #tpu.memory_space<hbm>> -> memref<10000x64xf32, #tpu.memory_space<hbm>>
        tpu.wait_indirect_dma semaphore(%arg15 : memref<!tpu.dma_semaphore, #tpu.memory_space<semaphore_mem>>) src(%dma_wait3A_166 : memref<10000x64xf32, #tpu.memory_space<hbm>>) dst(%dma_wait3A_160 : memref<125x64xf32, #tpu.memory_space<vmem>>)
        %run_scoped3A_167 = arith.constant 3 : i32
        "tpu.region"() ({
          %run_scoped3A_196 = tpu.sem_alloc : memref<!tpu.dma_semaphore, #tpu.memory_space<semaphore_mem>>
          %dma_start3A_197 = arith.constant 0 : i32
          %dma_start3A_198 = arith.constant 0 : i32
          %dma_start3A_199 = tpu.memref_slice %arg10[%run_scoped3A_167, %dma_start3A_197, %dma_start3A_198] : memref<5x125x64xf32, #tpu.memory_space<vmem>> -> memref<1x125x64xf32, #tpu.memory_space<vmem>>
          %dma_start3A_200 = tpu.memref_squeeze %dma_start3A_199 : memref<1x125x64xf32, #tpu.memory_space<vmem>> -> memref<125x64xf32, #tpu.memory_space<vmem>>
          %dma_start3A_201 = arith.constant 0 : i32
          %dma_start3A_202 = tpu.memref_slice %arg9[%add3A_155, %dma_start3A_201] : memref<160x125xi32, #tpu.memory_space<vmem>> -> memref<1x125xi32, #tpu.memory_space<vmem>>
          %dma_start3A_203 = tpu.memref_squeeze %dma_start3A_202 : memref<1x125xi32, #tpu.memory_space<vmem>> -> memref<125xi32, #tpu.memory_space<vmem>>
          %dma_start3A_204 = arith.constant 0 : i32
          %dma_start3A_205 = arith.constant 0 : i32
          %dma_start3A_206 = tpu.memref_slice %arg11[%dma_start3A_204, %dma_start3A_205] : memref<10000x64xf32, #tpu.memory_space<vmem_shared>> -> memref<10000x64xf32, #tpu.memory_space<vmem_shared>>
          tpu.enqueue_indirect_dma source(%dma_start3A_200 : memref<125x64xf32, #tpu.memory_space<vmem>>) target(%dma_start3A_206 : memref<10000x64xf32, #tpu.memory_space<vmem_shared>>) offsets(%dma_start3A_203 : memref<125xi32, #tpu.memory_space<vmem>>) semaphore(%run_scoped3A_196 : memref<!tpu.dma_semaphore, #tpu.memory_space<semaphore_mem>>) {add = true}
          %dma_wait3A_207 = arith.constant 0 : i32
          %dma_wait3A_208 = arith.constant 0 : i32
          %dma_wait3A_209 = tpu.memref_slice %arg10[%run_scoped3A_167, %dma_wait3A_207, %dma_wait3A_208] : memref<5x125x64xf32, #tpu.memory_space<vmem>> -> memref<1x125x64xf32, #tpu.memory_space<vmem>>
          %dma_wait3A_210 = tpu.memref_squeeze %dma_wait3A_209 : memref<1x125x64xf32, #tpu.memory_space<vmem>> -> memref<125x64xf32, #tpu.memory_space<vmem>>
          %dma_wait3A_211 = arith.constant 0 : i32
          %dma_wait3A_212 = tpu.memref_slice %arg9[%add3A_155, %dma_wait3A_211] : memref<160x125xi32, #tpu.memory_space<vmem>> -> memref<1x125xi32, #tpu.memory_space<vmem>>
          %dma_wait3A_213 = tpu.memref_squeeze %dma_wait3A_212 : memref<1x125xi32, #tpu.memory_space<vmem>> -> memref<125xi32, #tpu.memory_space<vmem>>
          %dma_wait3A_214 = arith.constant 0 : i32
          %dma_wait3A_215 = arith.constant 0 : i32
          %dma_wait3A_216 = tpu.memref_slice %arg11[%dma_wait3A_214, %dma_wait3A_215] : memref<10000x64xf32, #tpu.memory_space<vmem_shared>> -> memref<10000x64xf32, #tpu.memory_space<vmem_shared>>
          tpu.wait_indirect_dma semaphore(%run_scoped3A_196 : memref<!tpu.dma_semaphore, #tpu.memory_space<semaphore_mem>>) src(%dma_wait3A_210 : memref<125x64xf32, #tpu.memory_space<vmem>>) dst(%dma_wait3A_216 : memref<10000x64xf32, #tpu.memory_space<vmem_shared>>)
          tpu.yield
        }) : () -> ()
        %add3A_168 = arith.constant 5 : i32
        %add3A_169 = arith.addi %add3A_155, %add3A_168 : i32
        %lt3A_170 = arith.constant 160 : i32
        %lt3A_171 = arith.cmpi slt, %add3A_169, %lt3A_170 : i32
        %convert_element_type3A_172 = arith.extui %lt3A_171 : i1 to i32
        %cond3A_173 = arith.constant 0 : i32
        %cond3A_174 = arith.cmpi ne, %convert_element_type3A_172, %cond3A_173 : i32
        scf.if %cond3A_174 {
          %dma_start3A_196 = arith.constant 3 : i32
          %dma_start3A_197 = arith.constant 0 : i32
          %dma_start3A_198 = arith.constant 0 : i32
          %dma_start3A_199 = tpu.memref_slice %arg10[%dma_start3A_196, %dma_start3A_197, %dma_start3A_198] : memref<5x125x64xf32, #tpu.memory_space<vmem>> -> memref<1x125x64xf32, #tpu.memory_space<vmem>>
          %dma_start3A_200 = tpu.memref_squeeze %dma_start3A_199 : memref<1x125x64xf32, #tpu.memory_space<vmem>> -> memref<125x64xf32, #tpu.memory_space<vmem>>
          %dma_start3A_201 = arith.constant 0 : i32
          %dma_start3A_202 = tpu.memref_slice %arg8[%add3A_169, %dma_start3A_201] : memref<160x125xi32, #tpu.memory_space<vmem>> -> memref<1x125xi32, #tpu.memory_space<vmem>>
          %dma_start3A_203 = tpu.memref_squeeze %dma_start3A_202 : memref<1x125xi32, #tpu.memory_space<vmem>> -> memref<125xi32, #tpu.memory_space<vmem>>
          %dma_start3A_204 = arith.constant 0 : i32
          %dma_start3A_205 = arith.constant 0 : i32
          %dma_start3A_206 = tpu.memref_slice %arg3[%dma_start3A_204, %dma_start3A_205] : memref<10000x64xf32, #tpu.memory_space<hbm>> -> memref<10000x64xf32, #tpu.memory_space<hbm>>
          tpu.enqueue_indirect_dma source(%dma_start3A_206 : memref<10000x64xf32, #tpu.memory_space<hbm>>) target(%dma_start3A_200 : memref<125x64xf32, #tpu.memory_space<vmem>>) offsets(%dma_start3A_203 : memref<125xi32, #tpu.memory_space<vmem>>) semaphore(%arg15 : memref<!tpu.dma_semaphore, #tpu.memory_space<semaphore_mem>>)
        } else {
        }
        %add3A_175 = arith.constant 4 : i32
        %add3A_176 = arith.addi %add3A_92, %add3A_175 : i32
        %dma_wait3A_177 = arith.constant 4 : i32
        %dma_wait3A_178 = arith.constant 0 : i32
        %dma_wait3A_179 = arith.constant 0 : i32
        %dma_wait3A_180 = tpu.memref_slice %arg10[%dma_wait3A_177, %dma_wait3A_178, %dma_wait3A_179] : memref<5x125x64xf32, #tpu.memory_space<vmem>> -> memref<1x125x64xf32, #tpu.memory_space<vmem>>
        %dma_wait3A_181 = tpu.memref_squeeze %dma_wait3A_180 : memref<1x125x64xf32, #tpu.memory_space<vmem>> -> memref<125x64xf32, #tpu.memory_space<vmem>>
        %dma_wait3A_182 = arith.constant 0 : i32
        %dma_wait3A_183 = tpu.memref_slice %arg8[%add3A_176, %dma_wait3A_182] : memref<160x125xi32, #tpu.memory_space<vmem>> -> memref<1x125xi32, #tpu.memory_space<vmem>>
        %dma_wait3A_184 = tpu.memref_squeeze %dma_wait3A_183 : memref<1x125xi32, #tpu.memory_space<vmem>> -> memref<125xi32, #tpu.memory_space<vmem>>
        %dma_wait3A_185 = arith.constant 0 : i32
        %dma_wait3A_186 = arith.constant 0 : i32
        %dma_wait3A_187 = tpu.memref_slice %arg3[%dma_wait3A_185, %dma_wait3A_186] : memref<10000x64xf32, #tpu.memory_space<hbm>> -> memref<10000x64xf32, #tpu.memory_space<hbm>>
        tpu.wait_indirect_dma semaphore(%arg16 : memref<!tpu.dma_semaphore, #tpu.memory_space<semaphore_mem>>) src(%dma_wait3A_187 : memref<10000x64xf32, #tpu.memory_space<hbm>>) dst(%dma_wait3A_181 : memref<125x64xf32, #tpu.memory_space<vmem>>)
        %run_scoped3A_188 = arith.constant 4 : i32
        "tpu.region"() ({
          %run_scoped3A_196 = tpu.sem_alloc : memref<!tpu.dma_semaphore, #tpu.memory_space<semaphore_mem>>
          %dma_start3A_197 = arith.constant 0 : i32
          %dma_start3A_198 = arith.constant 0 : i32
          %dma_start3A_199 = tpu.memref_slice %arg10[%run_scoped3A_188, %dma_start3A_197, %dma_start3A_198] : memref<5x125x64xf32, #tpu.memory_space<vmem>> -> memref<1x125x64xf32, #tpu.memory_space<vmem>>
          %dma_start3A_200 = tpu.memref_squeeze %dma_start3A_199 : memref<1x125x64xf32, #tpu.memory_space<vmem>> -> memref<125x64xf32, #tpu.memory_space<vmem>>
          %dma_start3A_201 = arith.constant 0 : i32
          %dma_start3A_202 = tpu.memref_slice %arg9[%add3A_176, %dma_start3A_201] : memref<160x125xi32, #tpu.memory_space<vmem>> -> memref<1x125xi32, #tpu.memory_space<vmem>>
          %dma_start3A_203 = tpu.memref_squeeze %dma_start3A_202 : memref<1x125xi32, #tpu.memory_space<vmem>> -> memref<125xi32, #tpu.memory_space<vmem>>
          %dma_start3A_204 = arith.constant 0 : i32
          %dma_start3A_205 = arith.constant 0 : i32
          %dma_start3A_206 = tpu.memref_slice %arg11[%dma_start3A_204, %dma_start3A_205] : memref<10000x64xf32, #tpu.memory_space<vmem_shared>> -> memref<10000x64xf32, #tpu.memory_space<vmem_shared>>
          tpu.enqueue_indirect_dma source(%dma_start3A_200 : memref<125x64xf32, #tpu.memory_space<vmem>>) target(%dma_start3A_206 : memref<10000x64xf32, #tpu.memory_space<vmem_shared>>) offsets(%dma_start3A_203 : memref<125xi32, #tpu.memory_space<vmem>>) semaphore(%run_scoped3A_196 : memref<!tpu.dma_semaphore, #tpu.memory_space<semaphore_mem>>) {add = true}
          %dma_wait3A_207 = arith.constant 0 : i32
          %dma_wait3A_208 = arith.constant 0 : i32
          %dma_wait3A_209 = tpu.memref_slice %arg10[%run_scoped3A_188, %dma_wait3A_207, %dma_wait3A_208] : memref<5x125x64xf32, #tpu.memory_space<vmem>> -> memref<1x125x64xf32, #tpu.memory_space<vmem>>
          %dma_wait3A_210 = tpu.memref_squeeze %dma_wait3A_209 : memref<1x125x64xf32, #tpu.memory_space<vmem>> -> memref<125x64xf32, #tpu.memory_space<vmem>>
          %dma_wait3A_211 = arith.constant 0 : i32
          %dma_wait3A_212 = tpu.memref_slice %arg9[%add3A_176, %dma_wait3A_211] : memref<160x125xi32, #tpu.memory_space<vmem>> -> memref<1x125xi32, #tpu.memory_space<vmem>>
          %dma_wait3A_213 = tpu.memref_squeeze %dma_wait3A_212 : memref<1x125xi32, #tpu.memory_space<vmem>> -> memref<125xi32, #tpu.memory_space<vmem>>
          %dma_wait3A_214 = arith.constant 0 : i32
          %dma_wait3A_215 = arith.constant 0 : i32
          %dma_wait3A_216 = tpu.memref_slice %arg11[%dma_wait3A_214, %dma_wait3A_215] : memref<10000x64xf32, #tpu.memory_space<vmem_shared>> -> memref<10000x64xf32, #tpu.memory_space<vmem_shared>>
          tpu.wait_indirect_dma semaphore(%run_scoped3A_196 : memref<!tpu.dma_semaphore, #tpu.memory_space<semaphore_mem>>) src(%dma_wait3A_210 : memref<125x64xf32, #tpu.memory_space<vmem>>) dst(%dma_wait3A_216 : memref<10000x64xf32, #tpu.memory_space<vmem_shared>>)
          tpu.yield
        }) : () -> ()
        %add3A_189 = arith.constant 5 : i32
        %add3A_190 = arith.addi %add3A_176, %add3A_189 : i32
        %lt3A_191 = arith.constant 160 : i32
        %lt3A_192 = arith.cmpi slt, %add3A_190, %lt3A_191 : i32
        %convert_element_type3A_193 = arith.extui %lt3A_192 : i1 to i32
        %cond3A_194 = arith.constant 0 : i32
        %cond3A_195 = arith.cmpi ne, %convert_element_type3A_193, %cond3A_194 : i32
        scf.if %cond3A_195 {
          %dma_start3A_196 = arith.constant 4 : i32
          %dma_start3A_197 = arith.constant 0 : i32
          %dma_start3A_198 = arith.constant 0 : i32
          %dma_start3A_199 = tpu.memref_slice %arg10[%dma_start3A_196, %dma_start3A_197, %dma_start3A_198] : memref<5x125x64xf32, #tpu.memory_space<vmem>> -> memref<1x125x64xf32, #tpu.memory_space<vmem>>
          %dma_start3A_200 = tpu.memref_squeeze %dma_start3A_199 : memref<1x125x64xf32, #tpu.memory_space<vmem>> -> memref<125x64xf32, #tpu.memory_space<vmem>>
          %dma_start3A_201 = arith.constant 0 : i32
          %dma_start3A_202 = tpu.memref_slice %arg8[%add3A_190, %dma_start3A_201] : memref<160x125xi32, #tpu.memory_space<vmem>> -> memref<1x125xi32, #tpu.memory_space<vmem>>
          %dma_start3A_203 = tpu.memref_squeeze %dma_start3A_202 : memref<1x125xi32, #tpu.memory_space<vmem>> -> memref<125xi32, #tpu.memory_space<vmem>>
          %dma_start3A_204 = arith.constant 0 : i32
          %dma_start3A_205 = arith.constant 0 : i32
          %dma_start3A_206 = tpu.memref_slice %arg3[%dma_start3A_204, %dma_start3A_205] : memref<10000x64xf32, #tpu.memory_space<hbm>> -> memref<10000x64xf32, #tpu.memory_space<hbm>>
          tpu.enqueue_indirect_dma source(%dma_start3A_206 : memref<10000x64xf32, #tpu.memory_space<hbm>>) target(%dma_start3A_200 : memref<125x64xf32, #tpu.memory_space<vmem>>) offsets(%dma_start3A_203 : memref<125xi32, #tpu.memory_space<vmem>>) semaphore(%arg16 : memref<!tpu.dma_semaphore, #tpu.memory_space<semaphore_mem>>)
        } else {
        }
      }
      %scan3A_89 = arith.constant 32 : i32
    } else {
    }
    %barrier3A_16 = arith.constant 0 : index
    tpu.barrier barrier_id(%barrier3A_16)
    %lt3A_17 = arith.constant 15 : i32
    %lt3A_18 = arith.cmpi slt, %arg1, %lt3A_17 : i32
    %convert_element_type3A_19 = arith.extui %lt3A_18 : i1 to i32
    %cond3A_20 = arith.constant 0 : i32
    %cond3A_21 = arith.cmpi ne, %convert_element_type3A_19, %cond3A_20 : i32
    scf.if %cond3A_21 {
      %mul3A = arith.constant 624 : i32
      %mul3A_27 = arith.muli %arg1, %mul3A : i32
      "tpu.region"() ({
        %run_scoped3A = tpu.sem_alloc : memref<!tpu.dma_semaphore, #tpu.memory_space<semaphore_mem>>
        %dma_start3A = arith.constant 0 : i32
        %dma_start3A_28 = tpu.memref_slice %arg7[%arg0, %mul3A_27, %dma_start3A] : memref<2x10000x64xf32, #tpu.memory_space<hbm>> -> memref<1x624x64xf32, #tpu.memory_space<hbm>>
        %dma_start3A_29 = tpu.memref_squeeze %dma_start3A_28 : memref<1x624x64xf32, #tpu.memory_space<hbm>> -> memref<624x64xf32, #tpu.memory_space<hbm>>
        %dma_start3A_30 = arith.constant 0 : i32
        %dma_start3A_31 = tpu.memref_slice %arg11[%mul3A_27, %dma_start3A_30] : memref<10000x64xf32, #tpu.memory_space<vmem_shared>> -> memref<624x64xf32, #tpu.memory_space<vmem_shared>>
        tpu.enqueue_dma source(%dma_start3A_31 : memref<624x64xf32, #tpu.memory_space<vmem_shared>>) target(%dma_start3A_29 : memref<624x64xf32, #tpu.memory_space<hbm>>) target_semaphore(%run_scoped3A : memref<!tpu.dma_semaphore, #tpu.memory_space<semaphore_mem>>)
        %dma_wait3A = arith.constant 0 : i32
        %dma_wait3A_32 = tpu.memref_slice %arg7[%arg0, %mul3A_27, %dma_wait3A] : memref<2x10000x64xf32, #tpu.memory_space<hbm>> -> memref<1x624x64xf32, #tpu.memory_space<hbm>>
        %dma_wait3A_33 = tpu.memref_squeeze %dma_wait3A_32 : memref<1x624x64xf32, #tpu.memory_space<hbm>> -> memref<624x64xf32, #tpu.memory_space<hbm>>
        %dma_wait3A_34 = arith.constant 0 : i32
        %dma_wait3A_35 = tpu.memref_slice %arg11[%mul3A_27, %dma_wait3A_34] : memref<10000x64xf32, #tpu.memory_space<vmem_shared>> -> memref<624x64xf32, #tpu.memory_space<vmem_shared>>
        tpu.wait_dma2 semaphore(%run_scoped3A : memref<!tpu.dma_semaphore, #tpu.memory_space<semaphore_mem>>) src(%dma_wait3A_35 : memref<624x64xf32, #tpu.memory_space<vmem_shared>>) dst(%dma_wait3A_33 : memref<624x64xf32, #tpu.memory_space<hbm>>)
        tpu.yield
      }) : () -> ()
    } else {
    }
    %eq3A_22 = arith.constant 15 : i32
    %eq3A_23 = arith.cmpi eq, %arg1, %eq3A_22 : i32
    %convert_element_type3A_24 = arith.extui %eq3A_23 : i1 to i32
    %cond3A_25 = arith.constant 0 : i32
    %cond3A_26 = arith.cmpi ne, %convert_element_type3A_24, %cond3A_25 : i32
    scf.if %cond3A_26 {
      "tpu.region"() ({
        %run_scoped3A = tpu.sem_alloc : memref<!tpu.dma_semaphore, #tpu.memory_space<semaphore_mem>>
        %dma_start3A = arith.constant 9360 : i32
        %dma_start3A_27 = arith.constant 0 : i32
        %dma_start3A_28 = tpu.memref_slice %arg7[%arg0, %dma_start3A, %dma_start3A_27] : memref<2x10000x64xf32, #tpu.memory_space<hbm>> -> memref<1x640x64xf32, #tpu.memory_space<hbm>>
        %dma_start3A_29 = tpu.memref_squeeze %dma_start3A_28 : memref<1x640x64xf32, #tpu.memory_space<hbm>> -> memref<640x64xf32, #tpu.memory_space<hbm>>
        %dma_start3A_30 = arith.constant 9360 : i32
        %dma_start3A_31 = arith.constant 0 : i32
        %dma_start3A_32 = tpu.memref_slice %arg11[%dma_start3A_30, %dma_start3A_31] : memref<10000x64xf32, #tpu.memory_space<vmem_shared>> -> memref<640x64xf32, #tpu.memory_space<vmem_shared>>
        tpu.enqueue_dma source(%dma_start3A_32 : memref<640x64xf32, #tpu.memory_space<vmem_shared>>) target(%dma_start3A_29 : memref<640x64xf32, #tpu.memory_space<hbm>>) target_semaphore(%run_scoped3A : memref<!tpu.dma_semaphore, #tpu.memory_space<semaphore_mem>>)
        %dma_wait3A = arith.constant 9360 : i32
        %dma_wait3A_33 = arith.constant 0 : i32
        %dma_wait3A_34 = tpu.memref_slice %arg7[%arg0, %dma_wait3A, %dma_wait3A_33] : memref<2x10000x64xf32, #tpu.memory_space<hbm>> -> memref<1x640x64xf32, #tpu.memory_space<hbm>>
        %dma_wait3A_35 = tpu.memref_squeeze %dma_wait3A_34 : memref<1x640x64xf32, #tpu.memory_space<hbm>> -> memref<640x64xf32, #tpu.memory_space<hbm>>
        %dma_wait3A_36 = arith.constant 9360 : i32
        %dma_wait3A_37 = arith.constant 0 : i32
        %dma_wait3A_38 = tpu.memref_slice %arg11[%dma_wait3A_36, %dma_wait3A_37] : memref<10000x64xf32, #tpu.memory_space<vmem_shared>> -> memref<640x64xf32, #tpu.memory_space<vmem_shared>>
        tpu.wait_dma2 semaphore(%run_scoped3A : memref<!tpu.dma_semaphore, #tpu.memory_space<semaphore_mem>>) src(%dma_wait3A_38 : memref<640x64xf32, #tpu.memory_space<vmem_shared>>) dst(%dma_wait3A_35 : memref<640x64xf32, #tpu.memory_space<hbm>>)
        tpu.yield
      }) : () -> ()
    } else {
    }
    return
  }
}

module attributes {stable_mosaic.version = 14 : i64} {
  func.func @body(%arg0: memref<2x10000x64xf32, #tpu.memory_space<vmem>>, %arg1: memref<10000x64xf32, #tpu.memory_space<vmem>>, %arg2: memref<10000x64xf32, #tpu.memory_space<vmem>>, %arg3: memref<128x128xf32, #tpu.memory_space<vmem>>, %arg4: memref<1x128xf32, #tpu.memory_space<vmem>>, %arg5: memref<10000x64xf32, #tpu.memory_space<vmem>>, %arg6: memref<10000x64xf32, #tpu.memory_space<vmem>>) attributes {dimension_semantics = [], scalar_prefetch = 0 : i64, scratch_operands = 0 : i64, tpu.core_type = #tpu.core_type<tc>} {
    %get3A = arith.constant 0 : index
    %get3A_0 = arith.constant 0 : index
    %get3A_1 = arith.constant 0 : index
    %get3A_2 = vector.load %arg0[%get3A, %get3A_0, %get3A_1] : memref<2x10000x64xf32, #tpu.memory_space<vmem>>, vector<1x10000x64xf32>
    %get3A_3 = vector.shape_cast %get3A_2 : vector<1x10000x64xf32> to vector<10000x64xf32>
    %get3A_4 = arith.constant 0 : index
    %get3A_5 = arith.constant 0 : index
    %get3A_6 = vector.load %arg1[%get3A_4, %get3A_5] : memref<10000x64xf32, #tpu.memory_space<vmem>>, vector<10000x64xf32>
    %add3A = arith.addf %get3A_3, %get3A_6 : vector<10000x64xf32>
    %get3A_7 = arith.constant 1 : index
    %get3A_8 = arith.constant 0 : index
    %get3A_9 = arith.constant 0 : index
    %get3A_10 = vector.load %arg0[%get3A_7, %get3A_8, %get3A_9] : memref<2x10000x64xf32, #tpu.memory_space<vmem>>, vector<1x10000x64xf32>
    %get3A_11 = vector.shape_cast %get3A_10 : vector<1x10000x64xf32> to vector<10000x64xf32>
    %get3A_12 = arith.constant 0 : index
    %get3A_13 = arith.constant 0 : index
    %get3A_14 = vector.load %arg2[%get3A_12, %get3A_13] : memref<10000x64xf32, #tpu.memory_space<vmem>>, vector<10000x64xf32>
    %add3A_15 = arith.addf %get3A_11, %get3A_14 : vector<10000x64xf32>
    %get3A_16 = arith.constant 0 : index
    %get3A_17 = arith.constant 0 : index
    %get3A_18 = vector.load %arg3[%get3A_16, %get3A_17] : memref<128x128xf32, #tpu.memory_space<vmem>>, vector<128x64xf32>
    %dot_general3A = arith.constant dense<0.000000e+00> : vector<10000x128xf32>
    %dot_general3A_19 = tpu.matmul %add3A, %get3A_18, %dot_general3A {dimension_numbers = #tpu.dot_dimension_numbers<[1], [1], [0], [0], [0, 0, 1, 0], [], []>, transpose_lhs_hint = false} : vector<10000x64xf32>, vector<128x64xf32>, vector<10000x128xf32> -> vector<10000x128xf32>
    %get3A_20 = arith.constant 0 : index
    %get3A_21 = arith.constant 64 : index
    %get3A_22 = vector.load %arg3[%get3A_20, %get3A_21] : memref<128x128xf32, #tpu.memory_space<vmem>>, vector<128x64xf32>
    %dot_general3A_23 = arith.constant dense<0.000000e+00> : vector<10000x128xf32>
    %dot_general3A_24 = tpu.matmul %add3A_15, %get3A_22, %dot_general3A_23 {dimension_numbers = #tpu.dot_dimension_numbers<[1], [1], [0], [0], [0, 0, 1, 0], [], []>, transpose_lhs_hint = false} : vector<10000x64xf32>, vector<128x64xf32>, vector<10000x128xf32> -> vector<10000x128xf32>
    %add3A_25 = arith.addf %dot_general3A_19, %dot_general3A_24 : vector<10000x128xf32>
    %get3A_26 = arith.constant 0 : index
    %get3A_27 = arith.constant 0 : index
    %get3A_28 = vector.load %arg4[%get3A_26, %get3A_27] : memref<1x128xf32, #tpu.memory_space<vmem>>, vector<1x128xf32>
    %add3A_29 = vector.broadcast %get3A_28 : vector<1x128xf32> to vector<10000x128xf32>
    %add3A_30 = arith.addf %add3A_25, %add3A_29 : vector<10000x128xf32>
    %max3A = arith.constant 0.000000e+00 : f32
    %max3A_31 = vector.broadcast %max3A : f32 to vector<10000x128xf32>
    %max3A_32 = arith.maximumf %add3A_30, %max3A_31 : vector<10000x128xf32>
    %slice3A = vector.extract_strided_slice %max3A_32 {offsets = [0, 0], sizes = [10000, 64], strides = [1, 1]} : vector<10000x128xf32> to vector<10000x64xf32>
    %swap3A = arith.constant 0 : index
    %swap3A_33 = arith.constant 0 : index
    %swap3A_34 = vector.load %arg5[%swap3A, %swap3A_33] : memref<10000x64xf32, #tpu.memory_space<vmem>>, vector<10000x64xf32>
    tpu.vector_store %arg5[%swap3A, %swap3A_33], %slice3A {strides = array<i32>} : memref<10000x64xf32, #tpu.memory_space<vmem>>, vector<10000x64xf32>,
    %slice3A_35 = vector.extract_strided_slice %max3A_32 {offsets = [0, 64], sizes = [10000, 64], strides = [1, 1]} : vector<10000x128xf32> to vector<10000x64xf32>
    %swap3A_36 = arith.constant 0 : index
    %swap3A_37 = arith.constant 0 : index
    %swap3A_38 = vector.load %arg6[%swap3A_36, %swap3A_37] : memref<10000x64xf32, #tpu.memory_space<vmem>>, vector<10000x64xf32>
    tpu.vector_store %arg6[%swap3A_36, %swap3A_37], %slice3A_35 {strides = array<i32>} : memref<10000x64xf32, #tpu.memory_space<vmem>>, vector<10000x64xf32>,
    return
  }
}

module attributes {stable_mosaic.version = 14 : i64} {
  func.func @body(%arg0: memref<2x10000x64xf32, #tpu.memory_space<vmem>>, %arg1: memref<10000x64xf32, #tpu.memory_space<vmem>>, %arg2: memref<10000x64xf32, #tpu.memory_space<vmem>>, %arg3: memref<128x128xf32, #tpu.memory_space<vmem>>, %arg4: memref<1x128xf32, #tpu.memory_space<vmem>>, %arg5: memref<10000x128xf32, #tpu.memory_space<vmem>>) attributes {dimension_semantics = [], scalar_prefetch = 0 : i64, scratch_operands = 0 : i64, tpu.core_type = #tpu.core_type<tc>} {
    %get3A = arith.constant 0 : index
    %get3A_0 = arith.constant 0 : index
    %get3A_1 = arith.constant 0 : index
    %get3A_2 = vector.load %arg0[%get3A, %get3A_0, %get3A_1] : memref<2x10000x64xf32, #tpu.memory_space<vmem>>, vector<1x10000x64xf32>
    %get3A_3 = vector.shape_cast %get3A_2 : vector<1x10000x64xf32> to vector<10000x64xf32>
    %get3A_4 = arith.constant 0 : index
    %get3A_5 = arith.constant 0 : index
    %get3A_6 = vector.load %arg1[%get3A_4, %get3A_5] : memref<10000x64xf32, #tpu.memory_space<vmem>>, vector<10000x64xf32>
    %add3A = arith.addf %get3A_3, %get3A_6 : vector<10000x64xf32>
    %get3A_7 = arith.constant 1 : index
    %get3A_8 = arith.constant 0 : index
    %get3A_9 = arith.constant 0 : index
    %get3A_10 = vector.load %arg0[%get3A_7, %get3A_8, %get3A_9] : memref<2x10000x64xf32, #tpu.memory_space<vmem>>, vector<1x10000x64xf32>
    %get3A_11 = vector.shape_cast %get3A_10 : vector<1x10000x64xf32> to vector<10000x64xf32>
    %get3A_12 = arith.constant 0 : index
    %get3A_13 = arith.constant 0 : index
    %get3A_14 = vector.load %arg2[%get3A_12, %get3A_13] : memref<10000x64xf32, #tpu.memory_space<vmem>>, vector<10000x64xf32>
    %add3A_15 = arith.addf %get3A_11, %get3A_14 : vector<10000x64xf32>
    %get3A_16 = arith.constant 0 : index
    %get3A_17 = arith.constant 0 : index
    %get3A_18 = vector.load %arg3[%get3A_16, %get3A_17] : memref<128x128xf32, #tpu.memory_space<vmem>>, vector<128x64xf32>
    %dot_general3A = arith.constant dense<0.000000e+00> : vector<10000x128xf32>
    %dot_general3A_19 = tpu.matmul %add3A, %get3A_18, %dot_general3A {dimension_numbers = #tpu.dot_dimension_numbers<[1], [1], [0], [0], [0, 0, 1, 0], [], []>, transpose_lhs_hint = false} : vector<10000x64xf32>, vector<128x64xf32>, vector<10000x128xf32> -> vector<10000x128xf32>
    %get3A_20 = arith.constant 0 : index
    %get3A_21 = arith.constant 64 : index
    %get3A_22 = vector.load %arg3[%get3A_20, %get3A_21] : memref<128x128xf32, #tpu.memory_space<vmem>>, vector<128x64xf32>
    %dot_general3A_23 = arith.constant dense<0.000000e+00> : vector<10000x128xf32>
    %dot_general3A_24 = tpu.matmul %add3A_15, %get3A_22, %dot_general3A_23 {dimension_numbers = #tpu.dot_dimension_numbers<[1], [1], [0], [0], [0, 0, 1, 0], [], []>, transpose_lhs_hint = false} : vector<10000x64xf32>, vector<128x64xf32>, vector<10000x128xf32> -> vector<10000x128xf32>
    %add3A_25 = arith.addf %dot_general3A_19, %dot_general3A_24 : vector<10000x128xf32>
    %get3A_26 = arith.constant 0 : index
    %get3A_27 = arith.constant 0 : index
    %get3A_28 = vector.load %arg4[%get3A_26, %get3A_27] : memref<1x128xf32, #tpu.memory_space<vmem>>, vector<1x128xf32>
    %add3A_29 = vector.broadcast %get3A_28 : vector<1x128xf32> to vector<10000x128xf32>
    %add3A_30 = arith.addf %add3A_25, %add3A_29 : vector<10000x128xf32>
    %max3A = arith.constant 0.000000e+00 : f32
    %max3A_31 = vector.broadcast %max3A : f32 to vector<10000x128xf32>
    %max3A_32 = arith.maximumf %add3A_30, %max3A_31 : vector<10000x128xf32>
    %swap3A = arith.constant 0 : index
    %swap3A_33 = arith.constant 0 : index
    %swap3A_34 = vector.load %arg5[%swap3A, %swap3A_33] : memref<10000x128xf32, #tpu.memory_space<vmem>>, vector<10000x128xf32>
    tpu.vector_store %arg5[%swap3A, %swap3A_33], %max3A_32 {strides = array<i32>} : memref<10000x128xf32, #tpu.memory_space<vmem>>, vector<10000x128xf32>,
    return
  }
}

</mosaic_0001>

<sc_bundles>
// kernel: kernel.11.cloned.1.call-start
scs
__scs_entry_jumppad:
0x0: {  	(pc) =	sbr.rel $0x88, $3  }
0x1: {  	(tag) =	ssettag $0x0;
	lr =	simm.s32 $0x1  }
0x2: {  	[smem:$0x3F99] =	sst lr;
	_ =	strace $0xD0000000  }
0x3: {  	_ = 	snop  }
0x4: {  	_ = 	snop  }
0x5: {  	_ = 	snop  }
0x6: {  	_ = 	snop  }
0x7: {  	_ = 	snop  }
__scs_overlays_trampoline_lowered:
0x8: {  	[smem:$0x3FA8] =	sst s0  }
0x9: {  	[smem:$0x3FA9] =	sst s1  }
0xa: {  	[smem:$0x3FAA] =	sst s2  }
0xb: {  	[smem:$0x3FAB] =	sst s3  }
0xc: {  	[smem:$0x3FAC] =	sst s4  }
0xd: {  	[smem:$0x3FAD] =	sst s5  }
0xe: {  	[smem:$0x3FAE] =	sst s6  }
0xf: {  	[smem:$0x3FAF] =	sst s7  }
0x10: {  	[smem:$0x3FB0] =	sst s8  }
0x11: {  	[smem:$0x3FB1] =	sst s9;
	s0 =	simm.s32 @!p0 $0x0  }
0x12: {  	s1 =	sld [smem:$0x3F97];
	s0 =	simm.s32 @p0 $0x1  }
0x13: {  	[smem:$0x3FB2] =	sst s0;
	s0 =	simm.s32 @!p1 $0x0  }
0x14: {  	s2 =	sld [smem:$0x3F96];
	s0 =	simm.s32 @p1 $0x1  }
0x15: {  	[smem:$0x3FB3] =	sst s0;
	s0 =	simm.s32 @!p2 $0x0  }
0x16: {  	s3 =	sld [smem:$0x3FDB];
	s0 =	simm.s32 @p2 $0x1  }
0x17: {  	s4 =	simm.s32 $0x1BF5;
	[smem:$0x3FB5] =	sst s0  }
0x18: {  	s0 =	sld [smem:$0x3F98];
	_ =	swait.ge [sflag:s4], $0x0  }
0x19: {  	s7 =	sld [smem:$0x3F99]  }
0x1a: {  	s8 =	sadd.s32 $0xFFFFE003, lr  }
0x1b: {  	s9 =	sadd.s32 $0xFFFFFEF7, lr;
	s5 =	simm.s32 $0xFFFFFFFF;
	p2 =	slt.u32 s8, $0xFFFFF086  }
0x1c: {  	p1 =	slt.u32 s9, $0xF7A;
	s5 =	simm.s32 @!p2 $0x0  }
0x1d: {  	s5 =	simm.s32 @p1 $0x1;
	p0 =	seq.s32 s7, s2  }
0x1e: {  	s7 =	smul.u32 @!p0 $0xF7A, s2;
	p2 =	seq.s32 @!p0 s5, $0x0  }
0x1f: {  	s9 =	smul.u32 $0xF7A, s1;
	s8 =	simm.s32 @!p0 $0x1BF5;
	p2 =	por !p2, p0  }
0x20: {  	[sflag:s8] =	ssyncset.s32 @!p0 $0xFFFFF086;
	s6 =	sadd.s32 @!p0 s3, s7;
	s7 =	simm.s32 @!p0 $0x108  }
0x21: {  	s3 =	sadd.s32 s3, s9;
	s6 =	sadd.s32 @!p0 $0x88, s6;
	s7 =	simm.s32 @p2 $0x1082  }
0x22: {  	[simem:s7], [sflag:s8] =	dma.local @!p0 [hbm:s6], $0xF7A  }
0x23: {  	s9 =	sor.u32 $0xD0000000, s2;
	s6 =	simm.s32 $0x108;
	_ =	swait.ge @!p0 [sflag:s8], $0x0  }
0x24: {  	s3 =	sadd.s32 $0x88, s3;
	s6 =	simm.s32 @!p1 $0x1082;
	[sflag:s4] =	ssyncset.s32 $0xFFFFF086  }
0x25: {  	[simem:s6], [sflag:s4] =	dma.local [hbm:s3], $0xF7A  }
0x26: {  	[smem:$0x3F99] =	sst s1;
	(tag) =	ssettag s2;
	_ =	strace s9  }
0x27: {  	s1 =	sld [smem:$0x3FA9]  }
0x28: {  	s2 =	sld [smem:$0x3FAA]  }
0x29: {  	s4 =	sld [smem:$0x3FAC]  }
0x2a: {  	p0 =	seq.s32 s5, $0x0;
	s5 =	sld [smem:$0x3FAD]  }
0x2b: {  	s6 =	sld [smem:$0x3FAE]  }
0x2c: {  	s7 =	sld [smem:$0x3FAF]  }
0x2d: {  	s3 =	simm.s32 $0x108;
	s8 =	sld [smem:$0x3FB0]  }
0x2e: {  	s3 =	simm.s32 @!p0 $0x1082;
	s9 =	sld [smem:$0x3FB1]  }
0x2f: {  	lr =	sadd.s32 s0, s3;
	s0 =	sld [smem:$0x3FA8]  }
0x30: {  	s3 =	sld [smem:$0x3FAB]  }
0x31: {  	[smem:$0x3FB4] =	sst s10  }
0x32: {  	s10 =	sld [smem:$0x3FB2];
	_ =	sdelay $0x3  }
0x33: {  	p0 =	seq.s32 s10, $0x1;
	s10 =	sld [smem:$0x3FB4];
	_ =	sdelay $0x3  }
0x34: {  	[smem:$0x3FB4] =	sst s10  }
0x35: {  	s10 =	sld [smem:$0x3FB3];
	_ =	sdelay $0x3  }
0x36: {  	p1 =	seq.s32 s10, $0x1;
	s10 =	sld [smem:$0x3FB4];
	_ =	sdelay $0x3  }
0x37: {  	[smem:$0x3FB4] =	sst s10  }
0x38: {  	s10 =	sld [smem:$0x3FB5]  }
0x39: {  	_ = 	snop;
	(pc) =	sbr.ind lr, $3  }
0x3a: {  	_ = 	snop  }
0x3b: {  	_ = 	snop  }
0x3c: {  	p2 =	seq.s32 s10, $0x1;
	s10 =	sld [smem:$0x3FB4]  }
0x3d: {  	_ =	shalt  }
0x3e: {  	_ =	shalt  }
0x3f: {  	_ =	shalt  }
0x40: {  	_ =	shalt  }
0x41: {  	_ =	shalt  }
0x42: {  	_ =	shalt  }
0x43: {  	_ =	shalt  }
0x44: {  	_ =	shalt  }
0x45: {  	_ =	shalt  }
0x46: {  	_ =	shalt  }
0x47: {  	_ =	shalt  }
0x48: {  	_ =	shalt  }
0x49: {  	_ =	shalt  }
0x4a: {  	_ =	shalt  }
0x4b: {  	_ =	shalt  }
0x4c: {  	_ =	shalt  }
0x4d: {  	_ =	shalt  }
0x4e: {  	_ =	shalt  }
0x4f: {  	_ =	shalt  }
0x50: {  	_ =	shalt  }
0x51: {  	_ =	shalt  }
0x52: {  	_ =	shalt  }
0x53: {  	_ =	shalt  }
0x54: {  	_ =	shalt  }
0x55: {  	_ =	shalt  }
0x56: {  	_ =	shalt  }
0x57: {  	_ =	shalt  }
0x58: {  	_ =	shalt  }
0x59: {  	_ =	shalt  }
0x5a: {  	_ =	shalt  }
0x5b: {  	_ =	shalt  }
0x5c: {  	_ =	shalt  }
0x5d: {  	_ =	shalt  }
0x5e: {  	_ =	shalt  }
0x5f: {  	_ =	shalt  }
0x60: {  	_ =	shalt  }
0x61: {  	_ =	shalt  }
0x62: {  	_ =	shalt  }
0x63: {  	_ =	shalt  }
0x64: {  	_ =	shalt  }
0x65: {  	_ =	shalt  }
0x66: {  	_ =	shalt  }
0x67: {  	_ =	shalt  }
0x68: {  	_ =	shalt  }
0x69: {  	_ =	shalt  }
0x6a: {  	_ =	shalt  }
0x6b: {  	_ =	shalt  }
0x6c: {  	_ =	shalt  }
0x6d: {  	_ =	shalt  }
0x6e: {  	_ =	shalt  }
0x6f: {  	_ =	shalt  }
0x70: {  	_ =	shalt  }
0x71: {  	_ =	shalt  }
0x72: {  	_ =	shalt  }
0x73: {  	_ =	shalt  }
0x74: {  	_ =	shalt  }
0x75: {  	_ =	shalt  }
0x76: {  	_ =	shalt  }
0x77: {  	_ =	shalt  }
0x78: {  	_ =	shalt  }
0x79: {  	_ =	shalt  }
0x7a: {  	_ =	shalt  }
0x7b: {  	_ =	shalt  }
0x7c: {  	_ =	shalt  }
0x7d: {  	_ =	shalt  }
0x7e: {  	_ =	shalt  }
0x7f: {  	_ =	shalt  }
0x80: {  	_ =	shalt  }
0x81: {  	_ =	shalt  }
0x82: {  	_ =	shalt  }
0x83: {  	_ =	shalt  }
0x84: {  	_ =	shalt  }
0x85: {  	_ =	shalt  }
0x86: {  	_ =	shalt  }
0x87: {  	_ =	shalt  }
.Lfunc_end0:
.L_simem_size_0:
called_computation.1_lowered:
.L_overlay_start_0:
0x88: {  	s2 =	sld [smem:$0x3FD9]  }
0x89: {  	s3 =	sld [smem:$0x3FFE];
	_ =	sdelay $0x1  }
0x8a: {  	s1 =	srdreg.scid  }
0x8b: {  	s0 =	sand.u32 $0x1, s1  }
0x8c: {  	s17 =	sshll.u32 s0, $0xA;
	s2 =	sadd.s32 s3, s2  }
0x8d: {  	s2 =	sadd.s32 s2, s17  }
0x8e: {  	[smem:$0x3FC0] =	sst s2  }
0x8f: {  	_ = 	snop  }
0x90: {  	s2 =	sld [smem:$0x3FD0];
	(tm) =	ssettm $0x1  }
0x91: {  	s18 =	sld [smem:$0x3FFB];
	_ =	sdelay $0x3  }
0x92: {  	_ =	strace s18  }
0x93: {  	s3 =	sld [smem:$0x3FFC];
	_ =	sdelay $0x3  }
0x94: {  	_ =	strace s3  }
0x95: {  	s3 =	sld [smem:$0x3FFD];
	_ =	sdelay $0x3  }
0x96: {  	_ =	strace s3  }
0x97: {  	_ =	strace $0x8FFFFFFF  }
0x98: {  	s19 =	sld [smem:$0x3FDB];
	_ =	sdelay $0x1  }
0x99: {  	s4 =	simm.s32 $_scs_section_size  }
0x9a: {  	s5 =	simm.s32 $_size__tile_overlayer_lowered;
	s6 =	simm.s32 $_tile_overlayer_lowered  }
0x9b: {  	s22 =	simm.s32 $0x1BFF;
	s21 =	sshll.u32 s6, $0x1;
	s3 =	sadd.s32 s4, s19  }
0x9c: {  	s7 =	simm.s32 $0x0;
	s20 =	sshll.u32 s5, $0x1;
	s5 =	sadd.s32 s21, s3  }
0x9d: {  	[timem:s7], [sflag:s22] =	dma.local [hbm:s5], s20  }
0x9e: {  	_ =	swait.ge [sflag:s22], s20  }
0x9f: {  	s4 =	ssub.s32 $0x0, s20;
	[sflag:s22] =	ssyncset.done $0x0  }
0xa0: {  	[sflag:s22] =	ssyncadd.s32 s4;
	_ =	sdelay $0x1  }
0xa1: {  	s23 =	simm.s32 $0x1B8B  }
0xa2: {  	_ =	swait.ge [sflag:s23], $0x1  }
0xa3: {  	[sflag:s23] =	ssyncset.done $0x0  }
0xa4: {  	s25 =	simm.s32 $0x1B8E;
	s24 =	sld [smem:$0x3FFE];
	[sflag:s23] =	ssyncadd.s32 $0xFFFFFFFF  }
0xa5: {  	s26 =	simm.s32 $execute0_lowered;
	[smem:$0x3FD2] =	sst s25  }
0xa6: {  	s5 =	sshll.u32 s26, $0x1;
	_ =	strace $0x80000049;
	[dreg:$0x1] =	wrdreg $0xFFFFFFFF  }
0xa7: {  	s28 =	simm.s32 $_size_execute0_lowered;
	s3 =	sadd.s32 s3, s5;
	[dreg:$0x0] =	wrdreg $0x0  }
0xa8: {  	s5 =	sshll.u32 s28, $0x1;
	[dreg:$0x2] =	wrdreg s3  }
0xa9: {  	[dreg:$0x3] =	wrdreg s5  }
0xaa: {  	[dreg:$0x4] =	wrdreg $0xC0  }
0xab: {  	_ =	task [dreg:s7], $0x5FFFF  }
0xac: {  	[dreg:$0x1] =	wrdreg $0xFFFFFFFF  }
0xad: {  	[dreg:$0x0] =	wrdreg $0x60  }
0xae: {  	[dreg:$0x2] =	wrdreg s24  }
0xaf: {  	[dreg:$0x3] =	wrdreg s2  }
0xb0: {  	[dreg:$0x4] =	wrdreg $0x13C400  }
0xb1: {  	[dreg:$0x5] =	wrdreg $0x9  }
0xb2: {  	_ =	task.clear_ibuf [dreg:s7], $0x6FFFF;
	_ =	strace $0x90000049  }
0xb3: {  	s29 =	simm.s32 $0x9;
	_ =	strace $0x8000004B  }
0xb4: {  	_ =	swait.ge [sflag:s29], $0x1  }
0xb5: {  	[sflag:s29] =	ssyncadd.s32 $0xFFFFFFFF  }
0xb6: {  	_ =	strace $0x9000004B  }
0xb7: {  	_ =	sfence  }
0xb8: {  	s30 =	sld [smem:$0x0];
	_ =	sdelay $0x2  }
0xb9: {  	s31 =	sshll.u32 s1, $0xD;
	s1 =	sshrl.u32 s1, $0x2  }
0xba: {  	s3 =	sand.u32 $0x4000, s31;
	s1 =	sadd.s32 s1, s30  }
0xbb: {  	s0 =	sor.u32 s3, s0;
	s1 =	sshll.u32 s1, $0x11  }
0xbc: {  	s0 =	sor.u32 s1, s0  }
0xbd: {  	s0 =	sadd.s32 $0x8F2B, s0  }
0xbe: {  	[sflag:s0] =	ssyncadd.remote.s32 $0x1  }
0xbf: {  	_ =	sfence.sel $0xFFFF  }
0xc0: {  	[dreg:$0x0] =	wrdreg $0xFFFFFFFF;
	(pc) =	sbr.abs _section_cstart, $3  }
0xc1: {  	[dreg:$0x1] =	wrdreg $0xFFFFFFFF  }
0xc2: {  	_ =	task.clear_ibuf [dreg:s7], $0x2FFFF;
	_ =	strace $0x9FFFFFFF  }
0xc3: {  	(tm) =	ssettm $0x7FFFFFFF  }
tec
execute0_lowered:
.L_overlay_start_1:
0x0: {  	(tag) =	ssettag $0x1  }
0x1: {  	s0 =	rddreg [dreg:$0x0]  }
0x2: {  	s1 =	rddreg [dreg:$0x1]  }
0x3: {  	s2 =	rddreg [dreg:$0x2]  }
0x4: {  	s3 =	simm.s32 $0x0;
	s16 =	stileid.u32;
	s4 =	srdreg.scid  }
0x5: {  	s18 =	simm.s32 $0x7D;
	s19 =	simm.s32 $0xA000;
	s21 =	simm.s32 $0xBF40  }
0x6: {  	s28 =	simm.s32 $0x11D00;
	s29 =	simm.s32 $0x1;
	s30 =	simm.s32 $0x2  }
0x7: {  	s31 =	simm.s32 $0x3;
	[smem:$0x7FF] =	sst s3;
	s6 =	smul.u32 $0xA00, s16  }
0x8: {  	s9 =	smul.u32 $0x9C00, s16;
	s10 =	sand.u32 $0x1, s4;
	s4 =	sadd.s32 $0x15E00, s0  }
0x9: {  	s5 =	sadd.s32 $0x29800, s0;
	s15 =	sadd.s32 $0x92400, s2;
	p1 =	seq.s32 s16, $0xF  }
0xa: {  	_ =	strace $0x8000004A;
	s7 =	ssub.s32 $0x2, s10;
	s23 =	smul.u32 $0x9C400, s10  }
0xb: {  	p0 =	seq.s32 s10, $0x1;
	s15 =	sshrl.u32 @p1 s15, $0x3;
	s8 =	sadd.s32 s6, s0  }
0xc: {  	s22 =	sshrl.u32 s9, $0x3;
	s11 =	sshrl.u32 s7, $0x1;
	s14 =	sadd.s32 s9, s2  }
0xd: {  	s12 =	sadd.s32 s22, s0;
	s13 =	ssub.s32 s7, s11;
	s6 =	sadd.s32 $0xBE00, s8  }
0xe: {  	s7 =	sadd.s32 $0x1E00, s8;
	s24 =	sadd.s32 s9, s23;
	s9 =	sadd.s32 $0x4F680, s0  }
0xf: {  	s11 =	sshrl.u32 s23, $0x3;
	s0 =	sshll.u32 @!p1 s16, $0x6;
	s17 =	sshrl.u32 @!p1 s14, $0x3  }
.Ltmp0:
0x10: {  	s23 =	simm.s32 $0xDE80;
	s14 =	simm.s32 $0x0;
	(pc) =	sbr.rel .LBB2_1-.Ltmp0, $4  }
0x11: {  	s8 =	sadd.s32 $0x3D200, s12;
	s25 =	sshrl.u32 s24, $0x3;
	s26 =	sadd.s32 s1, s11  }
0x12: {  	s12 =	smax.u32 s13, $0x1;
	s13 =	simm.s32 $0x6;
	s16 =	sor.u32 @!p1 $0x1C06, s0  }
0x13: {  	s0 =	simm.s32 $0x4;
	s10 =	sadd.s32 s1, s25;
	s11 =	sadd.s32 $0x12480, s26  }
0x14: {  	s25 =	simm.s32 $0xFDC0;
	s1 =	simm.s32 $0x5;
	s26 =	simm.s32 $0x9F80  }
.LBB2_7:
0x15: {  	[tilespmem:s28], [sflag:$0x5] =	stream.indirect.gather [hbm4b:s5+s18], $0x40, s22, s18, $0xb8;
	[tilespmem:$0x1D880] =	vst v63  }
.LBB2_8:
0x16: {  	_ =	swait.ge [sflag:s29], $0x1F40  }
0x17: {  	[sflag:s29] =	ssyncset.done $0x0  }
0x18: {  	s20 =	simm.s32 $0x9D80;
	[sflag:s29] =	ssyncadd.s32 $0xFFFFE0C0  }
0x19: {  	[spmem:s2] =	stream.indirect.scatter.add.f32 [tilespmem:s19], [sflag:$0x6], $0x40, s20, s18, $0xb8;
	[tilespmem:$0x1D880] =	vst v63  }
0x1a: {  	_ =	swait.ge [sflag:s13], $0x1F40  }
0x1b: {  	[sflag:s13] =	ssyncset.done $0x0  }
0x1c: {  	[sflag:s13] =	ssyncadd.s32 $0xFFFFE0C0  }
0x1d: {  	_ =	swait.ge [sflag:s30], $0x1F40  }
0x1e: {  	[sflag:s30] =	ssyncset.done $0x0  }
0x1f: {  	s24 =	simm.s32 $0x9E00;
	[sflag:s30] =	ssyncadd.s32 $0xFFFFE0C0  }
0x20: {  	[spmem:s2] =	stream.indirect.scatter.add.f32 [tilespmem:s21], [sflag:$0x6], $0x40, s24, s18, $0xb8;
	[tilespmem:$0x1D880] =	vst v63  }
0x21: {  	_ =	swait.ge [sflag:s13], $0x1F40  }
0x22: {  	[sflag:s13] =	ssyncset.done $0x0  }
0x23: {  	[sflag:s13] =	ssyncadd.s32 $0xFFFFE0C0  }
0x24: {  	_ =	swait.ge [sflag:s31], $0x1F40  }
0x25: {  	[sflag:s31] =	ssyncset.done $0x0  }
0x26: {  	s22 =	simm.s32 $0x9E80;
	[sflag:s31] =	ssyncadd.s32 $0xFFFFE0C0  }
0x27: {  	[spmem:s2] =	stream.indirect.scatter.add.f32 [tilespmem:s23], [sflag:$0x6], $0x40, s22, s18, $0xb8;
	[tilespmem:$0x1D880] =	vst v63  }
0x28: {  	_ =	swait.ge [sflag:s13], $0x1F40  }
0x29: {  	[sflag:s13] =	ssyncset.done $0x0  }
0x2a: {  	[sflag:s13] =	ssyncadd.s32 $0xFFFFE0C0  }
0x2b: {  	_ =	swait.ge [sflag:s0], $0x1F40  }
0x2c: {  	[sflag:s0] =	ssyncset.done $0x0  }
0x2d: {  	s24 =	simm.s32 $0x9F00;
	[sflag:s0] =	ssyncadd.s32 $0xFFFFE0C0  }
0x2e: {  	[spmem:s2] =	stream.indirect.scatter.add.f32 [tilespmem:s25], [sflag:$0x6], $0x40, s24, s18, $0xb8;
	[tilespmem:$0x1D880] =	vst v63  }
0x2f: {  	_ =	swait.ge [sflag:s13], $0x1F40  }
0x30: {  	[sflag:s13] =	ssyncset.done $0x0  }
0x31: {  	[sflag:s13] =	ssyncadd.s32 $0xFFFFE0C0  }
0x32: {  	_ =	swait.ge [sflag:s1], $0x1F40  }
0x33: {  	[sflag:s1] =	ssyncset.done $0x0  }
0x34: {  	[sflag:s1] =	ssyncadd.s32 $0xFFFFE0C0  }
0x35: {  	[spmem:s2] =	stream.indirect.scatter.add.f32 [tilespmem:s28], [sflag:$0x6], $0x40, s26, s18, $0xb8;
	[tilespmem:$0x1D880] =	vst v63  }
0x36: {  	_ =	swait.ge [sflag:s13], $0x1F40  }
0x37: {  	[sflag:s13] =	ssyncset.done $0x0  }
0x38: {  	[sflag:s13] =	ssyncadd.s32 $0xFFFFE0C0  }
0x39: {  	s20 =	simm.s32 @p1 $0x1FC6;
	[bflag:$0x0] =	sbarrier.arrive $0xFFFF  }
0x3a: {  	[hbm:s11], [sflag:s20] =	dma.local @p1 [spmem:s15], $0x1400  }
0x3b: {  	s20 =	simm.s32 @p1 $0x6  }
0x3c: {  	s14 =	sadd.s32 $0x1, s14;
	_ =	swait.ge @p1 [sflag:s20], $0x1400  }
0x3d: {  	p2 =	sne.s32 s14, s12;
	[sflag:s20] =	ssyncset.done @p1 $0x0  }
.Ltmp1:
0x3e: {  	[sflag:s20] =	ssyncadd.s32 @p1 $0xFFFFEC00;
	s20 =	simm.s32 @!p1 $0x6;
	(pc) =	sbr.rel @!p2 .LBB2_9-.Ltmp1, $4  }
0x3f: {  	[hbm:s10], [sflag:s16] =	dma.local @!p1 [spmem:s17], $0x1380  }
0x40: {  	_ =	swait.ge @!p1 [sflag:s20], $0x1380  }
0x41: {  	[sflag:s20] =	ssyncset.done @!p1 $0x0  }
0x42: {  	[sflag:s20] =	ssyncadd.s32 @!p1 $0xFFFFEC80  }
.LBB2_1:
0x43: {  	[tilespmem:s3], [sflag:$0x6] =	stream.linear.gather [hbm4b:s6+s3], $0x5000, $0x38;
	[tilespmem:$0x1D880] =	vst v63  }
0x44: {  	_ =	swait.ge [sflag:s13], $0x5000  }
0x45: {  	[sflag:s13] =	ssyncset.done $0x0  }
0x46: {  	s20 =	simm.s32 $0x5000;
	[sflag:s13] =	ssyncadd.s32 $0xFFFFB000  }
0x47: {  	[tilespmem:s20], [sflag:$0x6] =	stream.linear.gather [hbm4b:s7+s3], $0x5000, $0x38;
	[tilespmem:$0x1D880] =	vst v63  }
0x48: {  	_ =	swait.ge [sflag:s13], $0x5000  }
0x49: {  	[sflag:s13] =	ssyncset.done $0x0  }
0x4a: {  	s20 =	simm.s32 @p1 $0x1FC6;
	[sflag:s13] =	ssyncadd.s32 $0xFFFFB000  }
0x4b: {  	[spmem:s15], [sflag:s20] =	dma.local @p1 [hbm:s9], $0x1400  }
0x4c: {  	s20 =	simm.s32 @p1 $0x6  }
0x4d: {  	_ =	swait.ge @p1 [sflag:s20], $0x1400  }
0x4e: {  	[sflag:s20] =	ssyncset.done @p1 $0x0  }
0x4f: {  	[sflag:s20] =	ssyncadd.s32 @p1 $0xFFFFEC00;
	s20 =	simm.s32 @!p1 $0x6  }
0x50: {  	[spmem:s17], [sflag:s16] =	dma.local @!p1 [hbm:s8], $0x1380  }
.Ltmp2:
0x51: {  	_ =	swait.ge @!p1 [sflag:s20], $0x1380;
	(pc) =	sbr.rel @!p0 .LBB2_2-.Ltmp2, $4  }
0x52: {  	[sflag:s20] =	ssyncset.done @!p1 $0x0  }
0x53: {  	[sflag:s20] =	ssyncadd.s32 @!p1 $0xFFFFEC80  }
0x54: {  	[bflag:$0x0] =	sbarrier.arrive $0xFFFF  }
0x55: {  	s20 =	simm.s32 $0x0  }
0x56: {  	[tilespmem:s19], [sflag:$0x1] =	stream.indirect.gather [hbm4b:s5+s18], $0x40, s20, s18, $0xb8;
	[tilespmem:$0x1D880] =	vst v63  }
0x57: {  	s24 =	simm.s32 $0x80  }
0x58: {  	[tilespmem:s21], [sflag:$0x2] =	stream.indirect.gather [hbm4b:s5+s18], $0x40, s24, s18, $0xb8;
	[tilespmem:$0x1D880] =	vst v63  }
0x59: {  	s22 =	simm.s32 $0x100  }
0x5a: {  	[tilespmem:s23], [sflag:$0x3] =	stream.indirect.gather [hbm4b:s5+s18], $0x40, s22, s18, $0xb8;
	[tilespmem:$0x1D880] =	vst v63  }
0x5b: {  	s24 =	simm.s32 $0x180  }
0x5c: {  	[tilespmem:s25], [sflag:$0x4] =	stream.indirect.gather [hbm4b:s5+s18], $0x40, s24, s18, $0xb8;
	[tilespmem:$0x1D880] =	vst v63  }
0x5d: {  	s22 =	simm.s32 $0x200  }
0x5e: {  	[tilespmem:s28], [sflag:$0x5] =	stream.indirect.gather [hbm4b:s5+s18], $0x40, s22, s18, $0xb8;
	[tilespmem:$0x1D880] =	vst v63  }
0x5f: {  	_ =	swait.ge [sflag:s29], $0x1F40  }
0x60: {  	[sflag:s29] =	ssyncset.done $0x0  }
0x61: {  	s24 =	simm.s32 $0x5000;
	[sflag:s29] =	ssyncadd.s32 $0xFFFFE0C0  }
0x62: {  	[spmem:s2] =	stream.indirect.scatter.add.f32 [tilespmem:s19], [sflag:$0x6], $0x40, s24, s18, $0xb8;
	[tilespmem:$0x1D880] =	vst v63  }
0x63: {  	_ =	swait.ge [sflag:s13], $0x1F40  }
0x64: {  	[sflag:s13] =	ssyncset.done $0x0  }
0x65: {  	s22 =	simm.s32 $0x280;
	[sflag:s13] =	ssyncadd.s32 $0xFFFFE0C0  }
0x66: {  	[tilespmem:s19], [sflag:$0x1] =	stream.indirect.gather [hbm4b:s5+s18], $0x40, s22, s18, $0xb8;
	[tilespmem:$0x1D880] =	vst v63  }
0x67: {  	_ =	swait.ge [sflag:s30], $0x1F40  }
0x68: {  	[sflag:s30] =	ssyncset.done $0x0  }
0x69: {  	s24 =	simm.s32 $0x5080;
	[sflag:s30] =	ssyncadd.s32 $0xFFFFE0C0  }
0x6a: {  	[spmem:s2] =	stream.indirect.scatter.add.f32 [tilespmem:s21], [sflag:$0x6], $0x40, s24, s18, $0xb8;
	[tilespmem:$0x1D880] =	vst v63  }
0x6b: {  	_ =	swait.ge [sflag:s13], $0x1F40  }
0x6c: {  	[sflag:s13] =	ssyncset.done $0x0  }
0x6d: {  	s22 =	simm.s32 $0x300;
	[sflag:s13] =	ssyncadd.s32 $0xFFFFE0C0  }
0x6e: {  	[tilespmem:s21], [sflag:$0x2] =	stream.indirect.gather [hbm4b:s5+s18], $0x40, s22, s18, $0xb8;
	[tilespmem:$0x1D880] =	vst v63  }
0x6f: {  	_ =	swait.ge [sflag:s31], $0x1F40  }
0x70: {  	[sflag:s31] =	ssyncset.done $0x0  }
0x71: {  	s24 =	simm.s32 $0x5100;
	[sflag:s31] =	ssyncadd.s32 $0xFFFFE0C0  }
0x72: {  	[spmem:s2] =	stream.indirect.scatter.add.f32 [tilespmem:s23], [sflag:$0x6], $0x40, s24, s18, $0xb8;
	[tilespmem:$0x1D880] =	vst v63  }
0x73: {  	_ =	swait.ge [sflag:s13], $0x1F40  }
0x74: {  	[sflag:s13] =	ssyncset.done $0x0  }
0x75: {  	s22 =	simm.s32 $0x380;
	[sflag:s13] =	ssyncadd.s32 $0xFFFFE0C0  }
0x76: {  	[tilespmem:s23], [sflag:$0x3] =	stream.indirect.gather [hbm4b:s5+s18], $0x40, s22, s18, $0xb8;
	[tilespmem:$0x1D880] =	vst v63  }
0x77: {  	_ =	swait.ge [sflag:s0], $0x1F40  }
0x78: {  	[sflag:s0] =	ssyncset.done $0x0  }
0x79: {  	s24 =	simm.s32 $0x5180;
	[sflag:s0] =	ssyncadd.s32 $0xFFFFE0C0  }
0x7a: {  	[spmem:s2] =	stream.indirect.scatter.add.f32 [tilespmem:s25], [sflag:$0x6], $0x40, s24, s18, $0xb8;
	[tilespmem:$0x1D880] =	vst v63  }
0x7b: {  	_ =	swait.ge [sflag:s13], $0x1F40  }
0x7c: {  	[sflag:s13] =	ssyncset.done $0x0  }
0x7d: {  	s22 =	simm.s32 $0x400;
	[sflag:s13] =	ssyncadd.s32 $0xFFFFE0C0  }
0x7e: {  	[tilespmem:s25], [sflag:$0x4] =	stream.indirect.gather [hbm4b:s5+s18], $0x40, s22, s18, $0xb8;
	[tilespmem:$0x1D880] =	vst v63  }
0x7f: {  	_ =	swait.ge [sflag:s1], $0x1F40  }
0x80: {  	[sflag:s1] =	ssyncset.done $0x0  }
0x81: {  	s24 =	simm.s32 $0x5200;
	[sflag:s1] =	ssyncadd.s32 $0xFFFFE0C0  }
0x82: {  	[spmem:s2] =	stream.indirect.scatter.add.f32 [tilespmem:s28], [sflag:$0x6], $0x40, s24, s18, $0xb8;
	[tilespmem:$0x1D880] =	vst v63  }
0x83: {  	_ =	swait.ge [sflag:s13], $0x1F40  }
0x84: {  	[sflag:s13] =	ssyncset.done $0x0  }
0x85: {  	s20 =	simm.s32 $0xA00;
	s22 =	simm.s32 $0x480;
	[sflag:s13] =	ssyncadd.s32 $0xFFFFE0C0  }
.LBB2_6:
0x86: {  	[tilespmem:s28], [sflag:$0x5] =	stream.indirect.gather [hbm4b:s5+s18], $0x40, s22, s18, $0xb8;
	[tilespmem:$0x1D880] =	vst v63  }
0x87: {  	s22 =	smov.u32 s20  }
0x88: {  	p2 =	sne.s32 s20, $0x12C00;
	s20 =	sadd.s32 $0xA00, s20;
	_ =	swait.ge [sflag:s29], $0x1F40  }
0x89: {  	s22 =	sshra.s32 s22, $0x2;
	[sflag:s29] =	ssyncset.done $0x0  }
0x8a: {  	s24 =	sadd.s32 $0x5000, s22;
	[sflag:s29] =	ssyncadd.s32 $0xFFFFE0C0  }
0x8b: {  	[spmem:s2] =	stream.indirect.scatter.add.f32 [tilespmem:s19], [sflag:$0x6], $0x40, s24, s18, $0xb8;
	[tilespmem:$0x1D880] =	vst v63  }
0x8c: {  	_ =	swait.ge [sflag:s13], $0x1F40  }
0x8d: {  	[sflag:s13] =	ssyncset.done $0x0  }
0x8e: {  	s24 =	sadd.s32 $0x280, s22;
	[sflag:s13] =	ssyncadd.s32 $0xFFFFE0C0  }
0x8f: {  	[tilespmem:s19], [sflag:$0x1] =	stream.indirect.gather [hbm4b:s5+s18], $0x40, s24, s18, $0xb8;
	[tilespmem:$0x1D880] =	vst v63  }
0x90: {  	_ =	swait.ge [sflag:s30], $0x1F40  }
0x91: {  	[sflag:s30] =	ssyncset.done $0x0  }
0x92: {  	s24 =	sadd.s32 $0x5080, s22;
	[sflag:s30] =	ssyncadd.s32 $0xFFFFE0C0  }
0x93: {  	[spmem:s2] =	stream.indirect.scatter.add.f32 [tilespmem:s21], [sflag:$0x6], $0x40, s24, s18, $0xb8;
	[tilespmem:$0x1D880] =	vst v63  }
0x94: {  	_ =	swait.ge [sflag:s13], $0x1F40  }
0x95: {  	[sflag:s13] =	ssyncset.done $0x0  }
0x96: {  	s24 =	sadd.s32 $0x300, s22;
	[sflag:s13] =	ssyncadd.s32 $0xFFFFE0C0  }
0x97: {  	[tilespmem:s21], [sflag:$0x2] =	stream.indirect.gather [hbm4b:s5+s18], $0x40, s24, s18, $0xb8;
	[tilespmem:$0x1D880] =	vst v63  }
0x98: {  	_ =	swait.ge [sflag:s31], $0x1F40  }
0x99: {  	[sflag:s31] =	ssyncset.done $0x0  }
0x9a: {  	s24 =	sadd.s32 $0x5100, s22;
	[sflag:s31] =	ssyncadd.s32 $0xFFFFE0C0  }
0x9b: {  	[spmem:s2] =	stream.indirect.scatter.add.f32 [tilespmem:s23], [sflag:$0x6], $0x40, s24, s18, $0xb8;
	[tilespmem:$0x1D880] =	vst v63  }
0x9c: {  	_ =	swait.ge [sflag:s13], $0x1F40  }
0x9d: {  	[sflag:s13] =	ssyncset.done $0x0  }
0x9e: {  	s24 =	sadd.s32 $0x380, s22;
	[sflag:s13] =	ssyncadd.s32 $0xFFFFE0C0  }
0x9f: {  	[tilespmem:s23], [sflag:$0x3] =	stream.indirect.gather [hbm4b:s5+s18], $0x40, s24, s18, $0xb8;
	[tilespmem:$0x1D880] =	vst v63  }
0xa0: {  	_ =	swait.ge [sflag:s0], $0x1F40  }
0xa1: {  	[sflag:s0] =	ssyncset.done $0x0  }
0xa2: {  	s24 =	sadd.s32 $0x5180, s22;
	[sflag:s0] =	ssyncadd.s32 $0xFFFFE0C0  }
0xa3: {  	[spmem:s2] =	stream.indirect.scatter.add.f32 [tilespmem:s25], [sflag:$0x6], $0x40, s24, s18, $0xb8;
	[tilespmem:$0x1D880] =	vst v63  }
0xa4: {  	_ =	swait.ge [sflag:s13], $0x1F40  }
0xa5: {  	[sflag:s13] =	ssyncset.done $0x0  }
0xa6: {  	s24 =	sadd.s32 $0x400, s22;
	[sflag:s13] =	ssyncadd.s32 $0xFFFFE0C0  }
0xa7: {  	[tilespmem:s25], [sflag:$0x4] =	stream.indirect.gather [hbm4b:s5+s18], $0x40, s24, s18, $0xb8;
	[tilespmem:$0x1D880] =	vst v63  }
0xa8: {  	_ =	swait.ge [sflag:s1], $0x1F40  }
0xa9: {  	[sflag:s1] =	ssyncset.done $0x0  }
.Ltmp3:
0xaa: {  	s24 =	sadd.s32 $0x5200, s22;
	[sflag:s1] =	ssyncadd.s32 $0xFFFFE0C0;
	(pc) =	sbr.rel @p2 .LBB2_6-.Ltmp3, $4  }
0xab: {  	[spmem:s2] =	stream.indirect.scatter.add.f32 [tilespmem:s28], [sflag:$0x6], $0x40, s24, s18, $0xb8;
	[tilespmem:$0x1D880] =	vst v63  }
0xac: {  	_ =	swait.ge [sflag:s13], $0x1F40  }
0xad: {  	[sflag:s13] =	ssyncset.done $0x0  }
0xae: {  	s22 =	sadd.s32 $0x480, s22;
	[sflag:s13] =	ssyncadd.s32 $0xFFFFE0C0  }
.Ltmp4:
0xaf: {  	_ = 	snop;
	(pc) =	sbr.rel .LBB2_7-.Ltmp4, $1  }
0xb0: {  	_ =	sdelay $0x3  }
.LBB2_2:
0xb1: {  	[tilespmem:s19], [sflag:$0x1] =	stream.indirect.gather [hbm4b:s4+s18], $0x40, s20, s18, $0xb8;
	[tilespmem:$0x1D880] =	vst v63  }
0xb2: {  	s24 =	simm.s32 $0x80  }
0xb3: {  	[tilespmem:s21], [sflag:$0x2] =	stream.indirect.gather [hbm4b:s4+s18], $0x40, s24, s18, $0xb8;
	[tilespmem:$0x1D880] =	vst v63  }
0xb4: {  	s22 =	simm.s32 $0x100  }
0xb5: {  	[tilespmem:s23], [sflag:$0x3] =	stream.indirect.gather [hbm4b:s4+s18], $0x40, s22, s18, $0xb8;
	[tilespmem:$0x1D880] =	vst v63  }
0xb6: {  	s24 =	simm.s32 $0x180  }
0xb7: {  	[tilespmem:s25], [sflag:$0x4] =	stream.indirect.gather [hbm4b:s4+s18], $0x40, s24, s18, $0xb8;
	[tilespmem:$0x1D880] =	vst v63  }
0xb8: {  	s22 =	simm.s32 $0x200  }
0xb9: {  	[tilespmem:s28], [sflag:$0x5] =	stream.indirect.gather [hbm4b:s4+s18], $0x40, s22, s18, $0xb8;
	[tilespmem:$0x1D880] =	vst v63  }
0xba: {  	_ =	swait.ge [sflag:s29], $0x1F40  }
0xbb: {  	[sflag:s29] =	ssyncset.done $0x0  }
0xbc: {  	s24 =	simm.s32 $0x5000;
	[sflag:s29] =	ssyncadd.s32 $0xFFFFE0C0  }
0xbd: {  	[spmem:s2] =	stream.indirect.scatter.add.f32 [tilespmem:s19], [sflag:$0x6], $0x40, s24, s18, $0xb8;
	[tilespmem:$0x1D880] =	vst v63  }
0xbe: {  	_ =	swait.ge [sflag:s13], $0x1F40  }
0xbf: {  	[sflag:s13] =	ssyncset.done $0x0  }
0xc0: {  	s22 =	simm.s32 $0x280;
	[sflag:s13] =	ssyncadd.s32 $0xFFFFE0C0  }
0xc1: {  	[tilespmem:s19], [sflag:$0x1] =	stream.indirect.gather [hbm4b:s4+s18], $0x40, s22, s18, $0xb8;
	[tilespmem:$0x1D880] =	vst v63  }
0xc2: {  	_ =	swait.ge [sflag:s30], $0x1F40  }
0xc3: {  	[sflag:s30] =	ssyncset.done $0x0  }
0xc4: {  	s24 =	simm.s32 $0x5080;
	[sflag:s30] =	ssyncadd.s32 $0xFFFFE0C0  }
0xc5: {  	[spmem:s2] =	stream.indirect.scatter.add.f32 [tilespmem:s21], [sflag:$0x6], $0x40, s24, s18, $0xb8;
	[tilespmem:$0x1D880] =	vst v63  }
0xc6: {  	_ =	swait.ge [sflag:s13], $0x1F40  }
0xc7: {  	[sflag:s13] =	ssyncset.done $0x0  }
0xc8: {  	s22 =	simm.s32 $0x300;
	[sflag:s13] =	ssyncadd.s32 $0xFFFFE0C0  }
0xc9: {  	[tilespmem:s21], [sflag:$0x2] =	stream.indirect.gather [hbm4b:s4+s18], $0x40, s22, s18, $0xb8;
	[tilespmem:$0x1D880] =	vst v63  }
0xca: {  	_ =	swait.ge [sflag:s31], $0x1F40  }
0xcb: {  	[sflag:s31] =	ssyncset.done $0x0  }
0xcc: {  	s24 =	simm.s32 $0x5100;
	[sflag:s31] =	ssyncadd.s32 $0xFFFFE0C0  }
0xcd: {  	[spmem:s2] =	stream.indirect.scatter.add.f32 [tilespmem:s23], [sflag:$0x6], $0x40, s24, s18, $0xb8;
	[tilespmem:$0x1D880] =	vst v63  }
0xce: {  	_ =	swait.ge [sflag:s13], $0x1F40  }
0xcf: {  	[sflag:s13] =	ssyncset.done $0x0  }
0xd0: {  	s22 =	simm.s32 $0x380;
	[sflag:s13] =	ssyncadd.s32 $0xFFFFE0C0  }
0xd1: {  	[tilespmem:s23], [sflag:$0x3] =	stream.indirect.gather [hbm4b:s4+s18], $0x40, s22, s18, $0xb8;
	[tilespmem:$0x1D880] =	vst v63  }
0xd2: {  	_ =	swait.ge [sflag:s0], $0x1F40  }
0xd3: {  	[sflag:s0] =	ssyncset.done $0x0  }
0xd4: {  	s24 =	simm.s32 $0x5180;
	[sflag:s0] =	ssyncadd.s32 $0xFFFFE0C0  }
0xd5: {  	[spmem:s2] =	stream.indirect.scatter.add.f32 [tilespmem:s25], [sflag:$0x6], $0x40, s24, s18, $0xb8;
	[tilespmem:$0x1D880] =	vst v63  }
0xd6: {  	_ =	swait.ge [sflag:s13], $0x1F40  }
0xd7: {  	[sflag:s13] =	ssyncset.done $0x0  }
0xd8: {  	s22 =	simm.s32 $0x400;
	[sflag:s13] =	ssyncadd.s32 $0xFFFFE0C0  }
0xd9: {  	[tilespmem:s25], [sflag:$0x4] =	stream.indirect.gather [hbm4b:s4+s18], $0x40, s22, s18, $0xb8;
	[tilespmem:$0x1D880] =	vst v63  }
0xda: {  	_ =	swait.ge [sflag:s1], $0x1F40  }
0xdb: {  	[sflag:s1] =	ssyncset.done $0x0  }
0xdc: {  	s24 =	simm.s32 $0x5200;
	[sflag:s1] =	ssyncadd.s32 $0xFFFFE0C0  }
0xdd: {  	[spmem:s2] =	stream.indirect.scatter.add.f32 [tilespmem:s28], [sflag:$0x6], $0x40, s24, s18, $0xb8;
	[tilespmem:$0x1D880] =	vst v63  }
0xde: {  	_ =	swait.ge [sflag:s13], $0x1F40  }
0xdf: {  	[sflag:s13] =	ssyncset.done $0x0  }
0xe0: {  	s20 =	simm.s32 $0xA00;
	s22 =	simm.s32 $0x480;
	[sflag:s13] =	ssyncadd.s32 $0xFFFFE0C0  }
.LBB2_3:
0xe1: {  	[tilespmem:s28], [sflag:$0x5] =	stream.indirect.gather [hbm4b:s4+s18], $0x40, s22, s18, $0xb8;
	[tilespmem:$0x1D880] =	vst v63  }
0xe2: {  	s22 =	smov.u32 s20  }
0xe3: {  	p2 =	seq.s32 s20, $0x12C00;
	s20 =	sadd.s32 $0xA00, s20;
	_ =	swait.ge [sflag:s29], $0x1F40  }
0xe4: {  	s22 =	sshra.s32 s22, $0x2;
	[sflag:s29] =	ssyncset.done $0x0  }
0xe5: {  	s24 =	sadd.s32 $0x5000, s22;
	[sflag:s29] =	ssyncadd.s32 $0xFFFFE0C0  }
0xe6: {  	[spmem:s2] =	stream.indirect.scatter.add.f32 [tilespmem:s19], [sflag:$0x6], $0x40, s24, s18, $0xb8;
	[tilespmem:$0x1D880] =	vst v63  }
0xe7: {  	_ =	swait.ge [sflag:s13], $0x1F40  }
0xe8: {  	[sflag:s13] =	ssyncset.done $0x0  }
0xe9: {  	s24 =	sadd.s32 $0x280, s22;
	[sflag:s13] =	ssyncadd.s32 $0xFFFFE0C0  }
0xea: {  	[tilespmem:s19], [sflag:$0x1] =	stream.indirect.gather [hbm4b:s4+s18], $0x40, s24, s18, $0xb8;
	[tilespmem:$0x1D880] =	vst v63  }
0xeb: {  	_ =	swait.ge [sflag:s30], $0x1F40  }
0xec: {  	[sflag:s30] =	ssyncset.done $0x0  }
0xed: {  	s24 =	sadd.s32 $0x5080, s22;
	[sflag:s30] =	ssyncadd.s32 $0xFFFFE0C0  }
0xee: {  	[spmem:s2] =	stream.indirect.scatter.add.f32 [tilespmem:s21], [sflag:$0x6], $0x40, s24, s18, $0xb8;
	[tilespmem:$0x1D880] =	vst v63  }
0xef: {  	_ =	swait.ge [sflag:s13], $0x1F40  }
0xf0: {  	[sflag:s13] =	ssyncset.done $0x0  }
0xf1: {  	s24 =	sadd.s32 $0x300, s22;
	[sflag:s13] =	ssyncadd.s32 $0xFFFFE0C0  }
0xf2: {  	[tilespmem:s21], [sflag:$0x2] =	stream.indirect.gather [hbm4b:s4+s18], $0x40, s24, s18, $0xb8;
	[tilespmem:$0x1D880] =	vst v63  }
0xf3: {  	_ =	swait.ge [sflag:s31], $0x1F40  }
0xf4: {  	[sflag:s31] =	ssyncset.done $0x0  }
0xf5: {  	s24 =	sadd.s32 $0x5100, s22;
	[sflag:s31] =	ssyncadd.s32 $0xFFFFE0C0  }
0xf6: {  	[spmem:s2] =	stream.indirect.scatter.add.f32 [tilespmem:s23], [sflag:$0x6], $0x40, s24, s18, $0xb8;
	[tilespmem:$0x1D880] =	vst v63  }
0xf7: {  	_ =	swait.ge [sflag:s13], $0x1F40  }
0xf8: {  	[sflag:s13] =	ssyncset.done $0x0  }
0xf9: {  	s24 =	sadd.s32 $0x380, s22;
	[sflag:s13] =	ssyncadd.s32 $0xFFFFE0C0  }
0xfa: {  	[tilespmem:s23], [sflag:$0x3] =	stream.indirect.gather [hbm4b:s4+s18], $0x40, s24, s18, $0xb8;
	[tilespmem:$0x1D880] =	vst v63  }
0xfb: {  	_ =	swait.ge [sflag:s0], $0x1F40  }
0xfc: {  	[sflag:s0] =	ssyncset.done $0x0  }
0xfd: {  	s24 =	sadd.s32 $0x5180, s22;
	[sflag:s0] =	ssyncadd.s32 $0xFFFFE0C0  }
0xfe: {  	[spmem:s2] =	stream.indirect.scatter.add.f32 [tilespmem:s25], [sflag:$0x6], $0x40, s24, s18, $0xb8;
	[tilespmem:$0x1D880] =	vst v63  }
0xff: {  	_ =	swait.ge [sflag:s13], $0x1F40  }
0x100: {  	[sflag:s13] =	ssyncset.done $0x0  }
0x101: {  	s24 =	sadd.s32 $0x400, s22;
	[sflag:s13] =	ssyncadd.s32 $0xFFFFE0C0  }
0x102: {  	[tilespmem:s25], [sflag:$0x4] =	stream.indirect.gather [hbm4b:s4+s18], $0x40, s24, s18, $0xb8;
	[tilespmem:$0x1D880] =	vst v63  }
0x103: {  	_ =	swait.ge [sflag:s1], $0x1F40  }
0x104: {  	[sflag:s1] =	ssyncset.done $0x0  }
.Ltmp5:
0x105: {  	s24 =	sadd.s32 $0x5200, s22;
	[sflag:s1] =	ssyncadd.s32 $0xFFFFE0C0;
	(pc) =	sbr.rel @!p2 .LBB2_3-.Ltmp5, $4  }
0x106: {  	[spmem:s2] =	stream.indirect.scatter.add.f32 [tilespmem:s28], [sflag:$0x6], $0x40, s24, s18, $0xb8;
	[tilespmem:$0x1D880] =	vst v63  }
0x107: {  	_ =	swait.ge [sflag:s13], $0x1F40  }
0x108: {  	[sflag:s13] =	ssyncset.done $0x0  }
0x109: {  	s22 =	sadd.s32 $0x480, s22;
	[sflag:s13] =	ssyncadd.s32 $0xFFFFE0C0  }
.Ltmp6:
0x10a: {  	(pc) =	sbr.rel .LBB2_8-.Ltmp6, $2  }
0x10b: {  	_ =	sdelay $0x2  }
0x10c: {  	[tilespmem:s28], [sflag:$0x5] =	stream.indirect.gather [hbm4b:s4+s18], $0x40, s22, s18, $0xb8;
	[tilespmem:$0x1D880] =	vst v63  }
.LBB2_9:
0x10d: {  	_ =	sfence.sel $0x180000  }
0x10e: {  	[bflag:$0x0] =	sbarrier.arrive $0xFFFF  }
0x10f: {  	_ =	strace $0x9000004A  }
0x110: {  	s0 =	stileid.u32;
	[bflag:$0x2] =	sbarrier.arrive $0xFFFF  }
0x111: {  	p0 =	sne.s32 s0, $0x0;
	s0 =	rddreg [dreg:$0x3]  }
0x112: {  	s0 =	sadd.s32 @!p0 $0x100000, s0  }
0x113: {  	[sflag:s0] =	ssyncadd.tile.s32 @!p0 $0x1;
	_ =	shalt  }
.Lfunc_end2:
_tile_overlayer_lowered:
.L_overlay_start_2:
0x114: {  	(tag) =	ssettag $0x2  }
0x115: {  	s0 =	rddreg [dreg:$0x0];
	s2 =	stileid.u32  }
0x116: {  	s1 =	rddreg [dreg:$0x1];
	p0 =	sne.s32 s2, $0x0  }
0x117: {  	s3 =	rddreg [dreg:$0x2];
	[bflag:$0x3] =	sbarrier.arrive $0xFFFF;
	s2 =	simm.s32 @!p0 $0x1C06  }
0x118: {  	[timem:s3], [sflag:s2] =	dma.local @!p0 [hbm:s0], s1  }
0x119: {  	s0 =	simm.s32 @!p0 $0x6  }
0x11a: {  	_ =	swait.ge @!p0 [sflag:s0], s1  }
0x11b: {  	s1 =	ssub.s32 @!p0 $0x0, s1;
	[sflag:s0] =	ssyncset.done @!p0 $0x0  }
0x11c: {  	[sflag:s0] =	ssyncadd.s32 @!p0 s1  }
0x11d: {  	[bflag:$0x3] =	sbarrier.arrive $0xFFFF  }
0x11e: {  	_ =	shalt  }

// kernel: kernel.14.cloned.1.call-start
scs
__scs_entry_jumppad:
0x0: {  	(pc) =	sbr.rel $0x88, $3  }
0x1: {  	(tag) =	ssettag $0x0;
	lr =	simm.s32 $0x1  }
0x2: {  	[smem:$0x3F99] =	sst lr;
	_ =	strace $0xD0000000  }
0x3: {  	_ = 	snop  }
0x4: {  	_ = 	snop  }
0x5: {  	_ = 	snop  }
0x6: {  	_ = 	snop  }
0x7: {  	_ = 	snop  }
__scs_overlays_trampoline_lowered:
0x8: {  	[smem:$0x3FA8] =	sst s0  }
0x9: {  	[smem:$0x3FA9] =	sst s1  }
0xa: {  	[smem:$0x3FAA] =	sst s2  }
0xb: {  	[smem:$0x3FAB] =	sst s3  }
0xc: {  	[smem:$0x3FAC] =	sst s4  }
0xd: {  	[smem:$0x3FAD] =	sst s5  }
0xe: {  	[smem:$0x3FAE] =	sst s6  }
0xf: {  	[smem:$0x3FAF] =	sst s7  }
0x10: {  	[smem:$0x3FB0] =	sst s8  }
0x11: {  	[smem:$0x3FB1] =	sst s9;
	s0 =	simm.s32 @!p0 $0x0  }
0x12: {  	s1 =	sld [smem:$0x3F97];
	s0 =	simm.s32 @p0 $0x1  }
0x13: {  	[smem:$0x3FB2] =	sst s0;
	s0 =	simm.s32 @!p1 $0x0  }
0x14: {  	s2 =	sld [smem:$0x3F96];
	s0 =	simm.s32 @p1 $0x1  }
0x15: {  	[smem:$0x3FB3] =	sst s0;
	s0 =	simm.s32 @!p2 $0x0  }
0x16: {  	s3 =	sld [smem:$0x3FDB];
	s0 =	simm.s32 @p2 $0x1  }
0x17: {  	s4 =	simm.s32 $0x1BF5;
	[smem:$0x3FB5] =	sst s0  }
0x18: {  	s0 =	sld [smem:$0x3F98];
	_ =	swait.ge [sflag:s4], $0x0  }
0x19: {  	s7 =	sld [smem:$0x3F99]  }
0x1a: {  	s8 =	sadd.s32 $0xFFFFE003, lr  }
0x1b: {  	s9 =	sadd.s32 $0xFFFFFEF7, lr;
	s5 =	simm.s32 $0xFFFFFFFF;
	p2 =	slt.u32 s8, $0xFFFFF086  }
0x1c: {  	p1 =	slt.u32 s9, $0xF7A;
	s5 =	simm.s32 @!p2 $0x0  }
0x1d: {  	s5 =	simm.s32 @p1 $0x1;
	p0 =	seq.s32 s7, s2  }
0x1e: {  	s7 =	smul.u32 @!p0 $0xF7A, s2;
	p2 =	seq.s32 @!p0 s5, $0x0  }
0x1f: {  	s9 =	smul.u32 $0xF7A, s1;
	s8 =	simm.s32 @!p0 $0x1BF5;
	p2 =	por !p2, p0  }
0x20: {  	[sflag:s8] =	ssyncset.s32 @!p0 $0xFFFFF086;
	s6 =	sadd.s32 @!p0 s3, s7;
	s7 =	simm.s32 @!p0 $0x108  }
0x21: {  	s3 =	sadd.s32 s3, s9;
	s6 =	sadd.s32 @!p0 $0x88, s6;
	s7 =	simm.s32 @p2 $0x1082  }
0x22: {  	[simem:s7], [sflag:s8] =	dma.local @!p0 [hbm:s6], $0xF7A  }
0x23: {  	s9 =	sor.u32 $0xD0000000, s2;
	s6 =	simm.s32 $0x108;
	_ =	swait.ge @!p0 [sflag:s8], $0x0  }
0x24: {  	s3 =	sadd.s32 $0x88, s3;
	s6 =	simm.s32 @!p1 $0x1082;
	[sflag:s4] =	ssyncset.s32 $0xFFFFF086  }
0x25: {  	[simem:s6], [sflag:s4] =	dma.local [hbm:s3], $0xF7A  }
0x26: {  	[smem:$0x3F99] =	sst s1;
	(tag) =	ssettag s2;
	_ =	strace s9  }
0x27: {  	s1 =	sld [smem:$0x3FA9]  }
0x28: {  	s2 =	sld [smem:$0x3FAA]  }
0x29: {  	s4 =	sld [smem:$0x3FAC]  }
0x2a: {  	p0 =	seq.s32 s5, $0x0;
	s5 =	sld [smem:$0x3FAD]  }
0x2b: {  	s6 =	sld [smem:$0x3FAE]  }
0x2c: {  	s7 =	sld [smem:$0x3FAF]  }
0x2d: {  	s3 =	simm.s32 $0x108;
	s8 =	sld [smem:$0x3FB0]  }
0x2e: {  	s3 =	simm.s32 @!p0 $0x1082;
	s9 =	sld [smem:$0x3FB1]  }
0x2f: {  	lr =	sadd.s32 s0, s3;
	s0 =	sld [smem:$0x3FA8]  }
0x30: {  	s3 =	sld [smem:$0x3FAB]  }
0x31: {  	[smem:$0x3FB4] =	sst s10  }
0x32: {  	s10 =	sld [smem:$0x3FB2];
	_ =	sdelay $0x3  }
0x33: {  	p0 =	seq.s32 s10, $0x1;
	s10 =	sld [smem:$0x3FB4];
	_ =	sdelay $0x3  }
0x34: {  	[smem:$0x3FB4] =	sst s10  }
0x35: {  	s10 =	sld [smem:$0x3FB3];
	_ =	sdelay $0x3  }
0x36: {  	p1 =	seq.s32 s10, $0x1;
	s10 =	sld [smem:$0x3FB4];
	_ =	sdelay $0x3  }
0x37: {  	[smem:$0x3FB4] =	sst s10  }
0x38: {  	s10 =	sld [smem:$0x3FB5]  }
0x39: {  	_ = 	snop;
	(pc) =	sbr.ind lr, $3  }
0x3a: {  	_ = 	snop  }
0x3b: {  	_ = 	snop  }
0x3c: {  	p2 =	seq.s32 s10, $0x1;
	s10 =	sld [smem:$0x3FB4]  }
0x3d: {  	_ =	shalt  }
0x3e: {  	_ =	shalt  }
0x3f: {  	_ =	shalt  }
0x40: {  	_ =	shalt  }
0x41: {  	_ =	shalt  }
0x42: {  	_ =	shalt  }
0x43: {  	_ =	shalt  }
0x44: {  	_ =	shalt  }
0x45: {  	_ =	shalt  }
0x46: {  	_ =	shalt  }
0x47: {  	_ =	shalt  }
0x48: {  	_ =	shalt  }
0x49: {  	_ =	shalt  }
0x4a: {  	_ =	shalt  }
0x4b: {  	_ =	shalt  }
0x4c: {  	_ =	shalt  }
0x4d: {  	_ =	shalt  }
0x4e: {  	_ =	shalt  }
0x4f: {  	_ =	shalt  }
0x50: {  	_ =	shalt  }
0x51: {  	_ =	shalt  }
0x52: {  	_ =	shalt  }
0x53: {  	_ =	shalt  }
0x54: {  	_ =	shalt  }
0x55: {  	_ =	shalt  }
0x56: {  	_ =	shalt  }
0x57: {  	_ =	shalt  }
0x58: {  	_ =	shalt  }
0x59: {  	_ =	shalt  }
0x5a: {  	_ =	shalt  }
0x5b: {  	_ =	shalt  }
0x5c: {  	_ =	shalt  }
0x5d: {  	_ =	shalt  }
0x5e: {  	_ =	shalt  }
0x5f: {  	_ =	shalt  }
0x60: {  	_ =	shalt  }
0x61: {  	_ =	shalt  }
0x62: {  	_ =	shalt  }
0x63: {  	_ =	shalt  }
0x64: {  	_ =	shalt  }
0x65: {  	_ =	shalt  }
0x66: {  	_ =	shalt  }
0x67: {  	_ =	shalt  }
0x68: {  	_ =	shalt  }
0x69: {  	_ =	shalt  }
0x6a: {  	_ =	shalt  }
0x6b: {  	_ =	shalt  }
0x6c: {  	_ =	shalt  }
0x6d: {  	_ =	shalt  }
0x6e: {  	_ =	shalt  }
0x6f: {  	_ =	shalt  }
0x70: {  	_ =	shalt  }
0x71: {  	_ =	shalt  }
0x72: {  	_ =	shalt  }
0x73: {  	_ =	shalt  }
0x74: {  	_ =	shalt  }
0x75: {  	_ =	shalt  }
0x76: {  	_ =	shalt  }
0x77: {  	_ =	shalt  }
0x78: {  	_ =	shalt  }
0x79: {  	_ =	shalt  }
0x7a: {  	_ =	shalt  }
0x7b: {  	_ =	shalt  }
0x7c: {  	_ =	shalt  }
0x7d: {  	_ =	shalt  }
0x7e: {  	_ =	shalt  }
0x7f: {  	_ =	shalt  }
0x80: {  	_ =	shalt  }
0x81: {  	_ =	shalt  }
0x82: {  	_ =	shalt  }
0x83: {  	_ =	shalt  }
0x84: {  	_ =	shalt  }
0x85: {  	_ =	shalt  }
0x86: {  	_ =	shalt  }
0x87: {  	_ =	shalt  }
.Lfunc_end0:
.L_simem_size_0:
called_computation.2_lowered:
.L_overlay_start_0:
0x88: {  	s2 =	sld [smem:$0x3FD9]  }
0x89: {  	s3 =	sld [smem:$0x3FFE];
	_ =	sdelay $0x1  }
0x8a: {  	s1 =	srdreg.scid  }
0x8b: {  	s0 =	sand.u32 $0x1, s1  }
0x8c: {  	s17 =	sshll.u32 s0, $0xA;
	s2 =	sadd.s32 s3, s2  }
0x8d: {  	s2 =	sadd.s32 s2, s17  }
0x8e: {  	[smem:$0x3FC0] =	sst s2  }
0x8f: {  	_ = 	snop  }
0x90: {  	s2 =	sld [smem:$0x3FD0];
	(tm) =	ssettm $0x1  }
0x91: {  	s18 =	sld [smem:$0x3FFB];
	_ =	sdelay $0x3  }
0x92: {  	_ =	strace s18  }
0x93: {  	s3 =	sld [smem:$0x3FFC];
	_ =	sdelay $0x3  }
0x94: {  	_ =	strace s3  }
0x95: {  	s3 =	sld [smem:$0x3FFD];
	_ =	sdelay $0x3  }
0x96: {  	_ =	strace s3  }
0x97: {  	_ =	strace $0x8FFFFFFF  }
0x98: {  	s19 =	sld [smem:$0x3FDB];
	_ =	sdelay $0x1  }
0x99: {  	s4 =	simm.s32 $_scs_section_size  }
0x9a: {  	s5 =	simm.s32 $_size__tile_overlayer_lowered;
	s6 =	simm.s32 $_tile_overlayer_lowered  }
0x9b: {  	s22 =	simm.s32 $0x1BFF;
	s21 =	sshll.u32 s6, $0x1;
	s3 =	sadd.s32 s4, s19  }
0x9c: {  	s7 =	simm.s32 $0x0;
	s20 =	sshll.u32 s5, $0x1;
	s5 =	sadd.s32 s21, s3  }
0x9d: {  	[timem:s7], [sflag:s22] =	dma.local [hbm:s5], s20  }
0x9e: {  	_ =	swait.ge [sflag:s22], s20  }
0x9f: {  	s4 =	ssub.s32 $0x0, s20;
	[sflag:s22] =	ssyncset.done $0x0  }
0xa0: {  	[sflag:s22] =	ssyncadd.s32 s4;
	_ =	sdelay $0x1  }
0xa1: {  	s23 =	simm.s32 $0x1B8B  }
0xa2: {  	_ =	swait.ge [sflag:s23], $0x1  }
0xa3: {  	[sflag:s23] =	ssyncset.done $0x0  }
0xa4: {  	s25 =	simm.s32 $0x1B8E;
	s24 =	sld [smem:$0x3FFE];
	[sflag:s23] =	ssyncadd.s32 $0xFFFFFFFF  }
0xa5: {  	s26 =	simm.s32 $execute0_lowered;
	[smem:$0x3FD2] =	sst s25  }
0xa6: {  	s5 =	sshll.u32 s26, $0x1;
	_ =	strace $0x8000004C;
	[dreg:$0x1] =	wrdreg $0xFFFFFFFF  }
0xa7: {  	s28 =	simm.s32 $_size_execute0_lowered;
	s3 =	sadd.s32 s3, s5;
	[dreg:$0x0] =	wrdreg $0x0  }
0xa8: {  	s5 =	sshll.u32 s28, $0x1;
	[dreg:$0x2] =	wrdreg s3  }
0xa9: {  	[dreg:$0x3] =	wrdreg s5  }
0xaa: {  	[dreg:$0x4] =	wrdreg $0xC0  }
0xab: {  	_ =	task [dreg:s7], $0x5FFFF  }
0xac: {  	[dreg:$0x1] =	wrdreg $0xFFFFFFFF  }
0xad: {  	[dreg:$0x0] =	wrdreg $0x60  }
0xae: {  	[dreg:$0x2] =	wrdreg s24  }
0xaf: {  	[dreg:$0x3] =	wrdreg s2  }
0xb0: {  	[dreg:$0x4] =	wrdreg $0x13C400  }
0xb1: {  	[dreg:$0x5] =	wrdreg $0x9  }
0xb2: {  	_ =	task.clear_ibuf [dreg:s7], $0x6FFFF;
	_ =	strace $0x9000004C  }
0xb3: {  	s29 =	simm.s32 $0x9;
	_ =	strace $0x8000004E  }
0xb4: {  	_ =	swait.ge [sflag:s29], $0x1  }
0xb5: {  	[sflag:s29] =	ssyncadd.s32 $0xFFFFFFFF  }
0xb6: {  	_ =	strace $0x9000004E  }
0xb7: {  	_ =	sfence  }
0xb8: {  	s30 =	sld [smem:$0x0];
	_ =	sdelay $0x2  }
0xb9: {  	s31 =	sshll.u32 s1, $0xD;
	s1 =	sshrl.u32 s1, $0x2  }
0xba: {  	s3 =	sand.u32 $0x4000, s31;
	s1 =	sadd.s32 s1, s30  }
0xbb: {  	s0 =	sor.u32 s3, s0;
	s1 =	sshll.u32 s1, $0x11  }
0xbc: {  	s0 =	sor.u32 s1, s0  }
0xbd: {  	s0 =	sadd.s32 $0x8F2B, s0  }
0xbe: {  	[sflag:s0] =	ssyncadd.remote.s32 $0x1  }
0xbf: {  	_ =	sfence.sel $0xFFFF  }
0xc0: {  	[dreg:$0x0] =	wrdreg $0xFFFFFFFF;
	(pc) =	sbr.abs _section_cstart, $3  }
0xc1: {  	[dreg:$0x1] =	wrdreg $0xFFFFFFFF  }
0xc2: {  	_ =	task.clear_ibuf [dreg:s7], $0x2FFFF;
	_ =	strace $0x9FFFFFFF  }
0xc3: {  	(tm) =	ssettm $0x7FFFFFFF  }
tec
execute0_lowered:
.L_overlay_start_1:
0x0: {  	(tag) =	ssettag $0x1  }
0x1: {  	s0 =	rddreg [dreg:$0x0]  }
0x2: {  	s1 =	rddreg [dreg:$0x1]  }
0x3: {  	s2 =	rddreg [dreg:$0x2]  }
0x4: {  	s3 =	simm.s32 $0x0;
	s16 =	stileid.u32;
	s4 =	srdreg.scid  }
0x5: {  	s18 =	simm.s32 $0x7D;
	s19 =	simm.s32 $0xA000;
	s21 =	simm.s32 $0xBF40  }
0x6: {  	s28 =	simm.s32 $0x11D00;
	s29 =	simm.s32 $0x1;
	s30 =	simm.s32 $0x2  }
0x7: {  	s31 =	simm.s32 $0x3;
	[smem:$0x7FF] =	sst s3;
	s6 =	smul.u32 $0xA00, s16  }
0x8: {  	s9 =	smul.u32 $0x9C00, s16;
	s10 =	sand.u32 $0x1, s4;
	s4 =	sadd.s32 $0x15E00, s0  }
0x9: {  	s5 =	sadd.s32 $0x29800, s0;
	s15 =	sadd.s32 $0x92400, s2;
	p1 =	seq.s32 s16, $0xF  }
0xa: {  	_ =	strace $0x8000004D;
	s7 =	ssub.s32 $0x2, s10;
	s23 =	smul.u32 $0x9C400, s10  }
0xb: {  	p0 =	seq.s32 s10, $0x1;
	s15 =	sshrl.u32 @p1 s15, $0x3;
	s8 =	sadd.s32 s6, s0  }
0xc: {  	s22 =	sshrl.u32 s9, $0x3;
	s11 =	sshrl.u32 s7, $0x1;
	s14 =	sadd.s32 s9, s2  }
0xd: {  	s12 =	sadd.s32 s22, s0;
	s13 =	ssub.s32 s7, s11;
	s6 =	sadd.s32 $0xBE00, s8  }
0xe: {  	s7 =	sadd.s32 $0x1E00, s8;
	s24 =	sadd.s32 s9, s23;
	s9 =	sadd.s32 $0x4F680, s0  }
0xf: {  	s11 =	sshrl.u32 s23, $0x3;
	s0 =	sshll.u32 @!p1 s16, $0x6;
	s17 =	sshrl.u32 @!p1 s14, $0x3  }
.Ltmp0:
0x10: {  	s23 =	simm.s32 $0xDE80;
	s14 =	simm.s32 $0x0;
	(pc) =	sbr.rel .LBB2_1-.Ltmp0, $4  }
0x11: {  	s8 =	sadd.s32 $0x3D200, s12;
	s25 =	sshrl.u32 s24, $0x3;
	s26 =	sadd.s32 s1, s11  }
0x12: {  	s12 =	smax.u32 s13, $0x1;
	s13 =	simm.s32 $0x6;
	s16 =	sor.u32 @!p1 $0x1C06, s0  }
0x13: {  	s0 =	simm.s32 $0x4;
	s10 =	sadd.s32 s1, s25;
	s11 =	sadd.s32 $0x12480, s26  }
0x14: {  	s25 =	simm.s32 $0xFDC0;
	s1 =	simm.s32 $0x5;
	s26 =	simm.s32 $0x9F80  }
.LBB2_7:
0x15: {  	[tilespmem:s28], [sflag:$0x5] =	stream.indirect.gather [hbm4b:s5+s18], $0x40, s22, s18, $0xb8;
	[tilespmem:$0x1D880] =	vst v63  }
.LBB2_8:
0x16: {  	_ =	swait.ge [sflag:s29], $0x1F40  }
0x17: {  	[sflag:s29] =	ssyncset.done $0x0  }
0x18: {  	s20 =	simm.s32 $0x9D80;
	[sflag:s29] =	ssyncadd.s32 $0xFFFFE0C0  }
0x19: {  	[spmem:s2] =	stream.indirect.scatter.add.f32 [tilespmem:s19], [sflag:$0x6], $0x40, s20, s18, $0xb8;
	[tilespmem:$0x1D880] =	vst v63  }
0x1a: {  	_ =	swait.ge [sflag:s13], $0x1F40  }
0x1b: {  	[sflag:s13] =	ssyncset.done $0x0  }
0x1c: {  	[sflag:s13] =	ssyncadd.s32 $0xFFFFE0C0  }
0x1d: {  	_ =	swait.ge [sflag:s30], $0x1F40  }
0x1e: {  	[sflag:s30] =	ssyncset.done $0x0  }
0x1f: {  	s24 =	simm.s32 $0x9E00;
	[sflag:s30] =	ssyncadd.s32 $0xFFFFE0C0  }
0x20: {  	[spmem:s2] =	stream.indirect.scatter.add.f32 [tilespmem:s21], [sflag:$0x6], $0x40, s24, s18, $0xb8;
	[tilespmem:$0x1D880] =	vst v63  }
0x21: {  	_ =	swait.ge [sflag:s13], $0x1F40  }
0x22: {  	[sflag:s13] =	ssyncset.done $0x0  }
0x23: {  	[sflag:s13] =	ssyncadd.s32 $0xFFFFE0C0  }
0x24: {  	_ =	swait.ge [sflag:s31], $0x1F40  }
0x25: {  	[sflag:s31] =	ssyncset.done $0x0  }
0x26: {  	s22 =	simm.s32 $0x9E80;
	[sflag:s31] =	ssyncadd.s32 $0xFFFFE0C0  }
0x27: {  	[spmem:s2] =	stream.indirect.scatter.add.f32 [tilespmem:s23], [sflag:$0x6], $0x40, s22, s18, $0xb8;
	[tilespmem:$0x1D880] =	vst v63  }
0x28: {  	_ =	swait.ge [sflag:s13], $0x1F40  }
0x29: {  	[sflag:s13] =	ssyncset.done $0x0  }
0x2a: {  	[sflag:s13] =	ssyncadd.s32 $0xFFFFE0C0  }
0x2b: {  	_ =	swait.ge [sflag:s0], $0x1F40  }
0x2c: {  	[sflag:s0] =	ssyncset.done $0x0  }
0x2d: {  	s24 =	simm.s32 $0x9F00;
	[sflag:s0] =	ssyncadd.s32 $0xFFFFE0C0  }
0x2e: {  	[spmem:s2] =	stream.indirect.scatter.add.f32 [tilespmem:s25], [sflag:$0x6], $0x40, s24, s18, $0xb8;
	[tilespmem:$0x1D880] =	vst v63  }
0x2f: {  	_ =	swait.ge [sflag:s13], $0x1F40  }
0x30: {  	[sflag:s13] =	ssyncset.done $0x0  }
0x31: {  	[sflag:s13] =	ssyncadd.s32 $0xFFFFE0C0  }
0x32: {  	_ =	swait.ge [sflag:s1], $0x1F40  }
0x33: {  	[sflag:s1] =	ssyncset.done $0x0  }
0x34: {  	[sflag:s1] =	ssyncadd.s32 $0xFFFFE0C0  }
0x35: {  	[spmem:s2] =	stream.indirect.scatter.add.f32 [tilespmem:s28], [sflag:$0x6], $0x40, s26, s18, $0xb8;
	[tilespmem:$0x1D880] =	vst v63  }
0x36: {  	_ =	swait.ge [sflag:s13], $0x1F40  }
0x37: {  	[sflag:s13] =	ssyncset.done $0x0  }
0x38: {  	[sflag:s13] =	ssyncadd.s32 $0xFFFFE0C0  }
0x39: {  	s20 =	simm.s32 @p1 $0x1FC6;
	[bflag:$0x0] =	sbarrier.arrive $0xFFFF  }
0x3a: {  	[hbm:s11], [sflag:s20] =	dma.local @p1 [spmem:s15], $0x1400  }
0x3b: {  	s20 =	simm.s32 @p1 $0x6  }
0x3c: {  	s14 =	sadd.s32 $0x1, s14;
	_ =	swait.ge @p1 [sflag:s20], $0x1400  }
0x3d: {  	p2 =	sne.s32 s14, s12;
	[sflag:s20] =	ssyncset.done @p1 $0x0  }
.Ltmp1:
0x3e: {  	[sflag:s20] =	ssyncadd.s32 @p1 $0xFFFFEC00;
	s20 =	simm.s32 @!p1 $0x6;
	(pc) =	sbr.rel @!p2 .LBB2_9-.Ltmp1, $4  }
0x3f: {  	[hbm:s10], [sflag:s16] =	dma.local @!p1 [spmem:s17], $0x1380  }
0x40: {  	_ =	swait.ge @!p1 [sflag:s20], $0x1380  }
0x41: {  	[sflag:s20] =	ssyncset.done @!p1 $0x0  }
0x42: {  	[sflag:s20] =	ssyncadd.s32 @!p1 $0xFFFFEC80  }
.LBB2_1:
0x43: {  	[tilespmem:s3], [sflag:$0x6] =	stream.linear.gather [hbm4b:s6+s3], $0x5000, $0x38;
	[tilespmem:$0x1D880] =	vst v63  }
0x44: {  	_ =	swait.ge [sflag:s13], $0x5000  }
0x45: {  	[sflag:s13] =	ssyncset.done $0x0  }
0x46: {  	s20 =	simm.s32 $0x5000;
	[sflag:s13] =	ssyncadd.s32 $0xFFFFB000  }
0x47: {  	[tilespmem:s20], [sflag:$0x6] =	stream.linear.gather [hbm4b:s7+s3], $0x5000, $0x38;
	[tilespmem:$0x1D880] =	vst v63  }
0x48: {  	_ =	swait.ge [sflag:s13], $0x5000  }
0x49: {  	[sflag:s13] =	ssyncset.done $0x0  }
0x4a: {  	s20 =	simm.s32 @p1 $0x1FC6;
	[sflag:s13] =	ssyncadd.s32 $0xFFFFB000  }
0x4b: {  	[spmem:s15], [sflag:s20] =	dma.local @p1 [hbm:s9], $0x1400  }
0x4c: {  	s20 =	simm.s32 @p1 $0x6  }
0x4d: {  	_ =	swait.ge @p1 [sflag:s20], $0x1400  }
0x4e: {  	[sflag:s20] =	ssyncset.done @p1 $0x0  }
0x4f: {  	[sflag:s20] =	ssyncadd.s32 @p1 $0xFFFFEC00;
	s20 =	simm.s32 @!p1 $0x6  }
0x50: {  	[spmem:s17], [sflag:s16] =	dma.local @!p1 [hbm:s8], $0x1380  }
.Ltmp2:
0x51: {  	_ =	swait.ge @!p1 [sflag:s20], $0x1380;
	(pc) =	sbr.rel @!p0 .LBB2_2-.Ltmp2, $4  }
0x52: {  	[sflag:s20] =	ssyncset.done @!p1 $0x0  }
0x53: {  	[sflag:s20] =	ssyncadd.s32 @!p1 $0xFFFFEC80  }
0x54: {  	[bflag:$0x0] =	sbarrier.arrive $0xFFFF  }
0x55: {  	s20 =	simm.s32 $0x0  }
0x56: {  	[tilespmem:s19], [sflag:$0x1] =	stream.indirect.gather [hbm4b:s5+s18], $0x40, s20, s18, $0xb8;
	[tilespmem:$0x1D880] =	vst v63  }
0x57: {  	s24 =	simm.s32 $0x80  }
0x58: {  	[tilespmem:s21], [sflag:$0x2] =	stream.indirect.gather [hbm4b:s5+s18], $0x40, s24, s18, $0xb8;
	[tilespmem:$0x1D880] =	vst v63  }
0x59: {  	s22 =	simm.s32 $0x100  }
0x5a: {  	[tilespmem:s23], [sflag:$0x3] =	stream.indirect.gather [hbm4b:s5+s18], $0x40, s22, s18, $0xb8;
	[tilespmem:$0x1D880] =	vst v63  }
0x5b: {  	s24 =	simm.s32 $0x180  }
0x5c: {  	[tilespmem:s25], [sflag:$0x4] =	stream.indirect.gather [hbm4b:s5+s18], $0x40, s24, s18, $0xb8;
	[tilespmem:$0x1D880] =	vst v63  }
0x5d: {  	s22 =	simm.s32 $0x200  }
0x5e: {  	[tilespmem:s28], [sflag:$0x5] =	stream.indirect.gather [hbm4b:s5+s18], $0x40, s22, s18, $0xb8;
	[tilespmem:$0x1D880] =	vst v63  }
0x5f: {  	_ =	swait.ge [sflag:s29], $0x1F40  }
0x60: {  	[sflag:s29] =	ssyncset.done $0x0  }
0x61: {  	s24 =	simm.s32 $0x5000;
	[sflag:s29] =	ssyncadd.s32 $0xFFFFE0C0  }
0x62: {  	[spmem:s2] =	stream.indirect.scatter.add.f32 [tilespmem:s19], [sflag:$0x6], $0x40, s24, s18, $0xb8;
	[tilespmem:$0x1D880] =	vst v63  }
0x63: {  	_ =	swait.ge [sflag:s13], $0x1F40  }
0x64: {  	[sflag:s13] =	ssyncset.done $0x0  }
0x65: {  	s22 =	simm.s32 $0x280;
	[sflag:s13] =	ssyncadd.s32 $0xFFFFE0C0  }
0x66: {  	[tilespmem:s19], [sflag:$0x1] =	stream.indirect.gather [hbm4b:s5+s18], $0x40, s22, s18, $0xb8;
	[tilespmem:$0x1D880] =	vst v63  }
0x67: {  	_ =	swait.ge [sflag:s30], $0x1F40  }
0x68: {  	[sflag:s30] =	ssyncset.done $0x0  }
0x69: {  	s24 =	simm.s32 $0x5080;
	[sflag:s30] =	ssyncadd.s32 $0xFFFFE0C0  }
0x6a: {  	[spmem:s2] =	stream.indirect.scatter.add.f32 [tilespmem:s21], [sflag:$0x6], $0x40, s24, s18, $0xb8;
	[tilespmem:$0x1D880] =	vst v63  }
0x6b: {  	_ =	swait.ge [sflag:s13], $0x1F40  }
0x6c: {  	[sflag:s13] =	ssyncset.done $0x0  }
0x6d: {  	s22 =	simm.s32 $0x300;
	[sflag:s13] =	ssyncadd.s32 $0xFFFFE0C0  }
0x6e: {  	[tilespmem:s21], [sflag:$0x2] =	stream.indirect.gather [hbm4b:s5+s18], $0x40, s22, s18, $0xb8;
	[tilespmem:$0x1D880] =	vst v63  }
0x6f: {  	_ =	swait.ge [sflag:s31], $0x1F40  }
0x70: {  	[sflag:s31] =	ssyncset.done $0x0  }
0x71: {  	s24 =	simm.s32 $0x5100;
	[sflag:s31] =	ssyncadd.s32 $0xFFFFE0C0  }
0x72: {  	[spmem:s2] =	stream.indirect.scatter.add.f32 [tilespmem:s23], [sflag:$0x6], $0x40, s24, s18, $0xb8;
	[tilespmem:$0x1D880] =	vst v63  }
0x73: {  	_ =	swait.ge [sflag:s13], $0x1F40  }
0x74: {  	[sflag:s13] =	ssyncset.done $0x0  }
0x75: {  	s22 =	simm.s32 $0x380;
	[sflag:s13] =	ssyncadd.s32 $0xFFFFE0C0  }
0x76: {  	[tilespmem:s23], [sflag:$0x3] =	stream.indirect.gather [hbm4b:s5+s18], $0x40, s22, s18, $0xb8;
	[tilespmem:$0x1D880] =	vst v63  }
0x77: {  	_ =	swait.ge [sflag:s0], $0x1F40  }
0x78: {  	[sflag:s0] =	ssyncset.done $0x0  }
0x79: {  	s24 =	simm.s32 $0x5180;
	[sflag:s0] =	ssyncadd.s32 $0xFFFFE0C0  }
0x7a: {  	[spmem:s2] =	stream.indirect.scatter.add.f32 [tilespmem:s25], [sflag:$0x6], $0x40, s24, s18, $0xb8;
	[tilespmem:$0x1D880] =	vst v63  }
0x7b: {  	_ =	swait.ge [sflag:s13], $0x1F40  }
0x7c: {  	[sflag:s13] =	ssyncset.done $0x0  }
0x7d: {  	s22 =	simm.s32 $0x400;
	[sflag:s13] =	ssyncadd.s32 $0xFFFFE0C0  }
0x7e: {  	[tilespmem:s25], [sflag:$0x4] =	stream.indirect.gather [hbm4b:s5+s18], $0x40, s22, s18, $0xb8;
	[tilespmem:$0x1D880] =	vst v63  }
0x7f: {  	_ =	swait.ge [sflag:s1], $0x1F40  }
0x80: {  	[sflag:s1] =	ssyncset.done $0x0  }
0x81: {  	s24 =	simm.s32 $0x5200;
	[sflag:s1] =	ssyncadd.s32 $0xFFFFE0C0  }
0x82: {  	[spmem:s2] =	stream.indirect.scatter.add.f32 [tilespmem:s28], [sflag:$0x6], $0x40, s24, s18, $0xb8;
	[tilespmem:$0x1D880] =	vst v63  }
0x83: {  	_ =	swait.ge [sflag:s13], $0x1F40  }
0x84: {  	[sflag:s13] =	ssyncset.done $0x0  }
0x85: {  	s20 =	simm.s32 $0xA00;
	s22 =	simm.s32 $0x480;
	[sflag:s13] =	ssyncadd.s32 $0xFFFFE0C0  }
.LBB2_6:
0x86: {  	[tilespmem:s28], [sflag:$0x5] =	stream.indirect.gather [hbm4b:s5+s18], $0x40, s22, s18, $0xb8;
	[tilespmem:$0x1D880] =	vst v63  }
0x87: {  	s22 =	smov.u32 s20  }
0x88: {  	p2 =	sne.s32 s20, $0x12C00;
	s20 =	sadd.s32 $0xA00, s20;
	_ =	swait.ge [sflag:s29], $0x1F40  }
0x89: {  	s22 =	sshra.s32 s22, $0x2;
	[sflag:s29] =	ssyncset.done $0x0  }
0x8a: {  	s24 =	sadd.s32 $0x5000, s22;
	[sflag:s29] =	ssyncadd.s32 $0xFFFFE0C0  }
0x8b: {  	[spmem:s2] =	stream.indirect.scatter.add.f32 [tilespmem:s19], [sflag:$0x6], $0x40, s24, s18, $0xb8;
	[tilespmem:$0x1D880] =	vst v63  }
0x8c: {  	_ =	swait.ge [sflag:s13], $0x1F40  }
0x8d: {  	[sflag:s13] =	ssyncset.done $0x0  }
0x8e: {  	s24 =	sadd.s32 $0x280, s22;
	[sflag:s13] =	ssyncadd.s32 $0xFFFFE0C0  }
0x8f: {  	[tilespmem:s19], [sflag:$0x1] =	stream.indirect.gather [hbm4b:s5+s18], $0x40, s24, s18, $0xb8;
	[tilespmem:$0x1D880] =	vst v63  }
0x90: {  	_ =	swait.ge [sflag:s30], $0x1F40  }
0x91: {  	[sflag:s30] =	ssyncset.done $0x0  }
0x92: {  	s24 =	sadd.s32 $0x5080, s22;
	[sflag:s30] =	ssyncadd.s32 $0xFFFFE0C0  }
0x93: {  	[spmem:s2] =	stream.indirect.scatter.add.f32 [tilespmem:s21], [sflag:$0x6], $0x40, s24, s18, $0xb8;
	[tilespmem:$0x1D880] =	vst v63  }
0x94: {  	_ =	swait.ge [sflag:s13], $0x1F40  }
0x95: {  	[sflag:s13] =	ssyncset.done $0x0  }
0x96: {  	s24 =	sadd.s32 $0x300, s22;
	[sflag:s13] =	ssyncadd.s32 $0xFFFFE0C0  }
0x97: {  	[tilespmem:s21], [sflag:$0x2] =	stream.indirect.gather [hbm4b:s5+s18], $0x40, s24, s18, $0xb8;
	[tilespmem:$0x1D880] =	vst v63  }
0x98: {  	_ =	swait.ge [sflag:s31], $0x1F40  }
0x99: {  	[sflag:s31] =	ssyncset.done $0x0  }
0x9a: {  	s24 =	sadd.s32 $0x5100, s22;
	[sflag:s31] =	ssyncadd.s32 $0xFFFFE0C0  }
0x9b: {  	[spmem:s2] =	stream.indirect.scatter.add.f32 [tilespmem:s23], [sflag:$0x6], $0x40, s24, s18, $0xb8;
	[tilespmem:$0x1D880] =	vst v63  }
0x9c: {  	_ =	swait.ge [sflag:s13], $0x1F40  }
0x9d: {  	[sflag:s13] =	ssyncset.done $0x0  }
0x9e: {  	s24 =	sadd.s32 $0x380, s22;
	[sflag:s13] =	ssyncadd.s32 $0xFFFFE0C0  }
0x9f: {  	[tilespmem:s23], [sflag:$0x3] =	stream.indirect.gather [hbm4b:s5+s18], $0x40, s24, s18, $0xb8;
	[tilespmem:$0x1D880] =	vst v63  }
0xa0: {  	_ =	swait.ge [sflag:s0], $0x1F40  }
0xa1: {  	[sflag:s0] =	ssyncset.done $0x0  }
0xa2: {  	s24 =	sadd.s32 $0x5180, s22;
	[sflag:s0] =	ssyncadd.s32 $0xFFFFE0C0  }
0xa3: {  	[spmem:s2] =	stream.indirect.scatter.add.f32 [tilespmem:s25], [sflag:$0x6], $0x40, s24, s18, $0xb8;
	[tilespmem:$0x1D880] =	vst v63  }
0xa4: {  	_ =	swait.ge [sflag:s13], $0x1F40  }
0xa5: {  	[sflag:s13] =	ssyncset.done $0x0  }
0xa6: {  	s24 =	sadd.s32 $0x400, s22;
	[sflag:s13] =	ssyncadd.s32 $0xFFFFE0C0  }
0xa7: {  	[tilespmem:s25], [sflag:$0x4] =	stream.indirect.gather [hbm4b:s5+s18], $0x40, s24, s18, $0xb8;
	[tilespmem:$0x1D880] =	vst v63  }
0xa8: {  	_ =	swait.ge [sflag:s1], $0x1F40  }
0xa9: {  	[sflag:s1] =	ssyncset.done $0x0  }
.Ltmp3:
0xaa: {  	s24 =	sadd.s32 $0x5200, s22;
	[sflag:s1] =	ssyncadd.s32 $0xFFFFE0C0;
	(pc) =	sbr.rel @p2 .LBB2_6-.Ltmp3, $4  }
0xab: {  	[spmem:s2] =	stream.indirect.scatter.add.f32 [tilespmem:s28], [sflag:$0x6], $0x40, s24, s18, $0xb8;
	[tilespmem:$0x1D880] =	vst v63  }
0xac: {  	_ =	swait.ge [sflag:s13], $0x1F40  }
0xad: {  	[sflag:s13] =	ssyncset.done $0x0  }
0xae: {  	s22 =	sadd.s32 $0x480, s22;
	[sflag:s13] =	ssyncadd.s32 $0xFFFFE0C0  }
.Ltmp4:
0xaf: {  	_ = 	snop;
	(pc) =	sbr.rel .LBB2_7-.Ltmp4, $1  }
0xb0: {  	_ =	sdelay $0x3  }
.LBB2_2:
0xb1: {  	[tilespmem:s19], [sflag:$0x1] =	stream.indirect.gather [hbm4b:s4+s18], $0x40, s20, s18, $0xb8;
	[tilespmem:$0x1D880] =	vst v63  }
0xb2: {  	s24 =	simm.s32 $0x80  }
0xb3: {  	[tilespmem:s21], [sflag:$0x2] =	stream.indirect.gather [hbm4b:s4+s18], $0x40, s24, s18, $0xb8;
	[tilespmem:$0x1D880] =	vst v63  }
0xb4: {  	s22 =	simm.s32 $0x100  }
0xb5: {  	[tilespmem:s23], [sflag:$0x3] =	stream.indirect.gather [hbm4b:s4+s18], $0x40, s22, s18, $0xb8;
	[tilespmem:$0x1D880] =	vst v63  }
0xb6: {  	s24 =	simm.s32 $0x180  }
0xb7: {  	[tilespmem:s25], [sflag:$0x4] =	stream.indirect.gather [hbm4b:s4+s18], $0x40, s24, s18, $0xb8;
	[tilespmem:$0x1D880] =	vst v63  }
0xb8: {  	s22 =	simm.s32 $0x200  }
0xb9: {  	[tilespmem:s28], [sflag:$0x5] =	stream.indirect.gather [hbm4b:s4+s18], $0x40, s22, s18, $0xb8;
	[tilespmem:$0x1D880] =	vst v63  }
0xba: {  	_ =	swait.ge [sflag:s29], $0x1F40  }
0xbb: {  	[sflag:s29] =	ssyncset.done $0x0  }
0xbc: {  	s24 =	simm.s32 $0x5000;
	[sflag:s29] =	ssyncadd.s32 $0xFFFFE0C0  }
0xbd: {  	[spmem:s2] =	stream.indirect.scatter.add.f32 [tilespmem:s19], [sflag:$0x6], $0x40, s24, s18, $0xb8;
	[tilespmem:$0x1D880] =	vst v63  }
0xbe: {  	_ =	swait.ge [sflag:s13], $0x1F40  }
0xbf: {  	[sflag:s13] =	ssyncset.done $0x0  }
0xc0: {  	s22 =	simm.s32 $0x280;
	[sflag:s13] =	ssyncadd.s32 $0xFFFFE0C0  }
0xc1: {  	[tilespmem:s19], [sflag:$0x1] =	stream.indirect.gather [hbm4b:s4+s18], $0x40, s22, s18, $0xb8;
	[tilespmem:$0x1D880] =	vst v63  }
0xc2: {  	_ =	swait.ge [sflag:s30], $0x1F40  }
0xc3: {  	[sflag:s30] =	ssyncset.done $0x0  }
0xc4: {  	s24 =	simm.s32 $0x5080;
	[sflag:s30] =	ssyncadd.s32 $0xFFFFE0C0  }
0xc5: {  	[spmem:s2] =	stream.indirect.scatter.add.f32 [tilespmem:s21], [sflag:$0x6], $0x40, s24, s18, $0xb8;
	[tilespmem:$0x1D880] =	vst v63  }
0xc6: {  	_ =	swait.ge [sflag:s13], $0x1F40  }
0xc7: {  	[sflag:s13] =	ssyncset.done $0x0  }
0xc8: {  	s22 =	simm.s32 $0x300;
	[sflag:s13] =	ssyncadd.s32 $0xFFFFE0C0  }
0xc9: {  	[tilespmem:s21], [sflag:$0x2] =	stream.indirect.gather [hbm4b:s4+s18], $0x40, s22, s18, $0xb8;
	[tilespmem:$0x1D880] =	vst v63  }
0xca: {  	_ =	swait.ge [sflag:s31], $0x1F40  }
0xcb: {  	[sflag:s31] =	ssyncset.done $0x0  }
0xcc: {  	s24 =	simm.s32 $0x5100;
	[sflag:s31] =	ssyncadd.s32 $0xFFFFE0C0  }
0xcd: {  	[spmem:s2] =	stream.indirect.scatter.add.f32 [tilespmem:s23], [sflag:$0x6], $0x40, s24, s18, $0xb8;
	[tilespmem:$0x1D880] =	vst v63  }
0xce: {  	_ =	swait.ge [sflag:s13], $0x1F40  }
0xcf: {  	[sflag:s13] =	ssyncset.done $0x0  }
0xd0: {  	s22 =	simm.s32 $0x380;
	[sflag:s13] =	ssyncadd.s32 $0xFFFFE0C0  }
0xd1: {  	[tilespmem:s23], [sflag:$0x3] =	stream.indirect.gather [hbm4b:s4+s18], $0x40, s22, s18, $0xb8;
	[tilespmem:$0x1D880] =	vst v63  }
0xd2: {  	_ =	swait.ge [sflag:s0], $0x1F40  }
0xd3: {  	[sflag:s0] =	ssyncset.done $0x0  }
0xd4: {  	s24 =	simm.s32 $0x5180;
	[sflag:s0] =	ssyncadd.s32 $0xFFFFE0C0  }
0xd5: {  	[spmem:s2] =	stream.indirect.scatter.add.f32 [tilespmem:s25], [sflag:$0x6], $0x40, s24, s18, $0xb8;
	[tilespmem:$0x1D880] =	vst v63  }
0xd6: {  	_ =	swait.ge [sflag:s13], $0x1F40  }
0xd7: {  	[sflag:s13] =	ssyncset.done $0x0  }
0xd8: {  	s22 =	simm.s32 $0x400;
	[sflag:s13] =	ssyncadd.s32 $0xFFFFE0C0  }
0xd9: {  	[tilespmem:s25], [sflag:$0x4] =	stream.indirect.gather [hbm4b:s4+s18], $0x40, s22, s18, $0xb8;
	[tilespmem:$0x1D880] =	vst v63  }
0xda: {  	_ =	swait.ge [sflag:s1], $0x1F40  }
0xdb: {  	[sflag:s1] =	ssyncset.done $0x0  }
0xdc: {  	s24 =	simm.s32 $0x5200;
	[sflag:s1] =	ssyncadd.s32 $0xFFFFE0C0  }
0xdd: {  	[spmem:s2] =	stream.indirect.scatter.add.f32 [tilespmem:s28], [sflag:$0x6], $0x40, s24, s18, $0xb8;
	[tilespmem:$0x1D880] =	vst v63  }
0xde: {  	_ =	swait.ge [sflag:s13], $0x1F40  }
0xdf: {  	[sflag:s13] =	ssyncset.done $0x0  }
0xe0: {  	s20 =	simm.s32 $0xA00;
	s22 =	simm.s32 $0x480;
	[sflag:s13] =	ssyncadd.s32 $0xFFFFE0C0  }
.LBB2_3:
0xe1: {  	[tilespmem:s28], [sflag:$0x5] =	stream.indirect.gather [hbm4b:s4+s18], $0x40, s22, s18, $0xb8;
	[tilespmem:$0x1D880] =	vst v63  }
0xe2: {  	s22 =	smov.u32 s20  }
0xe3: {  	p2 =	seq.s32 s20, $0x12C00;
	s20 =	sadd.s32 $0xA00, s20;
	_ =	swait.ge [sflag:s29], $0x1F40  }
0xe4: {  	s22 =	sshra.s32 s22, $0x2;
	[sflag:s29] =	ssyncset.done $0x0  }
0xe5: {  	s24 =	sadd.s32 $0x5000, s22;
	[sflag:s29] =	ssyncadd.s32 $0xFFFFE0C0  }
0xe6: {  	[spmem:s2] =	stream.indirect.scatter.add.f32 [tilespmem:s19], [sflag:$0x6], $0x40, s24, s18, $0xb8;
	[tilespmem:$0x1D880] =	vst v63  }
0xe7: {  	_ =	swait.ge [sflag:s13], $0x1F40  }
0xe8: {  	[sflag:s13] =	ssyncset.done $0x0  }
0xe9: {  	s24 =	sadd.s32 $0x280, s22;
	[sflag:s13] =	ssyncadd.s32 $0xFFFFE0C0  }
0xea: {  	[tilespmem:s19], [sflag:$0x1] =	stream.indirect.gather [hbm4b:s4+s18], $0x40, s24, s18, $0xb8;
	[tilespmem:$0x1D880] =	vst v63  }
0xeb: {  	_ =	swait.ge [sflag:s30], $0x1F40  }
0xec: {  	[sflag:s30] =	ssyncset.done $0x0  }
0xed: {  	s24 =	sadd.s32 $0x5080, s22;
	[sflag:s30] =	ssyncadd.s32 $0xFFFFE0C0  }
0xee: {  	[spmem:s2] =	stream.indirect.scatter.add.f32 [tilespmem:s21], [sflag:$0x6], $0x40, s24, s18, $0xb8;
	[tilespmem:$0x1D880] =	vst v63  }
0xef: {  	_ =	swait.ge [sflag:s13], $0x1F40  }
0xf0: {  	[sflag:s13] =	ssyncset.done $0x0  }
0xf1: {  	s24 =	sadd.s32 $0x300, s22;
	[sflag:s13] =	ssyncadd.s32 $0xFFFFE0C0  }
0xf2: {  	[tilespmem:s21], [sflag:$0x2] =	stream.indirect.gather [hbm4b:s4+s18], $0x40, s24, s18, $0xb8;
	[tilespmem:$0x1D880] =	vst v63  }
0xf3: {  	_ =	swait.ge [sflag:s31], $0x1F40  }
0xf4: {  	[sflag:s31] =	ssyncset.done $0x0  }
0xf5: {  	s24 =	sadd.s32 $0x5100, s22;
	[sflag:s31] =	ssyncadd.s32 $0xFFFFE0C0  }
0xf6: {  	[spmem:s2] =	stream.indirect.scatter.add.f32 [tilespmem:s23], [sflag:$0x6], $0x40, s24, s18, $0xb8;
	[tilespmem:$0x1D880] =	vst v63  }
0xf7: {  	_ =	swait.ge [sflag:s13], $0x1F40  }
0xf8: {  	[sflag:s13] =	ssyncset.done $0x0  }
0xf9: {  	s24 =	sadd.s32 $0x380, s22;
	[sflag:s13] =	ssyncadd.s32 $0xFFFFE0C0  }
0xfa: {  	[tilespmem:s23], [sflag:$0x3] =	stream.indirect.gather [hbm4b:s4+s18], $0x40, s24, s18, $0xb8;
	[tilespmem:$0x1D880] =	vst v63  }
0xfb: {  	_ =	swait.ge [sflag:s0], $0x1F40  }
0xfc: {  	[sflag:s0] =	ssyncset.done $0x0  }
0xfd: {  	s24 =	sadd.s32 $0x5180, s22;
	[sflag:s0] =	ssyncadd.s32 $0xFFFFE0C0  }
0xfe: {  	[spmem:s2] =	stream.indirect.scatter.add.f32 [tilespmem:s25], [sflag:$0x6], $0x40, s24, s18, $0xb8;
	[tilespmem:$0x1D880] =	vst v63  }
0xff: {  	_ =	swait.ge [sflag:s13], $0x1F40  }
0x100: {  	[sflag:s13] =	ssyncset.done $0x0  }
0x101: {  	s24 =	sadd.s32 $0x400, s22;
	[sflag:s13] =	ssyncadd.s32 $0xFFFFE0C0  }
0x102: {  	[tilespmem:s25], [sflag:$0x4] =	stream.indirect.gather [hbm4b:s4+s18], $0x40, s24, s18, $0xb8;
	[tilespmem:$0x1D880] =	vst v63  }
0x103: {  	_ =	swait.ge [sflag:s1], $0x1F40  }
0x104: {  	[sflag:s1] =	ssyncset.done $0x0  }
.Ltmp5:
0x105: {  	s24 =	sadd.s32 $0x5200, s22;
	[sflag:s1] =	ssyncadd.s32 $0xFFFFE0C0;
	(pc) =	sbr.rel @!p2 .LBB2_3-.Ltmp5, $4  }
0x106: {  	[spmem:s2] =	stream.indirect.scatter.add.f32 [tilespmem:s28], [sflag:$0x6], $0x40, s24, s18, $0xb8;
	[tilespmem:$0x1D880] =	vst v63  }
0x107: {  	_ =	swait.ge [sflag:s13], $0x1F40  }
0x108: {  	[sflag:s13] =	ssyncset.done $0x0  }
0x109: {  	s22 =	sadd.s32 $0x480, s22;
	[sflag:s13] =	ssyncadd.s32 $0xFFFFE0C0  }
.Ltmp6:
0x10a: {  	(pc) =	sbr.rel .LBB2_8-.Ltmp6, $2  }
0x10b: {  	_ =	sdelay $0x2  }
0x10c: {  	[tilespmem:s28], [sflag:$0x5] =	stream.indirect.gather [hbm4b:s4+s18], $0x40, s22, s18, $0xb8;
	[tilespmem:$0x1D880] =	vst v63  }
.LBB2_9:
0x10d: {  	_ =	sfence.sel $0x180000  }
0x10e: {  	[bflag:$0x0] =	sbarrier.arrive $0xFFFF  }
0x10f: {  	_ =	strace $0x9000004D  }
0x110: {  	s0 =	stileid.u32;
	[bflag:$0x2] =	sbarrier.arrive $0xFFFF  }
0x111: {  	p0 =	sne.s32 s0, $0x0;
	s0 =	rddreg [dreg:$0x3]  }
0x112: {  	s0 =	sadd.s32 @!p0 $0x100000, s0  }
0x113: {  	[sflag:s0] =	ssyncadd.tile.s32 @!p0 $0x1;
	_ =	shalt  }
.Lfunc_end2:
_tile_overlayer_lowered:
.L_overlay_start_2:
0x114: {  	(tag) =	ssettag $0x2  }
0x115: {  	s0 =	rddreg [dreg:$0x0];
	s2 =	stileid.u32  }
0x116: {  	s1 =	rddreg [dreg:$0x1];
	p0 =	sne.s32 s2, $0x0  }
0x117: {  	s3 =	rddreg [dreg:$0x2];
	[bflag:$0x3] =	sbarrier.arrive $0xFFFF;
	s2 =	simm.s32 @!p0 $0x1C06  }
0x118: {  	[timem:s3], [sflag:s2] =	dma.local @!p0 [hbm:s0], s1  }
0x119: {  	s0 =	simm.s32 @!p0 $0x6  }
0x11a: {  	_ =	swait.ge @!p0 [sflag:s0], s1  }
0x11b: {  	s1 =	ssub.s32 @!p0 $0x0, s1;
	[sflag:s0] =	ssyncset.done @!p0 $0x0  }
0x11c: {  	[sflag:s0] =	ssyncadd.s32 @!p0 s1  }
0x11d: {  	[bflag:$0x3] =	sbarrier.arrive $0xFFFF  }
0x11e: {  	_ =	shalt  }

// kernel: kernel.8.cloned.1.call-start
scs
__scs_entry_jumppad:
0x0: {  	(pc) =	sbr.rel $0x88, $3  }
0x1: {  	(tag) =	ssettag $0x0;
	lr =	simm.s32 $0x1  }
0x2: {  	[smem:$0x3F99] =	sst lr;
	_ =	strace $0xD0000000  }
0x3: {  	_ = 	snop  }
0x4: {  	_ = 	snop  }
0x5: {  	_ = 	snop  }
0x6: {  	_ = 	snop  }
0x7: {  	_ = 	snop  }
__scs_overlays_trampoline_lowered:
0x8: {  	[smem:$0x3FA8] =	sst s0  }
0x9: {  	[smem:$0x3FA9] =	sst s1  }
0xa: {  	[smem:$0x3FAA] =	sst s2  }
0xb: {  	[smem:$0x3FAB] =	sst s3  }
0xc: {  	[smem:$0x3FAC] =	sst s4  }
0xd: {  	[smem:$0x3FAD] =	sst s5  }
0xe: {  	[smem:$0x3FAE] =	sst s6  }
0xf: {  	[smem:$0x3FAF] =	sst s7  }
0x10: {  	[smem:$0x3FB0] =	sst s8  }
0x11: {  	[smem:$0x3FB1] =	sst s9;
	s0 =	simm.s32 @!p0 $0x0  }
0x12: {  	s1 =	sld [smem:$0x3F97];
	s0 =	simm.s32 @p0 $0x1  }
0x13: {  	[smem:$0x3FB2] =	sst s0;
	s0 =	simm.s32 @!p1 $0x0  }
0x14: {  	s2 =	sld [smem:$0x3F96];
	s0 =	simm.s32 @p1 $0x1  }
0x15: {  	[smem:$0x3FB3] =	sst s0;
	s0 =	simm.s32 @!p2 $0x0  }
0x16: {  	s3 =	sld [smem:$0x3FDB];
	s0 =	simm.s32 @p2 $0x1  }
0x17: {  	s4 =	simm.s32 $0x1BF5;
	[smem:$0x3FB5] =	sst s0  }
0x18: {  	s0 =	sld [smem:$0x3F98];
	_ =	swait.ge [sflag:s4], $0x0  }
0x19: {  	s7 =	sld [smem:$0x3F99]  }
0x1a: {  	s8 =	sadd.s32 $0xFFFFE003, lr  }
0x1b: {  	s9 =	sadd.s32 $0xFFFFFEF7, lr;
	s5 =	simm.s32 $0xFFFFFFFF;
	p2 =	slt.u32 s8, $0xFFFFF086  }
0x1c: {  	p1 =	slt.u32 s9, $0xF7A;
	s5 =	simm.s32 @!p2 $0x0  }
0x1d: {  	s5 =	simm.s32 @p1 $0x1;
	p0 =	seq.s32 s7, s2  }
0x1e: {  	s7 =	smul.u32 @!p0 $0xF7A, s2;
	p2 =	seq.s32 @!p0 s5, $0x0  }
0x1f: {  	s9 =	smul.u32 $0xF7A, s1;
	s8 =	simm.s32 @!p0 $0x1BF5;
	p2 =	por !p2, p0  }
0x20: {  	[sflag:s8] =	ssyncset.s32 @!p0 $0xFFFFF086;
	s6 =	sadd.s32 @!p0 s3, s7;
	s7 =	simm.s32 @!p0 $0x108  }
0x21: {  	s3 =	sadd.s32 s3, s9;
	s6 =	sadd.s32 @!p0 $0x88, s6;
	s7 =	simm.s32 @p2 $0x1082  }
0x22: {  	[simem:s7], [sflag:s8] =	dma.local @!p0 [hbm:s6], $0xF7A  }
0x23: {  	s9 =	sor.u32 $0xD0000000, s2;
	s6 =	simm.s32 $0x108;
	_ =	swait.ge @!p0 [sflag:s8], $0x0  }
0x24: {  	s3 =	sadd.s32 $0x88, s3;
	s6 =	simm.s32 @!p1 $0x1082;
	[sflag:s4] =	ssyncset.s32 $0xFFFFF086  }
0x25: {  	[simem:s6], [sflag:s4] =	dma.local [hbm:s3], $0xF7A  }
0x26: {  	[smem:$0x3F99] =	sst s1;
	(tag) =	ssettag s2;
	_ =	strace s9  }
0x27: {  	s1 =	sld [smem:$0x3FA9]  }
0x28: {  	s2 =	sld [smem:$0x3FAA]  }
0x29: {  	s4 =	sld [smem:$0x3FAC]  }
0x2a: {  	p0 =	seq.s32 s5, $0x0;
	s5 =	sld [smem:$0x3FAD]  }
0x2b: {  	s6 =	sld [smem:$0x3FAE]  }
0x2c: {  	s7 =	sld [smem:$0x3FAF]  }
0x2d: {  	s3 =	simm.s32 $0x108;
	s8 =	sld [smem:$0x3FB0]  }
0x2e: {  	s3 =	simm.s32 @!p0 $0x1082;
	s9 =	sld [smem:$0x3FB1]  }
0x2f: {  	lr =	sadd.s32 s0, s3;
	s0 =	sld [smem:$0x3FA8]  }
0x30: {  	s3 =	sld [smem:$0x3FAB]  }
0x31: {  	[smem:$0x3FB4] =	sst s10  }
0x32: {  	s10 =	sld [smem:$0x3FB2];
	_ =	sdelay $0x3  }
0x33: {  	p0 =	seq.s32 s10, $0x1;
	s10 =	sld [smem:$0x3FB4];
	_ =	sdelay $0x3  }
0x34: {  	[smem:$0x3FB4] =	sst s10  }
0x35: {  	s10 =	sld [smem:$0x3FB3];
	_ =	sdelay $0x3  }
0x36: {  	p1 =	seq.s32 s10, $0x1;
	s10 =	sld [smem:$0x3FB4];
	_ =	sdelay $0x3  }
0x37: {  	[smem:$0x3FB4] =	sst s10  }
0x38: {  	s10 =	sld [smem:$0x3FB5]  }
0x39: {  	_ = 	snop;
	(pc) =	sbr.ind lr, $3  }
0x3a: {  	_ = 	snop  }
0x3b: {  	_ = 	snop  }
0x3c: {  	p2 =	seq.s32 s10, $0x1;
	s10 =	sld [smem:$0x3FB4]  }
0x3d: {  	_ =	shalt  }
0x3e: {  	_ =	shalt  }
0x3f: {  	_ =	shalt  }
0x40: {  	_ =	shalt  }
0x41: {  	_ =	shalt  }
0x42: {  	_ =	shalt  }
0x43: {  	_ =	shalt  }
0x44: {  	_ =	shalt  }
0x45: {  	_ =	shalt  }
0x46: {  	_ =	shalt  }
0x47: {  	_ =	shalt  }
0x48: {  	_ =	shalt  }
0x49: {  	_ =	shalt  }
0x4a: {  	_ =	shalt  }
0x4b: {  	_ =	shalt  }
0x4c: {  	_ =	shalt  }
0x4d: {  	_ =	shalt  }
0x4e: {  	_ =	shalt  }
0x4f: {  	_ =	shalt  }
0x50: {  	_ =	shalt  }
0x51: {  	_ =	shalt  }
0x52: {  	_ =	shalt  }
0x53: {  	_ =	shalt  }
0x54: {  	_ =	shalt  }
0x55: {  	_ =	shalt  }
0x56: {  	_ =	shalt  }
0x57: {  	_ =	shalt  }
0x58: {  	_ =	shalt  }
0x59: {  	_ =	shalt  }
0x5a: {  	_ =	shalt  }
0x5b: {  	_ =	shalt  }
0x5c: {  	_ =	shalt  }
0x5d: {  	_ =	shalt  }
0x5e: {  	_ =	shalt  }
0x5f: {  	_ =	shalt  }
0x60: {  	_ =	shalt  }
0x61: {  	_ =	shalt  }
0x62: {  	_ =	shalt  }
0x63: {  	_ =	shalt  }
0x64: {  	_ =	shalt  }
0x65: {  	_ =	shalt  }
0x66: {  	_ =	shalt  }
0x67: {  	_ =	shalt  }
0x68: {  	_ =	shalt  }
0x69: {  	_ =	shalt  }
0x6a: {  	_ =	shalt  }
0x6b: {  	_ =	shalt  }
0x6c: {  	_ =	shalt  }
0x6d: {  	_ =	shalt  }
0x6e: {  	_ =	shalt  }
0x6f: {  	_ =	shalt  }
0x70: {  	_ =	shalt  }
0x71: {  	_ =	shalt  }
0x72: {  	_ =	shalt  }
0x73: {  	_ =	shalt  }
0x74: {  	_ =	shalt  }
0x75: {  	_ =	shalt  }
0x76: {  	_ =	shalt  }
0x77: {  	_ =	shalt  }
0x78: {  	_ =	shalt  }
0x79: {  	_ =	shalt  }
0x7a: {  	_ =	shalt  }
0x7b: {  	_ =	shalt  }
0x7c: {  	_ =	shalt  }
0x7d: {  	_ =	shalt  }
0x7e: {  	_ =	shalt  }
0x7f: {  	_ =	shalt  }
0x80: {  	_ =	shalt  }
0x81: {  	_ =	shalt  }
0x82: {  	_ =	shalt  }
0x83: {  	_ =	shalt  }
0x84: {  	_ =	shalt  }
0x85: {  	_ =	shalt  }
0x86: {  	_ =	shalt  }
0x87: {  	_ =	shalt  }
.Lfunc_end0:
.L_simem_size_0:
called_computation_lowered:
.L_overlay_start_0:
0x88: {  	s2 =	sld [smem:$0x3FD9]  }
0x89: {  	s3 =	sld [smem:$0x3FFE];
	_ =	sdelay $0x1  }
0x8a: {  	s1 =	srdreg.scid  }
0x8b: {  	s0 =	sand.u32 $0x1, s1  }
0x8c: {  	s17 =	sshll.u32 s0, $0xA;
	s2 =	sadd.s32 s3, s2  }
0x8d: {  	s2 =	sadd.s32 s2, s17  }
0x8e: {  	[smem:$0x3FC0] =	sst s2  }
0x8f: {  	_ = 	snop  }
0x90: {  	s2 =	sld [smem:$0x3FD0];
	(tm) =	ssettm $0x1  }
0x91: {  	s18 =	sld [smem:$0x3FFB];
	_ =	sdelay $0x3  }
0x92: {  	_ =	strace s18  }
0x93: {  	s3 =	sld [smem:$0x3FFC];
	_ =	sdelay $0x3  }
0x94: {  	_ =	strace s3  }
0x95: {  	s3 =	sld [smem:$0x3FFD];
	_ =	sdelay $0x3  }
0x96: {  	_ =	strace s3  }
0x97: {  	_ =	strace $0x8FFFFFFF  }
0x98: {  	s19 =	sld [smem:$0x3FDB];
	_ =	sdelay $0x1  }
0x99: {  	s4 =	simm.s32 $_scs_section_size  }
0x9a: {  	s5 =	simm.s32 $_size__tile_overlayer_lowered;
	s6 =	simm.s32 $_tile_overlayer_lowered  }
0x9b: {  	s22 =	simm.s32 $0x1BFF;
	s21 =	sshll.u32 s6, $0x1;
	s3 =	sadd.s32 s4, s19  }
0x9c: {  	s7 =	simm.s32 $0x0;
	s20 =	sshll.u32 s5, $0x1;
	s5 =	sadd.s32 s21, s3  }
0x9d: {  	[timem:s7], [sflag:s22] =	dma.local [hbm:s5], s20  }
0x9e: {  	_ =	swait.ge [sflag:s22], s20  }
0x9f: {  	s4 =	ssub.s32 $0x0, s20;
	[sflag:s22] =	ssyncset.done $0x0  }
0xa0: {  	[sflag:s22] =	ssyncadd.s32 s4;
	_ =	sdelay $0x1  }
0xa1: {  	s23 =	simm.s32 $0x1B8B  }
0xa2: {  	_ =	swait.ge [sflag:s23], $0x1  }
0xa3: {  	[sflag:s23] =	ssyncset.done $0x0  }
0xa4: {  	s25 =	simm.s32 $0x1B8E;
	s24 =	sld [smem:$0x3FFE];
	[sflag:s23] =	ssyncadd.s32 $0xFFFFFFFF  }
0xa5: {  	s26 =	simm.s32 $execute0_lowered;
	[smem:$0x3FD2] =	sst s25  }
0xa6: {  	s5 =	sshll.u32 s26, $0x1;
	_ =	strace $0x80000046;
	[dreg:$0x1] =	wrdreg $0xFFFFFFFF  }
0xa7: {  	s28 =	simm.s32 $_size_execute0_lowered;
	s3 =	sadd.s32 s3, s5;
	[dreg:$0x0] =	wrdreg $0x0  }
0xa8: {  	s5 =	sshll.u32 s28, $0x1;
	[dreg:$0x2] =	wrdreg s3  }
0xa9: {  	[dreg:$0x3] =	wrdreg s5  }
0xaa: {  	[dreg:$0x4] =	wrdreg $0xC0  }
0xab: {  	_ =	task [dreg:s7], $0x5FFFF  }
0xac: {  	[dreg:$0x1] =	wrdreg $0xFFFFFFFF  }
0xad: {  	[dreg:$0x0] =	wrdreg $0x60  }
0xae: {  	[dreg:$0x2] =	wrdreg s24  }
0xaf: {  	[dreg:$0x3] =	wrdreg s2  }
0xb0: {  	[dreg:$0x4] =	wrdreg $0x13C400  }
0xb1: {  	[dreg:$0x5] =	wrdreg $0x9  }
0xb2: {  	_ =	task.clear_ibuf [dreg:s7], $0x6FFFF;
	_ =	strace $0x90000046  }
0xb3: {  	s29 =	simm.s32 $0x9;
	_ =	strace $0x80000048  }
0xb4: {  	_ =	swait.ge [sflag:s29], $0x1  }
0xb5: {  	[sflag:s29] =	ssyncadd.s32 $0xFFFFFFFF  }
0xb6: {  	_ =	strace $0x90000048  }
0xb7: {  	_ =	sfence  }
0xb8: {  	s30 =	sld [smem:$0x0];
	_ =	sdelay $0x2  }
0xb9: {  	s31 =	sshll.u32 s1, $0xD;
	s1 =	sshrl.u32 s1, $0x2  }
0xba: {  	s3 =	sand.u32 $0x4000, s31;
	s1 =	sadd.s32 s1, s30  }
0xbb: {  	s0 =	sor.u32 s3, s0;
	s1 =	sshll.u32 s1, $0x11  }
0xbc: {  	s0 =	sor.u32 s1, s0  }
0xbd: {  	s0 =	sadd.s32 $0x8F2B, s0  }
0xbe: {  	[sflag:s0] =	ssyncadd.remote.s32 $0x1  }
0xbf: {  	_ =	sfence.sel $0xFFFF  }
0xc0: {  	[dreg:$0x0] =	wrdreg $0xFFFFFFFF;
	(pc) =	sbr.abs _section_cstart, $3  }
0xc1: {  	[dreg:$0x1] =	wrdreg $0xFFFFFFFF  }
0xc2: {  	_ =	task.clear_ibuf [dreg:s7], $0x2FFFF;
	_ =	strace $0x9FFFFFFF  }
0xc3: {  	(tm) =	ssettm $0x7FFFFFFF  }
tec
execute0_lowered:
.L_overlay_start_1:
0x0: {  	(tag) =	ssettag $0x1  }
0x1: {  	s0 =	rddreg [dreg:$0x0]  }
0x2: {  	s1 =	rddreg [dreg:$0x1]  }
0x3: {  	s2 =	rddreg [dreg:$0x2]  }
0x4: {  	s3 =	simm.s32 $0x0;
	s16 =	stileid.u32;
	s4 =	srdreg.scid  }
0x5: {  	s18 =	simm.s32 $0x7D;
	s19 =	simm.s32 $0xA000;
	s21 =	simm.s32 $0xBF40  }
0x6: {  	s28 =	simm.s32 $0x11D00;
	s29 =	simm.s32 $0x1;
	s30 =	simm.s32 $0x2  }
0x7: {  	s31 =	simm.s32 $0x3;
	[smem:$0x7FF] =	sst s3;
	s6 =	smul.u32 $0xA00, s16  }
0x8: {  	s9 =	smul.u32 $0x9C00, s16;
	s10 =	sand.u32 $0x1, s4;
	s4 =	sadd.s32 $0x29800, s0  }
0x9: {  	s5 =	sadd.s32 $0x15E00, s0;
	s15 =	sadd.s32 $0x92400, s2;
	p1 =	seq.s32 s16, $0xF  }
0xa: {  	_ =	strace $0x80000047;
	s7 =	ssub.s32 $0x2, s10;
	s23 =	smul.u32 $0x9C400, s10  }
0xb: {  	p0 =	seq.s32 s10, $0x1;
	s15 =	sshrl.u32 @p1 s15, $0x3;
	s8 =	sadd.s32 s6, s0  }
0xc: {  	s22 =	sshrl.u32 s9, $0x3;
	s11 =	sshrl.u32 s7, $0x1;
	s14 =	sadd.s32 s9, s2  }
0xd: {  	s12 =	sadd.s32 s22, s0;
	s13 =	ssub.s32 s7, s11;
	s6 =	sadd.s32 $0xBE00, s8  }
0xe: {  	s7 =	sadd.s32 $0x1E00, s8;
	s24 =	sadd.s32 s9, s23;
	s9 =	sadd.s32 $0x4F680, s0  }
0xf: {  	s11 =	sshrl.u32 s23, $0x3;
	s0 =	sshll.u32 @!p1 s16, $0x6;
	s17 =	sshrl.u32 @!p1 s14, $0x3  }
.Ltmp0:
0x10: {  	s23 =	simm.s32 $0xDE80;
	s14 =	simm.s32 $0x0;
	(pc) =	sbr.rel .LBB2_1-.Ltmp0, $4  }
0x11: {  	s8 =	sadd.s32 $0x3D200, s12;
	s25 =	sshrl.u32 s24, $0x3;
	s26 =	sadd.s32 s1, s11  }
0x12: {  	s12 =	smax.u32 s13, $0x1;
	s13 =	simm.s32 $0x6;
	s16 =	sor.u32 @!p1 $0x1C06, s0  }
0x13: {  	s0 =	simm.s32 $0x4;
	s10 =	sadd.s32 s1, s25;
	s11 =	sadd.s32 $0x12480, s26  }
0x14: {  	s25 =	simm.s32 $0xFDC0;
	s1 =	simm.s32 $0x5;
	s26 =	simm.s32 $0x9F80  }
.LBB2_7:
0x15: {  	[tilespmem:s28], [sflag:$0x5] =	stream.indirect.gather [hbm4b:s5+s18], $0x40, s22, s18, $0xb8;
	[tilespmem:$0x1D880] =	vst v63  }
.LBB2_8:
0x16: {  	_ =	swait.ge [sflag:s29], $0x1F40  }
0x17: {  	[sflag:s29] =	ssyncset.done $0x0  }
0x18: {  	s20 =	simm.s32 $0x9D80;
	[sflag:s29] =	ssyncadd.s32 $0xFFFFE0C0  }
0x19: {  	[spmem:s2] =	stream.indirect.scatter.add.f32 [tilespmem:s19], [sflag:$0x6], $0x40, s20, s18, $0xb8;
	[tilespmem:$0x1D880] =	vst v63  }
0x1a: {  	_ =	swait.ge [sflag:s13], $0x1F40  }
0x1b: {  	[sflag:s13] =	ssyncset.done $0x0  }
0x1c: {  	[sflag:s13] =	ssyncadd.s32 $0xFFFFE0C0  }
0x1d: {  	_ =	swait.ge [sflag:s30], $0x1F40  }
0x1e: {  	[sflag:s30] =	ssyncset.done $0x0  }
0x1f: {  	s24 =	simm.s32 $0x9E00;
	[sflag:s30] =	ssyncadd.s32 $0xFFFFE0C0  }
0x20: {  	[spmem:s2] =	stream.indirect.scatter.add.f32 [tilespmem:s21], [sflag:$0x6], $0x40, s24, s18, $0xb8;
	[tilespmem:$0x1D880] =	vst v63  }
0x21: {  	_ =	swait.ge [sflag:s13], $0x1F40  }
0x22: {  	[sflag:s13] =	ssyncset.done $0x0  }
0x23: {  	[sflag:s13] =	ssyncadd.s32 $0xFFFFE0C0  }
0x24: {  	_ =	swait.ge [sflag:s31], $0x1F40  }
0x25: {  	[sflag:s31] =	ssyncset.done $0x0  }
0x26: {  	s22 =	simm.s32 $0x9E80;
	[sflag:s31] =	ssyncadd.s32 $0xFFFFE0C0  }
0x27: {  	[spmem:s2] =	stream.indirect.scatter.add.f32 [tilespmem:s23], [sflag:$0x6], $0x40, s22, s18, $0xb8;
	[tilespmem:$0x1D880] =	vst v63  }
0x28: {  	_ =	swait.ge [sflag:s13], $0x1F40  }
0x29: {  	[sflag:s13] =	ssyncset.done $0x0  }
0x2a: {  	[sflag:s13] =	ssyncadd.s32 $0xFFFFE0C0  }
0x2b: {  	_ =	swait.ge [sflag:s0], $0x1F40  }
0x2c: {  	[sflag:s0] =	ssyncset.done $0x0  }
0x2d: {  	s24 =	simm.s32 $0x9F00;
	[sflag:s0] =	ssyncadd.s32 $0xFFFFE0C0  }
0x2e: {  	[spmem:s2] =	stream.indirect.scatter.add.f32 [tilespmem:s25], [sflag:$0x6], $0x40, s24, s18, $0xb8;
	[tilespmem:$0x1D880] =	vst v63  }
0x2f: {  	_ =	swait.ge [sflag:s13], $0x1F40  }
0x30: {  	[sflag:s13] =	ssyncset.done $0x0  }
0x31: {  	[sflag:s13] =	ssyncadd.s32 $0xFFFFE0C0  }
0x32: {  	_ =	swait.ge [sflag:s1], $0x1F40  }
0x33: {  	[sflag:s1] =	ssyncset.done $0x0  }
0x34: {  	[sflag:s1] =	ssyncadd.s32 $0xFFFFE0C0  }
0x35: {  	[spmem:s2] =	stream.indirect.scatter.add.f32 [tilespmem:s28], [sflag:$0x6], $0x40, s26, s18, $0xb8;
	[tilespmem:$0x1D880] =	vst v63  }
0x36: {  	_ =	swait.ge [sflag:s13], $0x1F40  }
0x37: {  	[sflag:s13] =	ssyncset.done $0x0  }
0x38: {  	[sflag:s13] =	ssyncadd.s32 $0xFFFFE0C0  }
0x39: {  	s20 =	simm.s32 @p1 $0x1FC6;
	[bflag:$0x0] =	sbarrier.arrive $0xFFFF  }
0x3a: {  	[hbm:s11], [sflag:s20] =	dma.local @p1 [spmem:s15], $0x1400  }
0x3b: {  	s20 =	simm.s32 @p1 $0x6  }
0x3c: {  	s14 =	sadd.s32 $0x1, s14;
	_ =	swait.ge @p1 [sflag:s20], $0x1400  }
0x3d: {  	p2 =	sne.s32 s14, s12;
	[sflag:s20] =	ssyncset.done @p1 $0x0  }
.Ltmp1:
0x3e: {  	[sflag:s20] =	ssyncadd.s32 @p1 $0xFFFFEC00;
	s20 =	simm.s32 @!p1 $0x6;
	(pc) =	sbr.rel @!p2 .LBB2_9-.Ltmp1, $4  }
0x3f: {  	[hbm:s10], [sflag:s16] =	dma.local @!p1 [spmem:s17], $0x1380  }
0x40: {  	_ =	swait.ge @!p1 [sflag:s20], $0x1380  }
0x41: {  	[sflag:s20] =	ssyncset.done @!p1 $0x0  }
0x42: {  	[sflag:s20] =	ssyncadd.s32 @!p1 $0xFFFFEC80  }
.LBB2_1:
0x43: {  	[tilespmem:s3], [sflag:$0x6] =	stream.linear.gather [hbm4b:s6+s3], $0x5000, $0x38;
	[tilespmem:$0x1D880] =	vst v63  }
0x44: {  	_ =	swait.ge [sflag:s13], $0x5000  }
0x45: {  	[sflag:s13] =	ssyncset.done $0x0  }
0x46: {  	s20 =	simm.s32 $0x5000;
	[sflag:s13] =	ssyncadd.s32 $0xFFFFB000  }
0x47: {  	[tilespmem:s20], [sflag:$0x6] =	stream.linear.gather [hbm4b:s7+s3], $0x5000, $0x38;
	[tilespmem:$0x1D880] =	vst v63  }
0x48: {  	_ =	swait.ge [sflag:s13], $0x5000  }
0x49: {  	[sflag:s13] =	ssyncset.done $0x0  }
0x4a: {  	s20 =	simm.s32 @p1 $0x1FC6;
	[sflag:s13] =	ssyncadd.s32 $0xFFFFB000  }
0x4b: {  	[spmem:s15], [sflag:s20] =	dma.local @p1 [hbm:s9], $0x1400  }
0x4c: {  	s20 =	simm.s32 @p1 $0x6  }
0x4d: {  	_ =	swait.ge @p1 [sflag:s20], $0x1400  }
0x4e: {  	[sflag:s20] =	ssyncset.done @p1 $0x0  }
0x4f: {  	[sflag:s20] =	ssyncadd.s32 @p1 $0xFFFFEC00;
	s20 =	simm.s32 @!p1 $0x6  }
0x50: {  	[spmem:s17], [sflag:s16] =	dma.local @!p1 [hbm:s8], $0x1380  }
.Ltmp2:
0x51: {  	_ =	swait.ge @!p1 [sflag:s20], $0x1380;
	(pc) =	sbr.rel @!p0 .LBB2_2-.Ltmp2, $4  }
0x52: {  	[sflag:s20] =	ssyncset.done @!p1 $0x0  }
0x53: {  	[sflag:s20] =	ssyncadd.s32 @!p1 $0xFFFFEC80  }
0x54: {  	[bflag:$0x0] =	sbarrier.arrive $0xFFFF  }
0x55: {  	s20 =	simm.s32 $0x0  }
0x56: {  	[tilespmem:s19], [sflag:$0x1] =	stream.indirect.gather [hbm4b:s5+s18], $0x40, s20, s18, $0xb8;
	[tilespmem:$0x1D880] =	vst v63  }
0x57: {  	s24 =	simm.s32 $0x80  }
0x58: {  	[tilespmem:s21], [sflag:$0x2] =	stream.indirect.gather [hbm4b:s5+s18], $0x40, s24, s18, $0xb8;
	[tilespmem:$0x1D880] =	vst v63  }
0x59: {  	s22 =	simm.s32 $0x100  }
0x5a: {  	[tilespmem:s23], [sflag:$0x3] =	stream.indirect.gather [hbm4b:s5+s18], $0x40, s22, s18, $0xb8;
	[tilespmem:$0x1D880] =	vst v63  }
0x5b: {  	s24 =	simm.s32 $0x180  }
0x5c: {  	[tilespmem:s25], [sflag:$0x4] =	stream.indirect.gather [hbm4b:s5+s18], $0x40, s24, s18, $0xb8;
	[tilespmem:$0x1D880] =	vst v63  }
0x5d: {  	s22 =	simm.s32 $0x200  }
0x5e: {  	[tilespmem:s28], [sflag:$0x5] =	stream.indirect.gather [hbm4b:s5+s18], $0x40, s22, s18, $0xb8;
	[tilespmem:$0x1D880] =	vst v63  }
0x5f: {  	_ =	swait.ge [sflag:s29], $0x1F40  }
0x60: {  	[sflag:s29] =	ssyncset.done $0x0  }
0x61: {  	s24 =	simm.s32 $0x5000;
	[sflag:s29] =	ssyncadd.s32 $0xFFFFE0C0  }
0x62: {  	[spmem:s2] =	stream.indirect.scatter.add.f32 [tilespmem:s19], [sflag:$0x6], $0x40, s24, s18, $0xb8;
	[tilespmem:$0x1D880] =	vst v63  }
0x63: {  	_ =	swait.ge [sflag:s13], $0x1F40  }
0x64: {  	[sflag:s13] =	ssyncset.done $0x0  }
0x65: {  	s22 =	simm.s32 $0x280;
	[sflag:s13] =	ssyncadd.s32 $0xFFFFE0C0  }
0x66: {  	[tilespmem:s19], [sflag:$0x1] =	stream.indirect.gather [hbm4b:s5+s18], $0x40, s22, s18, $0xb8;
	[tilespmem:$0x1D880] =	vst v63  }
0x67: {  	_ =	swait.ge [sflag:s30], $0x1F40  }
0x68: {  	[sflag:s30] =	ssyncset.done $0x0  }
0x69: {  	s24 =	simm.s32 $0x5080;
	[sflag:s30] =	ssyncadd.s32 $0xFFFFE0C0  }
0x6a: {  	[spmem:s2] =	stream.indirect.scatter.add.f32 [tilespmem:s21], [sflag:$0x6], $0x40, s24, s18, $0xb8;
	[tilespmem:$0x1D880] =	vst v63  }
0x6b: {  	_ =	swait.ge [sflag:s13], $0x1F40  }
0x6c: {  	[sflag:s13] =	ssyncset.done $0x0  }
0x6d: {  	s22 =	simm.s32 $0x300;
	[sflag:s13] =	ssyncadd.s32 $0xFFFFE0C0  }
0x6e: {  	[tilespmem:s21], [sflag:$0x2] =	stream.indirect.gather [hbm4b:s5+s18], $0x40, s22, s18, $0xb8;
	[tilespmem:$0x1D880] =	vst v63  }
0x6f: {  	_ =	swait.ge [sflag:s31], $0x1F40  }
0x70: {  	[sflag:s31] =	ssyncset.done $0x0  }
0x71: {  	s24 =	simm.s32 $0x5100;
	[sflag:s31] =	ssyncadd.s32 $0xFFFFE0C0  }
0x72: {  	[spmem:s2] =	stream.indirect.scatter.add.f32 [tilespmem:s23], [sflag:$0x6], $0x40, s24, s18, $0xb8;
	[tilespmem:$0x1D880] =	vst v63  }
0x73: {  	_ =	swait.ge [sflag:s13], $0x1F40  }
0x74: {  	[sflag:s13] =	ssyncset.done $0x0  }
0x75: {  	s22 =	simm.s32 $0x380;
	[sflag:s13] =	ssyncadd.s32 $0xFFFFE0C0  }
0x76: {  	[tilespmem:s23], [sflag:$0x3] =	stream.indirect.gather [hbm4b:s5+s18], $0x40, s22, s18, $0xb8;
	[tilespmem:$0x1D880] =	vst v63  }
0x77: {  	_ =	swait.ge [sflag:s0], $0x1F40  }
0x78: {  	[sflag:s0] =	ssyncset.done $0x0  }
0x79: {  	s24 =	simm.s32 $0x5180;
	[sflag:s0] =	ssyncadd.s32 $0xFFFFE0C0  }
0x7a: {  	[spmem:s2] =	stream.indirect.scatter.add.f32 [tilespmem:s25], [sflag:$0x6], $0x40, s24, s18, $0xb8;
	[tilespmem:$0x1D880] =	vst v63  }
0x7b: {  	_ =	swait.ge [sflag:s13], $0x1F40  }
0x7c: {  	[sflag:s13] =	ssyncset.done $0x0  }
0x7d: {  	s22 =	simm.s32 $0x400;
	[sflag:s13] =	ssyncadd.s32 $0xFFFFE0C0  }
0x7e: {  	[tilespmem:s25], [sflag:$0x4] =	stream.indirect.gather [hbm4b:s5+s18], $0x40, s22, s18, $0xb8;
	[tilespmem:$0x1D880] =	vst v63  }
0x7f: {  	_ =	swait.ge [sflag:s1], $0x1F40  }
0x80: {  	[sflag:s1] =	ssyncset.done $0x0  }
0x81: {  	s24 =	simm.s32 $0x5200;
	[sflag:s1] =	ssyncadd.s32 $0xFFFFE0C0  }
0x82: {  	[spmem:s2] =	stream.indirect.scatter.add.f32 [tilespmem:s28], [sflag:$0x6], $0x40, s24, s18, $0xb8;
	[tilespmem:$0x1D880] =	vst v63  }
0x83: {  	_ =	swait.ge [sflag:s13], $0x1F40  }
0x84: {  	[sflag:s13] =	ssyncset.done $0x0  }
0x85: {  	s20 =	simm.s32 $0xA00;
	s22 =	simm.s32 $0x480;
	[sflag:s13] =	ssyncadd.s32 $0xFFFFE0C0  }
.LBB2_6:
0x86: {  	[tilespmem:s28], [sflag:$0x5] =	stream.indirect.gather [hbm4b:s5+s18], $0x40, s22, s18, $0xb8;
	[tilespmem:$0x1D880] =	vst v63  }
0x87: {  	s22 =	smov.u32 s20  }
0x88: {  	p2 =	sne.s32 s20, $0x12C00;
	s20 =	sadd.s32 $0xA00, s20;
	_ =	swait.ge [sflag:s29], $0x1F40  }
0x89: {  	s22 =	sshra.s32 s22, $0x2;
	[sflag:s29] =	ssyncset.done $0x0  }
0x8a: {  	s24 =	sadd.s32 $0x5000, s22;
	[sflag:s29] =	ssyncadd.s32 $0xFFFFE0C0  }
0x8b: {  	[spmem:s2] =	stream.indirect.scatter.add.f32 [tilespmem:s19], [sflag:$0x6], $0x40, s24, s18, $0xb8;
	[tilespmem:$0x1D880] =	vst v63  }
0x8c: {  	_ =	swait.ge [sflag:s13], $0x1F40  }
0x8d: {  	[sflag:s13] =	ssyncset.done $0x0  }
0x8e: {  	s24 =	sadd.s32 $0x280, s22;
	[sflag:s13] =	ssyncadd.s32 $0xFFFFE0C0  }
0x8f: {  	[tilespmem:s19], [sflag:$0x1] =	stream.indirect.gather [hbm4b:s5+s18], $0x40, s24, s18, $0xb8;
	[tilespmem:$0x1D880] =	vst v63  }
0x90: {  	_ =	swait.ge [sflag:s30], $0x1F40  }
0x91: {  	[sflag:s30] =	ssyncset.done $0x0  }
0x92: {  	s24 =	sadd.s32 $0x5080, s22;
	[sflag:s30] =	ssyncadd.s32 $0xFFFFE0C0  }
0x93: {  	[spmem:s2] =	stream.indirect.scatter.add.f32 [tilespmem:s21], [sflag:$0x6], $0x40, s24, s18, $0xb8;
	[tilespmem:$0x1D880] =	vst v63  }
0x94: {  	_ =	swait.ge [sflag:s13], $0x1F40  }
0x95: {  	[sflag:s13] =	ssyncset.done $0x0  }
0x96: {  	s24 =	sadd.s32 $0x300, s22;
	[sflag:s13] =	ssyncadd.s32 $0xFFFFE0C0  }
0x97: {  	[tilespmem:s21], [sflag:$0x2] =	stream.indirect.gather [hbm4b:s5+s18], $0x40, s24, s18, $0xb8;
	[tilespmem:$0x1D880] =	vst v63  }
0x98: {  	_ =	swait.ge [sflag:s31], $0x1F40  }
0x99: {  	[sflag:s31] =	ssyncset.done $0x0  }
0x9a: {  	s24 =	sadd.s32 $0x5100, s22;
	[sflag:s31] =	ssyncadd.s32 $0xFFFFE0C0  }
0x9b: {  	[spmem:s2] =	stream.indirect.scatter.add.f32 [tilespmem:s23], [sflag:$0x6], $0x40, s24, s18, $0xb8;
	[tilespmem:$0x1D880] =	vst v63  }
0x9c: {  	_ =	swait.ge [sflag:s13], $0x1F40  }
0x9d: {  	[sflag:s13] =	ssyncset.done $0x0  }
0x9e: {  	s24 =	sadd.s32 $0x380, s22;
	[sflag:s13] =	ssyncadd.s32 $0xFFFFE0C0  }
0x9f: {  	[tilespmem:s23], [sflag:$0x3] =	stream.indirect.gather [hbm4b:s5+s18], $0x40, s24, s18, $0xb8;
	[tilespmem:$0x1D880] =	vst v63  }
0xa0: {  	_ =	swait.ge [sflag:s0], $0x1F40  }
0xa1: {  	[sflag:s0] =	ssyncset.done $0x0  }
0xa2: {  	s24 =	sadd.s32 $0x5180, s22;
	[sflag:s0] =	ssyncadd.s32 $0xFFFFE0C0  }
0xa3: {  	[spmem:s2] =	stream.indirect.scatter.add.f32 [tilespmem:s25], [sflag:$0x6], $0x40, s24, s18, $0xb8;
	[tilespmem:$0x1D880] =	vst v63  }
0xa4: {  	_ =	swait.ge [sflag:s13], $0x1F40  }
0xa5: {  	[sflag:s13] =	ssyncset.done $0x0  }
0xa6: {  	s24 =	sadd.s32 $0x400, s22;
	[sflag:s13] =	ssyncadd.s32 $0xFFFFE0C0  }
0xa7: {  	[tilespmem:s25], [sflag:$0x4] =	stream.indirect.gather [hbm4b:s5+s18], $0x40, s24, s18, $0xb8;
	[tilespmem:$0x1D880] =	vst v63  }
0xa8: {  	_ =	swait.ge [sflag:s1], $0x1F40  }
0xa9: {  	[sflag:s1] =	ssyncset.done $0x0  }
.Ltmp3:
0xaa: {  	s24 =	sadd.s32 $0x5200, s22;
	[sflag:s1] =	ssyncadd.s32 $0xFFFFE0C0;
	(pc) =	sbr.rel @p2 .LBB2_6-.Ltmp3, $4  }
0xab: {  	[spmem:s2] =	stream.indirect.scatter.add.f32 [tilespmem:s28], [sflag:$0x6], $0x40, s24, s18, $0xb8;
	[tilespmem:$0x1D880] =	vst v63  }
0xac: {  	_ =	swait.ge [sflag:s13], $0x1F40  }
0xad: {  	[sflag:s13] =	ssyncset.done $0x0  }
0xae: {  	s22 =	sadd.s32 $0x480, s22;
	[sflag:s13] =	ssyncadd.s32 $0xFFFFE0C0  }
.Ltmp4:
0xaf: {  	_ = 	snop;
	(pc) =	sbr.rel .LBB2_7-.Ltmp4, $1  }
0xb0: {  	_ =	sdelay $0x3  }
.LBB2_2:
0xb1: {  	[tilespmem:s19], [sflag:$0x1] =	stream.indirect.gather [hbm4b:s4+s18], $0x40, s20, s18, $0xb8;
	[tilespmem:$0x1D880] =	vst v63  }
0xb2: {  	s24 =	simm.s32 $0x80  }
0xb3: {  	[tilespmem:s21], [sflag:$0x2] =	stream.indirect.gather [hbm4b:s4+s18], $0x40, s24, s18, $0xb8;
	[tilespmem:$0x1D880] =	vst v63  }
0xb4: {  	s22 =	simm.s32 $0x100  }
0xb5: {  	[tilespmem:s23], [sflag:$0x3] =	stream.indirect.gather [hbm4b:s4+s18], $0x40, s22, s18, $0xb8;
	[tilespmem:$0x1D880] =	vst v63  }
0xb6: {  	s24 =	simm.s32 $0x180  }
0xb7: {  	[tilespmem:s25], [sflag:$0x4] =	stream.indirect.gather [hbm4b:s4+s18], $0x40, s24, s18, $0xb8;
	[tilespmem:$0x1D880] =	vst v63  }
0xb8: {  	s22 =	simm.s32 $0x200  }
0xb9: {  	[tilespmem:s28], [sflag:$0x5] =	stream.indirect.gather [hbm4b:s4+s18], $0x40, s22, s18, $0xb8;
	[tilespmem:$0x1D880] =	vst v63  }
0xba: {  	_ =	swait.ge [sflag:s29], $0x1F40  }
0xbb: {  	[sflag:s29] =	ssyncset.done $0x0  }
0xbc: {  	s24 =	simm.s32 $0x5000;
	[sflag:s29] =	ssyncadd.s32 $0xFFFFE0C0  }
0xbd: {  	[spmem:s2] =	stream.indirect.scatter.add.f32 [tilespmem:s19], [sflag:$0x6], $0x40, s24, s18, $0xb8;
	[tilespmem:$0x1D880] =	vst v63  }
0xbe: {  	_ =	swait.ge [sflag:s13], $0x1F40  }
0xbf: {  	[sflag:s13] =	ssyncset.done $0x0  }
0xc0: {  	s22 =	simm.s32 $0x280;
	[sflag:s13] =	ssyncadd.s32 $0xFFFFE0C0  }
0xc1: {  	[tilespmem:s19], [sflag:$0x1] =	stream.indirect.gather [hbm4b:s4+s18], $0x40, s22, s18, $0xb8;
	[tilespmem:$0x1D880] =	vst v63  }
0xc2: {  	_ =	swait.ge [sflag:s30], $0x1F40  }
0xc3: {  	[sflag:s30] =	ssyncset.done $0x0  }
0xc4: {  	s24 =	simm.s32 $0x5080;
	[sflag:s30] =	ssyncadd.s32 $0xFFFFE0C0  }
0xc5: {  	[spmem:s2] =	stream.indirect.scatter.add.f32 [tilespmem:s21], [sflag:$0x6], $0x40, s24, s18, $0xb8;
	[tilespmem:$0x1D880] =	vst v63  }
0xc6: {  	_ =	swait.ge [sflag:s13], $0x1F40  }
0xc7: {  	[sflag:s13] =	ssyncset.done $0x0  }
0xc8: {  	s22 =	simm.s32 $0x300;
	[sflag:s13] =	ssyncadd.s32 $0xFFFFE0C0  }
0xc9: {  	[tilespmem:s21], [sflag:$0x2] =	stream.indirect.gather [hbm4b:s4+s18], $0x40, s22, s18, $0xb8;
	[tilespmem:$0x1D880] =	vst v63  }
0xca: {  	_ =	swait.ge [sflag:s31], $0x1F40  }
0xcb: {  	[sflag:s31] =	ssyncset.done $0x0  }
0xcc: {  	s24 =	simm.s32 $0x5100;
	[sflag:s31] =	ssyncadd.s32 $0xFFFFE0C0  }
0xcd: {  	[spmem:s2] =	stream.indirect.scatter.add.f32 [tilespmem:s23], [sflag:$0x6], $0x40, s24, s18, $0xb8;
	[tilespmem:$0x1D880] =	vst v63  }
0xce: {  	_ =	swait.ge [sflag:s13], $0x1F40  }
0xcf: {  	[sflag:s13] =	ssyncset.done $0x0  }
0xd0: {  	s22 =	simm.s32 $0x380;
	[sflag:s13] =	ssyncadd.s32 $0xFFFFE0C0  }
0xd1: {  	[tilespmem:s23], [sflag:$0x3] =	stream.indirect.gather [hbm4b:s4+s18], $0x40, s22, s18, $0xb8;
	[tilespmem:$0x1D880] =	vst v63  }
0xd2: {  	_ =	swait.ge [sflag:s0], $0x1F40  }
0xd3: {  	[sflag:s0] =	ssyncset.done $0x0  }
0xd4: {  	s24 =	simm.s32 $0x5180;
	[sflag:s0] =	ssyncadd.s32 $0xFFFFE0C0  }
0xd5: {  	[spmem:s2] =	stream.indirect.scatter.add.f32 [tilespmem:s25], [sflag:$0x6], $0x40, s24, s18, $0xb8;
	[tilespmem:$0x1D880] =	vst v63  }
0xd6: {  	_ =	swait.ge [sflag:s13], $0x1F40  }
0xd7: {  	[sflag:s13] =	ssyncset.done $0x0  }
0xd8: {  	s22 =	simm.s32 $0x400;
	[sflag:s13] =	ssyncadd.s32 $0xFFFFE0C0  }
0xd9: {  	[tilespmem:s25], [sflag:$0x4] =	stream.indirect.gather [hbm4b:s4+s18], $0x40, s22, s18, $0xb8;
	[tilespmem:$0x1D880] =	vst v63  }
0xda: {  	_ =	swait.ge [sflag:s1], $0x1F40  }
0xdb: {  	[sflag:s1] =	ssyncset.done $0x0  }
0xdc: {  	s24 =	simm.s32 $0x5200;
	[sflag:s1] =	ssyncadd.s32 $0xFFFFE0C0  }
0xdd: {  	[spmem:s2] =	stream.indirect.scatter.add.f32 [tilespmem:s28], [sflag:$0x6], $0x40, s24, s18, $0xb8;
	[tilespmem:$0x1D880] =	vst v63  }
0xde: {  	_ =	swait.ge [sflag:s13], $0x1F40  }
0xdf: {  	[sflag:s13] =	ssyncset.done $0x0  }
0xe0: {  	s20 =	simm.s32 $0xA00;
	s22 =	simm.s32 $0x480;
	[sflag:s13] =	ssyncadd.s32 $0xFFFFE0C0  }
.LBB2_3:
0xe1: {  	[tilespmem:s28], [sflag:$0x5] =	stream.indirect.gather [hbm4b:s4+s18], $0x40, s22, s18, $0xb8;
	[tilespmem:$0x1D880] =	vst v63  }
0xe2: {  	s22 =	smov.u32 s20  }
0xe3: {  	p2 =	seq.s32 s20, $0x12C00;
	s20 =	sadd.s32 $0xA00, s20;
	_ =	swait.ge [sflag:s29], $0x1F40  }
0xe4: {  	s22 =	sshra.s32 s22, $0x2;
	[sflag:s29] =	ssyncset.done $0x0  }
0xe5: {  	s24 =	sadd.s32 $0x5000, s22;
	[sflag:s29] =	ssyncadd.s32 $0xFFFFE0C0  }
0xe6: {  	[spmem:s2] =	stream.indirect.scatter.add.f32 [tilespmem:s19], [sflag:$0x6], $0x40, s24, s18, $0xb8;
	[tilespmem:$0x1D880] =	vst v63  }
0xe7: {  	_ =	swait.ge [sflag:s13], $0x1F40  }
0xe8: {  	[sflag:s13] =	ssyncset.done $0x0  }
0xe9: {  	s24 =	sadd.s32 $0x280, s22;
	[sflag:s13] =	ssyncadd.s32 $0xFFFFE0C0  }
0xea: {  	[tilespmem:s19], [sflag:$0x1] =	stream.indirect.gather [hbm4b:s4+s18], $0x40, s24, s18, $0xb8;
	[tilespmem:$0x1D880] =	vst v63  }
0xeb: {  	_ =	swait.ge [sflag:s30], $0x1F40  }
0xec: {  	[sflag:s30] =	ssyncset.done $0x0  }
0xed: {  	s24 =	sadd.s32 $0x5080, s22;
	[sflag:s30] =	ssyncadd.s32 $0xFFFFE0C0  }
0xee: {  	[spmem:s2] =	stream.indirect.scatter.add.f32 [tilespmem:s21], [sflag:$0x6], $0x40, s24, s18, $0xb8;
	[tilespmem:$0x1D880] =	vst v63  }
0xef: {  	_ =	swait.ge [sflag:s13], $0x1F40  }
0xf0: {  	[sflag:s13] =	ssyncset.done $0x0  }
0xf1: {  	s24 =	sadd.s32 $0x300, s22;
	[sflag:s13] =	ssyncadd.s32 $0xFFFFE0C0  }
0xf2: {  	[tilespmem:s21], [sflag:$0x2] =	stream.indirect.gather [hbm4b:s4+s18], $0x40, s24, s18, $0xb8;
	[tilespmem:$0x1D880] =	vst v63  }
0xf3: {  	_ =	swait.ge [sflag:s31], $0x1F40  }
0xf4: {  	[sflag:s31] =	ssyncset.done $0x0  }
0xf5: {  	s24 =	sadd.s32 $0x5100, s22;
	[sflag:s31] =	ssyncadd.s32 $0xFFFFE0C0  }
0xf6: {  	[spmem:s2] =	stream.indirect.scatter.add.f32 [tilespmem:s23], [sflag:$0x6], $0x40, s24, s18, $0xb8;
	[tilespmem:$0x1D880] =	vst v63  }
0xf7: {  	_ =	swait.ge [sflag:s13], $0x1F40  }
0xf8: {  	[sflag:s13] =	ssyncset.done $0x0  }
0xf9: {  	s24 =	sadd.s32 $0x380, s22;
	[sflag:s13] =	ssyncadd.s32 $0xFFFFE0C0  }
0xfa: {  	[tilespmem:s23], [sflag:$0x3] =	stream.indirect.gather [hbm4b:s4+s18], $0x40, s24, s18, $0xb8;
	[tilespmem:$0x1D880] =	vst v63  }
0xfb: {  	_ =	swait.ge [sflag:s0], $0x1F40  }
0xfc: {  	[sflag:s0] =	ssyncset.done $0x0  }
0xfd: {  	s24 =	sadd.s32 $0x5180, s22;
	[sflag:s0] =	ssyncadd.s32 $0xFFFFE0C0  }
0xfe: {  	[spmem:s2] =	stream.indirect.scatter.add.f32 [tilespmem:s25], [sflag:$0x6], $0x40, s24, s18, $0xb8;
	[tilespmem:$0x1D880] =	vst v63  }
0xff: {  	_ =	swait.ge [sflag:s13], $0x1F40  }
0x100: {  	[sflag:s13] =	ssyncset.done $0x0  }
0x101: {  	s24 =	sadd.s32 $0x400, s22;
	[sflag:s13] =	ssyncadd.s32 $0xFFFFE0C0  }
0x102: {  	[tilespmem:s25], [sflag:$0x4] =	stream.indirect.gather [hbm4b:s4+s18], $0x40, s24, s18, $0xb8;
	[tilespmem:$0x1D880] =	vst v63  }
0x103: {  	_ =	swait.ge [sflag:s1], $0x1F40  }
0x104: {  	[sflag:s1] =	ssyncset.done $0x0  }
.Ltmp5:
0x105: {  	s24 =	sadd.s32 $0x5200, s22;
	[sflag:s1] =	ssyncadd.s32 $0xFFFFE0C0;
	(pc) =	sbr.rel @!p2 .LBB2_3-.Ltmp5, $4  }
0x106: {  	[spmem:s2] =	stream.indirect.scatter.add.f32 [tilespmem:s28], [sflag:$0x6], $0x40, s24, s18, $0xb8;
	[tilespmem:$0x1D880] =	vst v63  }
0x107: {  	_ =	swait.ge [sflag:s13], $0x1F40  }
0x108: {  	[sflag:s13] =	ssyncset.done $0x0  }
0x109: {  	s22 =	sadd.s32 $0x480, s22;
	[sflag:s13] =	ssyncadd.s32 $0xFFFFE0C0  }
.Ltmp6:
0x10a: {  	(pc) =	sbr.rel .LBB2_8-.Ltmp6, $2  }
0x10b: {  	_ =	sdelay $0x2  }
0x10c: {  	[tilespmem:s28], [sflag:$0x5] =	stream.indirect.gather [hbm4b:s4+s18], $0x40, s22, s18, $0xb8;
	[tilespmem:$0x1D880] =	vst v63  }
.LBB2_9:
0x10d: {  	_ =	sfence.sel $0x180000  }
0x10e: {  	[bflag:$0x0] =	sbarrier.arrive $0xFFFF  }
0x10f: {  	_ =	strace $0x90000047  }
0x110: {  	s0 =	stileid.u32;
	[bflag:$0x2] =	sbarrier.arrive $0xFFFF  }
0x111: {  	p0 =	sne.s32 s0, $0x0;
	s0 =	rddreg [dreg:$0x3]  }
0x112: {  	s0 =	sadd.s32 @!p0 $0x100000, s0  }
0x113: {  	[sflag:s0] =	ssyncadd.tile.s32 @!p0 $0x1;
	_ =	shalt  }
.Lfunc_end2:
_tile_overlayer_lowered:
.L_overlay_start_2:
0x114: {  	(tag) =	ssettag $0x2  }
0x115: {  	s0 =	rddreg [dreg:$0x0];
	s2 =	stileid.u32  }
0x116: {  	s1 =	rddreg [dreg:$0x1];
	p0 =	sne.s32 s2, $0x0  }
0x117: {  	s3 =	rddreg [dreg:$0x2];
	[bflag:$0x3] =	sbarrier.arrive $0xFFFF;
	s2 =	simm.s32 @!p0 $0x1C06  }
0x118: {  	[timem:s3], [sflag:s2] =	dma.local @!p0 [hbm:s0], s1  }
0x119: {  	s0 =	simm.s32 @!p0 $0x6  }
0x11a: {  	_ =	swait.ge @!p0 [sflag:s0], s1  }
0x11b: {  	s1 =	ssub.s32 @!p0 $0x0, s1;
	[sflag:s0] =	ssyncset.done @!p0 $0x0  }
0x11c: {  	[sflag:s0] =	ssyncadd.s32 @!p0 s1  }
0x11d: {  	[bflag:$0x3] =	sbarrier.arrive $0xFFFF  }
0x11e: {  	_ =	shalt  }

</sc_bundles>
